<compile_context>
chip_gen: v7x
topology: tpu7x:2x2x1
jax: 0.10.2.dev20260603
libtpu: 0.0.44.dev20260713+nightly
codegen_flags: <defaults>
</compile_context>

<pallas_src>
import functools

import jax
import jax.numpy as jnp
from jax import lax
from jax.experimental import pallas as pl
from jax.experimental.pallas import tpu as pltpu
from jax.experimental.pallas import tpu_sc as plsc

N = 10000
E = 320000
D = 128
D2 = D // 2

NC = 2
NS = 16
NW = NC * NS

NPAD = 10240
EW = E // NW
CH = 80
NCH = EW // CH

_SC_PARAMS = pltpu.CompilerParams(
    needs_layout_passes=False, use_tc_tiling_on_sc=False
)
_MESH = plsc.VectorSubcoreMesh(core_axis_name="c", subcore_axis_name="s")


def _project_body(h_ref, ws_ref, bs_ref, wt_ref, bt_ref, zs_ref, zt_ref):
    h = h_ref[...]
    dims = (((1,), (1,)), ((), ()))
    zs_ref[...] = (
        lax.dot_general(h, ws_ref[...], dims, preferred_element_type=jnp.float32)
        + bs_ref[...]
    ).astype(jnp.bfloat16)
    zt_ref[...] = (
        lax.dot_general(h, wt_ref[...], dims, preferred_element_type=jnp.float32)
        + bt_ref[...]
    ).astype(jnp.bfloat16)


def _project(hidden, Ws, bs2, Wt, bt2):
    rb = 1000
    grid = (N // rb,)
    return pl.pallas_call(
        _project_body,
        grid=grid,
        in_specs=[
            pl.BlockSpec((rb, D), lambda i: (i, 0)),
            pl.BlockSpec((D, D), lambda i: (0, 0)),
            pl.BlockSpec((1, D), lambda i: (0, 0)),
            pl.BlockSpec((D, D), lambda i: (0, 0)),
            pl.BlockSpec((1, D), lambda i: (0, 0)),
        ],
        out_specs=[
            pl.BlockSpec((rb, D), lambda i: (i, 0)),
            pl.BlockSpec((rb, D), lambda i: (i, 0)),
        ],
        out_shape=[
            jax.ShapeDtypeStruct((N, D), jnp.bfloat16),
            jax.ShapeDtypeStruct((N, D), jnp.bfloat16),
        ],
    )(hidden, Ws, bs2, Wt, bt2)


@functools.partial(
    pl.kernel,
    compiler_params=_SC_PARAMS,
    out_type=(
        jax.ShapeDtypeStruct((NW, EW), jnp.float32),
        jax.ShapeDtypeStruct((NW, NPAD), jnp.float32),
    ),
    mesh=_MESH,
    scratch_types=[
        pltpu.VMEM((EW,), jnp.int32),
        pltpu.VMEM((EW,), jnp.int32),
        pltpu.VMEM((CH, D2), jnp.int32),
        pltpu.VMEM((CH, D2), jnp.int32),
        pltpu.VMEM((CH, D2), jnp.int32),
        pltpu.VMEM((CH, D2), jnp.int32),
        pltpu.VMEM((EW,), jnp.float32),
        pltpu.VMEM((NPAD,), jnp.float32),
        pltpu.SemaphoreType.DMA,
        pltpu.SemaphoreType.DMA,
    ],
)
def _edge_scores(zs_hbm, zt_hbm, edge_hbm, z_out, p_out,
                 srcv, dstv, rs0, rt0, rs1, rt1, zv, dn, sem0, sem1):
    wid = lax.axis_index("s") * NC + lax.axis_index("c")
    pltpu.sync_copy(edge_hbm.at[0, pl.ds(wid * EW, EW)], srcv)
    pltpu.sync_copy(edge_hbm.at[1, pl.ds(wid * EW, EW)], dstv)

    def zero_body(i, _):
        dn[pl.ds(i * 16, 16)] = jnp.zeros((16,), jnp.float32)
        return 0

    lax.fori_loop(0, NPAD // 16, zero_body, 0)

    def fire(c, rs, rt, sem):
        pltpu.async_copy(zs_hbm.at[srcv.at[pl.ds(c * CH, CH)]], rs, sem)
        pltpu.async_copy(zt_hbm.at[dstv.at[pl.ds(c * CH, CH)]], rt, sem)

    def wait2(rs, rt, sem):
        pltpu.make_async_copy(zs_hbm.at[pl.ds(0, CH)], rs, sem).wait()
        pltpu.make_async_copy(zt_hbm.at[pl.ds(0, CH)], rt, sem).wait()

    def compute(c, rs, rt):
        lanes = lax.iota(jnp.int32, 16)

        def group(g, _):
            eidx = lanes + g * 16
            accs = [jnp.zeros((16,), jnp.float32) for _ in range(8)]
            for t in range(D2):
                dv = (lanes + t) & (D2 - 1)
                wa = plsc.load_gather(rs, [eidx, dv])
                wb = plsc.load_gather(rt, [eidx, dv])
                p = plsc.bitcast(wa, jnp.bfloat16) * plsc.bitcast(wb, jnp.bfloat16)
                p0, p1 = plsc.unpack(p, format=plsc.PackFormat.INTERLEAVED)
                k = (t & 3) * 2
                accs[k] = accs[k] + p0
                accs[k + 1] = accs[k + 1] + p1
            acc = (
                (accs[0] + accs[1])
                + (accs[2] + accs[3])
                + ((accs[4] + accs[5]) + (accs[6] + accs[7]))
            )
            off = c * CH + g * 16
            zv[pl.ds(off, 16)] = acc
            keys = srcv[pl.ds(off, 16)]
            plsc.addupdate_scatter(dn, [keys], jnp.exp(acc))
            return 0

        lax.fori_loop(0, CH // 16, group, 0)

    fire(0, rs0, rt0, sem0)

    def loop(j2, _):
        c0 = 2 * j2
        c1 = c0 + 1
        fire(c1, rs1, rt1, sem1)
        wait2(rs0, rt0, sem0)
        compute(c0, rs0, rt0)

        @pl.when(c1 + 1 < NCH)
        def _():
            fire(c1 + 1, rs0, rt0, sem0)

        wait2(rs1, rt1, sem1)
        compute(c1, rs1, rt1)
        return 0

    lax.fori_loop(0, NCH // 2, loop, 0)
    wait2(rs0, rt0, sem0)
    compute(NCH - 1, rs0, rt0)

    pltpu.sync_copy(zv, z_out.at[wid])
    pltpu.sync_copy(dn, p_out.at[wid])


def _log_combine_body(p_ref, c_ref):
    c_ref[...] = jnp.log(jnp.sum(p_ref[...], axis=0, keepdims=True))


def _log_combine(partials):
    return pl.pallas_call(
        _log_combine_body,
        out_shape=jax.ShapeDtypeStruct((1, NPAD), jnp.float32),
    )(partials)


@functools.partial(
    pl.kernel,
    compiler_params=_SC_PARAMS,
    out_type=jax.ShapeDtypeStruct((NW, EW), jnp.float32),
    mesh=_MESH,
    scratch_types=[
        pltpu.VMEM((NPAD,), jnp.float32),
        pltpu.VMEM((EW,), jnp.float32),
        pltpu.VMEM((EW,), jnp.int32),
        pltpu.VMEM((EW,), jnp.float32),
    ],
)
def _edge_output(z_hbm, edge_hbm, c_hbm, out_hbm, cv, zv, srcv, outv):
    wid = lax.axis_index("s") * NC + lax.axis_index("c")
    pltpu.sync_copy(c_hbm, cv)
    pltpu.sync_copy(z_hbm.at[wid], zv)
    pltpu.sync_copy(edge_hbm.at[0, pl.ds(wid * EW, EW)], srcv)

    def group(g, _):
        off = g * 16
        keys = srcv[pl.ds(off, 16)]
        cg = plsc.load_gather(cv, [keys])
        outv[pl.ds(off, 16)] = zv[pl.ds(off, 16)] - cg
        return 0

    lax.fori_loop(0, EW // 16, group, 0)
    pltpu.sync_copy(outv, out_hbm.at[wid])


def kernel(hidden, edge_index, Ws, bs, Wt, bt):
    zs, zt = _project(hidden, Ws, bs.reshape(1, D), Wt, bt.reshape(1, D))
    zs = lax.bitcast_convert_type(zs.reshape(N, D2, 2), jnp.int32)
    zt = lax.bitcast_convert_type(zt.reshape(N, D2, 2), jnp.int32)

    z, partials = _edge_scores(zs, zt, edge_index)
    c = _log_combine(partials).reshape(NPAD)
    out = _edge_output(z, edge_index, c)
    return out.reshape(E)

# --- scband reference (transcript-rebuilt; emitter-appended) ---
"""Pipeline reference for scband-decoder-16604343566357 (READ-ONLY COPY).

The authoritative reference and input builder live on the scoring server;
editing this copy changes nothing except your own understanding.
"""

import jax, jax.numpy as jnp
import numpy as np

N = 10000
E = 320000
D = 128

def setup_inputs(seed: int = 0) -> dict:
    key = jax.random.key(seed)
    k1, k2, k3, k4, k5, k6 = jax.random.split(key, 6)
    hidden = jax.random.normal(k1, (N, D), dtype=jnp.float32)
    edge_index = jax.random.randint(k2, (2, E), 0, N, dtype=jnp.int32)
    scale = 1.0 / np.sqrt(D)
    Ws = jax.random.uniform(k3, (D, D), dtype=jnp.float32, minval=-scale, maxval=scale)
    bs = jax.random.uniform(k4, (D,), dtype=jnp.float32, minval=-scale, maxval=scale)
    Wt = jax.random.uniform(k5, (D, D), dtype=jnp.float32, minval=-scale, maxval=scale)
    bt = jax.random.uniform(k6, (D,), dtype=jnp.float32, minval=-scale, maxval=scale)
    return {"hidden": hidden, "edge_index": edge_index, "Ws": Ws, "bs": bs, "Wt": Wt, "bt": bt}

def reference(hidden, edge_index, Ws, bs, Wt, bt):
    # NodePointerDecoder: BaseEdgeDecoder bilinear edge score + scatter_log_softmax over src nodes
    zs = hidden @ Ws.T + bs  # source_lin
    zt = hidden @ Wt.T + bt  # target_lin
    src = edge_index[0]
    dst = edge_index[1]
    z = jnp.sum(zs[src] * zt[dst], axis=-1)  # [E]
    # scatter_log_softmax(z, src, dim=0)
    seg_max = jax.ops.segment_max(z, src, num_segments=N)
    z_shift = z - seg_max[src]
    denom = jax.ops.segment_sum(jnp.exp(z_shift), src, num_segments=N)
    out = z_shift - jnp.log(denom)[src]
    return out

if __name__ == "__main__":
    import jax
    _d = setup_inputs()
    print(jax.jit(kernel)(*tuple(_d.values())))

</pallas_src>

<mosaic_0001>
#map = affine_map<(d0, d1) -> (0, 0)>
module attributes {stable_mosaic.version = 14 : i64} {
  func.func @_edge_scores(%arg0: i32, %arg1: i32, %arg2: memref<10000x64xi32, #tpu.memory_space<hbm>>, %arg3: memref<10000x64xi32, #tpu.memory_space<hbm>>, %arg4: memref<2x320000xi32, #tpu.memory_space<hbm>>, %arg5: memref<32x10000xf32, #tpu.memory_space<hbm>>, %arg6: memref<32x10240xf32, #tpu.memory_space<hbm>>, %arg7: memref<10000xi32, #tpu.memory_space<vmem>>, %arg8: memref<10000xi32, #tpu.memory_space<vmem>>, %arg9: memref<80x64xi32, #tpu.memory_space<vmem>>, %arg10: memref<80x64xi32, #tpu.memory_space<vmem>>, %arg11: memref<80x64xi32, #tpu.memory_space<vmem>>, %arg12: memref<80x64xi32, #tpu.memory_space<vmem>>, %arg13: memref<10000xf32, #tpu.memory_space<vmem>>, %arg14: memref<10240xf32, #tpu.memory_space<vmem>>, %arg15: memref<!tpu.dma_semaphore, #tpu.memory_space<semaphore_mem>>, %arg16: memref<!tpu.dma_semaphore, #tpu.memory_space<semaphore_mem>>) attributes {dimension_semantics = [#tpu.dimension_semantics<core_parallel>, #tpu.dimension_semantics<subcore_parallel>], iteration_bounds = array<i64: 2, 16>, scalar_prefetch = 0 : i64, scratch_operands = 10 : i64, tpu.core_type = #tpu.core_type<sc_vector_subcore>, window_params = [{transform_indices = #map}, {transform_indices = #map}, {transform_indices = #map}, {transform_indices = #map}, {transform_indices = #map}]} {
    %mul3A = arith.constant 2 : i32
    %mul3A_0 = arith.muli %arg1, %mul3A : i32
    %add3A = arith.addi %mul3A_0, %arg0 : i32
    %mul3A_1 = arith.constant 10000 : i32
    %mul3A_2 = arith.muli %add3A, %mul3A_1 : i32
    %run_scoped3A = arith.constant 0 : i32
    "tpu.region"() ({
      %run_scoped3A_46 = tpu.sem_alloc : memref<!tpu.dma_semaphore, #tpu.memory_space<semaphore_mem>>
      %dma_start3A_47 = tpu.memref_slice %arg4[%run_scoped3A, %mul3A_2] : memref<2x320000xi32, #tpu.memory_space<hbm>> -> memref<1x10000xi32, #tpu.memory_space<hbm>>
      %dma_start3A_48 = tpu.memref_squeeze %dma_start3A_47 : memref<1x10000xi32, #tpu.memory_space<hbm>> -> memref<10000xi32, #tpu.memory_space<hbm>>
      %dma_start3A_49 = tpu.memref_slice %arg4[%run_scoped3A, %mul3A_2] : memref<2x320000xi32, #tpu.memory_space<hbm>> -> memref<1x10000xi32, #tpu.memory_space<hbm>>
      %dma_start3A_50 = tpu.memref_squeeze %dma_start3A_49 : memref<1x10000xi32, #tpu.memory_space<hbm>> -> memref<10000xi32, #tpu.memory_space<hbm>>
      tpu.enqueue_dma source(%dma_start3A_50 : memref<10000xi32, #tpu.memory_space<hbm>>) target(%arg7 : memref<10000xi32, #tpu.memory_space<vmem>>) target_semaphore(%run_scoped3A_46 : memref<!tpu.dma_semaphore, #tpu.memory_space<semaphore_mem>>)
      %dma_wait3A_51 = tpu.memref_slice %arg4[%run_scoped3A, %mul3A_2] : memref<2x320000xi32, #tpu.memory_space<hbm>> -> memref<1x10000xi32, #tpu.memory_space<hbm>>
      %dma_wait3A_52 = tpu.memref_squeeze %dma_wait3A_51 : memref<1x10000xi32, #tpu.memory_space<hbm>> -> memref<10000xi32, #tpu.memory_space<hbm>>
      %dma_wait3A_53 = tpu.memref_slice %arg4[%run_scoped3A, %mul3A_2] : memref<2x320000xi32, #tpu.memory_space<hbm>> -> memref<1x10000xi32, #tpu.memory_space<hbm>>
      %dma_wait3A_54 = tpu.memref_squeeze %dma_wait3A_53 : memref<1x10000xi32, #tpu.memory_space<hbm>> -> memref<10000xi32, #tpu.memory_space<hbm>>
      tpu.wait_dma2 semaphore(%run_scoped3A_46 : memref<!tpu.dma_semaphore, #tpu.memory_space<semaphore_mem>>) src(%dma_wait3A_54 : memref<10000xi32, #tpu.memory_space<hbm>>) dst(%arg7 : memref<10000xi32, #tpu.memory_space<vmem>>)
      tpu.yield
    }) : () -> ()
    %mul3A_3 = arith.constant 10000 : i32
    %mul3A_4 = arith.muli %add3A, %mul3A_3 : i32
    %run_scoped3A_5 = arith.constant 1 : i32
    "tpu.region"() ({
      %run_scoped3A_46 = tpu.sem_alloc : memref<!tpu.dma_semaphore, #tpu.memory_space<semaphore_mem>>
      %dma_start3A_47 = tpu.memref_slice %arg4[%run_scoped3A_5, %mul3A_4] : memref<2x320000xi32, #tpu.memory_space<hbm>> -> memref<1x10000xi32, #tpu.memory_space<hbm>>
      %dma_start3A_48 = tpu.memref_squeeze %dma_start3A_47 : memref<1x10000xi32, #tpu.memory_space<hbm>> -> memref<10000xi32, #tpu.memory_space<hbm>>
      %dma_start3A_49 = tpu.memref_slice %arg4[%run_scoped3A_5, %mul3A_4] : memref<2x320000xi32, #tpu.memory_space<hbm>> -> memref<1x10000xi32, #tpu.memory_space<hbm>>
      %dma_start3A_50 = tpu.memref_squeeze %dma_start3A_49 : memref<1x10000xi32, #tpu.memory_space<hbm>> -> memref<10000xi32, #tpu.memory_space<hbm>>
      tpu.enqueue_dma source(%dma_start3A_50 : memref<10000xi32, #tpu.memory_space<hbm>>) target(%arg8 : memref<10000xi32, #tpu.memory_space<vmem>>) target_semaphore(%run_scoped3A_46 : memref<!tpu.dma_semaphore, #tpu.memory_space<semaphore_mem>>)
      %dma_wait3A_51 = tpu.memref_slice %arg4[%run_scoped3A_5, %mul3A_4] : memref<2x320000xi32, #tpu.memory_space<hbm>> -> memref<1x10000xi32, #tpu.memory_space<hbm>>
      %dma_wait3A_52 = tpu.memref_squeeze %dma_wait3A_51 : memref<1x10000xi32, #tpu.memory_space<hbm>> -> memref<10000xi32, #tpu.memory_space<hbm>>
      %dma_wait3A_53 = tpu.memref_slice %arg4[%run_scoped3A_5, %mul3A_4] : memref<2x320000xi32, #tpu.memory_space<hbm>> -> memref<1x10000xi32, #tpu.memory_space<hbm>>
      %dma_wait3A_54 = tpu.memref_squeeze %dma_wait3A_53 : memref<1x10000xi32, #tpu.memory_space<hbm>> -> memref<10000xi32, #tpu.memory_space<hbm>>
      tpu.wait_dma2 semaphore(%run_scoped3A_46 : memref<!tpu.dma_semaphore, #tpu.memory_space<semaphore_mem>>) src(%dma_wait3A_54 : memref<10000xi32, #tpu.memory_space<hbm>>) dst(%arg8 : memref<10000xi32, #tpu.memory_space<vmem>>)
      tpu.yield
    }) : () -> ()
    %scan3A = arith.constant 0 : i32
    %scan3A_6 = arith.constant 0 : i32
    %scan3A_7 = arith.constant 640 : i32
    %scan3A_8 = arith.addi %scan3A_6, %scan3A_7 : i32
    %scan3A_9 = arith.constant 1 : i32
    %scan3A_10 = scf.for %scan3A_46 = %scan3A_6 to %scan3A_8 step %scan3A_9 iter_args(%scan3A_47 = %scan3A) -> (i32)  : i32 {
      %broadcast_in_dim3A = arith.constant 0.000000e+00 : f32
      %broadcast_in_dim3A_48 = vector.broadcast %broadcast_in_dim3A : f32 to vector<16xf32>
      %mul3A_49 = arith.constant 16 : i32
      %mul3A_50 = arith.muli %scan3A_46, %mul3A_49 : i32
      %swap3A = arith.index_cast %mul3A_50 : i32 to index
      %swap3A_51 = tpu.vector_load %arg14[%swap3A] {strides = array<i32>} : memref<10240xf32, #tpu.memory_space<vmem>>, vector<16xf32>,
      tpu.vector_store %arg14[%swap3A], %broadcast_in_dim3A_48 {strides = array<i32>} : memref<10240xf32, #tpu.memory_space<vmem>>, vector<16xf32>,
      %scan3A_52 = arith.constant 0 : i32
      scf.yield %scan3A_52 : i32
    }
    %scan3A_11 = arith.constant 640 : i32
    %dma_start3A = arith.constant 0 : i32
    %dma_start3A_12 = tpu.memref_slice %arg7[%dma_start3A] : memref<10000xi32, #tpu.memory_space<vmem>> -> memref<80xi32, #tpu.memory_space<vmem>>
    %dma_start3A_13 = arith.constant 0 : i32
    %dma_start3A_14 = arith.constant 0 : i32
    %dma_start3A_15 = tpu.memref_slice %arg2[%dma_start3A_13, %dma_start3A_14] : memref<10000x64xi32, #tpu.memory_space<hbm>> -> memref<10000x64xi32, #tpu.memory_space<hbm>>
    tpu.enqueue_indirect_dma source(%dma_start3A_15 : memref<10000x64xi32, #tpu.memory_space<hbm>>) target(%arg9 : memref<80x64xi32, #tpu.memory_space<vmem>>) offsets(%dma_start3A_12 : memref<80xi32, #tpu.memory_space<vmem>>) semaphore(%arg15 : memref<!tpu.dma_semaphore, #tpu.memory_space<semaphore_mem>>)
    %dma_start3A_16 = arith.constant 0 : i32
    %dma_start3A_17 = tpu.memref_slice %arg8[%dma_start3A_16] : memref<10000xi32, #tpu.memory_space<vmem>> -> memref<80xi32, #tpu.memory_space<vmem>>
    %dma_start3A_18 = arith.constant 0 : i32
    %dma_start3A_19 = arith.constant 0 : i32
    %dma_start3A_20 = tpu.memref_slice %arg3[%dma_start3A_18, %dma_start3A_19] : memref<10000x64xi32, #tpu.memory_space<hbm>> -> memref<10000x64xi32, #tpu.memory_space<hbm>>
    tpu.enqueue_indirect_dma source(%dma_start3A_20 : memref<10000x64xi32, #tpu.memory_space<hbm>>) target(%arg10 : memref<80x64xi32, #tpu.memory_space<vmem>>) offsets(%dma_start3A_17 : memref<80xi32, #tpu.memory_space<vmem>>) semaphore(%arg15 : memref<!tpu.dma_semaphore, #tpu.memory_space<semaphore_mem>>)
    %scan3A_21 = arith.constant 0 : i32
    %scan3A_22 = arith.constant 0 : i32
    %scan3A_23 = arith.constant 62 : i32
    %scan3A_24 = arith.addi %scan3A_22, %scan3A_23 : i32
    %scan3A_25 = arith.constant 1 : i32
    %scan3A_26 = scf.for %scan3A_46 = %scan3A_22 to %scan3A_24 step %scan3A_25 iter_args(%scan3A_47 = %scan3A_21) -> (i32)  : i32 {
      %mul3A_48 = arith.constant 2 : i32
      %mul3A_49 = arith.muli %mul3A_48, %scan3A_46 : i32
      %add3A_50 = arith.constant 1 : i32
      %add3A_51 = arith.addi %mul3A_49, %add3A_50 : i32
      %mul3A_52 = arith.constant 80 : i32
      %mul3A_53 = arith.muli %add3A_51, %mul3A_52 : i32
      %dma_start3A_54 = tpu.memref_slice %arg7[%mul3A_53] : memref<10000xi32, #tpu.memory_space<vmem>> -> memref<80xi32, #tpu.memory_space<vmem>>
      %dma_start3A_55 = arith.constant 0 : i32
      %dma_start3A_56 = arith.constant 0 : i32
      %dma_start3A_57 = tpu.memref_slice %arg2[%dma_start3A_55, %dma_start3A_56] : memref<10000x64xi32, #tpu.memory_space<hbm>> -> memref<10000x64xi32, #tpu.memory_space<hbm>>
      tpu.enqueue_indirect_dma source(%dma_start3A_57 : memref<10000x64xi32, #tpu.memory_space<hbm>>) target(%arg11 : memref<80x64xi32, #tpu.memory_space<vmem>>) offsets(%dma_start3A_54 : memref<80xi32, #tpu.memory_space<vmem>>) semaphore(%arg16 : memref<!tpu.dma_semaphore, #tpu.memory_space<semaphore_mem>>)
      %mul3A_58 = arith.constant 80 : i32
      %mul3A_59 = arith.muli %add3A_51, %mul3A_58 : i32
      %dma_start3A_60 = tpu.memref_slice %arg8[%mul3A_59] : memref<10000xi32, #tpu.memory_space<vmem>> -> memref<80xi32, #tpu.memory_space<vmem>>
      %dma_start3A_61 = arith.constant 0 : i32
      %dma_start3A_62 = arith.constant 0 : i32
      %dma_start3A_63 = tpu.memref_slice %arg3[%dma_start3A_61, %dma_start3A_62] : memref<10000x64xi32, #tpu.memory_space<hbm>> -> memref<10000x64xi32, #tpu.memory_space<hbm>>
      tpu.enqueue_indirect_dma source(%dma_start3A_63 : memref<10000x64xi32, #tpu.memory_space<hbm>>) target(%arg12 : memref<80x64xi32, #tpu.memory_space<vmem>>) offsets(%dma_start3A_60 : memref<80xi32, #tpu.memory_space<vmem>>) semaphore(%arg16 : memref<!tpu.dma_semaphore, #tpu.memory_space<semaphore_mem>>)
      %dma_wait3A_64 = arith.constant 0 : i32
      %dma_wait3A_65 = arith.constant 0 : i32
      %dma_wait3A_66 = tpu.memref_slice %arg2[%dma_wait3A_64, %dma_wait3A_65] : memref<10000x64xi32, #tpu.memory_space<hbm>> -> memref<80x64xi32, #tpu.memory_space<hbm>>
      %dma_wait3A_67 = arith.constant 0 : i32
      %dma_wait3A_68 = arith.constant 0 : i32
      %dma_wait3A_69 = tpu.memref_slice %arg2[%dma_wait3A_67, %dma_wait3A_68] : memref<10000x64xi32, #tpu.memory_space<hbm>> -> memref<80x64xi32, #tpu.memory_space<hbm>>
      tpu.wait_dma2 semaphore(%arg15 : memref<!tpu.dma_semaphore, #tpu.memory_space<semaphore_mem>>) src(%dma_wait3A_69 : memref<80x64xi32, #tpu.memory_space<hbm>>) dst(%arg9 : memref<80x64xi32, #tpu.memory_space<vmem>>)
      %dma_wait3A_70 = arith.constant 0 : i32
      %dma_wait3A_71 = arith.constant 0 : i32
      %dma_wait3A_72 = tpu.memref_slice %arg3[%dma_wait3A_70, %dma_wait3A_71] : memref<10000x64xi32, #tpu.memory_space<hbm>> -> memref<80x64xi32, #tpu.memory_space<hbm>>
      %dma_wait3A_73 = arith.constant 0 : i32
      %dma_wait3A_74 = arith.constant 0 : i32
      %dma_wait3A_75 = tpu.memref_slice %arg3[%dma_wait3A_73, %dma_wait3A_74] : memref<10000x64xi32, #tpu.memory_space<hbm>> -> memref<80x64xi32, #tpu.memory_space<hbm>>
      tpu.wait_dma2 semaphore(%arg15 : memref<!tpu.dma_semaphore, #tpu.memory_space<semaphore_mem>>) src(%dma_wait3A_75 : memref<80x64xi32, #tpu.memory_space<hbm>>) dst(%arg10 : memref<80x64xi32, #tpu.memory_space<vmem>>)
      %iota3A_76 = tpu.iota {dimensions = array<i32: 0>} : vector<16xi32>
      %scan3A_77 = arith.constant 0 : i32
      %scan3A_78 = arith.constant 0 : i32
      %scan3A_79 = arith.constant 5 : i32
      %scan3A_80 = arith.addi %scan3A_78, %scan3A_79 : i32
      %scan3A_81 = arith.constant 1 : i32
      %scan3A_82 = scf.for %scan3A_109 = %scan3A_78 to %scan3A_80 step %scan3A_81 iter_args(%scan3A_110 = %scan3A_77) -> (i32)  : i32 {
        %mul3A_111 = arith.constant 16 : i32
        %mul3A_112 = arith.muli %scan3A_109, %mul3A_111 : i32
        %add3A_113 = vector.broadcast %mul3A_112 : i32 to vector<16xi32>
        %add3A_114 = arith.addi %iota3A_76, %add3A_113 : vector<16xi32>
        %broadcast_in_dim3A = arith.constant 0.000000e+00 : f32
        %broadcast_in_dim3A_115 = vector.broadcast %broadcast_in_dim3A : f32 to vector<16xf32>
        %broadcast_in_dim3A_116 = arith.constant 0.000000e+00 : f32
        %broadcast_in_dim3A_117 = vector.broadcast %broadcast_in_dim3A_116 : f32 to vector<16xf32>
        %broadcast_in_dim3A_118 = arith.constant 0.000000e+00 : f32
        %broadcast_in_dim3A_119 = vector.broadcast %broadcast_in_dim3A_118 : f32 to vector<16xf32>
        %broadcast_in_dim3A_120 = arith.constant 0.000000e+00 : f32
        %broadcast_in_dim3A_121 = vector.broadcast %broadcast_in_dim3A_120 : f32 to vector<16xf32>
        %broadcast_in_dim3A_122 = arith.constant 0.000000e+00 : f32
        %broadcast_in_dim3A_123 = vector.broadcast %broadcast_in_dim3A_122 : f32 to vector<16xf32>
        %broadcast_in_dim3A_124 = arith.constant 0.000000e+00 : f32
        %broadcast_in_dim3A_125 = vector.broadcast %broadcast_in_dim3A_124 : f32 to vector<16xf32>
        %broadcast_in_dim3A_126 = arith.constant 0.000000e+00 : f32
        %broadcast_in_dim3A_127 = vector.broadcast %broadcast_in_dim3A_126 : f32 to vector<16xf32>
        %broadcast_in_dim3A_128 = arith.constant 0.000000e+00 : f32
        %broadcast_in_dim3A_129 = vector.broadcast %broadcast_in_dim3A_128 : f32 to vector<16xf32>
        %add3A_130 = arith.constant 0 : i32
        %add3A_131 = vector.broadcast %add3A_130 : i32 to vector<16xi32>
        %add3A_132 = arith.addi %iota3A_76, %add3A_131 : vector<16xi32>
        %and3A = arith.constant 63 : i32
        %and3A_133 = vector.broadcast %and3A : i32 to vector<16xi32>
        %and3A_134 = arith.andi %add3A_132, %and3A_133 : vector<16xi32>
        %gather3A = tpu.vector_load_idx %arg9[%add3A_114, %and3A_134] : memref<80x64xi32, #tpu.memory_space<vmem>>[vector<16xi32>, vector<16xi32>], vector<16xi32>,
        %gather3A_135 = tpu.vector_load_idx %arg10[%add3A_114, %and3A_134] : memref<80x64xi32, #tpu.memory_space<vmem>>[vector<16xi32>, vector<16xi32>], vector<16xi32>,
        %bitcast3A = vector.bitcast %gather3A : vector<16xi32> to vector<32xbf16>
        %bitcast3A_136 = vector.bitcast %gather3A_135 : vector<16xi32> to vector<32xbf16>
        %mul3A_137 = arith.mulf %bitcast3A, %bitcast3A_136 : vector<32xbf16>
        %unpack3A = tpu.unpack_subelements %mul3A_137, 0 {pack_format = #tpu.pack_format<interleaved>} : vector<32xbf16> -> vector<16xf32>
        %unpack3A_138 = tpu.unpack_subelements %mul3A_137, 1 {pack_format = #tpu.pack_format<interleaved>} : vector<32xbf16> -> vector<16xf32>
        %add3A_139 = arith.addf %broadcast_in_dim3A_115, %unpack3A : vector<16xf32>
        %add3A_140 = arith.addf %broadcast_in_dim3A_117, %unpack3A_138 : vector<16xf32>
        %add3A_141 = arith.constant 1 : i32
        %add3A_142 = vector.broadcast %add3A_141 : i32 to vector<16xi32>
        %add3A_143 = arith.addi %iota3A_76, %add3A_142 : vector<16xi32>
        %and3A_144 = arith.constant 63 : i32
        %and3A_145 = vector.broadcast %and3A_144 : i32 to vector<16xi32>
        %and3A_146 = arith.andi %add3A_143, %and3A_145 : vector<16xi32>
        %gather3A_147 = tpu.vector_load_idx %arg9[%add3A_114, %and3A_146] : memref<80x64xi32, #tpu.memory_space<vmem>>[vector<16xi32>, vector<16xi32>], vector<16xi32>,
        %gather3A_148 = tpu.vector_load_idx %arg10[%add3A_114, %and3A_146] : memref<80x64xi32, #tpu.memory_space<vmem>>[vector<16xi32>, vector<16xi32>], vector<16xi32>,
        %bitcast3A_149 = vector.bitcast %gather3A_147 : vector<16xi32> to vector<32xbf16>
        %bitcast3A_150 = vector.bitcast %gather3A_148 : vector<16xi32> to vector<32xbf16>
        %mul3A_151 = arith.mulf %bitcast3A_149, %bitcast3A_150 : vector<32xbf16>
        %unpack3A_152 = tpu.unpack_subelements %mul3A_151, 0 {pack_format = #tpu.pack_format<interleaved>} : vector<32xbf16> -> vector<16xf32>
        %unpack3A_153 = tpu.unpack_subelements %mul3A_151, 1 {pack_format = #tpu.pack_format<interleaved>} : vector<32xbf16> -> vector<16xf32>
        %add3A_154 = arith.addf %broadcast_in_dim3A_119, %unpack3A_152 : vector<16xf32>
        %add3A_155 = arith.addf %broadcast_in_dim3A_121, %unpack3A_153 : vector<16xf32>
        %add3A_156 = arith.constant 2 : i32
        %add3A_157 = vector.broadcast %add3A_156 : i32 to vector<16xi32>
        %add3A_158 = arith.addi %iota3A_76, %add3A_157 : vector<16xi32>
        %and3A_159 = arith.constant 63 : i32
        %and3A_160 = vector.broadcast %and3A_159 : i32 to vector<16xi32>
        %and3A_161 = arith.andi %add3A_158, %and3A_160 : vector<16xi32>
        %gather3A_162 = tpu.vector_load_idx %arg9[%add3A_114, %and3A_161] : memref<80x64xi32, #tpu.memory_space<vmem>>[vector<16xi32>, vector<16xi32>], vector<16xi32>,
        %gather3A_163 = tpu.vector_load_idx %arg10[%add3A_114, %and3A_161] : memref<80x64xi32, #tpu.memory_space<vmem>>[vector<16xi32>, vector<16xi32>], vector<16xi32>,
        %bitcast3A_164 = vector.bitcast %gather3A_162 : vector<16xi32> to vector<32xbf16>
        %bitcast3A_165 = vector.bitcast %gather3A_163 : vector<16xi32> to vector<32xbf16>
        %mul3A_166 = arith.mulf %bitcast3A_164, %bitcast3A_165 : vector<32xbf16>
        %unpack3A_167 = tpu.unpack_subelements %mul3A_166, 0 {pack_format = #tpu.pack_format<interleaved>} : vector<32xbf16> -> vector<16xf32>
        %unpack3A_168 = tpu.unpack_subelements %mul3A_166, 1 {pack_format = #tpu.pack_format<interleaved>} : vector<32xbf16> -> vector<16xf32>
        %add3A_169 = arith.addf %broadcast_in_dim3A_123, %unpack3A_167 : vector<16xf32>
        %add3A_170 = arith.addf %broadcast_in_dim3A_125, %unpack3A_168 : vector<16xf32>
        %add3A_171 = arith.constant 3 : i32
        %add3A_172 = vector.broadcast %add3A_171 : i32 to vector<16xi32>
        %add3A_173 = arith.addi %iota3A_76, %add3A_172 : vector<16xi32>
        %and3A_174 = arith.constant 63 : i32
        %and3A_175 = vector.broadcast %and3A_174 : i32 to vector<16xi32>
        %and3A_176 = arith.andi %add3A_173, %and3A_175 : vector<16xi32>
        %gather3A_177 = tpu.vector_load_idx %arg9[%add3A_114, %and3A_176] : memref<80x64xi32, #tpu.memory_space<vmem>>[vector<16xi32>, vector<16xi32>], vector<16xi32>,
        %gather3A_178 = tpu.vector_load_idx %arg10[%add3A_114, %and3A_176] : memref<80x64xi32, #tpu.memory_space<vmem>>[vector<16xi32>, vector<16xi32>], vector<16xi32>,
        %bitcast3A_179 = vector.bitcast %gather3A_177 : vector<16xi32> to vector<32xbf16>
        %bitcast3A_180 = vector.bitcast %gather3A_178 : vector<16xi32> to vector<32xbf16>
        %mul3A_181 = arith.mulf %bitcast3A_179, %bitcast3A_180 : vector<32xbf16>
        %unpack3A_182 = tpu.unpack_subelements %mul3A_181, 0 {pack_format = #tpu.pack_format<interleaved>} : vector<32xbf16> -> vector<16xf32>
        %unpack3A_183 = tpu.unpack_subelements %mul3A_181, 1 {pack_format = #tpu.pack_format<interleaved>} : vector<32xbf16> -> vector<16xf32>
        %add3A_184 = arith.addf %broadcast_in_dim3A_127, %unpack3A_182 : vector<16xf32>
        %add3A_185 = arith.addf %broadcast_in_dim3A_129, %unpack3A_183 : vector<16xf32>
        %add3A_186 = arith.constant 4 : i32
        %add3A_187 = vector.broadcast %add3A_186 : i32 to vector<16xi32>
        %add3A_188 = arith.addi %iota3A_76, %add3A_187 : vector<16xi32>
        %and3A_189 = arith.constant 63 : i32
        %and3A_190 = vector.broadcast %and3A_189 : i32 to vector<16xi32>
        %and3A_191 = arith.andi %add3A_188, %and3A_190 : vector<16xi32>
        %gather3A_192 = tpu.vector_load_idx %arg9[%add3A_114, %and3A_191] : memref<80x64xi32, #tpu.memory_space<vmem>>[vector<16xi32>, vector<16xi32>], vector<16xi32>,
        %gather3A_193 = tpu.vector_load_idx %arg10[%add3A_114, %and3A_191] : memref<80x64xi32, #tpu.memory_space<vmem>>[vector<16xi32>, vector<16xi32>], vector<16xi32>,
        %bitcast3A_194 = vector.bitcast %gather3A_192 : vector<16xi32> to vector<32xbf16>
        %bitcast3A_195 = vector.bitcast %gather3A_193 : vector<16xi32> to vector<32xbf16>
        %mul3A_196 = arith.mulf %bitcast3A_194, %bitcast3A_195 : vector<32xbf16>
        %unpack3A_197 = tpu.unpack_subelements %mul3A_196, 0 {pack_format = #tpu.pack_format<interleaved>} : vector<32xbf16> -> vector<16xf32>
        %unpack3A_198 = tpu.unpack_subelements %mul3A_196, 1 {pack_format = #tpu.pack_format<interleaved>} : vector<32xbf16> -> vector<16xf32>
        %add3A_199 = arith.addf %add3A_139, %unpack3A_197 : vector<16xf32>
        %add3A_200 = arith.addf %add3A_140, %unpack3A_198 : vector<16xf32>
        %add3A_201 = arith.constant 5 : i32
        %add3A_202 = vector.broadcast %add3A_201 : i32 to vector<16xi32>
        %add3A_203 = arith.addi %iota3A_76, %add3A_202 : vector<16xi32>
        %and3A_204 = arith.constant 63 : i32
        %and3A_205 = vector.broadcast %and3A_204 : i32 to vector<16xi32>
        %and3A_206 = arith.andi %add3A_203, %and3A_205 : vector<16xi32>
        %gather3A_207 = tpu.vector_load_idx %arg9[%add3A_114, %and3A_206] : memref<80x64xi32, #tpu.memory_space<vmem>>[vector<16xi32>, vector<16xi32>], vector<16xi32>,
        %gather3A_208 = tpu.vector_load_idx %arg10[%add3A_114, %and3A_206] : memref<80x64xi32, #tpu.memory_space<vmem>>[vector<16xi32>, vector<16xi32>], vector<16xi32>,
        %bitcast3A_209 = vector.bitcast %gather3A_207 : vector<16xi32> to vector<32xbf16>
        %bitcast3A_210 = vector.bitcast %gather3A_208 : vector<16xi32> to vector<32xbf16>
        %mul3A_211 = arith.mulf %bitcast3A_209, %bitcast3A_210 : vector<32xbf16>
        %unpack3A_212 = tpu.unpack_subelements %mul3A_211, 0 {pack_format = #tpu.pack_format<interleaved>} : vector<32xbf16> -> vector<16xf32>
        %unpack3A_213 = tpu.unpack_subelements %mul3A_211, 1 {pack_format = #tpu.pack_format<interleaved>} : vector<32xbf16> -> vector<16xf32>
        %add3A_214 = arith.addf %add3A_154, %unpack3A_212 : vector<16xf32>
        %add3A_215 = arith.addf %add3A_155, %unpack3A_213 : vector<16xf32>
        %add3A_216 = arith.constant 6 : i32
        %add3A_217 = vector.broadcast %add3A_216 : i32 to vector<16xi32>
        %add3A_218 = arith.addi %iota3A_76, %add3A_217 : vector<16xi32>
        %and3A_219 = arith.constant 63 : i32
        %and3A_220 = vector.broadcast %and3A_219 : i32 to vector<16xi32>
        %and3A_221 = arith.andi %add3A_218, %and3A_220 : vector<16xi32>
        %gather3A_222 = tpu.vector_load_idx %arg9[%add3A_114, %and3A_221] : memref<80x64xi32, #tpu.memory_space<vmem>>[vector<16xi32>, vector<16xi32>], vector<16xi32>,
        %gather3A_223 = tpu.vector_load_idx %arg10[%add3A_114, %and3A_221] : memref<80x64xi32, #tpu.memory_space<vmem>>[vector<16xi32>, vector<16xi32>], vector<16xi32>,
        %bitcast3A_224 = vector.bitcast %gather3A_222 : vector<16xi32> to vector<32xbf16>
        %bitcast3A_225 = vector.bitcast %gather3A_223 : vector<16xi32> to vector<32xbf16>
        %mul3A_226 = arith.mulf %bitcast3A_224, %bitcast3A_225 : vector<32xbf16>
        %unpack3A_227 = tpu.unpack_subelements %mul3A_226, 0 {pack_format = #tpu.pack_format<interleaved>} : vector<32xbf16> -> vector<16xf32>
        %unpack3A_228 = tpu.unpack_subelements %mul3A_226, 1 {pack_format = #tpu.pack_format<interleaved>} : vector<32xbf16> -> vector<16xf32>
        %add3A_229 = arith.addf %add3A_169, %unpack3A_227 : vector<16xf32>
        %add3A_230 = arith.addf %add3A_170, %unpack3A_228 : vector<16xf32>
        %add3A_231 = arith.constant 7 : i32
        %add3A_232 = vector.broadcast %add3A_231 : i32 to vector<16xi32>
        %add3A_233 = arith.addi %iota3A_76, %add3A_232 : vector<16xi32>
        %and3A_234 = arith.constant 63 : i32
        %and3A_235 = vector.broadcast %and3A_234 : i32 to vector<16xi32>
        %and3A_236 = arith.andi %add3A_233, %and3A_235 : vector<16xi32>
        %gather3A_237 = tpu.vector_load_idx %arg9[%add3A_114, %and3A_236] : memref<80x64xi32, #tpu.memory_space<vmem>>[vector<16xi32>, vector<16xi32>], vector<16xi32>,
        %gather3A_238 = tpu.vector_load_idx %arg10[%add3A_114, %and3A_236] : memref<80x64xi32, #tpu.memory_space<vmem>>[vector<16xi32>, vector<16xi32>], vector<16xi32>,
        %bitcast3A_239 = vector.bitcast %gather3A_237 : vector<16xi32> to vector<32xbf16>
        %bitcast3A_240 = vector.bitcast %gather3A_238 : vector<16xi32> to vector<32xbf16>
        %mul3A_241 = arith.mulf %bitcast3A_239, %bitcast3A_240 : vector<32xbf16>
        %unpack3A_242 = tpu.unpack_subelements %mul3A_241, 0 {pack_format = #tpu.pack_format<interleaved>} : vector<32xbf16> -> vector<16xf32>
        %unpack3A_243 = tpu.unpack_subelements %mul3A_241, 1 {pack_format = #tpu.pack_format<interleaved>} : vector<32xbf16> -> vector<16xf32>
        %add3A_244 = arith.addf %add3A_184, %unpack3A_242 : vector<16xf32>
        %add3A_245 = arith.addf %add3A_185, %unpack3A_243 : vector<16xf32>
        %add3A_246 = arith.constant 8 : i32
        %add3A_247 = vector.broadcast %add3A_246 : i32 to vector<16xi32>
        %add3A_248 = arith.addi %iota3A_76, %add3A_247 : vector<16xi32>
        %and3A_249 = arith.constant 63 : i32
        %and3A_250 = vector.broadcast %and3A_249 : i32 to vector<16xi32>
        %and3A_251 = arith.andi %add3A_248, %and3A_250 : vector<16xi32>
        %gather3A_252 = tpu.vector_load_idx %arg9[%add3A_114, %and3A_251] : memref<80x64xi32, #tpu.memory_space<vmem>>[vector<16xi32>, vector<16xi32>], vector<16xi32>,
        %gather3A_253 = tpu.vector_load_idx %arg10[%add3A_114, %and3A_251] : memref<80x64xi32, #tpu.memory_space<vmem>>[vector<16xi32>, vector<16xi32>], vector<16xi32>,
        %bitcast3A_254 = vector.bitcast %gather3A_252 : vector<16xi32> to vector<32xbf16>
        %bitcast3A_255 = vector.bitcast %gather3A_253 : vector<16xi32> to vector<32xbf16>
        %mul3A_256 = arith.mulf %bitcast3A_254, %bitcast3A_255 : vector<32xbf16>
        %unpack3A_257 = tpu.unpack_subelements %mul3A_256, 0 {pack_format = #tpu.pack_format<interleaved>} : vector<32xbf16> -> vector<16xf32>
        %unpack3A_258 = tpu.unpack_subelements %mul3A_256, 1 {pack_format = #tpu.pack_format<interleaved>} : vector<32xbf16> -> vector<16xf32>
        %add3A_259 = arith.addf %add3A_199, %unpack3A_257 : vector<16xf32>
        %add3A_260 = arith.addf %add3A_200, %unpack3A_258 : vector<16xf32>
        %add3A_261 = arith.constant 9 : i32
        %add3A_262 = vector.broadcast %add3A_261 : i32 to vector<16xi32>
        %add3A_263 = arith.addi %iota3A_76, %add3A_262 : vector<16xi32>
        %and3A_264 = arith.constant 63 : i32
        %and3A_265 = vector.broadcast %and3A_264 : i32 to vector<16xi32>
        %and3A_266 = arith.andi %add3A_263, %and3A_265 : vector<16xi32>
        %gather3A_267 = tpu.vector_load_idx %arg9[%add3A_114, %and3A_266] : memref<80x64xi32, #tpu.memory_space<vmem>>[vector<16xi32>, vector<16xi32>], vector<16xi32>,
        %gather3A_268 = tpu.vector_load_idx %arg10[%add3A_114, %and3A_266] : memref<80x64xi32, #tpu.memory_space<vmem>>[vector<16xi32>, vector<16xi32>], vector<16xi32>,
        %bitcast3A_269 = vector.bitcast %gather3A_267 : vector<16xi32> to vector<32xbf16>
        %bitcast3A_270 = vector.bitcast %gather3A_268 : vector<16xi32> to vector<32xbf16>
        %mul3A_271 = arith.mulf %bitcast3A_269, %bitcast3A_270 : vector<32xbf16>
        %unpack3A_272 = tpu.unpack_subelements %mul3A_271, 0 {pack_format = #tpu.pack_format<interleaved>} : vector<32xbf16> -> vector<16xf32>
        %unpack3A_273 = tpu.unpack_subelements %mul3A_271, 1 {pack_format = #tpu.pack_format<interleaved>} : vector<32xbf16> -> vector<16xf32>
        %add3A_274 = arith.addf %add3A_214, %unpack3A_272 : vector<16xf32>
        %add3A_275 = arith.addf %add3A_215, %unpack3A_273 : vector<16xf32>
        %add3A_276 = arith.constant 10 : i32
        %add3A_277 = vector.broadcast %add3A_276 : i32 to vector<16xi32>
        %add3A_278 = arith.addi %iota3A_76, %add3A_277 : vector<16xi32>
        %and3A_279 = arith.constant 63 : i32
        %and3A_280 = vector.broadcast %and3A_279 : i32 to vector<16xi32>
        %and3A_281 = arith.andi %add3A_278, %and3A_280 : vector<16xi32>
        %gather3A_282 = tpu.vector_load_idx %arg9[%add3A_114, %and3A_281] : memref<80x64xi32, #tpu.memory_space<vmem>>[vector<16xi32>, vector<16xi32>], vector<16xi32>,
        %gather3A_283 = tpu.vector_load_idx %arg10[%add3A_114, %and3A_281] : memref<80x64xi32, #tpu.memory_space<vmem>>[vector<16xi32>, vector<16xi32>], vector<16xi32>,
        %bitcast3A_284 = vector.bitcast %gather3A_282 : vector<16xi32> to vector<32xbf16>
        %bitcast3A_285 = vector.bitcast %gather3A_283 : vector<16xi32> to vector<32xbf16>
        %mul3A_286 = arith.mulf %bitcast3A_284, %bitcast3A_285 : vector<32xbf16>
        %unpack3A_287 = tpu.unpack_subelements %mul3A_286, 0 {pack_format = #tpu.pack_format<interleaved>} : vector<32xbf16> -> vector<16xf32>
        %unpack3A_288 = tpu.unpack_subelements %mul3A_286, 1 {pack_format = #tpu.pack_format<interleaved>} : vector<32xbf16> -> vector<16xf32>
        %add3A_289 = arith.addf %add3A_229, %unpack3A_287 : vector<16xf32>
        %add3A_290 = arith.addf %add3A_230, %unpack3A_288 : vector<16xf32>
        %add3A_291 = arith.constant 11 : i32
        %add3A_292 = vector.broadcast %add3A_291 : i32 to vector<16xi32>
        %add3A_293 = arith.addi %iota3A_76, %add3A_292 : vector<16xi32>
        %and3A_294 = arith.constant 63 : i32
        %and3A_295 = vector.broadcast %and3A_294 : i32 to vector<16xi32>
        %and3A_296 = arith.andi %add3A_293, %and3A_295 : vector<16xi32>
        %gather3A_297 = tpu.vector_load_idx %arg9[%add3A_114, %and3A_296] : memref<80x64xi32, #tpu.memory_space<vmem>>[vector<16xi32>, vector<16xi32>], vector<16xi32>,
        %gather3A_298 = tpu.vector_load_idx %arg10[%add3A_114, %and3A_296] : memref<80x64xi32, #tpu.memory_space<vmem>>[vector<16xi32>, vector<16xi32>], vector<16xi32>,
        %bitcast3A_299 = vector.bitcast %gather3A_297 : vector<16xi32> to vector<32xbf16>
        %bitcast3A_300 = vector.bitcast %gather3A_298 : vector<16xi32> to vector<32xbf16>
        %mul3A_301 = arith.mulf %bitcast3A_299, %bitcast3A_300 : vector<32xbf16>
        %unpack3A_302 = tpu.unpack_subelements %mul3A_301, 0 {pack_format = #tpu.pack_format<interleaved>} : vector<32xbf16> -> vector<16xf32>
        %unpack3A_303 = tpu.unpack_subelements %mul3A_301, 1 {pack_format = #tpu.pack_format<interleaved>} : vector<32xbf16> -> vector<16xf32>
        %add3A_304 = arith.addf %add3A_244, %unpack3A_302 : vector<16xf32>
        %add3A_305 = arith.addf %add3A_245, %unpack3A_303 : vector<16xf32>
        %add3A_306 = arith.constant 12 : i32
        %add3A_307 = vector.broadcast %add3A_306 : i32 to vector<16xi32>
        %add3A_308 = arith.addi %iota3A_76, %add3A_307 : vector<16xi32>
        %and3A_309 = arith.constant 63 : i32
        %and3A_310 = vector.broadcast %and3A_309 : i32 to vector<16xi32>
        %and3A_311 = arith.andi %add3A_308, %and3A_310 : vector<16xi32>
        %gather3A_312 = tpu.vector_load_idx %arg9[%add3A_114, %and3A_311] : memref<80x64xi32, #tpu.memory_space<vmem>>[vector<16xi32>, vector<16xi32>], vector<16xi32>,
        %gather3A_313 = tpu.vector_load_idx %arg10[%add3A_114, %and3A_311] : memref<80x64xi32, #tpu.memory_space<vmem>>[vector<16xi32>, vector<16xi32>], vector<16xi32>,
        %bitcast3A_314 = vector.bitcast %gather3A_312 : vector<16xi32> to vector<32xbf16>
        %bitcast3A_315 = vector.bitcast %gather3A_313 : vector<16xi32> to vector<32xbf16>
        %mul3A_316 = arith.mulf %bitcast3A_314, %bitcast3A_315 : vector<32xbf16>
        %unpack3A_317 = tpu.unpack_subelements %mul3A_316, 0 {pack_format = #tpu.pack_format<interleaved>} : vector<32xbf16> -> vector<16xf32>
        %unpack3A_318 = tpu.unpack_subelements %mul3A_316, 1 {pack_format = #tpu.pack_format<interleaved>} : vector<32xbf16> -> vector<16xf32>
        %add3A_319 = arith.addf %add3A_259, %unpack3A_317 : vector<16xf32>
        %add3A_320 = arith.addf %add3A_260, %unpack3A_318 : vector<16xf32>
        %add3A_321 = arith.constant 13 : i32
        %add3A_322 = vector.broadcast %add3A_321 : i32 to vector<16xi32>
        %add3A_323 = arith.addi %iota3A_76, %add3A_322 : vector<16xi32>
        %and3A_324 = arith.constant 63 : i32
        %and3A_325 = vector.broadcast %and3A_324 : i32 to vector<16xi32>
        %and3A_326 = arith.andi %add3A_323, %and3A_325 : vector<16xi32>
        %gather3A_327 = tpu.vector_load_idx %arg9[%add3A_114, %and3A_326] : memref<80x64xi32, #tpu.memory_space<vmem>>[vector<16xi32>, vector<16xi32>], vector<16xi32>,
        %gather3A_328 = tpu.vector_load_idx %arg10[%add3A_114, %and3A_326] : memref<80x64xi32, #tpu.memory_space<vmem>>[vector<16xi32>, vector<16xi32>], vector<16xi32>,
        %bitcast3A_329 = vector.bitcast %gather3A_327 : vector<16xi32> to vector<32xbf16>
        %bitcast3A_330 = vector.bitcast %gather3A_328 : vector<16xi32> to vector<32xbf16>
        %mul3A_331 = arith.mulf %bitcast3A_329, %bitcast3A_330 : vector<32xbf16>
        %unpack3A_332 = tpu.unpack_subelements %mul3A_331, 0 {pack_format = #tpu.pack_format<interleaved>} : vector<32xbf16> -> vector<16xf32>
        %unpack3A_333 = tpu.unpack_subelements %mul3A_331, 1 {pack_format = #tpu.pack_format<interleaved>} : vector<32xbf16> -> vector<16xf32>
        %add3A_334 = arith.addf %add3A_274, %unpack3A_332 : vector<16xf32>
        %add3A_335 = arith.addf %add3A_275, %unpack3A_333 : vector<16xf32>
        %add3A_336 = arith.constant 14 : i32
        %add3A_337 = vector.broadcast %add3A_336 : i32 to vector<16xi32>
        %add3A_338 = arith.addi %iota3A_76, %add3A_337 : vector<16xi32>
        %and3A_339 = arith.constant 63 : i32
        %and3A_340 = vector.broadcast %and3A_339 : i32 to vector<16xi32>
        %and3A_341 = arith.andi %add3A_338, %and3A_340 : vector<16xi32>
        %gather3A_342 = tpu.vector_load_idx %arg9[%add3A_114, %and3A_341] : memref<80x64xi32, #tpu.memory_space<vmem>>[vector<16xi32>, vector<16xi32>], vector<16xi32>,
        %gather3A_343 = tpu.vector_load_idx %arg10[%add3A_114, %and3A_341] : memref<80x64xi32, #tpu.memory_space<vmem>>[vector<16xi32>, vector<16xi32>], vector<16xi32>,
        %bitcast3A_344 = vector.bitcast %gather3A_342 : vector<16xi32> to vector<32xbf16>
        %bitcast3A_345 = vector.bitcast %gather3A_343 : vector<16xi32> to vector<32xbf16>
        %mul3A_346 = arith.mulf %bitcast3A_344, %bitcast3A_345 : vector<32xbf16>
        %unpack3A_347 = tpu.unpack_subelements %mul3A_346, 0 {pack_format = #tpu.pack_format<interleaved>} : vector<32xbf16> -> vector<16xf32>
        %unpack3A_348 = tpu.unpack_subelements %mul3A_346, 1 {pack_format = #tpu.pack_format<interleaved>} : vector<32xbf16> -> vector<16xf32>
        %add3A_349 = arith.addf %add3A_289, %unpack3A_347 : vector<16xf32>
        %add3A_350 = arith.addf %add3A_290, %unpack3A_348 : vector<16xf32>
        %add3A_351 = arith.constant 15 : i32
        %add3A_352 = vector.broadcast %add3A_351 : i32 to vector<16xi32>
        %add3A_353 = arith.addi %iota3A_76, %add3A_352 : vector<16xi32>
        %and3A_354 = arith.constant 63 : i32
        %and3A_355 = vector.broadcast %and3A_354 : i32 to vector<16xi32>
        %and3A_356 = arith.andi %add3A_353, %and3A_355 : vector<16xi32>
        %gather3A_357 = tpu.vector_load_idx %arg9[%add3A_114, %and3A_356] : memref<80x64xi32, #tpu.memory_space<vmem>>[vector<16xi32>, vector<16xi32>], vector<16xi32>,
        %gather3A_358 = tpu.vector_load_idx %arg10[%add3A_114, %and3A_356] : memref<80x64xi32, #tpu.memory_space<vmem>>[vector<16xi32>, vector<16xi32>], vector<16xi32>,
        %bitcast3A_359 = vector.bitcast %gather3A_357 : vector<16xi32> to vector<32xbf16>
        %bitcast3A_360 = vector.bitcast %gather3A_358 : vector<16xi32> to vector<32xbf16>
        %mul3A_361 = arith.mulf %bitcast3A_359, %bitcast3A_360 : vector<32xbf16>
        %unpack3A_362 = tpu.unpack_subelements %mul3A_361, 0 {pack_format = #tpu.pack_format<interleaved>} : vector<32xbf16> -> vector<16xf32>
        %unpack3A_363 = tpu.unpack_subelements %mul3A_361, 1 {pack_format = #tpu.pack_format<interleaved>} : vector<32xbf16> -> vector<16xf32>
        %add3A_364 = arith.addf %add3A_304, %unpack3A_362 : vector<16xf32>
        %add3A_365 = arith.addf %add3A_305, %unpack3A_363 : vector<16xf32>
        %add3A_366 = arith.constant 16 : i32
        %add3A_367 = vector.broadcast %add3A_366 : i32 to vector<16xi32>
        %add3A_368 = arith.addi %iota3A_76, %add3A_367 : vector<16xi32>
        %and3A_369 = arith.constant 63 : i32
        %and3A_370 = vector.broadcast %and3A_369 : i32 to vector<16xi32>
        %and3A_371 = arith.andi %add3A_368, %and3A_370 : vector<16xi32>
        %gather3A_372 = tpu.vector_load_idx %arg9[%add3A_114, %and3A_371] : memref<80x64xi32, #tpu.memory_space<vmem>>[vector<16xi32>, vector<16xi32>], vector<16xi32>,
        %gather3A_373 = tpu.vector_load_idx %arg10[%add3A_114, %and3A_371] : memref<80x64xi32, #tpu.memory_space<vmem>>[vector<16xi32>, vector<16xi32>], vector<16xi32>,
        %bitcast3A_374 = vector.bitcast %gather3A_372 : vector<16xi32> to vector<32xbf16>
        %bitcast3A_375 = vector.bitcast %gather3A_373 : vector<16xi32> to vector<32xbf16>
        %mul3A_376 = arith.mulf %bitcast3A_374, %bitcast3A_375 : vector<32xbf16>
        %unpack3A_377 = tpu.unpack_subelements %mul3A_376, 0 {pack_format = #tpu.pack_format<interleaved>} : vector<32xbf16> -> vector<16xf32>
        %unpack3A_378 = tpu.unpack_subelements %mul3A_376, 1 {pack_format = #tpu.pack_format<interleaved>} : vector<32xbf16> -> vector<16xf32>
        %add3A_379 = arith.addf %add3A_319, %unpack3A_377 : vector<16xf32>
        %add3A_380 = arith.addf %add3A_320, %unpack3A_378 : vector<16xf32>
        %add3A_381 = arith.constant 17 : i32
        %add3A_382 = vector.broadcast %add3A_381 : i32 to vector<16xi32>
        %add3A_383 = arith.addi %iota3A_76, %add3A_382 : vector<16xi32>
        %and3A_384 = arith.constant 63 : i32
        %and3A_385 = vector.broadcast %and3A_384 : i32 to vector<16xi32>
        %and3A_386 = arith.andi %add3A_383, %and3A_385 : vector<16xi32>
        %gather3A_387 = tpu.vector_load_idx %arg9[%add3A_114, %and3A_386] : memref<80x64xi32, #tpu.memory_space<vmem>>[vector<16xi32>, vector<16xi32>], vector<16xi32>,
        %gather3A_388 = tpu.vector_load_idx %arg10[%add3A_114, %and3A_386] : memref<80x64xi32, #tpu.memory_space<vmem>>[vector<16xi32>, vector<16xi32>], vector<16xi32>,
        %bitcast3A_389 = vector.bitcast %gather3A_387 : vector<16xi32> to vector<32xbf16>
        %bitcast3A_390 = vector.bitcast %gather3A_388 : vector<16xi32> to vector<32xbf16>
        %mul3A_391 = arith.mulf %bitcast3A_389, %bitcast3A_390 : vector<32xbf16>
        %unpack3A_392 = tpu.unpack_subelements %mul3A_391, 0 {pack_format = #tpu.pack_format<interleaved>} : vector<32xbf16> -> vector<16xf32>
        %unpack3A_393 = tpu.unpack_subelements %mul3A_391, 1 {pack_format = #tpu.pack_format<interleaved>} : vector<32xbf16> -> vector<16xf32>
        %add3A_394 = arith.addf %add3A_334, %unpack3A_392 : vector<16xf32>
        %add3A_395 = arith.addf %add3A_335, %unpack3A_393 : vector<16xf32>
        %add3A_396 = arith.constant 18 : i32
        %add3A_397 = vector.broadcast %add3A_396 : i32 to vector<16xi32>
        %add3A_398 = arith.addi %iota3A_76, %add3A_397 : vector<16xi32>
        %and3A_399 = arith.constant 63 : i32
        %and3A_400 = vector.broadcast %and3A_399 : i32 to vector<16xi32>
        %and3A_401 = arith.andi %add3A_398, %and3A_400 : vector<16xi32>
        %gather3A_402 = tpu.vector_load_idx %arg9[%add3A_114, %and3A_401] : memref<80x64xi32, #tpu.memory_space<vmem>>[vector<16xi32>, vector<16xi32>], vector<16xi32>,
        %gather3A_403 = tpu.vector_load_idx %arg10[%add3A_114, %and3A_401] : memref<80x64xi32, #tpu.memory_space<vmem>>[vector<16xi32>, vector<16xi32>], vector<16xi32>,
        %bitcast3A_404 = vector.bitcast %gather3A_402 : vector<16xi32> to vector<32xbf16>
        %bitcast3A_405 = vector.bitcast %gather3A_403 : vector<16xi32> to vector<32xbf16>
        %mul3A_406 = arith.mulf %bitcast3A_404, %bitcast3A_405 : vector<32xbf16>
        %unpack3A_407 = tpu.unpack_subelements %mul3A_406, 0 {pack_format = #tpu.pack_format<interleaved>} : vector<32xbf16> -> vector<16xf32>
        %unpack3A_408 = tpu.unpack_subelements %mul3A_406, 1 {pack_format = #tpu.pack_format<interleaved>} : vector<32xbf16> -> vector<16xf32>
        %add3A_409 = arith.addf %add3A_349, %unpack3A_407 : vector<16xf32>
        %add3A_410 = arith.addf %add3A_350, %unpack3A_408 : vector<16xf32>
        %add3A_411 = arith.constant 19 : i32
        %add3A_412 = vector.broadcast %add3A_411 : i32 to vector<16xi32>
        %add3A_413 = arith.addi %iota3A_76, %add3A_412 : vector<16xi32>
        %and3A_414 = arith.constant 63 : i32
        %and3A_415 = vector.broadcast %and3A_414 : i32 to vector<16xi32>
        %and3A_416 = arith.andi %add3A_413, %and3A_415 : vector<16xi32>
        %gather3A_417 = tpu.vector_load_idx %arg9[%add3A_114, %and3A_416] : memref<80x64xi32, #tpu.memory_space<vmem>>[vector<16xi32>, vector<16xi32>], vector<16xi32>,
        %gather3A_418 = tpu.vector_load_idx %arg10[%add3A_114, %and3A_416] : memref<80x64xi32, #tpu.memory_space<vmem>>[vector<16xi32>, vector<16xi32>], vector<16xi32>,
        %bitcast3A_419 = vector.bitcast %gather3A_417 : vector<16xi32> to vector<32xbf16>
        %bitcast3A_420 = vector.bitcast %gather3A_418 : vector<16xi32> to vector<32xbf16>
        %mul3A_421 = arith.mulf %bitcast3A_419, %bitcast3A_420 : vector<32xbf16>
        %unpack3A_422 = tpu.unpack_subelements %mul3A_421, 0 {pack_format = #tpu.pack_format<interleaved>} : vector<32xbf16> -> vector<16xf32>
        %unpack3A_423 = tpu.unpack_subelements %mul3A_421, 1 {pack_format = #tpu.pack_format<interleaved>} : vector<32xbf16> -> vector<16xf32>
        %add3A_424 = arith.addf %add3A_364, %unpack3A_422 : vector<16xf32>
        %add3A_425 = arith.addf %add3A_365, %unpack3A_423 : vector<16xf32>
        %add3A_426 = arith.constant 20 : i32
        %add3A_427 = vector.broadcast %add3A_426 : i32 to vector<16xi32>
        %add3A_428 = arith.addi %iota3A_76, %add3A_427 : vector<16xi32>
        %and3A_429 = arith.constant 63 : i32
        %and3A_430 = vector.broadcast %and3A_429 : i32 to vector<16xi32>
        %and3A_431 = arith.andi %add3A_428, %and3A_430 : vector<16xi32>
        %gather3A_432 = tpu.vector_load_idx %arg9[%add3A_114, %and3A_431] : memref<80x64xi32, #tpu.memory_space<vmem>>[vector<16xi32>, vector<16xi32>], vector<16xi32>,
        %gather3A_433 = tpu.vector_load_idx %arg10[%add3A_114, %and3A_431] : memref<80x64xi32, #tpu.memory_space<vmem>>[vector<16xi32>, vector<16xi32>], vector<16xi32>,
        %bitcast3A_434 = vector.bitcast %gather3A_432 : vector<16xi32> to vector<32xbf16>
        %bitcast3A_435 = vector.bitcast %gather3A_433 : vector<16xi32> to vector<32xbf16>
        %mul3A_436 = arith.mulf %bitcast3A_434, %bitcast3A_435 : vector<32xbf16>
        %unpack3A_437 = tpu.unpack_subelements %mul3A_436, 0 {pack_format = #tpu.pack_format<interleaved>} : vector<32xbf16> -> vector<16xf32>
        %unpack3A_438 = tpu.unpack_subelements %mul3A_436, 1 {pack_format = #tpu.pack_format<interleaved>} : vector<32xbf16> -> vector<16xf32>
        %add3A_439 = arith.addf %add3A_379, %unpack3A_437 : vector<16xf32>
        %add3A_440 = arith.addf %add3A_380, %unpack3A_438 : vector<16xf32>
        %add3A_441 = arith.constant 21 : i32
        %add3A_442 = vector.broadcast %add3A_441 : i32 to vector<16xi32>
        %add3A_443 = arith.addi %iota3A_76, %add3A_442 : vector<16xi32>
        %and3A_444 = arith.constant 63 : i32
        %and3A_445 = vector.broadcast %and3A_444 : i32 to vector<16xi32>
        %and3A_446 = arith.andi %add3A_443, %and3A_445 : vector<16xi32>
        %gather3A_447 = tpu.vector_load_idx %arg9[%add3A_114, %and3A_446] : memref<80x64xi32, #tpu.memory_space<vmem>>[vector<16xi32>, vector<16xi32>], vector<16xi32>,
        %gather3A_448 = tpu.vector_load_idx %arg10[%add3A_114, %and3A_446] : memref<80x64xi32, #tpu.memory_space<vmem>>[vector<16xi32>, vector<16xi32>], vector<16xi32>,
        %bitcast3A_449 = vector.bitcast %gather3A_447 : vector<16xi32> to vector<32xbf16>
        %bitcast3A_450 = vector.bitcast %gather3A_448 : vector<16xi32> to vector<32xbf16>
        %mul3A_451 = arith.mulf %bitcast3A_449, %bitcast3A_450 : vector<32xbf16>
        %unpack3A_452 = tpu.unpack_subelements %mul3A_451, 0 {pack_format = #tpu.pack_format<interleaved>} : vector<32xbf16> -> vector<16xf32>
        %unpack3A_453 = tpu.unpack_subelements %mul3A_451, 1 {pack_format = #tpu.pack_format<interleaved>} : vector<32xbf16> -> vector<16xf32>
        %add3A_454 = arith.addf %add3A_394, %unpack3A_452 : vector<16xf32>
        %add3A_455 = arith.addf %add3A_395, %unpack3A_453 : vector<16xf32>
        %add3A_456 = arith.constant 22 : i32
        %add3A_457 = vector.broadcast %add3A_456 : i32 to vector<16xi32>
        %add3A_458 = arith.addi %iota3A_76, %add3A_457 : vector<16xi32>
        %and3A_459 = arith.constant 63 : i32
        %and3A_460 = vector.broadcast %and3A_459 : i32 to vector<16xi32>
        %and3A_461 = arith.andi %add3A_458, %and3A_460 : vector<16xi32>
        %gather3A_462 = tpu.vector_load_idx %arg9[%add3A_114, %and3A_461] : memref<80x64xi32, #tpu.memory_space<vmem>>[vector<16xi32>, vector<16xi32>], vector<16xi32>,
        %gather3A_463 = tpu.vector_load_idx %arg10[%add3A_114, %and3A_461] : memref<80x64xi32, #tpu.memory_space<vmem>>[vector<16xi32>, vector<16xi32>], vector<16xi32>,
        %bitcast3A_464 = vector.bitcast %gather3A_462 : vector<16xi32> to vector<32xbf16>
        %bitcast3A_465 = vector.bitcast %gather3A_463 : vector<16xi32> to vector<32xbf16>
        %mul3A_466 = arith.mulf %bitcast3A_464, %bitcast3A_465 : vector<32xbf16>
        %unpack3A_467 = tpu.unpack_subelements %mul3A_466, 0 {pack_format = #tpu.pack_format<interleaved>} : vector<32xbf16> -> vector<16xf32>
        %unpack3A_468 = tpu.unpack_subelements %mul3A_466, 1 {pack_format = #tpu.pack_format<interleaved>} : vector<32xbf16> -> vector<16xf32>
        %add3A_469 = arith.addf %add3A_409, %unpack3A_467 : vector<16xf32>
        %add3A_470 = arith.addf %add3A_410, %unpack3A_468 : vector<16xf32>
        %add3A_471 = arith.constant 23 : i32
        %add3A_472 = vector.broadcast %add3A_471 : i32 to vector<16xi32>
        %add3A_473 = arith.addi %iota3A_76, %add3A_472 : vector<16xi32>
        %and3A_474 = arith.constant 63 : i32
        %and3A_475 = vector.broadcast %and3A_474 : i32 to vector<16xi32>
        %and3A_476 = arith.andi %add3A_473, %and3A_475 : vector<16xi32>
        %gather3A_477 = tpu.vector_load_idx %arg9[%add3A_114, %and3A_476] : memref<80x64xi32, #tpu.memory_space<vmem>>[vector<16xi32>, vector<16xi32>], vector<16xi32>,
        %gather3A_478 = tpu.vector_load_idx %arg10[%add3A_114, %and3A_476] : memref<80x64xi32, #tpu.memory_space<vmem>>[vector<16xi32>, vector<16xi32>], vector<16xi32>,
        %bitcast3A_479 = vector.bitcast %gather3A_477 : vector<16xi32> to vector<32xbf16>
        %bitcast3A_480 = vector.bitcast %gather3A_478 : vector<16xi32> to vector<32xbf16>
        %mul3A_481 = arith.mulf %bitcast3A_479, %bitcast3A_480 : vector<32xbf16>
        %unpack3A_482 = tpu.unpack_subelements %mul3A_481, 0 {pack_format = #tpu.pack_format<interleaved>} : vector<32xbf16> -> vector<16xf32>
        %unpack3A_483 = tpu.unpack_subelements %mul3A_481, 1 {pack_format = #tpu.pack_format<interleaved>} : vector<32xbf16> -> vector<16xf32>
        %add3A_484 = arith.addf %add3A_424, %unpack3A_482 : vector<16xf32>
        %add3A_485 = arith.addf %add3A_425, %unpack3A_483 : vector<16xf32>
        %add3A_486 = arith.constant 24 : i32
        %add3A_487 = vector.broadcast %add3A_486 : i32 to vector<16xi32>
        %add3A_488 = arith.addi %iota3A_76, %add3A_487 : vector<16xi32>
        %and3A_489 = arith.constant 63 : i32
        %and3A_490 = vector.broadcast %and3A_489 : i32 to vector<16xi32>
        %and3A_491 = arith.andi %add3A_488, %and3A_490 : vector<16xi32>
        %gather3A_492 = tpu.vector_load_idx %arg9[%add3A_114, %and3A_491] : memref<80x64xi32, #tpu.memory_space<vmem>>[vector<16xi32>, vector<16xi32>], vector<16xi32>,
        %gather3A_493 = tpu.vector_load_idx %arg10[%add3A_114, %and3A_491] : memref<80x64xi32, #tpu.memory_space<vmem>>[vector<16xi32>, vector<16xi32>], vector<16xi32>,
        %bitcast3A_494 = vector.bitcast %gather3A_492 : vector<16xi32> to vector<32xbf16>
        %bitcast3A_495 = vector.bitcast %gather3A_493 : vector<16xi32> to vector<32xbf16>
        %mul3A_496 = arith.mulf %bitcast3A_494, %bitcast3A_495 : vector<32xbf16>
        %unpack3A_497 = tpu.unpack_subelements %mul3A_496, 0 {pack_format = #tpu.pack_format<interleaved>} : vector<32xbf16> -> vector<16xf32>
        %unpack3A_498 = tpu.unpack_subelements %mul3A_496, 1 {pack_format = #tpu.pack_format<interleaved>} : vector<32xbf16> -> vector<16xf32>
        %add3A_499 = arith.addf %add3A_439, %unpack3A_497 : vector<16xf32>
        %add3A_500 = arith.addf %add3A_440, %unpack3A_498 : vector<16xf32>
        %add3A_501 = arith.constant 25 : i32
        %add3A_502 = vector.broadcast %add3A_501 : i32 to vector<16xi32>
        %add3A_503 = arith.addi %iota3A_76, %add3A_502 : vector<16xi32>
        %and3A_504 = arith.constant 63 : i32
        %and3A_505 = vector.broadcast %and3A_504 : i32 to vector<16xi32>
        %and3A_506 = arith.andi %add3A_503, %and3A_505 : vector<16xi32>
        %gather3A_507 = tpu.vector_load_idx %arg9[%add3A_114, %and3A_506] : memref<80x64xi32, #tpu.memory_space<vmem>>[vector<16xi32>, vector<16xi32>], vector<16xi32>,
        %gather3A_508 = tpu.vector_load_idx %arg10[%add3A_114, %and3A_506] : memref<80x64xi32, #tpu.memory_space<vmem>>[vector<16xi32>, vector<16xi32>], vector<16xi32>,
        %bitcast3A_509 = vector.bitcast %gather3A_507 : vector<16xi32> to vector<32xbf16>
        %bitcast3A_510 = vector.bitcast %gather3A_508 : vector<16xi32> to vector<32xbf16>
        %mul3A_511 = arith.mulf %bitcast3A_509, %bitcast3A_510 : vector<32xbf16>
        %unpack3A_512 = tpu.unpack_subelements %mul3A_511, 0 {pack_format = #tpu.pack_format<interleaved>} : vector<32xbf16> -> vector<16xf32>
        %unpack3A_513 = tpu.unpack_subelements %mul3A_511, 1 {pack_format = #tpu.pack_format<interleaved>} : vector<32xbf16> -> vector<16xf32>
        %add3A_514 = arith.addf %add3A_454, %unpack3A_512 : vector<16xf32>
        %add3A_515 = arith.addf %add3A_455, %unpack3A_513 : vector<16xf32>
        %add3A_516 = arith.constant 26 : i32
        %add3A_517 = vector.broadcast %add3A_516 : i32 to vector<16xi32>
        %add3A_518 = arith.addi %iota3A_76, %add3A_517 : vector<16xi32>
        %and3A_519 = arith.constant 63 : i32
        %and3A_520 = vector.broadcast %and3A_519 : i32 to vector<16xi32>
        %and3A_521 = arith.andi %add3A_518, %and3A_520 : vector<16xi32>
        %gather3A_522 = tpu.vector_load_idx %arg9[%add3A_114, %and3A_521] : memref<80x64xi32, #tpu.memory_space<vmem>>[vector<16xi32>, vector<16xi32>], vector<16xi32>,
        %gather3A_523 = tpu.vector_load_idx %arg10[%add3A_114, %and3A_521] : memref<80x64xi32, #tpu.memory_space<vmem>>[vector<16xi32>, vector<16xi32>], vector<16xi32>,
        %bitcast3A_524 = vector.bitcast %gather3A_522 : vector<16xi32> to vector<32xbf16>
        %bitcast3A_525 = vector.bitcast %gather3A_523 : vector<16xi32> to vector<32xbf16>
        %mul3A_526 = arith.mulf %bitcast3A_524, %bitcast3A_525 : vector<32xbf16>
        %unpack3A_527 = tpu.unpack_subelements %mul3A_526, 0 {pack_format = #tpu.pack_format<interleaved>} : vector<32xbf16> -> vector<16xf32>
        %unpack3A_528 = tpu.unpack_subelements %mul3A_526, 1 {pack_format = #tpu.pack_format<interleaved>} : vector<32xbf16> -> vector<16xf32>
        %add3A_529 = arith.addf %add3A_469, %unpack3A_527 : vector<16xf32>
        %add3A_530 = arith.addf %add3A_470, %unpack3A_528 : vector<16xf32>
        %add3A_531 = arith.constant 27 : i32
        %add3A_532 = vector.broadcast %add3A_531 : i32 to vector<16xi32>
        %add3A_533 = arith.addi %iota3A_76, %add3A_532 : vector<16xi32>
        %and3A_534 = arith.constant 63 : i32
        %and3A_535 = vector.broadcast %and3A_534 : i32 to vector<16xi32>
        %and3A_536 = arith.andi %add3A_533, %and3A_535 : vector<16xi32>
        %gather3A_537 = tpu.vector_load_idx %arg9[%add3A_114, %and3A_536] : memref<80x64xi32, #tpu.memory_space<vmem>>[vector<16xi32>, vector<16xi32>], vector<16xi32>,
        %gather3A_538 = tpu.vector_load_idx %arg10[%add3A_114, %and3A_536] : memref<80x64xi32, #tpu.memory_space<vmem>>[vector<16xi32>, vector<16xi32>], vector<16xi32>,
        %bitcast3A_539 = vector.bitcast %gather3A_537 : vector<16xi32> to vector<32xbf16>
        %bitcast3A_540 = vector.bitcast %gather3A_538 : vector<16xi32> to vector<32xbf16>
        %mul3A_541 = arith.mulf %bitcast3A_539, %bitcast3A_540 : vector<32xbf16>
        %unpack3A_542 = tpu.unpack_subelements %mul3A_541, 0 {pack_format = #tpu.pack_format<interleaved>} : vector<32xbf16> -> vector<16xf32>
        %unpack3A_543 = tpu.unpack_subelements %mul3A_541, 1 {pack_format = #tpu.pack_format<interleaved>} : vector<32xbf16> -> vector<16xf32>
        %add3A_544 = arith.addf %add3A_484, %unpack3A_542 : vector<16xf32>
        %add3A_545 = arith.addf %add3A_485, %unpack3A_543 : vector<16xf32>
        %add3A_546 = arith.constant 28 : i32
        %add3A_547 = vector.broadcast %add3A_546 : i32 to vector<16xi32>
        %add3A_548 = arith.addi %iota3A_76, %add3A_547 : vector<16xi32>
        %and3A_549 = arith.constant 63 : i32
        %and3A_550 = vector.broadcast %and3A_549 : i32 to vector<16xi32>
        %and3A_551 = arith.andi %add3A_548, %and3A_550 : vector<16xi32>
        %gather3A_552 = tpu.vector_load_idx %arg9[%add3A_114, %and3A_551] : memref<80x64xi32, #tpu.memory_space<vmem>>[vector<16xi32>, vector<16xi32>], vector<16xi32>,
        %gather3A_553 = tpu.vector_load_idx %arg10[%add3A_114, %and3A_551] : memref<80x64xi32, #tpu.memory_space<vmem>>[vector<16xi32>, vector<16xi32>], vector<16xi32>,
        %bitcast3A_554 = vector.bitcast %gather3A_552 : vector<16xi32> to vector<32xbf16>
        %bitcast3A_555 = vector.bitcast %gather3A_553 : vector<16xi32> to vector<32xbf16>
        %mul3A_556 = arith.mulf %bitcast3A_554, %bitcast3A_555 : vector<32xbf16>
        %unpack3A_557 = tpu.unpack_subelements %mul3A_556, 0 {pack_format = #tpu.pack_format<interleaved>} : vector<32xbf16> -> vector<16xf32>
        %unpack3A_558 = tpu.unpack_subelements %mul3A_556, 1 {pack_format = #tpu.pack_format<interleaved>} : vector<32xbf16> -> vector<16xf32>
        %add3A_559 = arith.addf %add3A_499, %unpack3A_557 : vector<16xf32>
        %add3A_560 = arith.addf %add3A_500, %unpack3A_558 : vector<16xf32>
        %add3A_561 = arith.constant 29 : i32
        %add3A_562 = vector.broadcast %add3A_561 : i32 to vector<16xi32>
        %add3A_563 = arith.addi %iota3A_76, %add3A_562 : vector<16xi32>
        %and3A_564 = arith.constant 63 : i32
        %and3A_565 = vector.broadcast %and3A_564 : i32 to vector<16xi32>
        %and3A_566 = arith.andi %add3A_563, %and3A_565 : vector<16xi32>
        %gather3A_567 = tpu.vector_load_idx %arg9[%add3A_114, %and3A_566] : memref<80x64xi32, #tpu.memory_space<vmem>>[vector<16xi32>, vector<16xi32>], vector<16xi32>,
        %gather3A_568 = tpu.vector_load_idx %arg10[%add3A_114, %and3A_566] : memref<80x64xi32, #tpu.memory_space<vmem>>[vector<16xi32>, vector<16xi32>], vector<16xi32>,
        %bitcast3A_569 = vector.bitcast %gather3A_567 : vector<16xi32> to vector<32xbf16>
        %bitcast3A_570 = vector.bitcast %gather3A_568 : vector<16xi32> to vector<32xbf16>
        %mul3A_571 = arith.mulf %bitcast3A_569, %bitcast3A_570 : vector<32xbf16>
        %unpack3A_572 = tpu.unpack_subelements %mul3A_571, 0 {pack_format = #tpu.pack_format<interleaved>} : vector<32xbf16> -> vector<16xf32>
        %unpack3A_573 = tpu.unpack_subelements %mul3A_571, 1 {pack_format = #tpu.pack_format<interleaved>} : vector<32xbf16> -> vector<16xf32>
        %add3A_574 = arith.addf %add3A_514, %unpack3A_572 : vector<16xf32>
        %add3A_575 = arith.addf %add3A_515, %unpack3A_573 : vector<16xf32>
        %add3A_576 = arith.constant 30 : i32
        %add3A_577 = vector.broadcast %add3A_576 : i32 to vector<16xi32>
        %add3A_578 = arith.addi %iota3A_76, %add3A_577 : vector<16xi32>
        %and3A_579 = arith.constant 63 : i32
        %and3A_580 = vector.broadcast %and3A_579 : i32 to vector<16xi32>
        %and3A_581 = arith.andi %add3A_578, %and3A_580 : vector<16xi32>
        %gather3A_582 = tpu.vector_load_idx %arg9[%add3A_114, %and3A_581] : memref<80x64xi32, #tpu.memory_space<vmem>>[vector<16xi32>, vector<16xi32>], vector<16xi32>,
        %gather3A_583 = tpu.vector_load_idx %arg10[%add3A_114, %and3A_581] : memref<80x64xi32, #tpu.memory_space<vmem>>[vector<16xi32>, vector<16xi32>], vector<16xi32>,
        %bitcast3A_584 = vector.bitcast %gather3A_582 : vector<16xi32> to vector<32xbf16>
        %bitcast3A_585 = vector.bitcast %gather3A_583 : vector<16xi32> to vector<32xbf16>
        %mul3A_586 = arith.mulf %bitcast3A_584, %bitcast3A_585 : vector<32xbf16>
        %unpack3A_587 = tpu.unpack_subelements %mul3A_586, 0 {pack_format = #tpu.pack_format<interleaved>} : vector<32xbf16> -> vector<16xf32>
        %unpack3A_588 = tpu.unpack_subelements %mul3A_586, 1 {pack_format = #tpu.pack_format<interleaved>} : vector<32xbf16> -> vector<16xf32>
        %add3A_589 = arith.addf %add3A_529, %unpack3A_587 : vector<16xf32>
        %add3A_590 = arith.addf %add3A_530, %unpack3A_588 : vector<16xf32>
        %add3A_591 = arith.constant 31 : i32
        %add3A_592 = vector.broadcast %add3A_591 : i32 to vector<16xi32>
        %add3A_593 = arith.addi %iota3A_76, %add3A_592 : vector<16xi32>
        %and3A_594 = arith.constant 63 : i32
        %and3A_595 = vector.broadcast %and3A_594 : i32 to vector<16xi32>
        %and3A_596 = arith.andi %add3A_593, %and3A_595 : vector<16xi32>
        %gather3A_597 = tpu.vector_load_idx %arg9[%add3A_114, %and3A_596] : memref<80x64xi32, #tpu.memory_space<vmem>>[vector<16xi32>, vector<16xi32>], vector<16xi32>,
        %gather3A_598 = tpu.vector_load_idx %arg10[%add3A_114, %and3A_596] : memref<80x64xi32, #tpu.memory_space<vmem>>[vector<16xi32>, vector<16xi32>], vector<16xi32>,
        %bitcast3A_599 = vector.bitcast %gather3A_597 : vector<16xi32> to vector<32xbf16>
        %bitcast3A_600 = vector.bitcast %gather3A_598 : vector<16xi32> to vector<32xbf16>
        %mul3A_601 = arith.mulf %bitcast3A_599, %bitcast3A_600 : vector<32xbf16>
        %unpack3A_602 = tpu.unpack_subelements %mul3A_601, 0 {pack_format = #tpu.pack_format<interleaved>} : vector<32xbf16> -> vector<16xf32>
        %unpack3A_603 = tpu.unpack_subelements %mul3A_601, 1 {pack_format = #tpu.pack_format<interleaved>} : vector<32xbf16> -> vector<16xf32>
        %add3A_604 = arith.addf %add3A_544, %unpack3A_602 : vector<16xf32>
        %add3A_605 = arith.addf %add3A_545, %unpack3A_603 : vector<16xf32>
        %add3A_606 = arith.constant 32 : i32
        %add3A_607 = vector.broadcast %add3A_606 : i32 to vector<16xi32>
        %add3A_608 = arith.addi %iota3A_76, %add3A_607 : vector<16xi32>
        %and3A_609 = arith.constant 63 : i32
        %and3A_610 = vector.broadcast %and3A_609 : i32 to vector<16xi32>
        %and3A_611 = arith.andi %add3A_608, %and3A_610 : vector<16xi32>
        %gather3A_612 = tpu.vector_load_idx %arg9[%add3A_114, %and3A_611] : memref<80x64xi32, #tpu.memory_space<vmem>>[vector<16xi32>, vector<16xi32>], vector<16xi32>,
        %gather3A_613 = tpu.vector_load_idx %arg10[%add3A_114, %and3A_611] : memref<80x64xi32, #tpu.memory_space<vmem>>[vector<16xi32>, vector<16xi32>], vector<16xi32>,
        %bitcast3A_614 = vector.bitcast %gather3A_612 : vector<16xi32> to vector<32xbf16>
        %bitcast3A_615 = vector.bitcast %gather3A_613 : vector<16xi32> to vector<32xbf16>
        %mul3A_616 = arith.mulf %bitcast3A_614, %bitcast3A_615 : vector<32xbf16>
        %unpack3A_617 = tpu.unpack_subelements %mul3A_616, 0 {pack_format = #tpu.pack_format<interleaved>} : vector<32xbf16> -> vector<16xf32>
        %unpack3A_618 = tpu.unpack_subelements %mul3A_616, 1 {pack_format = #tpu.pack_format<interleaved>} : vector<32xbf16> -> vector<16xf32>
        %add3A_619 = arith.addf %add3A_559, %unpack3A_617 : vector<16xf32>
        %add3A_620 = arith.addf %add3A_560, %unpack3A_618 : vector<16xf32>
        %add3A_621 = arith.constant 33 : i32
        %add3A_622 = vector.broadcast %add3A_621 : i32 to vector<16xi32>
        %add3A_623 = arith.addi %iota3A_76, %add3A_622 : vector<16xi32>
        %and3A_624 = arith.constant 63 : i32
        %and3A_625 = vector.broadcast %and3A_624 : i32 to vector<16xi32>
        %and3A_626 = arith.andi %add3A_623, %and3A_625 : vector<16xi32>
        %gather3A_627 = tpu.vector_load_idx %arg9[%add3A_114, %and3A_626] : memref<80x64xi32, #tpu.memory_space<vmem>>[vector<16xi32>, vector<16xi32>], vector<16xi32>,
        %gather3A_628 = tpu.vector_load_idx %arg10[%add3A_114, %and3A_626] : memref<80x64xi32, #tpu.memory_space<vmem>>[vector<16xi32>, vector<16xi32>], vector<16xi32>,
        %bitcast3A_629 = vector.bitcast %gather3A_627 : vector<16xi32> to vector<32xbf16>
        %bitcast3A_630 = vector.bitcast %gather3A_628 : vector<16xi32> to vector<32xbf16>
        %mul3A_631 = arith.mulf %bitcast3A_629, %bitcast3A_630 : vector<32xbf16>
        %unpack3A_632 = tpu.unpack_subelements %mul3A_631, 0 {pack_format = #tpu.pack_format<interleaved>} : vector<32xbf16> -> vector<16xf32>
        %unpack3A_633 = tpu.unpack_subelements %mul3A_631, 1 {pack_format = #tpu.pack_format<interleaved>} : vector<32xbf16> -> vector<16xf32>
        %add3A_634 = arith.addf %add3A_574, %unpack3A_632 : vector<16xf32>
        %add3A_635 = arith.addf %add3A_575, %unpack3A_633 : vector<16xf32>
        %add3A_636 = arith.constant 34 : i32
        %add3A_637 = vector.broadcast %add3A_636 : i32 to vector<16xi32>
        %add3A_638 = arith.addi %iota3A_76, %add3A_637 : vector<16xi32>
        %and3A_639 = arith.constant 63 : i32
        %and3A_640 = vector.broadcast %and3A_639 : i32 to vector<16xi32>
        %and3A_641 = arith.andi %add3A_638, %and3A_640 : vector<16xi32>
        %gather3A_642 = tpu.vector_load_idx %arg9[%add3A_114, %and3A_641] : memref<80x64xi32, #tpu.memory_space<vmem>>[vector<16xi32>, vector<16xi32>], vector<16xi32>,
        %gather3A_643 = tpu.vector_load_idx %arg10[%add3A_114, %and3A_641] : memref<80x64xi32, #tpu.memory_space<vmem>>[vector<16xi32>, vector<16xi32>], vector<16xi32>,
        %bitcast3A_644 = vector.bitcast %gather3A_642 : vector<16xi32> to vector<32xbf16>
        %bitcast3A_645 = vector.bitcast %gather3A_643 : vector<16xi32> to vector<32xbf16>
        %mul3A_646 = arith.mulf %bitcast3A_644, %bitcast3A_645 : vector<32xbf16>
        %unpack3A_647 = tpu.unpack_subelements %mul3A_646, 0 {pack_format = #tpu.pack_format<interleaved>} : vector<32xbf16> -> vector<16xf32>
        %unpack3A_648 = tpu.unpack_subelements %mul3A_646, 1 {pack_format = #tpu.pack_format<interleaved>} : vector<32xbf16> -> vector<16xf32>
        %add3A_649 = arith.addf %add3A_589, %unpack3A_647 : vector<16xf32>
        %add3A_650 = arith.addf %add3A_590, %unpack3A_648 : vector<16xf32>
        %add3A_651 = arith.constant 35 : i32
        %add3A_652 = vector.broadcast %add3A_651 : i32 to vector<16xi32>
        %add3A_653 = arith.addi %iota3A_76, %add3A_652 : vector<16xi32>
        %and3A_654 = arith.constant 63 : i32
        %and3A_655 = vector.broadcast %and3A_654 : i32 to vector<16xi32>
        %and3A_656 = arith.andi %add3A_653, %and3A_655 : vector<16xi32>
        %gather3A_657 = tpu.vector_load_idx %arg9[%add3A_114, %and3A_656] : memref<80x64xi32, #tpu.memory_space<vmem>>[vector<16xi32>, vector<16xi32>], vector<16xi32>,
        %gather3A_658 = tpu.vector_load_idx %arg10[%add3A_114, %and3A_656] : memref<80x64xi32, #tpu.memory_space<vmem>>[vector<16xi32>, vector<16xi32>], vector<16xi32>,
        %bitcast3A_659 = vector.bitcast %gather3A_657 : vector<16xi32> to vector<32xbf16>
        %bitcast3A_660 = vector.bitcast %gather3A_658 : vector<16xi32> to vector<32xbf16>
        %mul3A_661 = arith.mulf %bitcast3A_659, %bitcast3A_660 : vector<32xbf16>
        %unpack3A_662 = tpu.unpack_subelements %mul3A_661, 0 {pack_format = #tpu.pack_format<interleaved>} : vector<32xbf16> -> vector<16xf32>
        %unpack3A_663 = tpu.unpack_subelements %mul3A_661, 1 {pack_format = #tpu.pack_format<interleaved>} : vector<32xbf16> -> vector<16xf32>
        %add3A_664 = arith.addf %add3A_604, %unpack3A_662 : vector<16xf32>
        %add3A_665 = arith.addf %add3A_605, %unpack3A_663 : vector<16xf32>
        %add3A_666 = arith.constant 36 : i32
        %add3A_667 = vector.broadcast %add3A_666 : i32 to vector<16xi32>
        %add3A_668 = arith.addi %iota3A_76, %add3A_667 : vector<16xi32>
        %and3A_669 = arith.constant 63 : i32
        %and3A_670 = vector.broadcast %and3A_669 : i32 to vector<16xi32>
        %and3A_671 = arith.andi %add3A_668, %and3A_670 : vector<16xi32>
        %gather3A_672 = tpu.vector_load_idx %arg9[%add3A_114, %and3A_671] : memref<80x64xi32, #tpu.memory_space<vmem>>[vector<16xi32>, vector<16xi32>], vector<16xi32>,
        %gather3A_673 = tpu.vector_load_idx %arg10[%add3A_114, %and3A_671] : memref<80x64xi32, #tpu.memory_space<vmem>>[vector<16xi32>, vector<16xi32>], vector<16xi32>,
        %bitcast3A_674 = vector.bitcast %gather3A_672 : vector<16xi32> to vector<32xbf16>
        %bitcast3A_675 = vector.bitcast %gather3A_673 : vector<16xi32> to vector<32xbf16>
        %mul3A_676 = arith.mulf %bitcast3A_674, %bitcast3A_675 : vector<32xbf16>
        %unpack3A_677 = tpu.unpack_subelements %mul3A_676, 0 {pack_format = #tpu.pack_format<interleaved>} : vector<32xbf16> -> vector<16xf32>
        %unpack3A_678 = tpu.unpack_subelements %mul3A_676, 1 {pack_format = #tpu.pack_format<interleaved>} : vector<32xbf16> -> vector<16xf32>
        %add3A_679 = arith.addf %add3A_619, %unpack3A_677 : vector<16xf32>
        %add3A_680 = arith.addf %add3A_620, %unpack3A_678 : vector<16xf32>
        %add3A_681 = arith.constant 37 : i32
        %add3A_682 = vector.broadcast %add3A_681 : i32 to vector<16xi32>
        %add3A_683 = arith.addi %iota3A_76, %add3A_682 : vector<16xi32>
        %and3A_684 = arith.constant 63 : i32
        %and3A_685 = vector.broadcast %and3A_684 : i32 to vector<16xi32>
        %and3A_686 = arith.andi %add3A_683, %and3A_685 : vector<16xi32>
        %gather3A_687 = tpu.vector_load_idx %arg9[%add3A_114, %and3A_686] : memref<80x64xi32, #tpu.memory_space<vmem>>[vector<16xi32>, vector<16xi32>], vector<16xi32>,
        %gather3A_688 = tpu.vector_load_idx %arg10[%add3A_114, %and3A_686] : memref<80x64xi32, #tpu.memory_space<vmem>>[vector<16xi32>, vector<16xi32>], vector<16xi32>,
        %bitcast3A_689 = vector.bitcast %gather3A_687 : vector<16xi32> to vector<32xbf16>
        %bitcast3A_690 = vector.bitcast %gather3A_688 : vector<16xi32> to vector<32xbf16>
        %mul3A_691 = arith.mulf %bitcast3A_689, %bitcast3A_690 : vector<32xbf16>
        %unpack3A_692 = tpu.unpack_subelements %mul3A_691, 0 {pack_format = #tpu.pack_format<interleaved>} : vector<32xbf16> -> vector<16xf32>
        %unpack3A_693 = tpu.unpack_subelements %mul3A_691, 1 {pack_format = #tpu.pack_format<interleaved>} : vector<32xbf16> -> vector<16xf32>
        %add3A_694 = arith.addf %add3A_634, %unpack3A_692 : vector<16xf32>
        %add3A_695 = arith.addf %add3A_635, %unpack3A_693 : vector<16xf32>
        %add3A_696 = arith.constant 38 : i32
        %add3A_697 = vector.broadcast %add3A_696 : i32 to vector<16xi32>
        %add3A_698 = arith.addi %iota3A_76, %add3A_697 : vector<16xi32>
        %and3A_699 = arith.constant 63 : i32
        %and3A_700 = vector.broadcast %and3A_699 : i32 to vector<16xi32>
        %and3A_701 = arith.andi %add3A_698, %and3A_700 : vector<16xi32>
        %gather3A_702 = tpu.vector_load_idx %arg9[%add3A_114, %and3A_701] : memref<80x64xi32, #tpu.memory_space<vmem>>[vector<16xi32>, vector<16xi32>], vector<16xi32>,
        %gather3A_703 = tpu.vector_load_idx %arg10[%add3A_114, %and3A_701] : memref<80x64xi32, #tpu.memory_space<vmem>>[vector<16xi32>, vector<16xi32>], vector<16xi32>,
        %bitcast3A_704 = vector.bitcast %gather3A_702 : vector<16xi32> to vector<32xbf16>
        %bitcast3A_705 = vector.bitcast %gather3A_703 : vector<16xi32> to vector<32xbf16>
        %mul3A_706 = arith.mulf %bitcast3A_704, %bitcast3A_705 : vector<32xbf16>
        %unpack3A_707 = tpu.unpack_subelements %mul3A_706, 0 {pack_format = #tpu.pack_format<interleaved>} : vector<32xbf16> -> vector<16xf32>
        %unpack3A_708 = tpu.unpack_subelements %mul3A_706, 1 {pack_format = #tpu.pack_format<interleaved>} : vector<32xbf16> -> vector<16xf32>
        %add3A_709 = arith.addf %add3A_649, %unpack3A_707 : vector<16xf32>
        %add3A_710 = arith.addf %add3A_650, %unpack3A_708 : vector<16xf32>
        %add3A_711 = arith.constant 39 : i32
        %add3A_712 = vector.broadcast %add3A_711 : i32 to vector<16xi32>
        %add3A_713 = arith.addi %iota3A_76, %add3A_712 : vector<16xi32>
        %and3A_714 = arith.constant 63 : i32
        %and3A_715 = vector.broadcast %and3A_714 : i32 to vector<16xi32>
        %and3A_716 = arith.andi %add3A_713, %and3A_715 : vector<16xi32>
        %gather3A_717 = tpu.vector_load_idx %arg9[%add3A_114, %and3A_716] : memref<80x64xi32, #tpu.memory_space<vmem>>[vector<16xi32>, vector<16xi32>], vector<16xi32>,
        %gather3A_718 = tpu.vector_load_idx %arg10[%add3A_114, %and3A_716] : memref<80x64xi32, #tpu.memory_space<vmem>>[vector<16xi32>, vector<16xi32>], vector<16xi32>,
        %bitcast3A_719 = vector.bitcast %gather3A_717 : vector<16xi32> to vector<32xbf16>
        %bitcast3A_720 = vector.bitcast %gather3A_718 : vector<16xi32> to vector<32xbf16>
        %mul3A_721 = arith.mulf %bitcast3A_719, %bitcast3A_720 : vector<32xbf16>
        %unpack3A_722 = tpu.unpack_subelements %mul3A_721, 0 {pack_format = #tpu.pack_format<interleaved>} : vector<32xbf16> -> vector<16xf32>
        %unpack3A_723 = tpu.unpack_subelements %mul3A_721, 1 {pack_format = #tpu.pack_format<interleaved>} : vector<32xbf16> -> vector<16xf32>
        %add3A_724 = arith.addf %add3A_664, %unpack3A_722 : vector<16xf32>
        %add3A_725 = arith.addf %add3A_665, %unpack3A_723 : vector<16xf32>
        %add3A_726 = arith.constant 40 : i32
        %add3A_727 = vector.broadcast %add3A_726 : i32 to vector<16xi32>
        %add3A_728 = arith.addi %iota3A_76, %add3A_727 : vector<16xi32>
        %and3A_729 = arith.constant 63 : i32
        %and3A_730 = vector.broadcast %and3A_729 : i32 to vector<16xi32>
        %and3A_731 = arith.andi %add3A_728, %and3A_730 : vector<16xi32>
        %gather3A_732 = tpu.vector_load_idx %arg9[%add3A_114, %and3A_731] : memref<80x64xi32, #tpu.memory_space<vmem>>[vector<16xi32>, vector<16xi32>], vector<16xi32>,
        %gather3A_733 = tpu.vector_load_idx %arg10[%add3A_114, %and3A_731] : memref<80x64xi32, #tpu.memory_space<vmem>>[vector<16xi32>, vector<16xi32>], vector<16xi32>,
        %bitcast3A_734 = vector.bitcast %gather3A_732 : vector<16xi32> to vector<32xbf16>
        %bitcast3A_735 = vector.bitcast %gather3A_733 : vector<16xi32> to vector<32xbf16>
        %mul3A_736 = arith.mulf %bitcast3A_734, %bitcast3A_735 : vector<32xbf16>
        %unpack3A_737 = tpu.unpack_subelements %mul3A_736, 0 {pack_format = #tpu.pack_format<interleaved>} : vector<32xbf16> -> vector<16xf32>
        %unpack3A_738 = tpu.unpack_subelements %mul3A_736, 1 {pack_format = #tpu.pack_format<interleaved>} : vector<32xbf16> -> vector<16xf32>
        %add3A_739 = arith.addf %add3A_679, %unpack3A_737 : vector<16xf32>
        %add3A_740 = arith.addf %add3A_680, %unpack3A_738 : vector<16xf32>
        %add3A_741 = arith.constant 41 : i32
        %add3A_742 = vector.broadcast %add3A_741 : i32 to vector<16xi32>
        %add3A_743 = arith.addi %iota3A_76, %add3A_742 : vector<16xi32>
        %and3A_744 = arith.constant 63 : i32
        %and3A_745 = vector.broadcast %and3A_744 : i32 to vector<16xi32>
        %and3A_746 = arith.andi %add3A_743, %and3A_745 : vector<16xi32>
        %gather3A_747 = tpu.vector_load_idx %arg9[%add3A_114, %and3A_746] : memref<80x64xi32, #tpu.memory_space<vmem>>[vector<16xi32>, vector<16xi32>], vector<16xi32>,
        %gather3A_748 = tpu.vector_load_idx %arg10[%add3A_114, %and3A_746] : memref<80x64xi32, #tpu.memory_space<vmem>>[vector<16xi32>, vector<16xi32>], vector<16xi32>,
        %bitcast3A_749 = vector.bitcast %gather3A_747 : vector<16xi32> to vector<32xbf16>
        %bitcast3A_750 = vector.bitcast %gather3A_748 : vector<16xi32> to vector<32xbf16>
        %mul3A_751 = arith.mulf %bitcast3A_749, %bitcast3A_750 : vector<32xbf16>
        %unpack3A_752 = tpu.unpack_subelements %mul3A_751, 0 {pack_format = #tpu.pack_format<interleaved>} : vector<32xbf16> -> vector<16xf32>
        %unpack3A_753 = tpu.unpack_subelements %mul3A_751, 1 {pack_format = #tpu.pack_format<interleaved>} : vector<32xbf16> -> vector<16xf32>
        %add3A_754 = arith.addf %add3A_694, %unpack3A_752 : vector<16xf32>
        %add3A_755 = arith.addf %add3A_695, %unpack3A_753 : vector<16xf32>
        %add3A_756 = arith.constant 42 : i32
        %add3A_757 = vector.broadcast %add3A_756 : i32 to vector<16xi32>
        %add3A_758 = arith.addi %iota3A_76, %add3A_757 : vector<16xi32>
        %and3A_759 = arith.constant 63 : i32
        %and3A_760 = vector.broadcast %and3A_759 : i32 to vector<16xi32>
        %and3A_761 = arith.andi %add3A_758, %and3A_760 : vector<16xi32>
        %gather3A_762 = tpu.vector_load_idx %arg9[%add3A_114, %and3A_761] : memref<80x64xi32, #tpu.memory_space<vmem>>[vector<16xi32>, vector<16xi32>], vector<16xi32>,
        %gather3A_763 = tpu.vector_load_idx %arg10[%add3A_114, %and3A_761] : memref<80x64xi32, #tpu.memory_space<vmem>>[vector<16xi32>, vector<16xi32>], vector<16xi32>,
        %bitcast3A_764 = vector.bitcast %gather3A_762 : vector<16xi32> to vector<32xbf16>
        %bitcast3A_765 = vector.bitcast %gather3A_763 : vector<16xi32> to vector<32xbf16>
        %mul3A_766 = arith.mulf %bitcast3A_764, %bitcast3A_765 : vector<32xbf16>
        %unpack3A_767 = tpu.unpack_subelements %mul3A_766, 0 {pack_format = #tpu.pack_format<interleaved>} : vector<32xbf16> -> vector<16xf32>
        %unpack3A_768 = tpu.unpack_subelements %mul3A_766, 1 {pack_format = #tpu.pack_format<interleaved>} : vector<32xbf16> -> vector<16xf32>
        %add3A_769 = arith.addf %add3A_709, %unpack3A_767 : vector<16xf32>
        %add3A_770 = arith.addf %add3A_710, %unpack3A_768 : vector<16xf32>
        %add3A_771 = arith.constant 43 : i32
        %add3A_772 = vector.broadcast %add3A_771 : i32 to vector<16xi32>
        %add3A_773 = arith.addi %iota3A_76, %add3A_772 : vector<16xi32>
        %and3A_774 = arith.constant 63 : i32
        %and3A_775 = vector.broadcast %and3A_774 : i32 to vector<16xi32>
        %and3A_776 = arith.andi %add3A_773, %and3A_775 : vector<16xi32>
        %gather3A_777 = tpu.vector_load_idx %arg9[%add3A_114, %and3A_776] : memref<80x64xi32, #tpu.memory_space<vmem>>[vector<16xi32>, vector<16xi32>], vector<16xi32>,
        %gather3A_778 = tpu.vector_load_idx %arg10[%add3A_114, %and3A_776] : memref<80x64xi32, #tpu.memory_space<vmem>>[vector<16xi32>, vector<16xi32>], vector<16xi32>,
        %bitcast3A_779 = vector.bitcast %gather3A_777 : vector<16xi32> to vector<32xbf16>
        %bitcast3A_780 = vector.bitcast %gather3A_778 : vector<16xi32> to vector<32xbf16>
        %mul3A_781 = arith.mulf %bitcast3A_779, %bitcast3A_780 : vector<32xbf16>
        %unpack3A_782 = tpu.unpack_subelements %mul3A_781, 0 {pack_format = #tpu.pack_format<interleaved>} : vector<32xbf16> -> vector<16xf32>
        %unpack3A_783 = tpu.unpack_subelements %mul3A_781, 1 {pack_format = #tpu.pack_format<interleaved>} : vector<32xbf16> -> vector<16xf32>
        %add3A_784 = arith.addf %add3A_724, %unpack3A_782 : vector<16xf32>
        %add3A_785 = arith.addf %add3A_725, %unpack3A_783 : vector<16xf32>
        %add3A_786 = arith.constant 44 : i32
        %add3A_787 = vector.broadcast %add3A_786 : i32 to vector<16xi32>
        %add3A_788 = arith.addi %iota3A_76, %add3A_787 : vector<16xi32>
        %and3A_789 = arith.constant 63 : i32
        %and3A_790 = vector.broadcast %and3A_789 : i32 to vector<16xi32>
        %and3A_791 = arith.andi %add3A_788, %and3A_790 : vector<16xi32>
        %gather3A_792 = tpu.vector_load_idx %arg9[%add3A_114, %and3A_791] : memref<80x64xi32, #tpu.memory_space<vmem>>[vector<16xi32>, vector<16xi32>], vector<16xi32>,
        %gather3A_793 = tpu.vector_load_idx %arg10[%add3A_114, %and3A_791] : memref<80x64xi32, #tpu.memory_space<vmem>>[vector<16xi32>, vector<16xi32>], vector<16xi32>,
        %bitcast3A_794 = vector.bitcast %gather3A_792 : vector<16xi32> to vector<32xbf16>
        %bitcast3A_795 = vector.bitcast %gather3A_793 : vector<16xi32> to vector<32xbf16>
        %mul3A_796 = arith.mulf %bitcast3A_794, %bitcast3A_795 : vector<32xbf16>
        %unpack3A_797 = tpu.unpack_subelements %mul3A_796, 0 {pack_format = #tpu.pack_format<interleaved>} : vector<32xbf16> -> vector<16xf32>
        %unpack3A_798 = tpu.unpack_subelements %mul3A_796, 1 {pack_format = #tpu.pack_format<interleaved>} : vector<32xbf16> -> vector<16xf32>
        %add3A_799 = arith.addf %add3A_739, %unpack3A_797 : vector<16xf32>
        %add3A_800 = arith.addf %add3A_740, %unpack3A_798 : vector<16xf32>
        %add3A_801 = arith.constant 45 : i32
        %add3A_802 = vector.broadcast %add3A_801 : i32 to vector<16xi32>
        %add3A_803 = arith.addi %iota3A_76, %add3A_802 : vector<16xi32>
        %and3A_804 = arith.constant 63 : i32
        %and3A_805 = vector.broadcast %and3A_804 : i32 to vector<16xi32>
        %and3A_806 = arith.andi %add3A_803, %and3A_805 : vector<16xi32>
        %gather3A_807 = tpu.vector_load_idx %arg9[%add3A_114, %and3A_806] : memref<80x64xi32, #tpu.memory_space<vmem>>[vector<16xi32>, vector<16xi32>], vector<16xi32>,
        %gather3A_808 = tpu.vector_load_idx %arg10[%add3A_114, %and3A_806] : memref<80x64xi32, #tpu.memory_space<vmem>>[vector<16xi32>, vector<16xi32>], vector<16xi32>,
        %bitcast3A_809 = vector.bitcast %gather3A_807 : vector<16xi32> to vector<32xbf16>
        %bitcast3A_810 = vector.bitcast %gather3A_808 : vector<16xi32> to vector<32xbf16>
        %mul3A_811 = arith.mulf %bitcast3A_809, %bitcast3A_810 : vector<32xbf16>
        %unpack3A_812 = tpu.unpack_subelements %mul3A_811, 0 {pack_format = #tpu.pack_format<interleaved>} : vector<32xbf16> -> vector<16xf32>
        %unpack3A_813 = tpu.unpack_subelements %mul3A_811, 1 {pack_format = #tpu.pack_format<interleaved>} : vector<32xbf16> -> vector<16xf32>
        %add3A_814 = arith.addf %add3A_754, %unpack3A_812 : vector<16xf32>
        %add3A_815 = arith.addf %add3A_755, %unpack3A_813 : vector<16xf32>
        %add3A_816 = arith.constant 46 : i32
        %add3A_817 = vector.broadcast %add3A_816 : i32 to vector<16xi32>
        %add3A_818 = arith.addi %iota3A_76, %add3A_817 : vector<16xi32>
        %and3A_819 = arith.constant 63 : i32
        %and3A_820 = vector.broadcast %and3A_819 : i32 to vector<16xi32>
        %and3A_821 = arith.andi %add3A_818, %and3A_820 : vector<16xi32>
        %gather3A_822 = tpu.vector_load_idx %arg9[%add3A_114, %and3A_821] : memref<80x64xi32, #tpu.memory_space<vmem>>[vector<16xi32>, vector<16xi32>], vector<16xi32>,
        %gather3A_823 = tpu.vector_load_idx %arg10[%add3A_114, %and3A_821] : memref<80x64xi32, #tpu.memory_space<vmem>>[vector<16xi32>, vector<16xi32>], vector<16xi32>,
        %bitcast3A_824 = vector.bitcast %gather3A_822 : vector<16xi32> to vector<32xbf16>
        %bitcast3A_825 = vector.bitcast %gather3A_823 : vector<16xi32> to vector<32xbf16>
        %mul3A_826 = arith.mulf %bitcast3A_824, %bitcast3A_825 : vector<32xbf16>
        %unpack3A_827 = tpu.unpack_subelements %mul3A_826, 0 {pack_format = #tpu.pack_format<interleaved>} : vector<32xbf16> -> vector<16xf32>
        %unpack3A_828 = tpu.unpack_subelements %mul3A_826, 1 {pack_format = #tpu.pack_format<interleaved>} : vector<32xbf16> -> vector<16xf32>
        %add3A_829 = arith.addf %add3A_769, %unpack3A_827 : vector<16xf32>
        %add3A_830 = arith.addf %add3A_770, %unpack3A_828 : vector<16xf32>
        %add3A_831 = arith.constant 47 : i32
        %add3A_832 = vector.broadcast %add3A_831 : i32 to vector<16xi32>
        %add3A_833 = arith.addi %iota3A_76, %add3A_832 : vector<16xi32>
        %and3A_834 = arith.constant 63 : i32
        %and3A_835 = vector.broadcast %and3A_834 : i32 to vector<16xi32>
        %and3A_836 = arith.andi %add3A_833, %and3A_835 : vector<16xi32>
        %gather3A_837 = tpu.vector_load_idx %arg9[%add3A_114, %and3A_836] : memref<80x64xi32, #tpu.memory_space<vmem>>[vector<16xi32>, vector<16xi32>], vector<16xi32>,
        %gather3A_838 = tpu.vector_load_idx %arg10[%add3A_114, %and3A_836] : memref<80x64xi32, #tpu.memory_space<vmem>>[vector<16xi32>, vector<16xi32>], vector<16xi32>,
        %bitcast3A_839 = vector.bitcast %gather3A_837 : vector<16xi32> to vector<32xbf16>
        %bitcast3A_840 = vector.bitcast %gather3A_838 : vector<16xi32> to vector<32xbf16>
        %mul3A_841 = arith.mulf %bitcast3A_839, %bitcast3A_840 : vector<32xbf16>
        %unpack3A_842 = tpu.unpack_subelements %mul3A_841, 0 {pack_format = #tpu.pack_format<interleaved>} : vector<32xbf16> -> vector<16xf32>
        %unpack3A_843 = tpu.unpack_subelements %mul3A_841, 1 {pack_format = #tpu.pack_format<interleaved>} : vector<32xbf16> -> vector<16xf32>
        %add3A_844 = arith.addf %add3A_784, %unpack3A_842 : vector<16xf32>
        %add3A_845 = arith.addf %add3A_785, %unpack3A_843 : vector<16xf32>
        %add3A_846 = arith.constant 48 : i32
        %add3A_847 = vector.broadcast %add3A_846 : i32 to vector<16xi32>
        %add3A_848 = arith.addi %iota3A_76, %add3A_847 : vector<16xi32>
        %and3A_849 = arith.constant 63 : i32
        %and3A_850 = vector.broadcast %and3A_849 : i32 to vector<16xi32>
        %and3A_851 = arith.andi %add3A_848, %and3A_850 : vector<16xi32>
        %gather3A_852 = tpu.vector_load_idx %arg9[%add3A_114, %and3A_851] : memref<80x64xi32, #tpu.memory_space<vmem>>[vector<16xi32>, vector<16xi32>], vector<16xi32>,
        %gather3A_853 = tpu.vector_load_idx %arg10[%add3A_114, %and3A_851] : memref<80x64xi32, #tpu.memory_space<vmem>>[vector<16xi32>, vector<16xi32>], vector<16xi32>,
        %bitcast3A_854 = vector.bitcast %gather3A_852 : vector<16xi32> to vector<32xbf16>
        %bitcast3A_855 = vector.bitcast %gather3A_853 : vector<16xi32> to vector<32xbf16>
        %mul3A_856 = arith.mulf %bitcast3A_854, %bitcast3A_855 : vector<32xbf16>
        %unpack3A_857 = tpu.unpack_subelements %mul3A_856, 0 {pack_format = #tpu.pack_format<interleaved>} : vector<32xbf16> -> vector<16xf32>
        %unpack3A_858 = tpu.unpack_subelements %mul3A_856, 1 {pack_format = #tpu.pack_format<interleaved>} : vector<32xbf16> -> vector<16xf32>
        %add3A_859 = arith.addf %add3A_799, %unpack3A_857 : vector<16xf32>
        %add3A_860 = arith.addf %add3A_800, %unpack3A_858 : vector<16xf32>
        %add3A_861 = arith.constant 49 : i32
        %add3A_862 = vector.broadcast %add3A_861 : i32 to vector<16xi32>
        %add3A_863 = arith.addi %iota3A_76, %add3A_862 : vector<16xi32>
        %and3A_864 = arith.constant 63 : i32
        %and3A_865 = vector.broadcast %and3A_864 : i32 to vector<16xi32>
        %and3A_866 = arith.andi %add3A_863, %and3A_865 : vector<16xi32>
        %gather3A_867 = tpu.vector_load_idx %arg9[%add3A_114, %and3A_866] : memref<80x64xi32, #tpu.memory_space<vmem>>[vector<16xi32>, vector<16xi32>], vector<16xi32>,
        %gather3A_868 = tpu.vector_load_idx %arg10[%add3A_114, %and3A_866] : memref<80x64xi32, #tpu.memory_space<vmem>>[vector<16xi32>, vector<16xi32>], vector<16xi32>,
        %bitcast3A_869 = vector.bitcast %gather3A_867 : vector<16xi32> to vector<32xbf16>
        %bitcast3A_870 = vector.bitcast %gather3A_868 : vector<16xi32> to vector<32xbf16>
        %mul3A_871 = arith.mulf %bitcast3A_869, %bitcast3A_870 : vector<32xbf16>
        %unpack3A_872 = tpu.unpack_subelements %mul3A_871, 0 {pack_format = #tpu.pack_format<interleaved>} : vector<32xbf16> -> vector<16xf32>
        %unpack3A_873 = tpu.unpack_subelements %mul3A_871, 1 {pack_format = #tpu.pack_format<interleaved>} : vector<32xbf16> -> vector<16xf32>
        %add3A_874 = arith.addf %add3A_814, %unpack3A_872 : vector<16xf32>
        %add3A_875 = arith.addf %add3A_815, %unpack3A_873 : vector<16xf32>
        %add3A_876 = arith.constant 50 : i32
        %add3A_877 = vector.broadcast %add3A_876 : i32 to vector<16xi32>
        %add3A_878 = arith.addi %iota3A_76, %add3A_877 : vector<16xi32>
        %and3A_879 = arith.constant 63 : i32
        %and3A_880 = vector.broadcast %and3A_879 : i32 to vector<16xi32>
        %and3A_881 = arith.andi %add3A_878, %and3A_880 : vector<16xi32>
        %gather3A_882 = tpu.vector_load_idx %arg9[%add3A_114, %and3A_881] : memref<80x64xi32, #tpu.memory_space<vmem>>[vector<16xi32>, vector<16xi32>], vector<16xi32>,
        %gather3A_883 = tpu.vector_load_idx %arg10[%add3A_114, %and3A_881] : memref<80x64xi32, #tpu.memory_space<vmem>>[vector<16xi32>, vector<16xi32>], vector<16xi32>,
        %bitcast3A_884 = vector.bitcast %gather3A_882 : vector<16xi32> to vector<32xbf16>
        %bitcast3A_885 = vector.bitcast %gather3A_883 : vector<16xi32> to vector<32xbf16>
        %mul3A_886 = arith.mulf %bitcast3A_884, %bitcast3A_885 : vector<32xbf16>
        %unpack3A_887 = tpu.unpack_subelements %mul3A_886, 0 {pack_format = #tpu.pack_format<interleaved>} : vector<32xbf16> -> vector<16xf32>
        %unpack3A_888 = tpu.unpack_subelements %mul3A_886, 1 {pack_format = #tpu.pack_format<interleaved>} : vector<32xbf16> -> vector<16xf32>
        %add3A_889 = arith.addf %add3A_829, %unpack3A_887 : vector<16xf32>
        %add3A_890 = arith.addf %add3A_830, %unpack3A_888 : vector<16xf32>
        %add3A_891 = arith.constant 51 : i32
        %add3A_892 = vector.broadcast %add3A_891 : i32 to vector<16xi32>
        %add3A_893 = arith.addi %iota3A_76, %add3A_892 : vector<16xi32>
        %and3A_894 = arith.constant 63 : i32
        %and3A_895 = vector.broadcast %and3A_894 : i32 to vector<16xi32>
        %and3A_896 = arith.andi %add3A_893, %and3A_895 : vector<16xi32>
        %gather3A_897 = tpu.vector_load_idx %arg9[%add3A_114, %and3A_896] : memref<80x64xi32, #tpu.memory_space<vmem>>[vector<16xi32>, vector<16xi32>], vector<16xi32>,
        %gather3A_898 = tpu.vector_load_idx %arg10[%add3A_114, %and3A_896] : memref<80x64xi32, #tpu.memory_space<vmem>>[vector<16xi32>, vector<16xi32>], vector<16xi32>,
        %bitcast3A_899 = vector.bitcast %gather3A_897 : vector<16xi32> to vector<32xbf16>
        %bitcast3A_900 = vector.bitcast %gather3A_898 : vector<16xi32> to vector<32xbf16>
        %mul3A_901 = arith.mulf %bitcast3A_899, %bitcast3A_900 : vector<32xbf16>
        %unpack3A_902 = tpu.unpack_subelements %mul3A_901, 0 {pack_format = #tpu.pack_format<interleaved>} : vector<32xbf16> -> vector<16xf32>
        %unpack3A_903 = tpu.unpack_subelements %mul3A_901, 1 {pack_format = #tpu.pack_format<interleaved>} : vector<32xbf16> -> vector<16xf32>
        %add3A_904 = arith.addf %add3A_844, %unpack3A_902 : vector<16xf32>
        %add3A_905 = arith.addf %add3A_845, %unpack3A_903 : vector<16xf32>
        %add3A_906 = arith.constant 52 : i32
        %add3A_907 = vector.broadcast %add3A_906 : i32 to vector<16xi32>
        %add3A_908 = arith.addi %iota3A_76, %add3A_907 : vector<16xi32>
        %and3A_909 = arith.constant 63 : i32
        %and3A_910 = vector.broadcast %and3A_909 : i32 to vector<16xi32>
        %and3A_911 = arith.andi %add3A_908, %and3A_910 : vector<16xi32>
        %gather3A_912 = tpu.vector_load_idx %arg9[%add3A_114, %and3A_911] : memref<80x64xi32, #tpu.memory_space<vmem>>[vector<16xi32>, vector<16xi32>], vector<16xi32>,
        %gather3A_913 = tpu.vector_load_idx %arg10[%add3A_114, %and3A_911] : memref<80x64xi32, #tpu.memory_space<vmem>>[vector<16xi32>, vector<16xi32>], vector<16xi32>,
        %bitcast3A_914 = vector.bitcast %gather3A_912 : vector<16xi32> to vector<32xbf16>
        %bitcast3A_915 = vector.bitcast %gather3A_913 : vector<16xi32> to vector<32xbf16>
        %mul3A_916 = arith.mulf %bitcast3A_914, %bitcast3A_915 : vector<32xbf16>
        %unpack3A_917 = tpu.unpack_subelements %mul3A_916, 0 {pack_format = #tpu.pack_format<interleaved>} : vector<32xbf16> -> vector<16xf32>
        %unpack3A_918 = tpu.unpack_subelements %mul3A_916, 1 {pack_format = #tpu.pack_format<interleaved>} : vector<32xbf16> -> vector<16xf32>
        %add3A_919 = arith.addf %add3A_859, %unpack3A_917 : vector<16xf32>
        %add3A_920 = arith.addf %add3A_860, %unpack3A_918 : vector<16xf32>
        %add3A_921 = arith.constant 53 : i32
        %add3A_922 = vector.broadcast %add3A_921 : i32 to vector<16xi32>
        %add3A_923 = arith.addi %iota3A_76, %add3A_922 : vector<16xi32>
        %and3A_924 = arith.constant 63 : i32
        %and3A_925 = vector.broadcast %and3A_924 : i32 to vector<16xi32>
        %and3A_926 = arith.andi %add3A_923, %and3A_925 : vector<16xi32>
        %gather3A_927 = tpu.vector_load_idx %arg9[%add3A_114, %and3A_926] : memref<80x64xi32, #tpu.memory_space<vmem>>[vector<16xi32>, vector<16xi32>], vector<16xi32>,
        %gather3A_928 = tpu.vector_load_idx %arg10[%add3A_114, %and3A_926] : memref<80x64xi32, #tpu.memory_space<vmem>>[vector<16xi32>, vector<16xi32>], vector<16xi32>,
        %bitcast3A_929 = vector.bitcast %gather3A_927 : vector<16xi32> to vector<32xbf16>
        %bitcast3A_930 = vector.bitcast %gather3A_928 : vector<16xi32> to vector<32xbf16>
        %mul3A_931 = arith.mulf %bitcast3A_929, %bitcast3A_930 : vector<32xbf16>
        %unpack3A_932 = tpu.unpack_subelements %mul3A_931, 0 {pack_format = #tpu.pack_format<interleaved>} : vector<32xbf16> -> vector<16xf32>
        %unpack3A_933 = tpu.unpack_subelements %mul3A_931, 1 {pack_format = #tpu.pack_format<interleaved>} : vector<32xbf16> -> vector<16xf32>
        %add3A_934 = arith.addf %add3A_874, %unpack3A_932 : vector<16xf32>
        %add3A_935 = arith.addf %add3A_875, %unpack3A_933 : vector<16xf32>
        %add3A_936 = arith.constant 54 : i32
        %add3A_937 = vector.broadcast %add3A_936 : i32 to vector<16xi32>
        %add3A_938 = arith.addi %iota3A_76, %add3A_937 : vector<16xi32>
        %and3A_939 = arith.constant 63 : i32
        %and3A_940 = vector.broadcast %and3A_939 : i32 to vector<16xi32>
        %and3A_941 = arith.andi %add3A_938, %and3A_940 : vector<16xi32>
        %gather3A_942 = tpu.vector_load_idx %arg9[%add3A_114, %and3A_941] : memref<80x64xi32, #tpu.memory_space<vmem>>[vector<16xi32>, vector<16xi32>], vector<16xi32>,
        %gather3A_943 = tpu.vector_load_idx %arg10[%add3A_114, %and3A_941] : memref<80x64xi32, #tpu.memory_space<vmem>>[vector<16xi32>, vector<16xi32>], vector<16xi32>,
        %bitcast3A_944 = vector.bitcast %gather3A_942 : vector<16xi32> to vector<32xbf16>
        %bitcast3A_945 = vector.bitcast %gather3A_943 : vector<16xi32> to vector<32xbf16>
        %mul3A_946 = arith.mulf %bitcast3A_944, %bitcast3A_945 : vector<32xbf16>
        %unpack3A_947 = tpu.unpack_subelements %mul3A_946, 0 {pack_format = #tpu.pack_format<interleaved>} : vector<32xbf16> -> vector<16xf32>
        %unpack3A_948 = tpu.unpack_subelements %mul3A_946, 1 {pack_format = #tpu.pack_format<interleaved>} : vector<32xbf16> -> vector<16xf32>
        %add3A_949 = arith.addf %add3A_889, %unpack3A_947 : vector<16xf32>
        %add3A_950 = arith.addf %add3A_890, %unpack3A_948 : vector<16xf32>
        %add3A_951 = arith.constant 55 : i32
        %add3A_952 = vector.broadcast %add3A_951 : i32 to vector<16xi32>
        %add3A_953 = arith.addi %iota3A_76, %add3A_952 : vector<16xi32>
        %and3A_954 = arith.constant 63 : i32
        %and3A_955 = vector.broadcast %and3A_954 : i32 to vector<16xi32>
        %and3A_956 = arith.andi %add3A_953, %and3A_955 : vector<16xi32>
        %gather3A_957 = tpu.vector_load_idx %arg9[%add3A_114, %and3A_956] : memref<80x64xi32, #tpu.memory_space<vmem>>[vector<16xi32>, vector<16xi32>], vector<16xi32>,
        %gather3A_958 = tpu.vector_load_idx %arg10[%add3A_114, %and3A_956] : memref<80x64xi32, #tpu.memory_space<vmem>>[vector<16xi32>, vector<16xi32>], vector<16xi32>,
        %bitcast3A_959 = vector.bitcast %gather3A_957 : vector<16xi32> to vector<32xbf16>
        %bitcast3A_960 = vector.bitcast %gather3A_958 : vector<16xi32> to vector<32xbf16>
        %mul3A_961 = arith.mulf %bitcast3A_959, %bitcast3A_960 : vector<32xbf16>
        %unpack3A_962 = tpu.unpack_subelements %mul3A_961, 0 {pack_format = #tpu.pack_format<interleaved>} : vector<32xbf16> -> vector<16xf32>
        %unpack3A_963 = tpu.unpack_subelements %mul3A_961, 1 {pack_format = #tpu.pack_format<interleaved>} : vector<32xbf16> -> vector<16xf32>
        %add3A_964 = arith.addf %add3A_904, %unpack3A_962 : vector<16xf32>
        %add3A_965 = arith.addf %add3A_905, %unpack3A_963 : vector<16xf32>
        %add3A_966 = arith.constant 56 : i32
        %add3A_967 = vector.broadcast %add3A_966 : i32 to vector<16xi32>
        %add3A_968 = arith.addi %iota3A_76, %add3A_967 : vector<16xi32>
        %and3A_969 = arith.constant 63 : i32
        %and3A_970 = vector.broadcast %and3A_969 : i32 to vector<16xi32>
        %and3A_971 = arith.andi %add3A_968, %and3A_970 : vector<16xi32>
        %gather3A_972 = tpu.vector_load_idx %arg9[%add3A_114, %and3A_971] : memref<80x64xi32, #tpu.memory_space<vmem>>[vector<16xi32>, vector<16xi32>], vector<16xi32>,
        %gather3A_973 = tpu.vector_load_idx %arg10[%add3A_114, %and3A_971] : memref<80x64xi32, #tpu.memory_space<vmem>>[vector<16xi32>, vector<16xi32>], vector<16xi32>,
        %bitcast3A_974 = vector.bitcast %gather3A_972 : vector<16xi32> to vector<32xbf16>
        %bitcast3A_975 = vector.bitcast %gather3A_973 : vector<16xi32> to vector<32xbf16>
        %mul3A_976 = arith.mulf %bitcast3A_974, %bitcast3A_975 : vector<32xbf16>
        %unpack3A_977 = tpu.unpack_subelements %mul3A_976, 0 {pack_format = #tpu.pack_format<interleaved>} : vector<32xbf16> -> vector<16xf32>
        %unpack3A_978 = tpu.unpack_subelements %mul3A_976, 1 {pack_format = #tpu.pack_format<interleaved>} : vector<32xbf16> -> vector<16xf32>
        %add3A_979 = arith.addf %add3A_919, %unpack3A_977 : vector<16xf32>
        %add3A_980 = arith.addf %add3A_920, %unpack3A_978 : vector<16xf32>
        %add3A_981 = arith.constant 57 : i32
        %add3A_982 = vector.broadcast %add3A_981 : i32 to vector<16xi32>
        %add3A_983 = arith.addi %iota3A_76, %add3A_982 : vector<16xi32>
        %and3A_984 = arith.constant 63 : i32
        %and3A_985 = vector.broadcast %and3A_984 : i32 to vector<16xi32>
        %and3A_986 = arith.andi %add3A_983, %and3A_985 : vector<16xi32>
        %gather3A_987 = tpu.vector_load_idx %arg9[%add3A_114, %and3A_986] : memref<80x64xi32, #tpu.memory_space<vmem>>[vector<16xi32>, vector<16xi32>], vector<16xi32>,
        %gather3A_988 = tpu.vector_load_idx %arg10[%add3A_114, %and3A_986] : memref<80x64xi32, #tpu.memory_space<vmem>>[vector<16xi32>, vector<16xi32>], vector<16xi32>,
        %bitcast3A_989 = vector.bitcast %gather3A_987 : vector<16xi32> to vector<32xbf16>
        %bitcast3A_990 = vector.bitcast %gather3A_988 : vector<16xi32> to vector<32xbf16>
        %mul3A_991 = arith.mulf %bitcast3A_989, %bitcast3A_990 : vector<32xbf16>
        %unpack3A_992 = tpu.unpack_subelements %mul3A_991, 0 {pack_format = #tpu.pack_format<interleaved>} : vector<32xbf16> -> vector<16xf32>
        %unpack3A_993 = tpu.unpack_subelements %mul3A_991, 1 {pack_format = #tpu.pack_format<interleaved>} : vector<32xbf16> -> vector<16xf32>
        %add3A_994 = arith.addf %add3A_934, %unpack3A_992 : vector<16xf32>
        %add3A_995 = arith.addf %add3A_935, %unpack3A_993 : vector<16xf32>
        %add3A_996 = arith.constant 58 : i32
        %add3A_997 = vector.broadcast %add3A_996 : i32 to vector<16xi32>
        %add3A_998 = arith.addi %iota3A_76, %add3A_997 : vector<16xi32>
        %and3A_999 = arith.constant 63 : i32
        %and3A_1000 = vector.broadcast %and3A_999 : i32 to vector<16xi32>
        %and3A_1001 = arith.andi %add3A_998, %and3A_1000 : vector<16xi32>
        %gather3A_1002 = tpu.vector_load_idx %arg9[%add3A_114, %and3A_1001] : memref<80x64xi32, #tpu.memory_space<vmem>>[vector<16xi32>, vector<16xi32>], vector<16xi32>,
        %gather3A_1003 = tpu.vector_load_idx %arg10[%add3A_114, %and3A_1001] : memref<80x64xi32, #tpu.memory_space<vmem>>[vector<16xi32>, vector<16xi32>], vector<16xi32>,
        %bitcast3A_1004 = vector.bitcast %gather3A_1002 : vector<16xi32> to vector<32xbf16>
        %bitcast3A_1005 = vector.bitcast %gather3A_1003 : vector<16xi32> to vector<32xbf16>
        %mul3A_1006 = arith.mulf %bitcast3A_1004, %bitcast3A_1005 : vector<32xbf16>
        %unpack3A_1007 = tpu.unpack_subelements %mul3A_1006, 0 {pack_format = #tpu.pack_format<interleaved>} : vector<32xbf16> -> vector<16xf32>
        %unpack3A_1008 = tpu.unpack_subelements %mul3A_1006, 1 {pack_format = #tpu.pack_format<interleaved>} : vector<32xbf16> -> vector<16xf32>
        %add3A_1009 = arith.addf %add3A_949, %unpack3A_1007 : vector<16xf32>
        %add3A_1010 = arith.addf %add3A_950, %unpack3A_1008 : vector<16xf32>
        %add3A_1011 = arith.constant 59 : i32
        %add3A_1012 = vector.broadcast %add3A_1011 : i32 to vector<16xi32>
        %add3A_1013 = arith.addi %iota3A_76, %add3A_1012 : vector<16xi32>
        %and3A_1014 = arith.constant 63 : i32
        %and3A_1015 = vector.broadcast %and3A_1014 : i32 to vector<16xi32>
        %and3A_1016 = arith.andi %add3A_1013, %and3A_1015 : vector<16xi32>
        %gather3A_1017 = tpu.vector_load_idx %arg9[%add3A_114, %and3A_1016] : memref<80x64xi32, #tpu.memory_space<vmem>>[vector<16xi32>, vector<16xi32>], vector<16xi32>,
        %gather3A_1018 = tpu.vector_load_idx %arg10[%add3A_114, %and3A_1016] : memref<80x64xi32, #tpu.memory_space<vmem>>[vector<16xi32>, vector<16xi32>], vector<16xi32>,
        %bitcast3A_1019 = vector.bitcast %gather3A_1017 : vector<16xi32> to vector<32xbf16>
        %bitcast3A_1020 = vector.bitcast %gather3A_1018 : vector<16xi32> to vector<32xbf16>
        %mul3A_1021 = arith.mulf %bitcast3A_1019, %bitcast3A_1020 : vector<32xbf16>
        %unpack3A_1022 = tpu.unpack_subelements %mul3A_1021, 0 {pack_format = #tpu.pack_format<interleaved>} : vector<32xbf16> -> vector<16xf32>
        %unpack3A_1023 = tpu.unpack_subelements %mul3A_1021, 1 {pack_format = #tpu.pack_format<interleaved>} : vector<32xbf16> -> vector<16xf32>
        %add3A_1024 = arith.addf %add3A_964, %unpack3A_1022 : vector<16xf32>
        %add3A_1025 = arith.addf %add3A_965, %unpack3A_1023 : vector<16xf32>
        %add3A_1026 = arith.constant 60 : i32
        %add3A_1027 = vector.broadcast %add3A_1026 : i32 to vector<16xi32>
        %add3A_1028 = arith.addi %iota3A_76, %add3A_1027 : vector<16xi32>
        %and3A_1029 = arith.constant 63 : i32
        %and3A_1030 = vector.broadcast %and3A_1029 : i32 to vector<16xi32>
        %and3A_1031 = arith.andi %add3A_1028, %and3A_1030 : vector<16xi32>
        %gather3A_1032 = tpu.vector_load_idx %arg9[%add3A_114, %and3A_1031] : memref<80x64xi32, #tpu.memory_space<vmem>>[vector<16xi32>, vector<16xi32>], vector<16xi32>,
        %gather3A_1033 = tpu.vector_load_idx %arg10[%add3A_114, %and3A_1031] : memref<80x64xi32, #tpu.memory_space<vmem>>[vector<16xi32>, vector<16xi32>], vector<16xi32>,
        %bitcast3A_1034 = vector.bitcast %gather3A_1032 : vector<16xi32> to vector<32xbf16>
        %bitcast3A_1035 = vector.bitcast %gather3A_1033 : vector<16xi32> to vector<32xbf16>
        %mul3A_1036 = arith.mulf %bitcast3A_1034, %bitcast3A_1035 : vector<32xbf16>
        %unpack3A_1037 = tpu.unpack_subelements %mul3A_1036, 0 {pack_format = #tpu.pack_format<interleaved>} : vector<32xbf16> -> vector<16xf32>
        %unpack3A_1038 = tpu.unpack_subelements %mul3A_1036, 1 {pack_format = #tpu.pack_format<interleaved>} : vector<32xbf16> -> vector<16xf32>
        %add3A_1039 = arith.addf %add3A_979, %unpack3A_1037 : vector<16xf32>
        %add3A_1040 = arith.addf %add3A_980, %unpack3A_1038 : vector<16xf32>
        %add3A_1041 = arith.constant 61 : i32
        %add3A_1042 = vector.broadcast %add3A_1041 : i32 to vector<16xi32>
        %add3A_1043 = arith.addi %iota3A_76, %add3A_1042 : vector<16xi32>
        %and3A_1044 = arith.constant 63 : i32
        %and3A_1045 = vector.broadcast %and3A_1044 : i32 to vector<16xi32>
        %and3A_1046 = arith.andi %add3A_1043, %and3A_1045 : vector<16xi32>
        %gather3A_1047 = tpu.vector_load_idx %arg9[%add3A_114, %and3A_1046] : memref<80x64xi32, #tpu.memory_space<vmem>>[vector<16xi32>, vector<16xi32>], vector<16xi32>,
        %gather3A_1048 = tpu.vector_load_idx %arg10[%add3A_114, %and3A_1046] : memref<80x64xi32, #tpu.memory_space<vmem>>[vector<16xi32>, vector<16xi32>], vector<16xi32>,
        %bitcast3A_1049 = vector.bitcast %gather3A_1047 : vector<16xi32> to vector<32xbf16>
        %bitcast3A_1050 = vector.bitcast %gather3A_1048 : vector<16xi32> to vector<32xbf16>
        %mul3A_1051 = arith.mulf %bitcast3A_1049, %bitcast3A_1050 : vector<32xbf16>
        %unpack3A_1052 = tpu.unpack_subelements %mul3A_1051, 0 {pack_format = #tpu.pack_format<interleaved>} : vector<32xbf16> -> vector<16xf32>
        %unpack3A_1053 = tpu.unpack_subelements %mul3A_1051, 1 {pack_format = #tpu.pack_format<interleaved>} : vector<32xbf16> -> vector<16xf32>
        %add3A_1054 = arith.addf %add3A_994, %unpack3A_1052 : vector<16xf32>
        %add3A_1055 = arith.addf %add3A_995, %unpack3A_1053 : vector<16xf32>
        %add3A_1056 = arith.constant 62 : i32
        %add3A_1057 = vector.broadcast %add3A_1056 : i32 to vector<16xi32>
        %add3A_1058 = arith.addi %iota3A_76, %add3A_1057 : vector<16xi32>
        %and3A_1059 = arith.constant 63 : i32
        %and3A_1060 = vector.broadcast %and3A_1059 : i32 to vector<16xi32>
        %and3A_1061 = arith.andi %add3A_1058, %and3A_1060 : vector<16xi32>
        %gather3A_1062 = tpu.vector_load_idx %arg9[%add3A_114, %and3A_1061] : memref<80x64xi32, #tpu.memory_space<vmem>>[vector<16xi32>, vector<16xi32>], vector<16xi32>,
        %gather3A_1063 = tpu.vector_load_idx %arg10[%add3A_114, %and3A_1061] : memref<80x64xi32, #tpu.memory_space<vmem>>[vector<16xi32>, vector<16xi32>], vector<16xi32>,
        %bitcast3A_1064 = vector.bitcast %gather3A_1062 : vector<16xi32> to vector<32xbf16>
        %bitcast3A_1065 = vector.bitcast %gather3A_1063 : vector<16xi32> to vector<32xbf16>
        %mul3A_1066 = arith.mulf %bitcast3A_1064, %bitcast3A_1065 : vector<32xbf16>
        %unpack3A_1067 = tpu.unpack_subelements %mul3A_1066, 0 {pack_format = #tpu.pack_format<interleaved>} : vector<32xbf16> -> vector<16xf32>
        %unpack3A_1068 = tpu.unpack_subelements %mul3A_1066, 1 {pack_format = #tpu.pack_format<interleaved>} : vector<32xbf16> -> vector<16xf32>
        %add3A_1069 = arith.addf %add3A_1009, %unpack3A_1067 : vector<16xf32>
        %add3A_1070 = arith.addf %add3A_1010, %unpack3A_1068 : vector<16xf32>
        %add3A_1071 = arith.constant 63 : i32
        %add3A_1072 = vector.broadcast %add3A_1071 : i32 to vector<16xi32>
        %add3A_1073 = arith.addi %iota3A_76, %add3A_1072 : vector<16xi32>
        %and3A_1074 = arith.constant 63 : i32
        %and3A_1075 = vector.broadcast %and3A_1074 : i32 to vector<16xi32>
        %and3A_1076 = arith.andi %add3A_1073, %and3A_1075 : vector<16xi32>
        %gather3A_1077 = tpu.vector_load_idx %arg9[%add3A_114, %and3A_1076] : memref<80x64xi32, #tpu.memory_space<vmem>>[vector<16xi32>, vector<16xi32>], vector<16xi32>,
        %gather3A_1078 = tpu.vector_load_idx %arg10[%add3A_114, %and3A_1076] : memref<80x64xi32, #tpu.memory_space<vmem>>[vector<16xi32>, vector<16xi32>], vector<16xi32>,
        %bitcast3A_1079 = vector.bitcast %gather3A_1077 : vector<16xi32> to vector<32xbf16>
        %bitcast3A_1080 = vector.bitcast %gather3A_1078 : vector<16xi32> to vector<32xbf16>
        %mul3A_1081 = arith.mulf %bitcast3A_1079, %bitcast3A_1080 : vector<32xbf16>
        %unpack3A_1082 = tpu.unpack_subelements %mul3A_1081, 0 {pack_format = #tpu.pack_format<interleaved>} : vector<32xbf16> -> vector<16xf32>
        %unpack3A_1083 = tpu.unpack_subelements %mul3A_1081, 1 {pack_format = #tpu.pack_format<interleaved>} : vector<32xbf16> -> vector<16xf32>
        %add3A_1084 = arith.addf %add3A_1024, %unpack3A_1082 : vector<16xf32>
        %add3A_1085 = arith.addf %add3A_1025, %unpack3A_1083 : vector<16xf32>
        %add3A_1086 = arith.addf %add3A_1039, %add3A_1040 : vector<16xf32>
        %add3A_1087 = arith.addf %add3A_1054, %add3A_1055 : vector<16xf32>
        %add3A_1088 = arith.addf %add3A_1086, %add3A_1087 : vector<16xf32>
        %add3A_1089 = arith.addf %add3A_1069, %add3A_1070 : vector<16xf32>
        %add3A_1090 = arith.addf %add3A_1084, %add3A_1085 : vector<16xf32>
        %add3A_1091 = arith.addf %add3A_1089, %add3A_1090 : vector<16xf32>
        %add3A_1092 = arith.addf %add3A_1088, %add3A_1091 : vector<16xf32>
        %mul3A_1093 = arith.constant 80 : i32
        %mul3A_1094 = arith.muli %mul3A_49, %mul3A_1093 : i32
        %mul3A_1095 = arith.constant 16 : i32
        %mul3A_1096 = arith.muli %scan3A_109, %mul3A_1095 : i32
        %add3A_1097 = arith.addi %mul3A_1094, %mul3A_1096 : i32
        %swap3A = arith.index_cast %add3A_1097 : i32 to index
        %swap3A_1098 = tpu.vector_load %arg13[%swap3A] {strides = array<i32>} : memref<10000xf32, #tpu.memory_space<vmem>>, vector<16xf32>,
        tpu.vector_store %arg13[%swap3A], %add3A_1092 {strides = array<i32>} : memref<10000xf32, #tpu.memory_space<vmem>>, vector<16xf32>,
        %get3A = arith.index_cast %add3A_1097 : i32 to index
        %get3A_1099 = tpu.vector_load %arg7[%get3A] {strides = array<i32>} : memref<10000xi32, #tpu.memory_space<vmem>>, vector<16xi32>,
        %exp3A = math.exp %add3A_1092 : vector<16xf32>
        tpu.vector_store_idx %arg14[%get3A_1099], %exp3A {add = true} : memref<10240xf32, #tpu.memory_space<vmem>>[vector<16xi32>], vector<16xf32>,
        %scan3A_1100 = arith.constant 0 : i32
        scf.yield %scan3A_1100 : i32
      }
      %scan3A_83 = arith.constant 5 : i32
      %add3A_84 = arith.constant 1 : i32
      %add3A_85 = arith.addi %add3A_51, %add3A_84 : i32
      %lt3A = arith.constant 125 : i32
      %lt3A_86 = arith.cmpi slt, %add3A_85, %lt3A : i32
      %convert_element_type3A = arith.extui %lt3A_86 : i1 to i32
      %cond3A = arith.constant 0 : i32
      %cond3A_87 = arith.cmpi ne, %convert_element_type3A, %cond3A : i32
      scf.if %cond3A_87 {
        %add3A_109 = arith.constant 1 : i32
        %add3A_110 = arith.addi %add3A_51, %add3A_109 : i32
        %mul3A_111 = arith.constant 80 : i32
        %mul3A_112 = arith.muli %add3A_110, %mul3A_111 : i32
        %dma_start3A_113 = tpu.memref_slice %arg7[%mul3A_112] : memref<10000xi32, #tpu.memory_space<vmem>> -> memref<80xi32, #tpu.memory_space<vmem>>
        %dma_start3A_114 = arith.constant 0 : i32
        %dma_start3A_115 = arith.constant 0 : i32
        %dma_start3A_116 = tpu.memref_slice %arg2[%dma_start3A_114, %dma_start3A_115] : memref<10000x64xi32, #tpu.memory_space<hbm>> -> memref<10000x64xi32, #tpu.memory_space<hbm>>
        tpu.enqueue_indirect_dma source(%dma_start3A_116 : memref<10000x64xi32, #tpu.memory_space<hbm>>) target(%arg9 : memref<80x64xi32, #tpu.memory_space<vmem>>) offsets(%dma_start3A_113 : memref<80xi32, #tpu.memory_space<vmem>>) semaphore(%arg15 : memref<!tpu.dma_semaphore, #tpu.memory_space<semaphore_mem>>)
        %mul3A_117 = arith.constant 80 : i32
        %mul3A_118 = arith.muli %add3A_110, %mul3A_117 : i32
        %dma_start3A_119 = tpu.memref_slice %arg8[%mul3A_118] : memref<10000xi32, #tpu.memory_space<vmem>> -> memref<80xi32, #tpu.memory_space<vmem>>
        %dma_start3A_120 = arith.constant 0 : i32
        %dma_start3A_121 = arith.constant 0 : i32
        %dma_start3A_122 = tpu.memref_slice %arg3[%dma_start3A_120, %dma_start3A_121] : memref<10000x64xi32, #tpu.memory_space<hbm>> -> memref<10000x64xi32, #tpu.memory_space<hbm>>
        tpu.enqueue_indirect_dma source(%dma_start3A_122 : memref<10000x64xi32, #tpu.memory_space<hbm>>) target(%arg10 : memref<80x64xi32, #tpu.memory_space<vmem>>) offsets(%dma_start3A_119 : memref<80xi32, #tpu.memory_space<vmem>>) semaphore(%arg15 : memref<!tpu.dma_semaphore, #tpu.memory_space<semaphore_mem>>)
      } else {
      }
      %dma_wait3A_88 = arith.constant 0 : i32
      %dma_wait3A_89 = arith.constant 0 : i32
      %dma_wait3A_90 = tpu.memref_slice %arg2[%dma_wait3A_88, %dma_wait3A_89] : memref<10000x64xi32, #tpu.memory_space<hbm>> -> memref<80x64xi32, #tpu.memory_space<hbm>>
      %dma_wait3A_91 = arith.constant 0 : i32
      %dma_wait3A_92 = arith.constant 0 : i32
      %dma_wait3A_93 = tpu.memref_slice %arg2[%dma_wait3A_91, %dma_wait3A_92] : memref<10000x64xi32, #tpu.memory_space<hbm>> -> memref<80x64xi32, #tpu.memory_space<hbm>>
      tpu.wait_dma2 semaphore(%arg16 : memref<!tpu.dma_semaphore, #tpu.memory_space<semaphore_mem>>) src(%dma_wait3A_93 : memref<80x64xi32, #tpu.memory_space<hbm>>) dst(%arg11 : memref<80x64xi32, #tpu.memory_space<vmem>>)
      %dma_wait3A_94 = arith.constant 0 : i32
      %dma_wait3A_95 = arith.constant 0 : i32
      %dma_wait3A_96 = tpu.memref_slice %arg3[%dma_wait3A_94, %dma_wait3A_95] : memref<10000x64xi32, #tpu.memory_space<hbm>> -> memref<80x64xi32, #tpu.memory_space<hbm>>
      %dma_wait3A_97 = arith.constant 0 : i32
      %dma_wait3A_98 = arith.constant 0 : i32
      %dma_wait3A_99 = tpu.memref_slice %arg3[%dma_wait3A_97, %dma_wait3A_98] : memref<10000x64xi32, #tpu.memory_space<hbm>> -> memref<80x64xi32, #tpu.memory_space<hbm>>
      tpu.wait_dma2 semaphore(%arg16 : memref<!tpu.dma_semaphore, #tpu.memory_space<semaphore_mem>>) src(%dma_wait3A_99 : memref<80x64xi32, #tpu.memory_space<hbm>>) dst(%arg12 : memref<80x64xi32, #tpu.memory_space<vmem>>)
      %iota3A_100 = tpu.iota {dimensions = array<i32: 0>} : vector<16xi32>
      %scan3A_101 = arith.constant 0 : i32
      %scan3A_102 = arith.constant 0 : i32
      %scan3A_103 = arith.constant 5 : i32
      %scan3A_104 = arith.addi %scan3A_102, %scan3A_103 : i32
      %scan3A_105 = arith.constant 1 : i32
      %scan3A_106 = scf.for %scan3A_109 = %scan3A_102 to %scan3A_104 step %scan3A_105 iter_args(%scan3A_110 = %scan3A_101) -> (i32)  : i32 {
        %mul3A_111 = arith.constant 16 : i32
        %mul3A_112 = arith.muli %scan3A_109, %mul3A_111 : i32
        %add3A_113 = vector.broadcast %mul3A_112 : i32 to vector<16xi32>
        %add3A_114 = arith.addi %iota3A_100, %add3A_113 : vector<16xi32>
        %broadcast_in_dim3A = arith.constant 0.000000e+00 : f32
        %broadcast_in_dim3A_115 = vector.broadcast %broadcast_in_dim3A : f32 to vector<16xf32>
        %broadcast_in_dim3A_116 = arith.constant 0.000000e+00 : f32
        %broadcast_in_dim3A_117 = vector.broadcast %broadcast_in_dim3A_116 : f32 to vector<16xf32>
        %broadcast_in_dim3A_118 = arith.constant 0.000000e+00 : f32
        %broadcast_in_dim3A_119 = vector.broadcast %broadcast_in_dim3A_118 : f32 to vector<16xf32>
        %broadcast_in_dim3A_120 = arith.constant 0.000000e+00 : f32
        %broadcast_in_dim3A_121 = vector.broadcast %broadcast_in_dim3A_120 : f32 to vector<16xf32>
        %broadcast_in_dim3A_122 = arith.constant 0.000000e+00 : f32
        %broadcast_in_dim3A_123 = vector.broadcast %broadcast_in_dim3A_122 : f32 to vector<16xf32>
        %broadcast_in_dim3A_124 = arith.constant 0.000000e+00 : f32
        %broadcast_in_dim3A_125 = vector.broadcast %broadcast_in_dim3A_124 : f32 to vector<16xf32>
        %broadcast_in_dim3A_126 = arith.constant 0.000000e+00 : f32
        %broadcast_in_dim3A_127 = vector.broadcast %broadcast_in_dim3A_126 : f32 to vector<16xf32>
        %broadcast_in_dim3A_128 = arith.constant 0.000000e+00 : f32
        %broadcast_in_dim3A_129 = vector.broadcast %broadcast_in_dim3A_128 : f32 to vector<16xf32>
        %add3A_130 = arith.constant 0 : i32
        %add3A_131 = vector.broadcast %add3A_130 : i32 to vector<16xi32>
        %add3A_132 = arith.addi %iota3A_100, %add3A_131 : vector<16xi32>
        %and3A = arith.constant 63 : i32
        %and3A_133 = vector.broadcast %and3A : i32 to vector<16xi32>
        %and3A_134 = arith.andi %add3A_132, %and3A_133 : vector<16xi32>
        %gather3A = tpu.vector_load_idx %arg11[%add3A_114, %and3A_134] : memref<80x64xi32, #tpu.memory_space<vmem>>[vector<16xi32>, vector<16xi32>], vector<16xi32>,
        %gather3A_135 = tpu.vector_load_idx %arg12[%add3A_114, %and3A_134] : memref<80x64xi32, #tpu.memory_space<vmem>>[vector<16xi32>, vector<16xi32>], vector<16xi32>,
        %bitcast3A = vector.bitcast %gather3A : vector<16xi32> to vector<32xbf16>
        %bitcast3A_136 = vector.bitcast %gather3A_135 : vector<16xi32> to vector<32xbf16>
        %mul3A_137 = arith.mulf %bitcast3A, %bitcast3A_136 : vector<32xbf16>
        %unpack3A = tpu.unpack_subelements %mul3A_137, 0 {pack_format = #tpu.pack_format<interleaved>} : vector<32xbf16> -> vector<16xf32>
        %unpack3A_138 = tpu.unpack_subelements %mul3A_137, 1 {pack_format = #tpu.pack_format<interleaved>} : vector<32xbf16> -> vector<16xf32>
        %add3A_139 = arith.addf %broadcast_in_dim3A_115, %unpack3A : vector<16xf32>
        %add3A_140 = arith.addf %broadcast_in_dim3A_117, %unpack3A_138 : vector<16xf32>
        %add3A_141 = arith.constant 1 : i32
        %add3A_142 = vector.broadcast %add3A_141 : i32 to vector<16xi32>
        %add3A_143 = arith.addi %iota3A_100, %add3A_142 : vector<16xi32>
        %and3A_144 = arith.constant 63 : i32
        %and3A_145 = vector.broadcast %and3A_144 : i32 to vector<16xi32>
        %and3A_146 = arith.andi %add3A_143, %and3A_145 : vector<16xi32>
        %gather3A_147 = tpu.vector_load_idx %arg11[%add3A_114, %and3A_146] : memref<80x64xi32, #tpu.memory_space<vmem>>[vector<16xi32>, vector<16xi32>], vector<16xi32>,
        %gather3A_148 = tpu.vector_load_idx %arg12[%add3A_114, %and3A_146] : memref<80x64xi32, #tpu.memory_space<vmem>>[vector<16xi32>, vector<16xi32>], vector<16xi32>,
        %bitcast3A_149 = vector.bitcast %gather3A_147 : vector<16xi32> to vector<32xbf16>
        %bitcast3A_150 = vector.bitcast %gather3A_148 : vector<16xi32> to vector<32xbf16>
        %mul3A_151 = arith.mulf %bitcast3A_149, %bitcast3A_150 : vector<32xbf16>
        %unpack3A_152 = tpu.unpack_subelements %mul3A_151, 0 {pack_format = #tpu.pack_format<interleaved>} : vector<32xbf16> -> vector<16xf32>
        %unpack3A_153 = tpu.unpack_subelements %mul3A_151, 1 {pack_format = #tpu.pack_format<interleaved>} : vector<32xbf16> -> vector<16xf32>
        %add3A_154 = arith.addf %broadcast_in_dim3A_119, %unpack3A_152 : vector<16xf32>
        %add3A_155 = arith.addf %broadcast_in_dim3A_121, %unpack3A_153 : vector<16xf32>
        %add3A_156 = arith.constant 2 : i32
        %add3A_157 = vector.broadcast %add3A_156 : i32 to vector<16xi32>
        %add3A_158 = arith.addi %iota3A_100, %add3A_157 : vector<16xi32>
        %and3A_159 = arith.constant 63 : i32
        %and3A_160 = vector.broadcast %and3A_159 : i32 to vector<16xi32>
        %and3A_161 = arith.andi %add3A_158, %and3A_160 : vector<16xi32>
        %gather3A_162 = tpu.vector_load_idx %arg11[%add3A_114, %and3A_161] : memref<80x64xi32, #tpu.memory_space<vmem>>[vector<16xi32>, vector<16xi32>], vector<16xi32>,
        %gather3A_163 = tpu.vector_load_idx %arg12[%add3A_114, %and3A_161] : memref<80x64xi32, #tpu.memory_space<vmem>>[vector<16xi32>, vector<16xi32>], vector<16xi32>,
        %bitcast3A_164 = vector.bitcast %gather3A_162 : vector<16xi32> to vector<32xbf16>
        %bitcast3A_165 = vector.bitcast %gather3A_163 : vector<16xi32> to vector<32xbf16>
        %mul3A_166 = arith.mulf %bitcast3A_164, %bitcast3A_165 : vector<32xbf16>
        %unpack3A_167 = tpu.unpack_subelements %mul3A_166, 0 {pack_format = #tpu.pack_format<interleaved>} : vector<32xbf16> -> vector<16xf32>
        %unpack3A_168 = tpu.unpack_subelements %mul3A_166, 1 {pack_format = #tpu.pack_format<interleaved>} : vector<32xbf16> -> vector<16xf32>
        %add3A_169 = arith.addf %broadcast_in_dim3A_123, %unpack3A_167 : vector<16xf32>
        %add3A_170 = arith.addf %broadcast_in_dim3A_125, %unpack3A_168 : vector<16xf32>
        %add3A_171 = arith.constant 3 : i32
        %add3A_172 = vector.broadcast %add3A_171 : i32 to vector<16xi32>
        %add3A_173 = arith.addi %iota3A_100, %add3A_172 : vector<16xi32>
        %and3A_174 = arith.constant 63 : i32
        %and3A_175 = vector.broadcast %and3A_174 : i32 to vector<16xi32>
        %and3A_176 = arith.andi %add3A_173, %and3A_175 : vector<16xi32>
        %gather3A_177 = tpu.vector_load_idx %arg11[%add3A_114, %and3A_176] : memref<80x64xi32, #tpu.memory_space<vmem>>[vector<16xi32>, vector<16xi32>], vector<16xi32>,
        %gather3A_178 = tpu.vector_load_idx %arg12[%add3A_114, %and3A_176] : memref<80x64xi32, #tpu.memory_space<vmem>>[vector<16xi32>, vector<16xi32>], vector<16xi32>,
        %bitcast3A_179 = vector.bitcast %gather3A_177 : vector<16xi32> to vector<32xbf16>
        %bitcast3A_180 = vector.bitcast %gather3A_178 : vector<16xi32> to vector<32xbf16>
        %mul3A_181 = arith.mulf %bitcast3A_179, %bitcast3A_180 : vector<32xbf16>
        %unpack3A_182 = tpu.unpack_subelements %mul3A_181, 0 {pack_format = #tpu.pack_format<interleaved>} : vector<32xbf16> -> vector<16xf32>
        %unpack3A_183 = tpu.unpack_subelements %mul3A_181, 1 {pack_format = #tpu.pack_format<interleaved>} : vector<32xbf16> -> vector<16xf32>
        %add3A_184 = arith.addf %broadcast_in_dim3A_127, %unpack3A_182 : vector<16xf32>
        %add3A_185 = arith.addf %broadcast_in_dim3A_129, %unpack3A_183 : vector<16xf32>
        %add3A_186 = arith.constant 4 : i32
        %add3A_187 = vector.broadcast %add3A_186 : i32 to vector<16xi32>
        %add3A_188 = arith.addi %iota3A_100, %add3A_187 : vector<16xi32>
        %and3A_189 = arith.constant 63 : i32
        %and3A_190 = vector.broadcast %and3A_189 : i32 to vector<16xi32>
        %and3A_191 = arith.andi %add3A_188, %and3A_190 : vector<16xi32>
        %gather3A_192 = tpu.vector_load_idx %arg11[%add3A_114, %and3A_191] : memref<80x64xi32, #tpu.memory_space<vmem>>[vector<16xi32>, vector<16xi32>], vector<16xi32>,
        %gather3A_193 = tpu.vector_load_idx %arg12[%add3A_114, %and3A_191] : memref<80x64xi32, #tpu.memory_space<vmem>>[vector<16xi32>, vector<16xi32>], vector<16xi32>,
        %bitcast3A_194 = vector.bitcast %gather3A_192 : vector<16xi32> to vector<32xbf16>
        %bitcast3A_195 = vector.bitcast %gather3A_193 : vector<16xi32> to vector<32xbf16>
        %mul3A_196 = arith.mulf %bitcast3A_194, %bitcast3A_195 : vector<32xbf16>
        %unpack3A_197 = tpu.unpack_subelements %mul3A_196, 0 {pack_format = #tpu.pack_format<interleaved>} : vector<32xbf16> -> vector<16xf32>
        %unpack3A_198 = tpu.unpack_subelements %mul3A_196, 1 {pack_format = #tpu.pack_format<interleaved>} : vector<32xbf16> -> vector<16xf32>
        %add3A_199 = arith.addf %add3A_139, %unpack3A_197 : vector<16xf32>
        %add3A_200 = arith.addf %add3A_140, %unpack3A_198 : vector<16xf32>
        %add3A_201 = arith.constant 5 : i32
        %add3A_202 = vector.broadcast %add3A_201 : i32 to vector<16xi32>
        %add3A_203 = arith.addi %iota3A_100, %add3A_202 : vector<16xi32>
        %and3A_204 = arith.constant 63 : i32
        %and3A_205 = vector.broadcast %and3A_204 : i32 to vector<16xi32>
        %and3A_206 = arith.andi %add3A_203, %and3A_205 : vector<16xi32>
        %gather3A_207 = tpu.vector_load_idx %arg11[%add3A_114, %and3A_206] : memref<80x64xi32, #tpu.memory_space<vmem>>[vector<16xi32>, vector<16xi32>], vector<16xi32>,
        %gather3A_208 = tpu.vector_load_idx %arg12[%add3A_114, %and3A_206] : memref<80x64xi32, #tpu.memory_space<vmem>>[vector<16xi32>, vector<16xi32>], vector<16xi32>,
        %bitcast3A_209 = vector.bitcast %gather3A_207 : vector<16xi32> to vector<32xbf16>
        %bitcast3A_210 = vector.bitcast %gather3A_208 : vector<16xi32> to vector<32xbf16>
        %mul3A_211 = arith.mulf %bitcast3A_209, %bitcast3A_210 : vector<32xbf16>
        %unpack3A_212 = tpu.unpack_subelements %mul3A_211, 0 {pack_format = #tpu.pack_format<interleaved>} : vector<32xbf16> -> vector<16xf32>
        %unpack3A_213 = tpu.unpack_subelements %mul3A_211, 1 {pack_format = #tpu.pack_format<interleaved>} : vector<32xbf16> -> vector<16xf32>
        %add3A_214 = arith.addf %add3A_154, %unpack3A_212 : vector<16xf32>
        %add3A_215 = arith.addf %add3A_155, %unpack3A_213 : vector<16xf32>
        %add3A_216 = arith.constant 6 : i32
        %add3A_217 = vector.broadcast %add3A_216 : i32 to vector<16xi32>
        %add3A_218 = arith.addi %iota3A_100, %add3A_217 : vector<16xi32>
        %and3A_219 = arith.constant 63 : i32
        %and3A_220 = vector.broadcast %and3A_219 : i32 to vector<16xi32>
        %and3A_221 = arith.andi %add3A_218, %and3A_220 : vector<16xi32>
        %gather3A_222 = tpu.vector_load_idx %arg11[%add3A_114, %and3A_221] : memref<80x64xi32, #tpu.memory_space<vmem>>[vector<16xi32>, vector<16xi32>], vector<16xi32>,
        %gather3A_223 = tpu.vector_load_idx %arg12[%add3A_114, %and3A_221] : memref<80x64xi32, #tpu.memory_space<vmem>>[vector<16xi32>, vector<16xi32>], vector<16xi32>,
        %bitcast3A_224 = vector.bitcast %gather3A_222 : vector<16xi32> to vector<32xbf16>
        %bitcast3A_225 = vector.bitcast %gather3A_223 : vector<16xi32> to vector<32xbf16>
        %mul3A_226 = arith.mulf %bitcast3A_224, %bitcast3A_225 : vector<32xbf16>
        %unpack3A_227 = tpu.unpack_subelements %mul3A_226, 0 {pack_format = #tpu.pack_format<interleaved>} : vector<32xbf16> -> vector<16xf32>
        %unpack3A_228 = tpu.unpack_subelements %mul3A_226, 1 {pack_format = #tpu.pack_format<interleaved>} : vector<32xbf16> -> vector<16xf32>
        %add3A_229 = arith.addf %add3A_169, %unpack3A_227 : vector<16xf32>
        %add3A_230 = arith.addf %add3A_170, %unpack3A_228 : vector<16xf32>
        %add3A_231 = arith.constant 7 : i32
        %add3A_232 = vector.broadcast %add3A_231 : i32 to vector<16xi32>
        %add3A_233 = arith.addi %iota3A_100, %add3A_232 : vector<16xi32>
        %and3A_234 = arith.constant 63 : i32
        %and3A_235 = vector.broadcast %and3A_234 : i32 to vector<16xi32>
        %and3A_236 = arith.andi %add3A_233, %and3A_235 : vector<16xi32>
        %gather3A_237 = tpu.vector_load_idx %arg11[%add3A_114, %and3A_236] : memref<80x64xi32, #tpu.memory_space<vmem>>[vector<16xi32>, vector<16xi32>], vector<16xi32>,
        %gather3A_238 = tpu.vector_load_idx %arg12[%add3A_114, %and3A_236] : memref<80x64xi32, #tpu.memory_space<vmem>>[vector<16xi32>, vector<16xi32>], vector<16xi32>,
        %bitcast3A_239 = vector.bitcast %gather3A_237 : vector<16xi32> to vector<32xbf16>
        %bitcast3A_240 = vector.bitcast %gather3A_238 : vector<16xi32> to vector<32xbf16>
        %mul3A_241 = arith.mulf %bitcast3A_239, %bitcast3A_240 : vector<32xbf16>
        %unpack3A_242 = tpu.unpack_subelements %mul3A_241, 0 {pack_format = #tpu.pack_format<interleaved>} : vector<32xbf16> -> vector<16xf32>
        %unpack3A_243 = tpu.unpack_subelements %mul3A_241, 1 {pack_format = #tpu.pack_format<interleaved>} : vector<32xbf16> -> vector<16xf32>
        %add3A_244 = arith.addf %add3A_184, %unpack3A_242 : vector<16xf32>
        %add3A_245 = arith.addf %add3A_185, %unpack3A_243 : vector<16xf32>
        %add3A_246 = arith.constant 8 : i32
        %add3A_247 = vector.broadcast %add3A_246 : i32 to vector<16xi32>
        %add3A_248 = arith.addi %iota3A_100, %add3A_247 : vector<16xi32>
        %and3A_249 = arith.constant 63 : i32
        %and3A_250 = vector.broadcast %and3A_249 : i32 to vector<16xi32>
        %and3A_251 = arith.andi %add3A_248, %and3A_250 : vector<16xi32>
        %gather3A_252 = tpu.vector_load_idx %arg11[%add3A_114, %and3A_251] : memref<80x64xi32, #tpu.memory_space<vmem>>[vector<16xi32>, vector<16xi32>], vector<16xi32>,
        %gather3A_253 = tpu.vector_load_idx %arg12[%add3A_114, %and3A_251] : memref<80x64xi32, #tpu.memory_space<vmem>>[vector<16xi32>, vector<16xi32>], vector<16xi32>,
        %bitcast3A_254 = vector.bitcast %gather3A_252 : vector<16xi32> to vector<32xbf16>
        %bitcast3A_255 = vector.bitcast %gather3A_253 : vector<16xi32> to vector<32xbf16>
        %mul3A_256 = arith.mulf %bitcast3A_254, %bitcast3A_255 : vector<32xbf16>
        %unpack3A_257 = tpu.unpack_subelements %mul3A_256, 0 {pack_format = #tpu.pack_format<interleaved>} : vector<32xbf16> -> vector<16xf32>
        %unpack3A_258 = tpu.unpack_subelements %mul3A_256, 1 {pack_format = #tpu.pack_format<interleaved>} : vector<32xbf16> -> vector<16xf32>
        %add3A_259 = arith.addf %add3A_199, %unpack3A_257 : vector<16xf32>
        %add3A_260 = arith.addf %add3A_200, %unpack3A_258 : vector<16xf32>
        %add3A_261 = arith.constant 9 : i32
        %add3A_262 = vector.broadcast %add3A_261 : i32 to vector<16xi32>
        %add3A_263 = arith.addi %iota3A_100, %add3A_262 : vector<16xi32>
        %and3A_264 = arith.constant 63 : i32
        %and3A_265 = vector.broadcast %and3A_264 : i32 to vector<16xi32>
        %and3A_266 = arith.andi %add3A_263, %and3A_265 : vector<16xi32>
        %gather3A_267 = tpu.vector_load_idx %arg11[%add3A_114, %and3A_266] : memref<80x64xi32, #tpu.memory_space<vmem>>[vector<16xi32>, vector<16xi32>], vector<16xi32>,
        %gather3A_268 = tpu.vector_load_idx %arg12[%add3A_114, %and3A_266] : memref<80x64xi32, #tpu.memory_space<vmem>>[vector<16xi32>, vector<16xi32>], vector<16xi32>,
        %bitcast3A_269 = vector.bitcast %gather3A_267 : vector<16xi32> to vector<32xbf16>
        %bitcast3A_270 = vector.bitcast %gather3A_268 : vector<16xi32> to vector<32xbf16>
        %mul3A_271 = arith.mulf %bitcast3A_269, %bitcast3A_270 : vector<32xbf16>
        %unpack3A_272 = tpu.unpack_subelements %mul3A_271, 0 {pack_format = #tpu.pack_format<interleaved>} : vector<32xbf16> -> vector<16xf32>
        %unpack3A_273 = tpu.unpack_subelements %mul3A_271, 1 {pack_format = #tpu.pack_format<interleaved>} : vector<32xbf16> -> vector<16xf32>
        %add3A_274 = arith.addf %add3A_214, %unpack3A_272 : vector<16xf32>
        %add3A_275 = arith.addf %add3A_215, %unpack3A_273 : vector<16xf32>
        %add3A_276 = arith.constant 10 : i32
        %add3A_277 = vector.broadcast %add3A_276 : i32 to vector<16xi32>
        %add3A_278 = arith.addi %iota3A_100, %add3A_277 : vector<16xi32>
        %and3A_279 = arith.constant 63 : i32
        %and3A_280 = vector.broadcast %and3A_279 : i32 to vector<16xi32>
        %and3A_281 = arith.andi %add3A_278, %and3A_280 : vector<16xi32>
        %gather3A_282 = tpu.vector_load_idx %arg11[%add3A_114, %and3A_281] : memref<80x64xi32, #tpu.memory_space<vmem>>[vector<16xi32>, vector<16xi32>], vector<16xi32>,
        %gather3A_283 = tpu.vector_load_idx %arg12[%add3A_114, %and3A_281] : memref<80x64xi32, #tpu.memory_space<vmem>>[vector<16xi32>, vector<16xi32>], vector<16xi32>,
        %bitcast3A_284 = vector.bitcast %gather3A_282 : vector<16xi32> to vector<32xbf16>
        %bitcast3A_285 = vector.bitcast %gather3A_283 : vector<16xi32> to vector<32xbf16>
        %mul3A_286 = arith.mulf %bitcast3A_284, %bitcast3A_285 : vector<32xbf16>
        %unpack3A_287 = tpu.unpack_subelements %mul3A_286, 0 {pack_format = #tpu.pack_format<interleaved>} : vector<32xbf16> -> vector<16xf32>
        %unpack3A_288 = tpu.unpack_subelements %mul3A_286, 1 {pack_format = #tpu.pack_format<interleaved>} : vector<32xbf16> -> vector<16xf32>
        %add3A_289 = arith.addf %add3A_229, %unpack3A_287 : vector<16xf32>
        %add3A_290 = arith.addf %add3A_230, %unpack3A_288 : vector<16xf32>
        %add3A_291 = arith.constant 11 : i32
        %add3A_292 = vector.broadcast %add3A_291 : i32 to vector<16xi32>
        %add3A_293 = arith.addi %iota3A_100, %add3A_292 : vector<16xi32>
        %and3A_294 = arith.constant 63 : i32
        %and3A_295 = vector.broadcast %and3A_294 : i32 to vector<16xi32>
        %and3A_296 = arith.andi %add3A_293, %and3A_295 : vector<16xi32>
        %gather3A_297 = tpu.vector_load_idx %arg11[%add3A_114, %and3A_296] : memref<80x64xi32, #tpu.memory_space<vmem>>[vector<16xi32>, vector<16xi32>], vector<16xi32>,
        %gather3A_298 = tpu.vector_load_idx %arg12[%add3A_114, %and3A_296] : memref<80x64xi32, #tpu.memory_space<vmem>>[vector<16xi32>, vector<16xi32>], vector<16xi32>,
        %bitcast3A_299 = vector.bitcast %gather3A_297 : vector<16xi32> to vector<32xbf16>
        %bitcast3A_300 = vector.bitcast %gather3A_298 : vector<16xi32> to vector<32xbf16>
        %mul3A_301 = arith.mulf %bitcast3A_299, %bitcast3A_300 : vector<32xbf16>
        %unpack3A_302 = tpu.unpack_subelements %mul3A_301, 0 {pack_format = #tpu.pack_format<interleaved>} : vector<32xbf16> -> vector<16xf32>
        %unpack3A_303 = tpu.unpack_subelements %mul3A_301, 1 {pack_format = #tpu.pack_format<interleaved>} : vector<32xbf16> -> vector<16xf32>
        %add3A_304 = arith.addf %add3A_244, %unpack3A_302 : vector<16xf32>
        %add3A_305 = arith.addf %add3A_245, %unpack3A_303 : vector<16xf32>
        %add3A_306 = arith.constant 12 : i32
        %add3A_307 = vector.broadcast %add3A_306 : i32 to vector<16xi32>
        %add3A_308 = arith.addi %iota3A_100, %add3A_307 : vector<16xi32>
        %and3A_309 = arith.constant 63 : i32
        %and3A_310 = vector.broadcast %and3A_309 : i32 to vector<16xi32>
        %and3A_311 = arith.andi %add3A_308, %and3A_310 : vector<16xi32>
        %gather3A_312 = tpu.vector_load_idx %arg11[%add3A_114, %and3A_311] : memref<80x64xi32, #tpu.memory_space<vmem>>[vector<16xi32>, vector<16xi32>], vector<16xi32>,
        %gather3A_313 = tpu.vector_load_idx %arg12[%add3A_114, %and3A_311] : memref<80x64xi32, #tpu.memory_space<vmem>>[vector<16xi32>, vector<16xi32>], vector<16xi32>,
        %bitcast3A_314 = vector.bitcast %gather3A_312 : vector<16xi32> to vector<32xbf16>
        %bitcast3A_315 = vector.bitcast %gather3A_313 : vector<16xi32> to vector<32xbf16>
        %mul3A_316 = arith.mulf %bitcast3A_314, %bitcast3A_315 : vector<32xbf16>
        %unpack3A_317 = tpu.unpack_subelements %mul3A_316, 0 {pack_format = #tpu.pack_format<interleaved>} : vector<32xbf16> -> vector<16xf32>
        %unpack3A_318 = tpu.unpack_subelements %mul3A_316, 1 {pack_format = #tpu.pack_format<interleaved>} : vector<32xbf16> -> vector<16xf32>
        %add3A_319 = arith.addf %add3A_259, %unpack3A_317 : vector<16xf32>
        %add3A_320 = arith.addf %add3A_260, %unpack3A_318 : vector<16xf32>
        %add3A_321 = arith.constant 13 : i32
        %add3A_322 = vector.broadcast %add3A_321 : i32 to vector<16xi32>
        %add3A_323 = arith.addi %iota3A_100, %add3A_322 : vector<16xi32>
        %and3A_324 = arith.constant 63 : i32
        %and3A_325 = vector.broadcast %and3A_324 : i32 to vector<16xi32>
        %and3A_326 = arith.andi %add3A_323, %and3A_325 : vector<16xi32>
        %gather3A_327 = tpu.vector_load_idx %arg11[%add3A_114, %and3A_326] : memref<80x64xi32, #tpu.memory_space<vmem>>[vector<16xi32>, vector<16xi32>], vector<16xi32>,
        %gather3A_328 = tpu.vector_load_idx %arg12[%add3A_114, %and3A_326] : memref<80x64xi32, #tpu.memory_space<vmem>>[vector<16xi32>, vector<16xi32>], vector<16xi32>,
        %bitcast3A_329 = vector.bitcast %gather3A_327 : vector<16xi32> to vector<32xbf16>
        %bitcast3A_330 = vector.bitcast %gather3A_328 : vector<16xi32> to vector<32xbf16>
        %mul3A_331 = arith.mulf %bitcast3A_329, %bitcast3A_330 : vector<32xbf16>
        %unpack3A_332 = tpu.unpack_subelements %mul3A_331, 0 {pack_format = #tpu.pack_format<interleaved>} : vector<32xbf16> -> vector<16xf32>
        %unpack3A_333 = tpu.unpack_subelements %mul3A_331, 1 {pack_format = #tpu.pack_format<interleaved>} : vector<32xbf16> -> vector<16xf32>
        %add3A_334 = arith.addf %add3A_274, %unpack3A_332 : vector<16xf32>
        %add3A_335 = arith.addf %add3A_275, %unpack3A_333 : vector<16xf32>
        %add3A_336 = arith.constant 14 : i32
        %add3A_337 = vector.broadcast %add3A_336 : i32 to vector<16xi32>
        %add3A_338 = arith.addi %iota3A_100, %add3A_337 : vector<16xi32>
        %and3A_339 = arith.constant 63 : i32
        %and3A_340 = vector.broadcast %and3A_339 : i32 to vector<16xi32>
        %and3A_341 = arith.andi %add3A_338, %and3A_340 : vector<16xi32>
        %gather3A_342 = tpu.vector_load_idx %arg11[%add3A_114, %and3A_341] : memref<80x64xi32, #tpu.memory_space<vmem>>[vector<16xi32>, vector<16xi32>], vector<16xi32>,
        %gather3A_343 = tpu.vector_load_idx %arg12[%add3A_114, %and3A_341] : memref<80x64xi32, #tpu.memory_space<vmem>>[vector<16xi32>, vector<16xi32>], vector<16xi32>,
        %bitcast3A_344 = vector.bitcast %gather3A_342 : vector<16xi32> to vector<32xbf16>
        %bitcast3A_345 = vector.bitcast %gather3A_343 : vector<16xi32> to vector<32xbf16>
        %mul3A_346 = arith.mulf %bitcast3A_344, %bitcast3A_345 : vector<32xbf16>
        %unpack3A_347 = tpu.unpack_subelements %mul3A_346, 0 {pack_format = #tpu.pack_format<interleaved>} : vector<32xbf16> -> vector<16xf32>
        %unpack3A_348 = tpu.unpack_subelements %mul3A_346, 1 {pack_format = #tpu.pack_format<interleaved>} : vector<32xbf16> -> vector<16xf32>
        %add3A_349 = arith.addf %add3A_289, %unpack3A_347 : vector<16xf32>
        %add3A_350 = arith.addf %add3A_290, %unpack3A_348 : vector<16xf32>
        %add3A_351 = arith.constant 15 : i32
        %add3A_352 = vector.broadcast %add3A_351 : i32 to vector<16xi32>
        %add3A_353 = arith.addi %iota3A_100, %add3A_352 : vector<16xi32>
        %and3A_354 = arith.constant 63 : i32
        %and3A_355 = vector.broadcast %and3A_354 : i32 to vector<16xi32>
        %and3A_356 = arith.andi %add3A_353, %and3A_355 : vector<16xi32>
        %gather3A_357 = tpu.vector_load_idx %arg11[%add3A_114, %and3A_356] : memref<80x64xi32, #tpu.memory_space<vmem>>[vector<16xi32>, vector<16xi32>], vector<16xi32>,
        %gather3A_358 = tpu.vector_load_idx %arg12[%add3A_114, %and3A_356] : memref<80x64xi32, #tpu.memory_space<vmem>>[vector<16xi32>, vector<16xi32>], vector<16xi32>,
        %bitcast3A_359 = vector.bitcast %gather3A_357 : vector<16xi32> to vector<32xbf16>
        %bitcast3A_360 = vector.bitcast %gather3A_358 : vector<16xi32> to vector<32xbf16>
        %mul3A_361 = arith.mulf %bitcast3A_359, %bitcast3A_360 : vector<32xbf16>
        %unpack3A_362 = tpu.unpack_subelements %mul3A_361, 0 {pack_format = #tpu.pack_format<interleaved>} : vector<32xbf16> -> vector<16xf32>
        %unpack3A_363 = tpu.unpack_subelements %mul3A_361, 1 {pack_format = #tpu.pack_format<interleaved>} : vector<32xbf16> -> vector<16xf32>
        %add3A_364 = arith.addf %add3A_304, %unpack3A_362 : vector<16xf32>
        %add3A_365 = arith.addf %add3A_305, %unpack3A_363 : vector<16xf32>
        %add3A_366 = arith.constant 16 : i32
        %add3A_367 = vector.broadcast %add3A_366 : i32 to vector<16xi32>
        %add3A_368 = arith.addi %iota3A_100, %add3A_367 : vector<16xi32>
        %and3A_369 = arith.constant 63 : i32
        %and3A_370 = vector.broadcast %and3A_369 : i32 to vector<16xi32>
        %and3A_371 = arith.andi %add3A_368, %and3A_370 : vector<16xi32>
        %gather3A_372 = tpu.vector_load_idx %arg11[%add3A_114, %and3A_371] : memref<80x64xi32, #tpu.memory_space<vmem>>[vector<16xi32>, vector<16xi32>], vector<16xi32>,
        %gather3A_373 = tpu.vector_load_idx %arg12[%add3A_114, %and3A_371] : memref<80x64xi32, #tpu.memory_space<vmem>>[vector<16xi32>, vector<16xi32>], vector<16xi32>,
        %bitcast3A_374 = vector.bitcast %gather3A_372 : vector<16xi32> to vector<32xbf16>
        %bitcast3A_375 = vector.bitcast %gather3A_373 : vector<16xi32> to vector<32xbf16>
        %mul3A_376 = arith.mulf %bitcast3A_374, %bitcast3A_375 : vector<32xbf16>
        %unpack3A_377 = tpu.unpack_subelements %mul3A_376, 0 {pack_format = #tpu.pack_format<interleaved>} : vector<32xbf16> -> vector<16xf32>
        %unpack3A_378 = tpu.unpack_subelements %mul3A_376, 1 {pack_format = #tpu.pack_format<interleaved>} : vector<32xbf16> -> vector<16xf32>
        %add3A_379 = arith.addf %add3A_319, %unpack3A_377 : vector<16xf32>
        %add3A_380 = arith.addf %add3A_320, %unpack3A_378 : vector<16xf32>
        %add3A_381 = arith.constant 17 : i32
        %add3A_382 = vector.broadcast %add3A_381 : i32 to vector<16xi32>
        %add3A_383 = arith.addi %iota3A_100, %add3A_382 : vector<16xi32>
        %and3A_384 = arith.constant 63 : i32
        %and3A_385 = vector.broadcast %and3A_384 : i32 to vector<16xi32>
        %and3A_386 = arith.andi %add3A_383, %and3A_385 : vector<16xi32>
        %gather3A_387 = tpu.vector_load_idx %arg11[%add3A_114, %and3A_386] : memref<80x64xi32, #tpu.memory_space<vmem>>[vector<16xi32>, vector<16xi32>], vector<16xi32>,
        %gather3A_388 = tpu.vector_load_idx %arg12[%add3A_114, %and3A_386] : memref<80x64xi32, #tpu.memory_space<vmem>>[vector<16xi32>, vector<16xi32>], vector<16xi32>,
        %bitcast3A_389 = vector.bitcast %gather3A_387 : vector<16xi32> to vector<32xbf16>
        %bitcast3A_390 = vector.bitcast %gather3A_388 : vector<16xi32> to vector<32xbf16>
        %mul3A_391 = arith.mulf %bitcast3A_389, %bitcast3A_390 : vector<32xbf16>
        %unpack3A_392 = tpu.unpack_subelements %mul3A_391, 0 {pack_format = #tpu.pack_format<interleaved>} : vector<32xbf16> -> vector<16xf32>
        %unpack3A_393 = tpu.unpack_subelements %mul3A_391, 1 {pack_format = #tpu.pack_format<interleaved>} : vector<32xbf16> -> vector<16xf32>
        %add3A_394 = arith.addf %add3A_334, %unpack3A_392 : vector<16xf32>
        %add3A_395 = arith.addf %add3A_335, %unpack3A_393 : vector<16xf32>
        %add3A_396 = arith.constant 18 : i32
        %add3A_397 = vector.broadcast %add3A_396 : i32 to vector<16xi32>
        %add3A_398 = arith.addi %iota3A_100, %add3A_397 : vector<16xi32>
        %and3A_399 = arith.constant 63 : i32
        %and3A_400 = vector.broadcast %and3A_399 : i32 to vector<16xi32>
        %and3A_401 = arith.andi %add3A_398, %and3A_400 : vector<16xi32>
        %gather3A_402 = tpu.vector_load_idx %arg11[%add3A_114, %and3A_401] : memref<80x64xi32, #tpu.memory_space<vmem>>[vector<16xi32>, vector<16xi32>], vector<16xi32>,
        %gather3A_403 = tpu.vector_load_idx %arg12[%add3A_114, %and3A_401] : memref<80x64xi32, #tpu.memory_space<vmem>>[vector<16xi32>, vector<16xi32>], vector<16xi32>,
        %bitcast3A_404 = vector.bitcast %gather3A_402 : vector<16xi32> to vector<32xbf16>
        %bitcast3A_405 = vector.bitcast %gather3A_403 : vector<16xi32> to vector<32xbf16>
        %mul3A_406 = arith.mulf %bitcast3A_404, %bitcast3A_405 : vector<32xbf16>
        %unpack3A_407 = tpu.unpack_subelements %mul3A_406, 0 {pack_format = #tpu.pack_format<interleaved>} : vector<32xbf16> -> vector<16xf32>
        %unpack3A_408 = tpu.unpack_subelements %mul3A_406, 1 {pack_format = #tpu.pack_format<interleaved>} : vector<32xbf16> -> vector<16xf32>
        %add3A_409 = arith.addf %add3A_349, %unpack3A_407 : vector<16xf32>
        %add3A_410 = arith.addf %add3A_350, %unpack3A_408 : vector<16xf32>
        %add3A_411 = arith.constant 19 : i32
        %add3A_412 = vector.broadcast %add3A_411 : i32 to vector<16xi32>
        %add3A_413 = arith.addi %iota3A_100, %add3A_412 : vector<16xi32>
        %and3A_414 = arith.constant 63 : i32
        %and3A_415 = vector.broadcast %and3A_414 : i32 to vector<16xi32>
        %and3A_416 = arith.andi %add3A_413, %and3A_415 : vector<16xi32>
        %gather3A_417 = tpu.vector_load_idx %arg11[%add3A_114, %and3A_416] : memref<80x64xi32, #tpu.memory_space<vmem>>[vector<16xi32>, vector<16xi32>], vector<16xi32>,
        %gather3A_418 = tpu.vector_load_idx %arg12[%add3A_114, %and3A_416] : memref<80x64xi32, #tpu.memory_space<vmem>>[vector<16xi32>, vector<16xi32>], vector<16xi32>,
        %bitcast3A_419 = vector.bitcast %gather3A_417 : vector<16xi32> to vector<32xbf16>
        %bitcast3A_420 = vector.bitcast %gather3A_418 : vector<16xi32> to vector<32xbf16>
        %mul3A_421 = arith.mulf %bitcast3A_419, %bitcast3A_420 : vector<32xbf16>
        %unpack3A_422 = tpu.unpack_subelements %mul3A_421, 0 {pack_format = #tpu.pack_format<interleaved>} : vector<32xbf16> -> vector<16xf32>
        %unpack3A_423 = tpu.unpack_subelements %mul3A_421, 1 {pack_format = #tpu.pack_format<interleaved>} : vector<32xbf16> -> vector<16xf32>
        %add3A_424 = arith.addf %add3A_364, %unpack3A_422 : vector<16xf32>
        %add3A_425 = arith.addf %add3A_365, %unpack3A_423 : vector<16xf32>
        %add3A_426 = arith.constant 20 : i32
        %add3A_427 = vector.broadcast %add3A_426 : i32 to vector<16xi32>
        %add3A_428 = arith.addi %iota3A_100, %add3A_427 : vector<16xi32>
        %and3A_429 = arith.constant 63 : i32
        %and3A_430 = vector.broadcast %and3A_429 : i32 to vector<16xi32>
        %and3A_431 = arith.andi %add3A_428, %and3A_430 : vector<16xi32>
        %gather3A_432 = tpu.vector_load_idx %arg11[%add3A_114, %and3A_431] : memref<80x64xi32, #tpu.memory_space<vmem>>[vector<16xi32>, vector<16xi32>], vector<16xi32>,
        %gather3A_433 = tpu.vector_load_idx %arg12[%add3A_114, %and3A_431] : memref<80x64xi32, #tpu.memory_space<vmem>>[vector<16xi32>, vector<16xi32>], vector<16xi32>,
        %bitcast3A_434 = vector.bitcast %gather3A_432 : vector<16xi32> to vector<32xbf16>
        %bitcast3A_435 = vector.bitcast %gather3A_433 : vector<16xi32> to vector<32xbf16>
        %mul3A_436 = arith.mulf %bitcast3A_434, %bitcast3A_435 : vector<32xbf16>
        %unpack3A_437 = tpu.unpack_subelements %mul3A_436, 0 {pack_format = #tpu.pack_format<interleaved>} : vector<32xbf16> -> vector<16xf32>
        %unpack3A_438 = tpu.unpack_subelements %mul3A_436, 1 {pack_format = #tpu.pack_format<interleaved>} : vector<32xbf16> -> vector<16xf32>
        %add3A_439 = arith.addf %add3A_379, %unpack3A_437 : vector<16xf32>
        %add3A_440 = arith.addf %add3A_380, %unpack3A_438 : vector<16xf32>
        %add3A_441 = arith.constant 21 : i32
        %add3A_442 = vector.broadcast %add3A_441 : i32 to vector<16xi32>
        %add3A_443 = arith.addi %iota3A_100, %add3A_442 : vector<16xi32>
        %and3A_444 = arith.constant 63 : i32
        %and3A_445 = vector.broadcast %and3A_444 : i32 to vector<16xi32>
        %and3A_446 = arith.andi %add3A_443, %and3A_445 : vector<16xi32>
        %gather3A_447 = tpu.vector_load_idx %arg11[%add3A_114, %and3A_446] : memref<80x64xi32, #tpu.memory_space<vmem>>[vector<16xi32>, vector<16xi32>], vector<16xi32>,
        %gather3A_448 = tpu.vector_load_idx %arg12[%add3A_114, %and3A_446] : memref<80x64xi32, #tpu.memory_space<vmem>>[vector<16xi32>, vector<16xi32>], vector<16xi32>,
        %bitcast3A_449 = vector.bitcast %gather3A_447 : vector<16xi32> to vector<32xbf16>
        %bitcast3A_450 = vector.bitcast %gather3A_448 : vector<16xi32> to vector<32xbf16>
        %mul3A_451 = arith.mulf %bitcast3A_449, %bitcast3A_450 : vector<32xbf16>
        %unpack3A_452 = tpu.unpack_subelements %mul3A_451, 0 {pack_format = #tpu.pack_format<interleaved>} : vector<32xbf16> -> vector<16xf32>
        %unpack3A_453 = tpu.unpack_subelements %mul3A_451, 1 {pack_format = #tpu.pack_format<interleaved>} : vector<32xbf16> -> vector<16xf32>
        %add3A_454 = arith.addf %add3A_394, %unpack3A_452 : vector<16xf32>
        %add3A_455 = arith.addf %add3A_395, %unpack3A_453 : vector<16xf32>
        %add3A_456 = arith.constant 22 : i32
        %add3A_457 = vector.broadcast %add3A_456 : i32 to vector<16xi32>
        %add3A_458 = arith.addi %iota3A_100, %add3A_457 : vector<16xi32>
        %and3A_459 = arith.constant 63 : i32
        %and3A_460 = vector.broadcast %and3A_459 : i32 to vector<16xi32>
        %and3A_461 = arith.andi %add3A_458, %and3A_460 : vector<16xi32>
        %gather3A_462 = tpu.vector_load_idx %arg11[%add3A_114, %and3A_461] : memref<80x64xi32, #tpu.memory_space<vmem>>[vector<16xi32>, vector<16xi32>], vector<16xi32>,
        %gather3A_463 = tpu.vector_load_idx %arg12[%add3A_114, %and3A_461] : memref<80x64xi32, #tpu.memory_space<vmem>>[vector<16xi32>, vector<16xi32>], vector<16xi32>,
        %bitcast3A_464 = vector.bitcast %gather3A_462 : vector<16xi32> to vector<32xbf16>
        %bitcast3A_465 = vector.bitcast %gather3A_463 : vector<16xi32> to vector<32xbf16>
        %mul3A_466 = arith.mulf %bitcast3A_464, %bitcast3A_465 : vector<32xbf16>
        %unpack3A_467 = tpu.unpack_subelements %mul3A_466, 0 {pack_format = #tpu.pack_format<interleaved>} : vector<32xbf16> -> vector<16xf32>
        %unpack3A_468 = tpu.unpack_subelements %mul3A_466, 1 {pack_format = #tpu.pack_format<interleaved>} : vector<32xbf16> -> vector<16xf32>
        %add3A_469 = arith.addf %add3A_409, %unpack3A_467 : vector<16xf32>
        %add3A_470 = arith.addf %add3A_410, %unpack3A_468 : vector<16xf32>
        %add3A_471 = arith.constant 23 : i32
        %add3A_472 = vector.broadcast %add3A_471 : i32 to vector<16xi32>
        %add3A_473 = arith.addi %iota3A_100, %add3A_472 : vector<16xi32>
        %and3A_474 = arith.constant 63 : i32
        %and3A_475 = vector.broadcast %and3A_474 : i32 to vector<16xi32>
        %and3A_476 = arith.andi %add3A_473, %and3A_475 : vector<16xi32>
        %gather3A_477 = tpu.vector_load_idx %arg11[%add3A_114, %and3A_476] : memref<80x64xi32, #tpu.memory_space<vmem>>[vector<16xi32>, vector<16xi32>], vector<16xi32>,
        %gather3A_478 = tpu.vector_load_idx %arg12[%add3A_114, %and3A_476] : memref<80x64xi32, #tpu.memory_space<vmem>>[vector<16xi32>, vector<16xi32>], vector<16xi32>,
        %bitcast3A_479 = vector.bitcast %gather3A_477 : vector<16xi32> to vector<32xbf16>
        %bitcast3A_480 = vector.bitcast %gather3A_478 : vector<16xi32> to vector<32xbf16>
        %mul3A_481 = arith.mulf %bitcast3A_479, %bitcast3A_480 : vector<32xbf16>
        %unpack3A_482 = tpu.unpack_subelements %mul3A_481, 0 {pack_format = #tpu.pack_format<interleaved>} : vector<32xbf16> -> vector<16xf32>
        %unpack3A_483 = tpu.unpack_subelements %mul3A_481, 1 {pack_format = #tpu.pack_format<interleaved>} : vector<32xbf16> -> vector<16xf32>
        %add3A_484 = arith.addf %add3A_424, %unpack3A_482 : vector<16xf32>
        %add3A_485 = arith.addf %add3A_425, %unpack3A_483 : vector<16xf32>
        %add3A_486 = arith.constant 24 : i32
        %add3A_487 = vector.broadcast %add3A_486 : i32 to vector<16xi32>
        %add3A_488 = arith.addi %iota3A_100, %add3A_487 : vector<16xi32>
        %and3A_489 = arith.constant 63 : i32
        %and3A_490 = vector.broadcast %and3A_489 : i32 to vector<16xi32>
        %and3A_491 = arith.andi %add3A_488, %and3A_490 : vector<16xi32>
        %gather3A_492 = tpu.vector_load_idx %arg11[%add3A_114, %and3A_491] : memref<80x64xi32, #tpu.memory_space<vmem>>[vector<16xi32>, vector<16xi32>], vector<16xi32>,
        %gather3A_493 = tpu.vector_load_idx %arg12[%add3A_114, %and3A_491] : memref<80x64xi32, #tpu.memory_space<vmem>>[vector<16xi32>, vector<16xi32>], vector<16xi32>,
        %bitcast3A_494 = vector.bitcast %gather3A_492 : vector<16xi32> to vector<32xbf16>
        %bitcast3A_495 = vector.bitcast %gather3A_493 : vector<16xi32> to vector<32xbf16>
        %mul3A_496 = arith.mulf %bitcast3A_494, %bitcast3A_495 : vector<32xbf16>
        %unpack3A_497 = tpu.unpack_subelements %mul3A_496, 0 {pack_format = #tpu.pack_format<interleaved>} : vector<32xbf16> -> vector<16xf32>
        %unpack3A_498 = tpu.unpack_subelements %mul3A_496, 1 {pack_format = #tpu.pack_format<interleaved>} : vector<32xbf16> -> vector<16xf32>
        %add3A_499 = arith.addf %add3A_439, %unpack3A_497 : vector<16xf32>
        %add3A_500 = arith.addf %add3A_440, %unpack3A_498 : vector<16xf32>
        %add3A_501 = arith.constant 25 : i32
        %add3A_502 = vector.broadcast %add3A_501 : i32 to vector<16xi32>
        %add3A_503 = arith.addi %iota3A_100, %add3A_502 : vector<16xi32>
        %and3A_504 = arith.constant 63 : i32
        %and3A_505 = vector.broadcast %and3A_504 : i32 to vector<16xi32>
        %and3A_506 = arith.andi %add3A_503, %and3A_505 : vector<16xi32>
        %gather3A_507 = tpu.vector_load_idx %arg11[%add3A_114, %and3A_506] : memref<80x64xi32, #tpu.memory_space<vmem>>[vector<16xi32>, vector<16xi32>], vector<16xi32>,
        %gather3A_508 = tpu.vector_load_idx %arg12[%add3A_114, %and3A_506] : memref<80x64xi32, #tpu.memory_space<vmem>>[vector<16xi32>, vector<16xi32>], vector<16xi32>,
        %bitcast3A_509 = vector.bitcast %gather3A_507 : vector<16xi32> to vector<32xbf16>
        %bitcast3A_510 = vector.bitcast %gather3A_508 : vector<16xi32> to vector<32xbf16>
        %mul3A_511 = arith.mulf %bitcast3A_509, %bitcast3A_510 : vector<32xbf16>
        %unpack3A_512 = tpu.unpack_subelements %mul3A_511, 0 {pack_format = #tpu.pack_format<interleaved>} : vector<32xbf16> -> vector<16xf32>
        %unpack3A_513 = tpu.unpack_subelements %mul3A_511, 1 {pack_format = #tpu.pack_format<interleaved>} : vector<32xbf16> -> vector<16xf32>
        %add3A_514 = arith.addf %add3A_454, %unpack3A_512 : vector<16xf32>
        %add3A_515 = arith.addf %add3A_455, %unpack3A_513 : vector<16xf32>
        %add3A_516 = arith.constant 26 : i32
        %add3A_517 = vector.broadcast %add3A_516 : i32 to vector<16xi32>
        %add3A_518 = arith.addi %iota3A_100, %add3A_517 : vector<16xi32>
        %and3A_519 = arith.constant 63 : i32
        %and3A_520 = vector.broadcast %and3A_519 : i32 to vector<16xi32>
        %and3A_521 = arith.andi %add3A_518, %and3A_520 : vector<16xi32>
        %gather3A_522 = tpu.vector_load_idx %arg11[%add3A_114, %and3A_521] : memref<80x64xi32, #tpu.memory_space<vmem>>[vector<16xi32>, vector<16xi32>], vector<16xi32>,
        %gather3A_523 = tpu.vector_load_idx %arg12[%add3A_114, %and3A_521] : memref<80x64xi32, #tpu.memory_space<vmem>>[vector<16xi32>, vector<16xi32>], vector<16xi32>,
        %bitcast3A_524 = vector.bitcast %gather3A_522 : vector<16xi32> to vector<32xbf16>
        %bitcast3A_525 = vector.bitcast %gather3A_523 : vector<16xi32> to vector<32xbf16>
        %mul3A_526 = arith.mulf %bitcast3A_524, %bitcast3A_525 : vector<32xbf16>
        %unpack3A_527 = tpu.unpack_subelements %mul3A_526, 0 {pack_format = #tpu.pack_format<interleaved>} : vector<32xbf16> -> vector<16xf32>
        %unpack3A_528 = tpu.unpack_subelements %mul3A_526, 1 {pack_format = #tpu.pack_format<interleaved>} : vector<32xbf16> -> vector<16xf32>
        %add3A_529 = arith.addf %add3A_469, %unpack3A_527 : vector<16xf32>
        %add3A_530 = arith.addf %add3A_470, %unpack3A_528 : vector<16xf32>
        %add3A_531 = arith.constant 27 : i32
        %add3A_532 = vector.broadcast %add3A_531 : i32 to vector<16xi32>
        %add3A_533 = arith.addi %iota3A_100, %add3A_532 : vector<16xi32>
        %and3A_534 = arith.constant 63 : i32
        %and3A_535 = vector.broadcast %and3A_534 : i32 to vector<16xi32>
        %and3A_536 = arith.andi %add3A_533, %and3A_535 : vector<16xi32>
        %gather3A_537 = tpu.vector_load_idx %arg11[%add3A_114, %and3A_536] : memref<80x64xi32, #tpu.memory_space<vmem>>[vector<16xi32>, vector<16xi32>], vector<16xi32>,
        %gather3A_538 = tpu.vector_load_idx %arg12[%add3A_114, %and3A_536] : memref<80x64xi32, #tpu.memory_space<vmem>>[vector<16xi32>, vector<16xi32>], vector<16xi32>,
        %bitcast3A_539 = vector.bitcast %gather3A_537 : vector<16xi32> to vector<32xbf16>
        %bitcast3A_540 = vector.bitcast %gather3A_538 : vector<16xi32> to vector<32xbf16>
        %mul3A_541 = arith.mulf %bitcast3A_539, %bitcast3A_540 : vector<32xbf16>
        %unpack3A_542 = tpu.unpack_subelements %mul3A_541, 0 {pack_format = #tpu.pack_format<interleaved>} : vector<32xbf16> -> vector<16xf32>
        %unpack3A_543 = tpu.unpack_subelements %mul3A_541, 1 {pack_format = #tpu.pack_format<interleaved>} : vector<32xbf16> -> vector<16xf32>
        %add3A_544 = arith.addf %add3A_484, %unpack3A_542 : vector<16xf32>
        %add3A_545 = arith.addf %add3A_485, %unpack3A_543 : vector<16xf32>
        %add3A_546 = arith.constant 28 : i32
        %add3A_547 = vector.broadcast %add3A_546 : i32 to vector<16xi32>
        %add3A_548 = arith.addi %iota3A_100, %add3A_547 : vector<16xi32>
        %and3A_549 = arith.constant 63 : i32
        %and3A_550 = vector.broadcast %and3A_549 : i32 to vector<16xi32>
        %and3A_551 = arith.andi %add3A_548, %and3A_550 : vector<16xi32>
        %gather3A_552 = tpu.vector_load_idx %arg11[%add3A_114, %and3A_551] : memref<80x64xi32, #tpu.memory_space<vmem>>[vector<16xi32>, vector<16xi32>], vector<16xi32>,
        %gather3A_553 = tpu.vector_load_idx %arg12[%add3A_114, %and3A_551] : memref<80x64xi32, #tpu.memory_space<vmem>>[vector<16xi32>, vector<16xi32>], vector<16xi32>,
        %bitcast3A_554 = vector.bitcast %gather3A_552 : vector<16xi32> to vector<32xbf16>
        %bitcast3A_555 = vector.bitcast %gather3A_553 : vector<16xi32> to vector<32xbf16>
        %mul3A_556 = arith.mulf %bitcast3A_554, %bitcast3A_555 : vector<32xbf16>
        %unpack3A_557 = tpu.unpack_subelements %mul3A_556, 0 {pack_format = #tpu.pack_format<interleaved>} : vector<32xbf16> -> vector<16xf32>
        %unpack3A_558 = tpu.unpack_subelements %mul3A_556, 1 {pack_format = #tpu.pack_format<interleaved>} : vector<32xbf16> -> vector<16xf32>
        %add3A_559 = arith.addf %add3A_499, %unpack3A_557 : vector<16xf32>
        %add3A_560 = arith.addf %add3A_500, %unpack3A_558 : vector<16xf32>
        %add3A_561 = arith.constant 29 : i32
        %add3A_562 = vector.broadcast %add3A_561 : i32 to vector<16xi32>
        %add3A_563 = arith.addi %iota3A_100, %add3A_562 : vector<16xi32>
        %and3A_564 = arith.constant 63 : i32
        %and3A_565 = vector.broadcast %and3A_564 : i32 to vector<16xi32>
        %and3A_566 = arith.andi %add3A_563, %and3A_565 : vector<16xi32>
        %gather3A_567 = tpu.vector_load_idx %arg11[%add3A_114, %and3A_566] : memref<80x64xi32, #tpu.memory_space<vmem>>[vector<16xi32>, vector<16xi32>], vector<16xi32>,
        %gather3A_568 = tpu.vector_load_idx %arg12[%add3A_114, %and3A_566] : memref<80x64xi32, #tpu.memory_space<vmem>>[vector<16xi32>, vector<16xi32>], vector<16xi32>,
        %bitcast3A_569 = vector.bitcast %gather3A_567 : vector<16xi32> to vector<32xbf16>
        %bitcast3A_570 = vector.bitcast %gather3A_568 : vector<16xi32> to vector<32xbf16>
        %mul3A_571 = arith.mulf %bitcast3A_569, %bitcast3A_570 : vector<32xbf16>
        %unpack3A_572 = tpu.unpack_subelements %mul3A_571, 0 {pack_format = #tpu.pack_format<interleaved>} : vector<32xbf16> -> vector<16xf32>
        %unpack3A_573 = tpu.unpack_subelements %mul3A_571, 1 {pack_format = #tpu.pack_format<interleaved>} : vector<32xbf16> -> vector<16xf32>
        %add3A_574 = arith.addf %add3A_514, %unpack3A_572 : vector<16xf32>
        %add3A_575 = arith.addf %add3A_515, %unpack3A_573 : vector<16xf32>
        %add3A_576 = arith.constant 30 : i32
        %add3A_577 = vector.broadcast %add3A_576 : i32 to vector<16xi32>
        %add3A_578 = arith.addi %iota3A_100, %add3A_577 : vector<16xi32>
        %and3A_579 = arith.constant 63 : i32
        %and3A_580 = vector.broadcast %and3A_579 : i32 to vector<16xi32>
        %and3A_581 = arith.andi %add3A_578, %and3A_580 : vector<16xi32>
        %gather3A_582 = tpu.vector_load_idx %arg11[%add3A_114, %and3A_581] : memref<80x64xi32, #tpu.memory_space<vmem>>[vector<16xi32>, vector<16xi32>], vector<16xi32>,
        %gather3A_583 = tpu.vector_load_idx %arg12[%add3A_114, %and3A_581] : memref<80x64xi32, #tpu.memory_space<vmem>>[vector<16xi32>, vector<16xi32>], vector<16xi32>,
        %bitcast3A_584 = vector.bitcast %gather3A_582 : vector<16xi32> to vector<32xbf16>
        %bitcast3A_585 = vector.bitcast %gather3A_583 : vector<16xi32> to vector<32xbf16>
        %mul3A_586 = arith.mulf %bitcast3A_584, %bitcast3A_585 : vector<32xbf16>
        %unpack3A_587 = tpu.unpack_subelements %mul3A_586, 0 {pack_format = #tpu.pack_format<interleaved>} : vector<32xbf16> -> vector<16xf32>
        %unpack3A_588 = tpu.unpack_subelements %mul3A_586, 1 {pack_format = #tpu.pack_format<interleaved>} : vector<32xbf16> -> vector<16xf32>
        %add3A_589 = arith.addf %add3A_529, %unpack3A_587 : vector<16xf32>
        %add3A_590 = arith.addf %add3A_530, %unpack3A_588 : vector<16xf32>
        %add3A_591 = arith.constant 31 : i32
        %add3A_592 = vector.broadcast %add3A_591 : i32 to vector<16xi32>
        %add3A_593 = arith.addi %iota3A_100, %add3A_592 : vector<16xi32>
        %and3A_594 = arith.constant 63 : i32
        %and3A_595 = vector.broadcast %and3A_594 : i32 to vector<16xi32>
        %and3A_596 = arith.andi %add3A_593, %and3A_595 : vector<16xi32>
        %gather3A_597 = tpu.vector_load_idx %arg11[%add3A_114, %and3A_596] : memref<80x64xi32, #tpu.memory_space<vmem>>[vector<16xi32>, vector<16xi32>], vector<16xi32>,
        %gather3A_598 = tpu.vector_load_idx %arg12[%add3A_114, %and3A_596] : memref<80x64xi32, #tpu.memory_space<vmem>>[vector<16xi32>, vector<16xi32>], vector<16xi32>,
        %bitcast3A_599 = vector.bitcast %gather3A_597 : vector<16xi32> to vector<32xbf16>
        %bitcast3A_600 = vector.bitcast %gather3A_598 : vector<16xi32> to vector<32xbf16>
        %mul3A_601 = arith.mulf %bitcast3A_599, %bitcast3A_600 : vector<32xbf16>
        %unpack3A_602 = tpu.unpack_subelements %mul3A_601, 0 {pack_format = #tpu.pack_format<interleaved>} : vector<32xbf16> -> vector<16xf32>
        %unpack3A_603 = tpu.unpack_subelements %mul3A_601, 1 {pack_format = #tpu.pack_format<interleaved>} : vector<32xbf16> -> vector<16xf32>
        %add3A_604 = arith.addf %add3A_544, %unpack3A_602 : vector<16xf32>
        %add3A_605 = arith.addf %add3A_545, %unpack3A_603 : vector<16xf32>
        %add3A_606 = arith.constant 32 : i32
        %add3A_607 = vector.broadcast %add3A_606 : i32 to vector<16xi32>
        %add3A_608 = arith.addi %iota3A_100, %add3A_607 : vector<16xi32>
        %and3A_609 = arith.constant 63 : i32
        %and3A_610 = vector.broadcast %and3A_609 : i32 to vector<16xi32>
        %and3A_611 = arith.andi %add3A_608, %and3A_610 : vector<16xi32>
        %gather3A_612 = tpu.vector_load_idx %arg11[%add3A_114, %and3A_611] : memref<80x64xi32, #tpu.memory_space<vmem>>[vector<16xi32>, vector<16xi32>], vector<16xi32>,
        %gather3A_613 = tpu.vector_load_idx %arg12[%add3A_114, %and3A_611] : memref<80x64xi32, #tpu.memory_space<vmem>>[vector<16xi32>, vector<16xi32>], vector<16xi32>,
        %bitcast3A_614 = vector.bitcast %gather3A_612 : vector<16xi32> to vector<32xbf16>
        %bitcast3A_615 = vector.bitcast %gather3A_613 : vector<16xi32> to vector<32xbf16>
        %mul3A_616 = arith.mulf %bitcast3A_614, %bitcast3A_615 : vector<32xbf16>
        %unpack3A_617 = tpu.unpack_subelements %mul3A_616, 0 {pack_format = #tpu.pack_format<interleaved>} : vector<32xbf16> -> vector<16xf32>
        %unpack3A_618 = tpu.unpack_subelements %mul3A_616, 1 {pack_format = #tpu.pack_format<interleaved>} : vector<32xbf16> -> vector<16xf32>
        %add3A_619 = arith.addf %add3A_559, %unpack3A_617 : vector<16xf32>
        %add3A_620 = arith.addf %add3A_560, %unpack3A_618 : vector<16xf32>
        %add3A_621 = arith.constant 33 : i32
        %add3A_622 = vector.broadcast %add3A_621 : i32 to vector<16xi32>
        %add3A_623 = arith.addi %iota3A_100, %add3A_622 : vector<16xi32>
        %and3A_624 = arith.constant 63 : i32
        %and3A_625 = vector.broadcast %and3A_624 : i32 to vector<16xi32>
        %and3A_626 = arith.andi %add3A_623, %and3A_625 : vector<16xi32>
        %gather3A_627 = tpu.vector_load_idx %arg11[%add3A_114, %and3A_626] : memref<80x64xi32, #tpu.memory_space<vmem>>[vector<16xi32>, vector<16xi32>], vector<16xi32>,
        %gather3A_628 = tpu.vector_load_idx %arg12[%add3A_114, %and3A_626] : memref<80x64xi32, #tpu.memory_space<vmem>>[vector<16xi32>, vector<16xi32>], vector<16xi32>,
        %bitcast3A_629 = vector.bitcast %gather3A_627 : vector<16xi32> to vector<32xbf16>
        %bitcast3A_630 = vector.bitcast %gather3A_628 : vector<16xi32> to vector<32xbf16>
        %mul3A_631 = arith.mulf %bitcast3A_629, %bitcast3A_630 : vector<32xbf16>
        %unpack3A_632 = tpu.unpack_subelements %mul3A_631, 0 {pack_format = #tpu.pack_format<interleaved>} : vector<32xbf16> -> vector<16xf32>
        %unpack3A_633 = tpu.unpack_subelements %mul3A_631, 1 {pack_format = #tpu.pack_format<interleaved>} : vector<32xbf16> -> vector<16xf32>
        %add3A_634 = arith.addf %add3A_574, %unpack3A_632 : vector<16xf32>
        %add3A_635 = arith.addf %add3A_575, %unpack3A_633 : vector<16xf32>
        %add3A_636 = arith.constant 34 : i32
        %add3A_637 = vector.broadcast %add3A_636 : i32 to vector<16xi32>
        %add3A_638 = arith.addi %iota3A_100, %add3A_637 : vector<16xi32>
        %and3A_639 = arith.constant 63 : i32
        %and3A_640 = vector.broadcast %and3A_639 : i32 to vector<16xi32>
        %and3A_641 = arith.andi %add3A_638, %and3A_640 : vector<16xi32>
        %gather3A_642 = tpu.vector_load_idx %arg11[%add3A_114, %and3A_641] : memref<80x64xi32, #tpu.memory_space<vmem>>[vector<16xi32>, vector<16xi32>], vector<16xi32>,
        %gather3A_643 = tpu.vector_load_idx %arg12[%add3A_114, %and3A_641] : memref<80x64xi32, #tpu.memory_space<vmem>>[vector<16xi32>, vector<16xi32>], vector<16xi32>,
        %bitcast3A_644 = vector.bitcast %gather3A_642 : vector<16xi32> to vector<32xbf16>
        %bitcast3A_645 = vector.bitcast %gather3A_643 : vector<16xi32> to vector<32xbf16>
        %mul3A_646 = arith.mulf %bitcast3A_644, %bitcast3A_645 : vector<32xbf16>
        %unpack3A_647 = tpu.unpack_subelements %mul3A_646, 0 {pack_format = #tpu.pack_format<interleaved>} : vector<32xbf16> -> vector<16xf32>
        %unpack3A_648 = tpu.unpack_subelements %mul3A_646, 1 {pack_format = #tpu.pack_format<interleaved>} : vector<32xbf16> -> vector<16xf32>
        %add3A_649 = arith.addf %add3A_589, %unpack3A_647 : vector<16xf32>
        %add3A_650 = arith.addf %add3A_590, %unpack3A_648 : vector<16xf32>
        %add3A_651 = arith.constant 35 : i32
        %add3A_652 = vector.broadcast %add3A_651 : i32 to vector<16xi32>
        %add3A_653 = arith.addi %iota3A_100, %add3A_652 : vector<16xi32>
        %and3A_654 = arith.constant 63 : i32
        %and3A_655 = vector.broadcast %and3A_654 : i32 to vector<16xi32>
        %and3A_656 = arith.andi %add3A_653, %and3A_655 : vector<16xi32>
        %gather3A_657 = tpu.vector_load_idx %arg11[%add3A_114, %and3A_656] : memref<80x64xi32, #tpu.memory_space<vmem>>[vector<16xi32>, vector<16xi32>], vector<16xi32>,
        %gather3A_658 = tpu.vector_load_idx %arg12[%add3A_114, %and3A_656] : memref<80x64xi32, #tpu.memory_space<vmem>>[vector<16xi32>, vector<16xi32>], vector<16xi32>,
        %bitcast3A_659 = vector.bitcast %gather3A_657 : vector<16xi32> to vector<32xbf16>
        %bitcast3A_660 = vector.bitcast %gather3A_658 : vector<16xi32> to vector<32xbf16>
        %mul3A_661 = arith.mulf %bitcast3A_659, %bitcast3A_660 : vector<32xbf16>
        %unpack3A_662 = tpu.unpack_subelements %mul3A_661, 0 {pack_format = #tpu.pack_format<interleaved>} : vector<32xbf16> -> vector<16xf32>
        %unpack3A_663 = tpu.unpack_subelements %mul3A_661, 1 {pack_format = #tpu.pack_format<interleaved>} : vector<32xbf16> -> vector<16xf32>
        %add3A_664 = arith.addf %add3A_604, %unpack3A_662 : vector<16xf32>
        %add3A_665 = arith.addf %add3A_605, %unpack3A_663 : vector<16xf32>
        %add3A_666 = arith.constant 36 : i32
        %add3A_667 = vector.broadcast %add3A_666 : i32 to vector<16xi32>
        %add3A_668 = arith.addi %iota3A_100, %add3A_667 : vector<16xi32>
        %and3A_669 = arith.constant 63 : i32
        %and3A_670 = vector.broadcast %and3A_669 : i32 to vector<16xi32>
        %and3A_671 = arith.andi %add3A_668, %and3A_670 : vector<16xi32>
        %gather3A_672 = tpu.vector_load_idx %arg11[%add3A_114, %and3A_671] : memref<80x64xi32, #tpu.memory_space<vmem>>[vector<16xi32>, vector<16xi32>], vector<16xi32>,
        %gather3A_673 = tpu.vector_load_idx %arg12[%add3A_114, %and3A_671] : memref<80x64xi32, #tpu.memory_space<vmem>>[vector<16xi32>, vector<16xi32>], vector<16xi32>,
        %bitcast3A_674 = vector.bitcast %gather3A_672 : vector<16xi32> to vector<32xbf16>
        %bitcast3A_675 = vector.bitcast %gather3A_673 : vector<16xi32> to vector<32xbf16>
        %mul3A_676 = arith.mulf %bitcast3A_674, %bitcast3A_675 : vector<32xbf16>
        %unpack3A_677 = tpu.unpack_subelements %mul3A_676, 0 {pack_format = #tpu.pack_format<interleaved>} : vector<32xbf16> -> vector<16xf32>
        %unpack3A_678 = tpu.unpack_subelements %mul3A_676, 1 {pack_format = #tpu.pack_format<interleaved>} : vector<32xbf16> -> vector<16xf32>
        %add3A_679 = arith.addf %add3A_619, %unpack3A_677 : vector<16xf32>
        %add3A_680 = arith.addf %add3A_620, %unpack3A_678 : vector<16xf32>
        %add3A_681 = arith.constant 37 : i32
        %add3A_682 = vector.broadcast %add3A_681 : i32 to vector<16xi32>
        %add3A_683 = arith.addi %iota3A_100, %add3A_682 : vector<16xi32>
        %and3A_684 = arith.constant 63 : i32
        %and3A_685 = vector.broadcast %and3A_684 : i32 to vector<16xi32>
        %and3A_686 = arith.andi %add3A_683, %and3A_685 : vector<16xi32>
        %gather3A_687 = tpu.vector_load_idx %arg11[%add3A_114, %and3A_686] : memref<80x64xi32, #tpu.memory_space<vmem>>[vector<16xi32>, vector<16xi32>], vector<16xi32>,
        %gather3A_688 = tpu.vector_load_idx %arg12[%add3A_114, %and3A_686] : memref<80x64xi32, #tpu.memory_space<vmem>>[vector<16xi32>, vector<16xi32>], vector<16xi32>,
        %bitcast3A_689 = vector.bitcast %gather3A_687 : vector<16xi32> to vector<32xbf16>
        %bitcast3A_690 = vector.bitcast %gather3A_688 : vector<16xi32> to vector<32xbf16>
        %mul3A_691 = arith.mulf %bitcast3A_689, %bitcast3A_690 : vector<32xbf16>
        %unpack3A_692 = tpu.unpack_subelements %mul3A_691, 0 {pack_format = #tpu.pack_format<interleaved>} : vector<32xbf16> -> vector<16xf32>
        %unpack3A_693 = tpu.unpack_subelements %mul3A_691, 1 {pack_format = #tpu.pack_format<interleaved>} : vector<32xbf16> -> vector<16xf32>
        %add3A_694 = arith.addf %add3A_634, %unpack3A_692 : vector<16xf32>
        %add3A_695 = arith.addf %add3A_635, %unpack3A_693 : vector<16xf32>
        %add3A_696 = arith.constant 38 : i32
        %add3A_697 = vector.broadcast %add3A_696 : i32 to vector<16xi32>
        %add3A_698 = arith.addi %iota3A_100, %add3A_697 : vector<16xi32>
        %and3A_699 = arith.constant 63 : i32
        %and3A_700 = vector.broadcast %and3A_699 : i32 to vector<16xi32>
        %and3A_701 = arith.andi %add3A_698, %and3A_700 : vector<16xi32>
        %gather3A_702 = tpu.vector_load_idx %arg11[%add3A_114, %and3A_701] : memref<80x64xi32, #tpu.memory_space<vmem>>[vector<16xi32>, vector<16xi32>], vector<16xi32>,
        %gather3A_703 = tpu.vector_load_idx %arg12[%add3A_114, %and3A_701] : memref<80x64xi32, #tpu.memory_space<vmem>>[vector<16xi32>, vector<16xi32>], vector<16xi32>,
        %bitcast3A_704 = vector.bitcast %gather3A_702 : vector<16xi32> to vector<32xbf16>
        %bitcast3A_705 = vector.bitcast %gather3A_703 : vector<16xi32> to vector<32xbf16>
        %mul3A_706 = arith.mulf %bitcast3A_704, %bitcast3A_705 : vector<32xbf16>
        %unpack3A_707 = tpu.unpack_subelements %mul3A_706, 0 {pack_format = #tpu.pack_format<interleaved>} : vector<32xbf16> -> vector<16xf32>
        %unpack3A_708 = tpu.unpack_subelements %mul3A_706, 1 {pack_format = #tpu.pack_format<interleaved>} : vector<32xbf16> -> vector<16xf32>
        %add3A_709 = arith.addf %add3A_649, %unpack3A_707 : vector<16xf32>
        %add3A_710 = arith.addf %add3A_650, %unpack3A_708 : vector<16xf32>
        %add3A_711 = arith.constant 39 : i32
        %add3A_712 = vector.broadcast %add3A_711 : i32 to vector<16xi32>
        %add3A_713 = arith.addi %iota3A_100, %add3A_712 : vector<16xi32>
        %and3A_714 = arith.constant 63 : i32
        %and3A_715 = vector.broadcast %and3A_714 : i32 to vector<16xi32>
        %and3A_716 = arith.andi %add3A_713, %and3A_715 : vector<16xi32>
        %gather3A_717 = tpu.vector_load_idx %arg11[%add3A_114, %and3A_716] : memref<80x64xi32, #tpu.memory_space<vmem>>[vector<16xi32>, vector<16xi32>], vector<16xi32>,
        %gather3A_718 = tpu.vector_load_idx %arg12[%add3A_114, %and3A_716] : memref<80x64xi32, #tpu.memory_space<vmem>>[vector<16xi32>, vector<16xi32>], vector<16xi32>,
        %bitcast3A_719 = vector.bitcast %gather3A_717 : vector<16xi32> to vector<32xbf16>
        %bitcast3A_720 = vector.bitcast %gather3A_718 : vector<16xi32> to vector<32xbf16>
        %mul3A_721 = arith.mulf %bitcast3A_719, %bitcast3A_720 : vector<32xbf16>
        %unpack3A_722 = tpu.unpack_subelements %mul3A_721, 0 {pack_format = #tpu.pack_format<interleaved>} : vector<32xbf16> -> vector<16xf32>
        %unpack3A_723 = tpu.unpack_subelements %mul3A_721, 1 {pack_format = #tpu.pack_format<interleaved>} : vector<32xbf16> -> vector<16xf32>
        %add3A_724 = arith.addf %add3A_664, %unpack3A_722 : vector<16xf32>
        %add3A_725 = arith.addf %add3A_665, %unpack3A_723 : vector<16xf32>
        %add3A_726 = arith.constant 40 : i32
        %add3A_727 = vector.broadcast %add3A_726 : i32 to vector<16xi32>
        %add3A_728 = arith.addi %iota3A_100, %add3A_727 : vector<16xi32>
        %and3A_729 = arith.constant 63 : i32
        %and3A_730 = vector.broadcast %and3A_729 : i32 to vector<16xi32>
        %and3A_731 = arith.andi %add3A_728, %and3A_730 : vector<16xi32>
        %gather3A_732 = tpu.vector_load_idx %arg11[%add3A_114, %and3A_731] : memref<80x64xi32, #tpu.memory_space<vmem>>[vector<16xi32>, vector<16xi32>], vector<16xi32>,
        %gather3A_733 = tpu.vector_load_idx %arg12[%add3A_114, %and3A_731] : memref<80x64xi32, #tpu.memory_space<vmem>>[vector<16xi32>, vector<16xi32>], vector<16xi32>,
        %bitcast3A_734 = vector.bitcast %gather3A_732 : vector<16xi32> to vector<32xbf16>
        %bitcast3A_735 = vector.bitcast %gather3A_733 : vector<16xi32> to vector<32xbf16>
        %mul3A_736 = arith.mulf %bitcast3A_734, %bitcast3A_735 : vector<32xbf16>
        %unpack3A_737 = tpu.unpack_subelements %mul3A_736, 0 {pack_format = #tpu.pack_format<interleaved>} : vector<32xbf16> -> vector<16xf32>
        %unpack3A_738 = tpu.unpack_subelements %mul3A_736, 1 {pack_format = #tpu.pack_format<interleaved>} : vector<32xbf16> -> vector<16xf32>
        %add3A_739 = arith.addf %add3A_679, %unpack3A_737 : vector<16xf32>
        %add3A_740 = arith.addf %add3A_680, %unpack3A_738 : vector<16xf32>
        %add3A_741 = arith.constant 41 : i32
        %add3A_742 = vector.broadcast %add3A_741 : i32 to vector<16xi32>
        %add3A_743 = arith.addi %iota3A_100, %add3A_742 : vector<16xi32>
        %and3A_744 = arith.constant 63 : i32
        %and3A_745 = vector.broadcast %and3A_744 : i32 to vector<16xi32>
        %and3A_746 = arith.andi %add3A_743, %and3A_745 : vector<16xi32>
        %gather3A_747 = tpu.vector_load_idx %arg11[%add3A_114, %and3A_746] : memref<80x64xi32, #tpu.memory_space<vmem>>[vector<16xi32>, vector<16xi32>], vector<16xi32>,
        %gather3A_748 = tpu.vector_load_idx %arg12[%add3A_114, %and3A_746] : memref<80x64xi32, #tpu.memory_space<vmem>>[vector<16xi32>, vector<16xi32>], vector<16xi32>,
        %bitcast3A_749 = vector.bitcast %gather3A_747 : vector<16xi32> to vector<32xbf16>
        %bitcast3A_750 = vector.bitcast %gather3A_748 : vector<16xi32> to vector<32xbf16>
        %mul3A_751 = arith.mulf %bitcast3A_749, %bitcast3A_750 : vector<32xbf16>
        %unpack3A_752 = tpu.unpack_subelements %mul3A_751, 0 {pack_format = #tpu.pack_format<interleaved>} : vector<32xbf16> -> vector<16xf32>
        %unpack3A_753 = tpu.unpack_subelements %mul3A_751, 1 {pack_format = #tpu.pack_format<interleaved>} : vector<32xbf16> -> vector<16xf32>
        %add3A_754 = arith.addf %add3A_694, %unpack3A_752 : vector<16xf32>
        %add3A_755 = arith.addf %add3A_695, %unpack3A_753 : vector<16xf32>
        %add3A_756 = arith.constant 42 : i32
        %add3A_757 = vector.broadcast %add3A_756 : i32 to vector<16xi32>
        %add3A_758 = arith.addi %iota3A_100, %add3A_757 : vector<16xi32>
        %and3A_759 = arith.constant 63 : i32
        %and3A_760 = vector.broadcast %and3A_759 : i32 to vector<16xi32>
        %and3A_761 = arith.andi %add3A_758, %and3A_760 : vector<16xi32>
        %gather3A_762 = tpu.vector_load_idx %arg11[%add3A_114, %and3A_761] : memref<80x64xi32, #tpu.memory_space<vmem>>[vector<16xi32>, vector<16xi32>], vector<16xi32>,
        %gather3A_763 = tpu.vector_load_idx %arg12[%add3A_114, %and3A_761] : memref<80x64xi32, #tpu.memory_space<vmem>>[vector<16xi32>, vector<16xi32>], vector<16xi32>,
        %bitcast3A_764 = vector.bitcast %gather3A_762 : vector<16xi32> to vector<32xbf16>
        %bitcast3A_765 = vector.bitcast %gather3A_763 : vector<16xi32> to vector<32xbf16>
        %mul3A_766 = arith.mulf %bitcast3A_764, %bitcast3A_765 : vector<32xbf16>
        %unpack3A_767 = tpu.unpack_subelements %mul3A_766, 0 {pack_format = #tpu.pack_format<interleaved>} : vector<32xbf16> -> vector<16xf32>
        %unpack3A_768 = tpu.unpack_subelements %mul3A_766, 1 {pack_format = #tpu.pack_format<interleaved>} : vector<32xbf16> -> vector<16xf32>
        %add3A_769 = arith.addf %add3A_709, %unpack3A_767 : vector<16xf32>
        %add3A_770 = arith.addf %add3A_710, %unpack3A_768 : vector<16xf32>
        %add3A_771 = arith.constant 43 : i32
        %add3A_772 = vector.broadcast %add3A_771 : i32 to vector<16xi32>
        %add3A_773 = arith.addi %iota3A_100, %add3A_772 : vector<16xi32>
        %and3A_774 = arith.constant 63 : i32
        %and3A_775 = vector.broadcast %and3A_774 : i32 to vector<16xi32>
        %and3A_776 = arith.andi %add3A_773, %and3A_775 : vector<16xi32>
        %gather3A_777 = tpu.vector_load_idx %arg11[%add3A_114, %and3A_776] : memref<80x64xi32, #tpu.memory_space<vmem>>[vector<16xi32>, vector<16xi32>], vector<16xi32>,
        %gather3A_778 = tpu.vector_load_idx %arg12[%add3A_114, %and3A_776] : memref<80x64xi32, #tpu.memory_space<vmem>>[vector<16xi32>, vector<16xi32>], vector<16xi32>,
        %bitcast3A_779 = vector.bitcast %gather3A_777 : vector<16xi32> to vector<32xbf16>
        %bitcast3A_780 = vector.bitcast %gather3A_778 : vector<16xi32> to vector<32xbf16>
        %mul3A_781 = arith.mulf %bitcast3A_779, %bitcast3A_780 : vector<32xbf16>
        %unpack3A_782 = tpu.unpack_subelements %mul3A_781, 0 {pack_format = #tpu.pack_format<interleaved>} : vector<32xbf16> -> vector<16xf32>
        %unpack3A_783 = tpu.unpack_subelements %mul3A_781, 1 {pack_format = #tpu.pack_format<interleaved>} : vector<32xbf16> -> vector<16xf32>
        %add3A_784 = arith.addf %add3A_724, %unpack3A_782 : vector<16xf32>
        %add3A_785 = arith.addf %add3A_725, %unpack3A_783 : vector<16xf32>
        %add3A_786 = arith.constant 44 : i32
        %add3A_787 = vector.broadcast %add3A_786 : i32 to vector<16xi32>
        %add3A_788 = arith.addi %iota3A_100, %add3A_787 : vector<16xi32>
        %and3A_789 = arith.constant 63 : i32
        %and3A_790 = vector.broadcast %and3A_789 : i32 to vector<16xi32>
        %and3A_791 = arith.andi %add3A_788, %and3A_790 : vector<16xi32>
        %gather3A_792 = tpu.vector_load_idx %arg11[%add3A_114, %and3A_791] : memref<80x64xi32, #tpu.memory_space<vmem>>[vector<16xi32>, vector<16xi32>], vector<16xi32>,
        %gather3A_793 = tpu.vector_load_idx %arg12[%add3A_114, %and3A_791] : memref<80x64xi32, #tpu.memory_space<vmem>>[vector<16xi32>, vector<16xi32>], vector<16xi32>,
        %bitcast3A_794 = vector.bitcast %gather3A_792 : vector<16xi32> to vector<32xbf16>
        %bitcast3A_795 = vector.bitcast %gather3A_793 : vector<16xi32> to vector<32xbf16>
        %mul3A_796 = arith.mulf %bitcast3A_794, %bitcast3A_795 : vector<32xbf16>
        %unpack3A_797 = tpu.unpack_subelements %mul3A_796, 0 {pack_format = #tpu.pack_format<interleaved>} : vector<32xbf16> -> vector<16xf32>
        %unpack3A_798 = tpu.unpack_subelements %mul3A_796, 1 {pack_format = #tpu.pack_format<interleaved>} : vector<32xbf16> -> vector<16xf32>
        %add3A_799 = arith.addf %add3A_739, %unpack3A_797 : vector<16xf32>
        %add3A_800 = arith.addf %add3A_740, %unpack3A_798 : vector<16xf32>
        %add3A_801 = arith.constant 45 : i32
        %add3A_802 = vector.broadcast %add3A_801 : i32 to vector<16xi32>
        %add3A_803 = arith.addi %iota3A_100, %add3A_802 : vector<16xi32>
        %and3A_804 = arith.constant 63 : i32
        %and3A_805 = vector.broadcast %and3A_804 : i32 to vector<16xi32>
        %and3A_806 = arith.andi %add3A_803, %and3A_805 : vector<16xi32>
        %gather3A_807 = tpu.vector_load_idx %arg11[%add3A_114, %and3A_806] : memref<80x64xi32, #tpu.memory_space<vmem>>[vector<16xi32>, vector<16xi32>], vector<16xi32>,
        %gather3A_808 = tpu.vector_load_idx %arg12[%add3A_114, %and3A_806] : memref<80x64xi32, #tpu.memory_space<vmem>>[vector<16xi32>, vector<16xi32>], vector<16xi32>,
        %bitcast3A_809 = vector.bitcast %gather3A_807 : vector<16xi32> to vector<32xbf16>
        %bitcast3A_810 = vector.bitcast %gather3A_808 : vector<16xi32> to vector<32xbf16>
        %mul3A_811 = arith.mulf %bitcast3A_809, %bitcast3A_810 : vector<32xbf16>
        %unpack3A_812 = tpu.unpack_subelements %mul3A_811, 0 {pack_format = #tpu.pack_format<interleaved>} : vector<32xbf16> -> vector<16xf32>
        %unpack3A_813 = tpu.unpack_subelements %mul3A_811, 1 {pack_format = #tpu.pack_format<interleaved>} : vector<32xbf16> -> vector<16xf32>
        %add3A_814 = arith.addf %add3A_754, %unpack3A_812 : vector<16xf32>
        %add3A_815 = arith.addf %add3A_755, %unpack3A_813 : vector<16xf32>
        %add3A_816 = arith.constant 46 : i32
        %add3A_817 = vector.broadcast %add3A_816 : i32 to vector<16xi32>
        %add3A_818 = arith.addi %iota3A_100, %add3A_817 : vector<16xi32>
        %and3A_819 = arith.constant 63 : i32
        %and3A_820 = vector.broadcast %and3A_819 : i32 to vector<16xi32>
        %and3A_821 = arith.andi %add3A_818, %and3A_820 : vector<16xi32>
        %gather3A_822 = tpu.vector_load_idx %arg11[%add3A_114, %and3A_821] : memref<80x64xi32, #tpu.memory_space<vmem>>[vector<16xi32>, vector<16xi32>], vector<16xi32>,
        %gather3A_823 = tpu.vector_load_idx %arg12[%add3A_114, %and3A_821] : memref<80x64xi32, #tpu.memory_space<vmem>>[vector<16xi32>, vector<16xi32>], vector<16xi32>,
        %bitcast3A_824 = vector.bitcast %gather3A_822 : vector<16xi32> to vector<32xbf16>
        %bitcast3A_825 = vector.bitcast %gather3A_823 : vector<16xi32> to vector<32xbf16>
        %mul3A_826 = arith.mulf %bitcast3A_824, %bitcast3A_825 : vector<32xbf16>
        %unpack3A_827 = tpu.unpack_subelements %mul3A_826, 0 {pack_format = #tpu.pack_format<interleaved>} : vector<32xbf16> -> vector<16xf32>
        %unpack3A_828 = tpu.unpack_subelements %mul3A_826, 1 {pack_format = #tpu.pack_format<interleaved>} : vector<32xbf16> -> vector<16xf32>
        %add3A_829 = arith.addf %add3A_769, %unpack3A_827 : vector<16xf32>
        %add3A_830 = arith.addf %add3A_770, %unpack3A_828 : vector<16xf32>
        %add3A_831 = arith.constant 47 : i32
        %add3A_832 = vector.broadcast %add3A_831 : i32 to vector<16xi32>
        %add3A_833 = arith.addi %iota3A_100, %add3A_832 : vector<16xi32>
        %and3A_834 = arith.constant 63 : i32
        %and3A_835 = vector.broadcast %and3A_834 : i32 to vector<16xi32>
        %and3A_836 = arith.andi %add3A_833, %and3A_835 : vector<16xi32>
        %gather3A_837 = tpu.vector_load_idx %arg11[%add3A_114, %and3A_836] : memref<80x64xi32, #tpu.memory_space<vmem>>[vector<16xi32>, vector<16xi32>], vector<16xi32>,
        %gather3A_838 = tpu.vector_load_idx %arg12[%add3A_114, %and3A_836] : memref<80x64xi32, #tpu.memory_space<vmem>>[vector<16xi32>, vector<16xi32>], vector<16xi32>,
        %bitcast3A_839 = vector.bitcast %gather3A_837 : vector<16xi32> to vector<32xbf16>
        %bitcast3A_840 = vector.bitcast %gather3A_838 : vector<16xi32> to vector<32xbf16>
        %mul3A_841 = arith.mulf %bitcast3A_839, %bitcast3A_840 : vector<32xbf16>
        %unpack3A_842 = tpu.unpack_subelements %mul3A_841, 0 {pack_format = #tpu.pack_format<interleaved>} : vector<32xbf16> -> vector<16xf32>
        %unpack3A_843 = tpu.unpack_subelements %mul3A_841, 1 {pack_format = #tpu.pack_format<interleaved>} : vector<32xbf16> -> vector<16xf32>
        %add3A_844 = arith.addf %add3A_784, %unpack3A_842 : vector<16xf32>
        %add3A_845 = arith.addf %add3A_785, %unpack3A_843 : vector<16xf32>
        %add3A_846 = arith.constant 48 : i32
        %add3A_847 = vector.broadcast %add3A_846 : i32 to vector<16xi32>
        %add3A_848 = arith.addi %iota3A_100, %add3A_847 : vector<16xi32>
        %and3A_849 = arith.constant 63 : i32
        %and3A_850 = vector.broadcast %and3A_849 : i32 to vector<16xi32>
        %and3A_851 = arith.andi %add3A_848, %and3A_850 : vector<16xi32>
        %gather3A_852 = tpu.vector_load_idx %arg11[%add3A_114, %and3A_851] : memref<80x64xi32, #tpu.memory_space<vmem>>[vector<16xi32>, vector<16xi32>], vector<16xi32>,
        %gather3A_853 = tpu.vector_load_idx %arg12[%add3A_114, %and3A_851] : memref<80x64xi32, #tpu.memory_space<vmem>>[vector<16xi32>, vector<16xi32>], vector<16xi32>,
        %bitcast3A_854 = vector.bitcast %gather3A_852 : vector<16xi32> to vector<32xbf16>
        %bitcast3A_855 = vector.bitcast %gather3A_853 : vector<16xi32> to vector<32xbf16>
        %mul3A_856 = arith.mulf %bitcast3A_854, %bitcast3A_855 : vector<32xbf16>
        %unpack3A_857 = tpu.unpack_subelements %mul3A_856, 0 {pack_format = #tpu.pack_format<interleaved>} : vector<32xbf16> -> vector<16xf32>
        %unpack3A_858 = tpu.unpack_subelements %mul3A_856, 1 {pack_format = #tpu.pack_format<interleaved>} : vector<32xbf16> -> vector<16xf32>
        %add3A_859 = arith.addf %add3A_799, %unpack3A_857 : vector<16xf32>
        %add3A_860 = arith.addf %add3A_800, %unpack3A_858 : vector<16xf32>
        %add3A_861 = arith.constant 49 : i32
        %add3A_862 = vector.broadcast %add3A_861 : i32 to vector<16xi32>
        %add3A_863 = arith.addi %iota3A_100, %add3A_862 : vector<16xi32>
        %and3A_864 = arith.constant 63 : i32
        %and3A_865 = vector.broadcast %and3A_864 : i32 to vector<16xi32>
        %and3A_866 = arith.andi %add3A_863, %and3A_865 : vector<16xi32>
        %gather3A_867 = tpu.vector_load_idx %arg11[%add3A_114, %and3A_866] : memref<80x64xi32, #tpu.memory_space<vmem>>[vector<16xi32>, vector<16xi32>], vector<16xi32>,
        %gather3A_868 = tpu.vector_load_idx %arg12[%add3A_114, %and3A_866] : memref<80x64xi32, #tpu.memory_space<vmem>>[vector<16xi32>, vector<16xi32>], vector<16xi32>,
        %bitcast3A_869 = vector.bitcast %gather3A_867 : vector<16xi32> to vector<32xbf16>
        %bitcast3A_870 = vector.bitcast %gather3A_868 : vector<16xi32> to vector<32xbf16>
        %mul3A_871 = arith.mulf %bitcast3A_869, %bitcast3A_870 : vector<32xbf16>
        %unpack3A_872 = tpu.unpack_subelements %mul3A_871, 0 {pack_format = #tpu.pack_format<interleaved>} : vector<32xbf16> -> vector<16xf32>
        %unpack3A_873 = tpu.unpack_subelements %mul3A_871, 1 {pack_format = #tpu.pack_format<interleaved>} : vector<32xbf16> -> vector<16xf32>
        %add3A_874 = arith.addf %add3A_814, %unpack3A_872 : vector<16xf32>
        %add3A_875 = arith.addf %add3A_815, %unpack3A_873 : vector<16xf32>
        %add3A_876 = arith.constant 50 : i32
        %add3A_877 = vector.broadcast %add3A_876 : i32 to vector<16xi32>
        %add3A_878 = arith.addi %iota3A_100, %add3A_877 : vector<16xi32>
        %and3A_879 = arith.constant 63 : i32
        %and3A_880 = vector.broadcast %and3A_879 : i32 to vector<16xi32>
        %and3A_881 = arith.andi %add3A_878, %and3A_880 : vector<16xi32>
        %gather3A_882 = tpu.vector_load_idx %arg11[%add3A_114, %and3A_881] : memref<80x64xi32, #tpu.memory_space<vmem>>[vector<16xi32>, vector<16xi32>], vector<16xi32>,
        %gather3A_883 = tpu.vector_load_idx %arg12[%add3A_114, %and3A_881] : memref<80x64xi32, #tpu.memory_space<vmem>>[vector<16xi32>, vector<16xi32>], vector<16xi32>,
        %bitcast3A_884 = vector.bitcast %gather3A_882 : vector<16xi32> to vector<32xbf16>
        %bitcast3A_885 = vector.bitcast %gather3A_883 : vector<16xi32> to vector<32xbf16>
        %mul3A_886 = arith.mulf %bitcast3A_884, %bitcast3A_885 : vector<32xbf16>
        %unpack3A_887 = tpu.unpack_subelements %mul3A_886, 0 {pack_format = #tpu.pack_format<interleaved>} : vector<32xbf16> -> vector<16xf32>
        %unpack3A_888 = tpu.unpack_subelements %mul3A_886, 1 {pack_format = #tpu.pack_format<interleaved>} : vector<32xbf16> -> vector<16xf32>
        %add3A_889 = arith.addf %add3A_829, %unpack3A_887 : vector<16xf32>
        %add3A_890 = arith.addf %add3A_830, %unpack3A_888 : vector<16xf32>
        %add3A_891 = arith.constant 51 : i32
        %add3A_892 = vector.broadcast %add3A_891 : i32 to vector<16xi32>
        %add3A_893 = arith.addi %iota3A_100, %add3A_892 : vector<16xi32>
        %and3A_894 = arith.constant 63 : i32
        %and3A_895 = vector.broadcast %and3A_894 : i32 to vector<16xi32>
        %and3A_896 = arith.andi %add3A_893, %and3A_895 : vector<16xi32>
        %gather3A_897 = tpu.vector_load_idx %arg11[%add3A_114, %and3A_896] : memref<80x64xi32, #tpu.memory_space<vmem>>[vector<16xi32>, vector<16xi32>], vector<16xi32>,
        %gather3A_898 = tpu.vector_load_idx %arg12[%add3A_114, %and3A_896] : memref<80x64xi32, #tpu.memory_space<vmem>>[vector<16xi32>, vector<16xi32>], vector<16xi32>,
        %bitcast3A_899 = vector.bitcast %gather3A_897 : vector<16xi32> to vector<32xbf16>
        %bitcast3A_900 = vector.bitcast %gather3A_898 : vector<16xi32> to vector<32xbf16>
        %mul3A_901 = arith.mulf %bitcast3A_899, %bitcast3A_900 : vector<32xbf16>
        %unpack3A_902 = tpu.unpack_subelements %mul3A_901, 0 {pack_format = #tpu.pack_format<interleaved>} : vector<32xbf16> -> vector<16xf32>
        %unpack3A_903 = tpu.unpack_subelements %mul3A_901, 1 {pack_format = #tpu.pack_format<interleaved>} : vector<32xbf16> -> vector<16xf32>
        %add3A_904 = arith.addf %add3A_844, %unpack3A_902 : vector<16xf32>
        %add3A_905 = arith.addf %add3A_845, %unpack3A_903 : vector<16xf32>
        %add3A_906 = arith.constant 52 : i32
        %add3A_907 = vector.broadcast %add3A_906 : i32 to vector<16xi32>
        %add3A_908 = arith.addi %iota3A_100, %add3A_907 : vector<16xi32>
        %and3A_909 = arith.constant 63 : i32
        %and3A_910 = vector.broadcast %and3A_909 : i32 to vector<16xi32>
        %and3A_911 = arith.andi %add3A_908, %and3A_910 : vector<16xi32>
        %gather3A_912 = tpu.vector_load_idx %arg11[%add3A_114, %and3A_911] : memref<80x64xi32, #tpu.memory_space<vmem>>[vector<16xi32>, vector<16xi32>], vector<16xi32>,
        %gather3A_913 = tpu.vector_load_idx %arg12[%add3A_114, %and3A_911] : memref<80x64xi32, #tpu.memory_space<vmem>>[vector<16xi32>, vector<16xi32>], vector<16xi32>,
        %bitcast3A_914 = vector.bitcast %gather3A_912 : vector<16xi32> to vector<32xbf16>
        %bitcast3A_915 = vector.bitcast %gather3A_913 : vector<16xi32> to vector<32xbf16>
        %mul3A_916 = arith.mulf %bitcast3A_914, %bitcast3A_915 : vector<32xbf16>
        %unpack3A_917 = tpu.unpack_subelements %mul3A_916, 0 {pack_format = #tpu.pack_format<interleaved>} : vector<32xbf16> -> vector<16xf32>
        %unpack3A_918 = tpu.unpack_subelements %mul3A_916, 1 {pack_format = #tpu.pack_format<interleaved>} : vector<32xbf16> -> vector<16xf32>
        %add3A_919 = arith.addf %add3A_859, %unpack3A_917 : vector<16xf32>
        %add3A_920 = arith.addf %add3A_860, %unpack3A_918 : vector<16xf32>
        %add3A_921 = arith.constant 53 : i32
        %add3A_922 = vector.broadcast %add3A_921 : i32 to vector<16xi32>
        %add3A_923 = arith.addi %iota3A_100, %add3A_922 : vector<16xi32>
        %and3A_924 = arith.constant 63 : i32
        %and3A_925 = vector.broadcast %and3A_924 : i32 to vector<16xi32>
        %and3A_926 = arith.andi %add3A_923, %and3A_925 : vector<16xi32>
        %gather3A_927 = tpu.vector_load_idx %arg11[%add3A_114, %and3A_926] : memref<80x64xi32, #tpu.memory_space<vmem>>[vector<16xi32>, vector<16xi32>], vector<16xi32>,
        %gather3A_928 = tpu.vector_load_idx %arg12[%add3A_114, %and3A_926] : memref<80x64xi32, #tpu.memory_space<vmem>>[vector<16xi32>, vector<16xi32>], vector<16xi32>,
        %bitcast3A_929 = vector.bitcast %gather3A_927 : vector<16xi32> to vector<32xbf16>
        %bitcast3A_930 = vector.bitcast %gather3A_928 : vector<16xi32> to vector<32xbf16>
        %mul3A_931 = arith.mulf %bitcast3A_929, %bitcast3A_930 : vector<32xbf16>
        %unpack3A_932 = tpu.unpack_subelements %mul3A_931, 0 {pack_format = #tpu.pack_format<interleaved>} : vector<32xbf16> -> vector<16xf32>
        %unpack3A_933 = tpu.unpack_subelements %mul3A_931, 1 {pack_format = #tpu.pack_format<interleaved>} : vector<32xbf16> -> vector<16xf32>
        %add3A_934 = arith.addf %add3A_874, %unpack3A_932 : vector<16xf32>
        %add3A_935 = arith.addf %add3A_875, %unpack3A_933 : vector<16xf32>
        %add3A_936 = arith.constant 54 : i32
        %add3A_937 = vector.broadcast %add3A_936 : i32 to vector<16xi32>
        %add3A_938 = arith.addi %iota3A_100, %add3A_937 : vector<16xi32>
        %and3A_939 = arith.constant 63 : i32
        %and3A_940 = vector.broadcast %and3A_939 : i32 to vector<16xi32>
        %and3A_941 = arith.andi %add3A_938, %and3A_940 : vector<16xi32>
        %gather3A_942 = tpu.vector_load_idx %arg11[%add3A_114, %and3A_941] : memref<80x64xi32, #tpu.memory_space<vmem>>[vector<16xi32>, vector<16xi32>], vector<16xi32>,
        %gather3A_943 = tpu.vector_load_idx %arg12[%add3A_114, %and3A_941] : memref<80x64xi32, #tpu.memory_space<vmem>>[vector<16xi32>, vector<16xi32>], vector<16xi32>,
        %bitcast3A_944 = vector.bitcast %gather3A_942 : vector<16xi32> to vector<32xbf16>
        %bitcast3A_945 = vector.bitcast %gather3A_943 : vector<16xi32> to vector<32xbf16>
        %mul3A_946 = arith.mulf %bitcast3A_944, %bitcast3A_945 : vector<32xbf16>
        %unpack3A_947 = tpu.unpack_subelements %mul3A_946, 0 {pack_format = #tpu.pack_format<interleaved>} : vector<32xbf16> -> vector<16xf32>
        %unpack3A_948 = tpu.unpack_subelements %mul3A_946, 1 {pack_format = #tpu.pack_format<interleaved>} : vector<32xbf16> -> vector<16xf32>
        %add3A_949 = arith.addf %add3A_889, %unpack3A_947 : vector<16xf32>
        %add3A_950 = arith.addf %add3A_890, %unpack3A_948 : vector<16xf32>
        %add3A_951 = arith.constant 55 : i32
        %add3A_952 = vector.broadcast %add3A_951 : i32 to vector<16xi32>
        %add3A_953 = arith.addi %iota3A_100, %add3A_952 : vector<16xi32>
        %and3A_954 = arith.constant 63 : i32
        %and3A_955 = vector.broadcast %and3A_954 : i32 to vector<16xi32>
        %and3A_956 = arith.andi %add3A_953, %and3A_955 : vector<16xi32>
        %gather3A_957 = tpu.vector_load_idx %arg11[%add3A_114, %and3A_956] : memref<80x64xi32, #tpu.memory_space<vmem>>[vector<16xi32>, vector<16xi32>], vector<16xi32>,
        %gather3A_958 = tpu.vector_load_idx %arg12[%add3A_114, %and3A_956] : memref<80x64xi32, #tpu.memory_space<vmem>>[vector<16xi32>, vector<16xi32>], vector<16xi32>,
        %bitcast3A_959 = vector.bitcast %gather3A_957 : vector<16xi32> to vector<32xbf16>
        %bitcast3A_960 = vector.bitcast %gather3A_958 : vector<16xi32> to vector<32xbf16>
        %mul3A_961 = arith.mulf %bitcast3A_959, %bitcast3A_960 : vector<32xbf16>
        %unpack3A_962 = tpu.unpack_subelements %mul3A_961, 0 {pack_format = #tpu.pack_format<interleaved>} : vector<32xbf16> -> vector<16xf32>
        %unpack3A_963 = tpu.unpack_subelements %mul3A_961, 1 {pack_format = #tpu.pack_format<interleaved>} : vector<32xbf16> -> vector<16xf32>
        %add3A_964 = arith.addf %add3A_904, %unpack3A_962 : vector<16xf32>
        %add3A_965 = arith.addf %add3A_905, %unpack3A_963 : vector<16xf32>
        %add3A_966 = arith.constant 56 : i32
        %add3A_967 = vector.broadcast %add3A_966 : i32 to vector<16xi32>
        %add3A_968 = arith.addi %iota3A_100, %add3A_967 : vector<16xi32>
        %and3A_969 = arith.constant 63 : i32
        %and3A_970 = vector.broadcast %and3A_969 : i32 to vector<16xi32>
        %and3A_971 = arith.andi %add3A_968, %and3A_970 : vector<16xi32>
        %gather3A_972 = tpu.vector_load_idx %arg11[%add3A_114, %and3A_971] : memref<80x64xi32, #tpu.memory_space<vmem>>[vector<16xi32>, vector<16xi32>], vector<16xi32>,
        %gather3A_973 = tpu.vector_load_idx %arg12[%add3A_114, %and3A_971] : memref<80x64xi32, #tpu.memory_space<vmem>>[vector<16xi32>, vector<16xi32>], vector<16xi32>,
        %bitcast3A_974 = vector.bitcast %gather3A_972 : vector<16xi32> to vector<32xbf16>
        %bitcast3A_975 = vector.bitcast %gather3A_973 : vector<16xi32> to vector<32xbf16>
        %mul3A_976 = arith.mulf %bitcast3A_974, %bitcast3A_975 : vector<32xbf16>
        %unpack3A_977 = tpu.unpack_subelements %mul3A_976, 0 {pack_format = #tpu.pack_format<interleaved>} : vector<32xbf16> -> vector<16xf32>
        %unpack3A_978 = tpu.unpack_subelements %mul3A_976, 1 {pack_format = #tpu.pack_format<interleaved>} : vector<32xbf16> -> vector<16xf32>
        %add3A_979 = arith.addf %add3A_919, %unpack3A_977 : vector<16xf32>
        %add3A_980 = arith.addf %add3A_920, %unpack3A_978 : vector<16xf32>
        %add3A_981 = arith.constant 57 : i32
        %add3A_982 = vector.broadcast %add3A_981 : i32 to vector<16xi32>
        %add3A_983 = arith.addi %iota3A_100, %add3A_982 : vector<16xi32>
        %and3A_984 = arith.constant 63 : i32
        %and3A_985 = vector.broadcast %and3A_984 : i32 to vector<16xi32>
        %and3A_986 = arith.andi %add3A_983, %and3A_985 : vector<16xi32>
        %gather3A_987 = tpu.vector_load_idx %arg11[%add3A_114, %and3A_986] : memref<80x64xi32, #tpu.memory_space<vmem>>[vector<16xi32>, vector<16xi32>], vector<16xi32>,
        %gather3A_988 = tpu.vector_load_idx %arg12[%add3A_114, %and3A_986] : memref<80x64xi32, #tpu.memory_space<vmem>>[vector<16xi32>, vector<16xi32>], vector<16xi32>,
        %bitcast3A_989 = vector.bitcast %gather3A_987 : vector<16xi32> to vector<32xbf16>
        %bitcast3A_990 = vector.bitcast %gather3A_988 : vector<16xi32> to vector<32xbf16>
        %mul3A_991 = arith.mulf %bitcast3A_989, %bitcast3A_990 : vector<32xbf16>
        %unpack3A_992 = tpu.unpack_subelements %mul3A_991, 0 {pack_format = #tpu.pack_format<interleaved>} : vector<32xbf16> -> vector<16xf32>
        %unpack3A_993 = tpu.unpack_subelements %mul3A_991, 1 {pack_format = #tpu.pack_format<interleaved>} : vector<32xbf16> -> vector<16xf32>
        %add3A_994 = arith.addf %add3A_934, %unpack3A_992 : vector<16xf32>
        %add3A_995 = arith.addf %add3A_935, %unpack3A_993 : vector<16xf32>
        %add3A_996 = arith.constant 58 : i32
        %add3A_997 = vector.broadcast %add3A_996 : i32 to vector<16xi32>
        %add3A_998 = arith.addi %iota3A_100, %add3A_997 : vector<16xi32>
        %and3A_999 = arith.constant 63 : i32
        %and3A_1000 = vector.broadcast %and3A_999 : i32 to vector<16xi32>
        %and3A_1001 = arith.andi %add3A_998, %and3A_1000 : vector<16xi32>
        %gather3A_1002 = tpu.vector_load_idx %arg11[%add3A_114, %and3A_1001] : memref<80x64xi32, #tpu.memory_space<vmem>>[vector<16xi32>, vector<16xi32>], vector<16xi32>,
        %gather3A_1003 = tpu.vector_load_idx %arg12[%add3A_114, %and3A_1001] : memref<80x64xi32, #tpu.memory_space<vmem>>[vector<16xi32>, vector<16xi32>], vector<16xi32>,
        %bitcast3A_1004 = vector.bitcast %gather3A_1002 : vector<16xi32> to vector<32xbf16>
        %bitcast3A_1005 = vector.bitcast %gather3A_1003 : vector<16xi32> to vector<32xbf16>
        %mul3A_1006 = arith.mulf %bitcast3A_1004, %bitcast3A_1005 : vector<32xbf16>
        %unpack3A_1007 = tpu.unpack_subelements %mul3A_1006, 0 {pack_format = #tpu.pack_format<interleaved>} : vector<32xbf16> -> vector<16xf32>
        %unpack3A_1008 = tpu.unpack_subelements %mul3A_1006, 1 {pack_format = #tpu.pack_format<interleaved>} : vector<32xbf16> -> vector<16xf32>
        %add3A_1009 = arith.addf %add3A_949, %unpack3A_1007 : vector<16xf32>
        %add3A_1010 = arith.addf %add3A_950, %unpack3A_1008 : vector<16xf32>
        %add3A_1011 = arith.constant 59 : i32
        %add3A_1012 = vector.broadcast %add3A_1011 : i32 to vector<16xi32>
        %add3A_1013 = arith.addi %iota3A_100, %add3A_1012 : vector<16xi32>
        %and3A_1014 = arith.constant 63 : i32
        %and3A_1015 = vector.broadcast %and3A_1014 : i32 to vector<16xi32>
        %and3A_1016 = arith.andi %add3A_1013, %and3A_1015 : vector<16xi32>
        %gather3A_1017 = tpu.vector_load_idx %arg11[%add3A_114, %and3A_1016] : memref<80x64xi32, #tpu.memory_space<vmem>>[vector<16xi32>, vector<16xi32>], vector<16xi32>,
        %gather3A_1018 = tpu.vector_load_idx %arg12[%add3A_114, %and3A_1016] : memref<80x64xi32, #tpu.memory_space<vmem>>[vector<16xi32>, vector<16xi32>], vector<16xi32>,
        %bitcast3A_1019 = vector.bitcast %gather3A_1017 : vector<16xi32> to vector<32xbf16>
        %bitcast3A_1020 = vector.bitcast %gather3A_1018 : vector<16xi32> to vector<32xbf16>
        %mul3A_1021 = arith.mulf %bitcast3A_1019, %bitcast3A_1020 : vector<32xbf16>
        %unpack3A_1022 = tpu.unpack_subelements %mul3A_1021, 0 {pack_format = #tpu.pack_format<interleaved>} : vector<32xbf16> -> vector<16xf32>
        %unpack3A_1023 = tpu.unpack_subelements %mul3A_1021, 1 {pack_format = #tpu.pack_format<interleaved>} : vector<32xbf16> -> vector<16xf32>
        %add3A_1024 = arith.addf %add3A_964, %unpack3A_1022 : vector<16xf32>
        %add3A_1025 = arith.addf %add3A_965, %unpack3A_1023 : vector<16xf32>
        %add3A_1026 = arith.constant 60 : i32
        %add3A_1027 = vector.broadcast %add3A_1026 : i32 to vector<16xi32>
        %add3A_1028 = arith.addi %iota3A_100, %add3A_1027 : vector<16xi32>
        %and3A_1029 = arith.constant 63 : i32
        %and3A_1030 = vector.broadcast %and3A_1029 : i32 to vector<16xi32>
        %and3A_1031 = arith.andi %add3A_1028, %and3A_1030 : vector<16xi32>
        %gather3A_1032 = tpu.vector_load_idx %arg11[%add3A_114, %and3A_1031] : memref<80x64xi32, #tpu.memory_space<vmem>>[vector<16xi32>, vector<16xi32>], vector<16xi32>,
        %gather3A_1033 = tpu.vector_load_idx %arg12[%add3A_114, %and3A_1031] : memref<80x64xi32, #tpu.memory_space<vmem>>[vector<16xi32>, vector<16xi32>], vector<16xi32>,
        %bitcast3A_1034 = vector.bitcast %gather3A_1032 : vector<16xi32> to vector<32xbf16>
        %bitcast3A_1035 = vector.bitcast %gather3A_1033 : vector<16xi32> to vector<32xbf16>
        %mul3A_1036 = arith.mulf %bitcast3A_1034, %bitcast3A_1035 : vector<32xbf16>
        %unpack3A_1037 = tpu.unpack_subelements %mul3A_1036, 0 {pack_format = #tpu.pack_format<interleaved>} : vector<32xbf16> -> vector<16xf32>
        %unpack3A_1038 = tpu.unpack_subelements %mul3A_1036, 1 {pack_format = #tpu.pack_format<interleaved>} : vector<32xbf16> -> vector<16xf32>
        %add3A_1039 = arith.addf %add3A_979, %unpack3A_1037 : vector<16xf32>
        %add3A_1040 = arith.addf %add3A_980, %unpack3A_1038 : vector<16xf32>
        %add3A_1041 = arith.constant 61 : i32
        %add3A_1042 = vector.broadcast %add3A_1041 : i32 to vector<16xi32>
        %add3A_1043 = arith.addi %iota3A_100, %add3A_1042 : vector<16xi32>
        %and3A_1044 = arith.constant 63 : i32
        %and3A_1045 = vector.broadcast %and3A_1044 : i32 to vector<16xi32>
        %and3A_1046 = arith.andi %add3A_1043, %and3A_1045 : vector<16xi32>
        %gather3A_1047 = tpu.vector_load_idx %arg11[%add3A_114, %and3A_1046] : memref<80x64xi32, #tpu.memory_space<vmem>>[vector<16xi32>, vector<16xi32>], vector<16xi32>,
        %gather3A_1048 = tpu.vector_load_idx %arg12[%add3A_114, %and3A_1046] : memref<80x64xi32, #tpu.memory_space<vmem>>[vector<16xi32>, vector<16xi32>], vector<16xi32>,
        %bitcast3A_1049 = vector.bitcast %gather3A_1047 : vector<16xi32> to vector<32xbf16>
        %bitcast3A_1050 = vector.bitcast %gather3A_1048 : vector<16xi32> to vector<32xbf16>
        %mul3A_1051 = arith.mulf %bitcast3A_1049, %bitcast3A_1050 : vector<32xbf16>
        %unpack3A_1052 = tpu.unpack_subelements %mul3A_1051, 0 {pack_format = #tpu.pack_format<interleaved>} : vector<32xbf16> -> vector<16xf32>
        %unpack3A_1053 = tpu.unpack_subelements %mul3A_1051, 1 {pack_format = #tpu.pack_format<interleaved>} : vector<32xbf16> -> vector<16xf32>
        %add3A_1054 = arith.addf %add3A_994, %unpack3A_1052 : vector<16xf32>
        %add3A_1055 = arith.addf %add3A_995, %unpack3A_1053 : vector<16xf32>
        %add3A_1056 = arith.constant 62 : i32
        %add3A_1057 = vector.broadcast %add3A_1056 : i32 to vector<16xi32>
        %add3A_1058 = arith.addi %iota3A_100, %add3A_1057 : vector<16xi32>
        %and3A_1059 = arith.constant 63 : i32
        %and3A_1060 = vector.broadcast %and3A_1059 : i32 to vector<16xi32>
        %and3A_1061 = arith.andi %add3A_1058, %and3A_1060 : vector<16xi32>
        %gather3A_1062 = tpu.vector_load_idx %arg11[%add3A_114, %and3A_1061] : memref<80x64xi32, #tpu.memory_space<vmem>>[vector<16xi32>, vector<16xi32>], vector<16xi32>,
        %gather3A_1063 = tpu.vector_load_idx %arg12[%add3A_114, %and3A_1061] : memref<80x64xi32, #tpu.memory_space<vmem>>[vector<16xi32>, vector<16xi32>], vector<16xi32>,
        %bitcast3A_1064 = vector.bitcast %gather3A_1062 : vector<16xi32> to vector<32xbf16>
        %bitcast3A_1065 = vector.bitcast %gather3A_1063 : vector<16xi32> to vector<32xbf16>
        %mul3A_1066 = arith.mulf %bitcast3A_1064, %bitcast3A_1065 : vector<32xbf16>
        %unpack3A_1067 = tpu.unpack_subelements %mul3A_1066, 0 {pack_format = #tpu.pack_format<interleaved>} : vector<32xbf16> -> vector<16xf32>
        %unpack3A_1068 = tpu.unpack_subelements %mul3A_1066, 1 {pack_format = #tpu.pack_format<interleaved>} : vector<32xbf16> -> vector<16xf32>
        %add3A_1069 = arith.addf %add3A_1009, %unpack3A_1067 : vector<16xf32>
        %add3A_1070 = arith.addf %add3A_1010, %unpack3A_1068 : vector<16xf32>
        %add3A_1071 = arith.constant 63 : i32
        %add3A_1072 = vector.broadcast %add3A_1071 : i32 to vector<16xi32>
        %add3A_1073 = arith.addi %iota3A_100, %add3A_1072 : vector<16xi32>
        %and3A_1074 = arith.constant 63 : i32
        %and3A_1075 = vector.broadcast %and3A_1074 : i32 to vector<16xi32>
        %and3A_1076 = arith.andi %add3A_1073, %and3A_1075 : vector<16xi32>
        %gather3A_1077 = tpu.vector_load_idx %arg11[%add3A_114, %and3A_1076] : memref<80x64xi32, #tpu.memory_space<vmem>>[vector<16xi32>, vector<16xi32>], vector<16xi32>,
        %gather3A_1078 = tpu.vector_load_idx %arg12[%add3A_114, %and3A_1076] : memref<80x64xi32, #tpu.memory_space<vmem>>[vector<16xi32>, vector<16xi32>], vector<16xi32>,
        %bitcast3A_1079 = vector.bitcast %gather3A_1077 : vector<16xi32> to vector<32xbf16>
        %bitcast3A_1080 = vector.bitcast %gather3A_1078 : vector<16xi32> to vector<32xbf16>
        %mul3A_1081 = arith.mulf %bitcast3A_1079, %bitcast3A_1080 : vector<32xbf16>
        %unpack3A_1082 = tpu.unpack_subelements %mul3A_1081, 0 {pack_format = #tpu.pack_format<interleaved>} : vector<32xbf16> -> vector<16xf32>
        %unpack3A_1083 = tpu.unpack_subelements %mul3A_1081, 1 {pack_format = #tpu.pack_format<interleaved>} : vector<32xbf16> -> vector<16xf32>
        %add3A_1084 = arith.addf %add3A_1024, %unpack3A_1082 : vector<16xf32>
        %add3A_1085 = arith.addf %add3A_1025, %unpack3A_1083 : vector<16xf32>
        %add3A_1086 = arith.addf %add3A_1039, %add3A_1040 : vector<16xf32>
        %add3A_1087 = arith.addf %add3A_1054, %add3A_1055 : vector<16xf32>
        %add3A_1088 = arith.addf %add3A_1086, %add3A_1087 : vector<16xf32>
        %add3A_1089 = arith.addf %add3A_1069, %add3A_1070 : vector<16xf32>
        %add3A_1090 = arith.addf %add3A_1084, %add3A_1085 : vector<16xf32>
        %add3A_1091 = arith.addf %add3A_1089, %add3A_1090 : vector<16xf32>
        %add3A_1092 = arith.addf %add3A_1088, %add3A_1091 : vector<16xf32>
        %mul3A_1093 = arith.constant 80 : i32
        %mul3A_1094 = arith.muli %add3A_51, %mul3A_1093 : i32
        %mul3A_1095 = arith.constant 16 : i32
        %mul3A_1096 = arith.muli %scan3A_109, %mul3A_1095 : i32
        %add3A_1097 = arith.addi %mul3A_1094, %mul3A_1096 : i32
        %swap3A = arith.index_cast %add3A_1097 : i32 to index
        %swap3A_1098 = tpu.vector_load %arg13[%swap3A] {strides = array<i32>} : memref<10000xf32, #tpu.memory_space<vmem>>, vector<16xf32>,
        tpu.vector_store %arg13[%swap3A], %add3A_1092 {strides = array<i32>} : memref<10000xf32, #tpu.memory_space<vmem>>, vector<16xf32>,
        %get3A = arith.index_cast %add3A_1097 : i32 to index
        %get3A_1099 = tpu.vector_load %arg7[%get3A] {strides = array<i32>} : memref<10000xi32, #tpu.memory_space<vmem>>, vector<16xi32>,
        %exp3A = math.exp %add3A_1092 : vector<16xf32>
        tpu.vector_store_idx %arg14[%get3A_1099], %exp3A {add = true} : memref<10240xf32, #tpu.memory_space<vmem>>[vector<16xi32>], vector<16xf32>,
        %scan3A_1100 = arith.constant 0 : i32
        scf.yield %scan3A_1100 : i32
      }
      %scan3A_107 = arith.constant 5 : i32
      %scan3A_108 = arith.constant 0 : i32
      scf.yield %scan3A_108 : i32
    }
    %scan3A_27 = arith.constant 62 : i32
    %dma_wait3A = arith.constant 0 : i32
    %dma_wait3A_28 = arith.constant 0 : i32
    %dma_wait3A_29 = tpu.memref_slice %arg2[%dma_wait3A, %dma_wait3A_28] : memref<10000x64xi32, #tpu.memory_space<hbm>> -> memref<80x64xi32, #tpu.memory_space<hbm>>
    %dma_wait3A_30 = arith.constant 0 : i32
    %dma_wait3A_31 = arith.constant 0 : i32
    %dma_wait3A_32 = tpu.memref_slice %arg2[%dma_wait3A_30, %dma_wait3A_31] : memref<10000x64xi32, #tpu.memory_space<hbm>> -> memref<80x64xi32, #tpu.memory_space<hbm>>
    tpu.wait_dma2 semaphore(%arg15 : memref<!tpu.dma_semaphore, #tpu.memory_space<semaphore_mem>>) src(%dma_wait3A_32 : memref<80x64xi32, #tpu.memory_space<hbm>>) dst(%arg9 : memref<80x64xi32, #tpu.memory_space<vmem>>)
    %dma_wait3A_33 = arith.constant 0 : i32
    %dma_wait3A_34 = arith.constant 0 : i32
    %dma_wait3A_35 = tpu.memref_slice %arg3[%dma_wait3A_33, %dma_wait3A_34] : memref<10000x64xi32, #tpu.memory_space<hbm>> -> memref<80x64xi32, #tpu.memory_space<hbm>>
    %dma_wait3A_36 = arith.constant 0 : i32
    %dma_wait3A_37 = arith.constant 0 : i32
    %dma_wait3A_38 = tpu.memref_slice %arg3[%dma_wait3A_36, %dma_wait3A_37] : memref<10000x64xi32, #tpu.memory_space<hbm>> -> memref<80x64xi32, #tpu.memory_space<hbm>>
    tpu.wait_dma2 semaphore(%arg15 : memref<!tpu.dma_semaphore, #tpu.memory_space<semaphore_mem>>) src(%dma_wait3A_38 : memref<80x64xi32, #tpu.memory_space<hbm>>) dst(%arg10 : memref<80x64xi32, #tpu.memory_space<vmem>>)
    %iota3A = tpu.iota {dimensions = array<i32: 0>} : vector<16xi32>
    %scan3A_39 = arith.constant 0 : i32
    %scan3A_40 = arith.constant 0 : i32
    %scan3A_41 = arith.constant 5 : i32
    %scan3A_42 = arith.addi %scan3A_40, %scan3A_41 : i32
    %scan3A_43 = arith.constant 1 : i32
    %scan3A_44 = scf.for %scan3A_46 = %scan3A_40 to %scan3A_42 step %scan3A_43 iter_args(%scan3A_47 = %scan3A_39) -> (i32)  : i32 {
      %mul3A_48 = arith.constant 16 : i32
      %mul3A_49 = arith.muli %scan3A_46, %mul3A_48 : i32
      %add3A_50 = vector.broadcast %mul3A_49 : i32 to vector<16xi32>
      %add3A_51 = arith.addi %iota3A, %add3A_50 : vector<16xi32>
      %broadcast_in_dim3A = arith.constant 0.000000e+00 : f32
      %broadcast_in_dim3A_52 = vector.broadcast %broadcast_in_dim3A : f32 to vector<16xf32>
      %broadcast_in_dim3A_53 = arith.constant 0.000000e+00 : f32
      %broadcast_in_dim3A_54 = vector.broadcast %broadcast_in_dim3A_53 : f32 to vector<16xf32>
      %broadcast_in_dim3A_55 = arith.constant 0.000000e+00 : f32
      %broadcast_in_dim3A_56 = vector.broadcast %broadcast_in_dim3A_55 : f32 to vector<16xf32>
      %broadcast_in_dim3A_57 = arith.constant 0.000000e+00 : f32
      %broadcast_in_dim3A_58 = vector.broadcast %broadcast_in_dim3A_57 : f32 to vector<16xf32>
      %broadcast_in_dim3A_59 = arith.constant 0.000000e+00 : f32
      %broadcast_in_dim3A_60 = vector.broadcast %broadcast_in_dim3A_59 : f32 to vector<16xf32>
      %broadcast_in_dim3A_61 = arith.constant 0.000000e+00 : f32
      %broadcast_in_dim3A_62 = vector.broadcast %broadcast_in_dim3A_61 : f32 to vector<16xf32>
      %broadcast_in_dim3A_63 = arith.constant 0.000000e+00 : f32
      %broadcast_in_dim3A_64 = vector.broadcast %broadcast_in_dim3A_63 : f32 to vector<16xf32>
      %broadcast_in_dim3A_65 = arith.constant 0.000000e+00 : f32
      %broadcast_in_dim3A_66 = vector.broadcast %broadcast_in_dim3A_65 : f32 to vector<16xf32>
      %add3A_67 = arith.constant 0 : i32
      %add3A_68 = vector.broadcast %add3A_67 : i32 to vector<16xi32>
      %add3A_69 = arith.addi %iota3A, %add3A_68 : vector<16xi32>
      %and3A = arith.constant 63 : i32
      %and3A_70 = vector.broadcast %and3A : i32 to vector<16xi32>
      %and3A_71 = arith.andi %add3A_69, %and3A_70 : vector<16xi32>
      %gather3A = tpu.vector_load_idx %arg9[%add3A_51, %and3A_71] : memref<80x64xi32, #tpu.memory_space<vmem>>[vector<16xi32>, vector<16xi32>], vector<16xi32>,
      %gather3A_72 = tpu.vector_load_idx %arg10[%add3A_51, %and3A_71] : memref<80x64xi32, #tpu.memory_space<vmem>>[vector<16xi32>, vector<16xi32>], vector<16xi32>,
      %bitcast3A = vector.bitcast %gather3A : vector<16xi32> to vector<32xbf16>
      %bitcast3A_73 = vector.bitcast %gather3A_72 : vector<16xi32> to vector<32xbf16>
      %mul3A_74 = arith.mulf %bitcast3A, %bitcast3A_73 : vector<32xbf16>
      %unpack3A = tpu.unpack_subelements %mul3A_74, 0 {pack_format = #tpu.pack_format<interleaved>} : vector<32xbf16> -> vector<16xf32>
      %unpack3A_75 = tpu.unpack_subelements %mul3A_74, 1 {pack_format = #tpu.pack_format<interleaved>} : vector<32xbf16> -> vector<16xf32>
      %add3A_76 = arith.addf %broadcast_in_dim3A_52, %unpack3A : vector<16xf32>
      %add3A_77 = arith.addf %broadcast_in_dim3A_54, %unpack3A_75 : vector<16xf32>
      %add3A_78 = arith.constant 1 : i32
      %add3A_79 = vector.broadcast %add3A_78 : i32 to vector<16xi32>
      %add3A_80 = arith.addi %iota3A, %add3A_79 : vector<16xi32>
      %and3A_81 = arith.constant 63 : i32
      %and3A_82 = vector.broadcast %and3A_81 : i32 to vector<16xi32>
      %and3A_83 = arith.andi %add3A_80, %and3A_82 : vector<16xi32>
      %gather3A_84 = tpu.vector_load_idx %arg9[%add3A_51, %and3A_83] : memref<80x64xi32, #tpu.memory_space<vmem>>[vector<16xi32>, vector<16xi32>], vector<16xi32>,
      %gather3A_85 = tpu.vector_load_idx %arg10[%add3A_51, %and3A_83] : memref<80x64xi32, #tpu.memory_space<vmem>>[vector<16xi32>, vector<16xi32>], vector<16xi32>,
      %bitcast3A_86 = vector.bitcast %gather3A_84 : vector<16xi32> to vector<32xbf16>
      %bitcast3A_87 = vector.bitcast %gather3A_85 : vector<16xi32> to vector<32xbf16>
      %mul3A_88 = arith.mulf %bitcast3A_86, %bitcast3A_87 : vector<32xbf16>
      %unpack3A_89 = tpu.unpack_subelements %mul3A_88, 0 {pack_format = #tpu.pack_format<interleaved>} : vector<32xbf16> -> vector<16xf32>
      %unpack3A_90 = tpu.unpack_subelements %mul3A_88, 1 {pack_format = #tpu.pack_format<interleaved>} : vector<32xbf16> -> vector<16xf32>
      %add3A_91 = arith.addf %broadcast_in_dim3A_56, %unpack3A_89 : vector<16xf32>
      %add3A_92 = arith.addf %broadcast_in_dim3A_58, %unpack3A_90 : vector<16xf32>
      %add3A_93 = arith.constant 2 : i32
      %add3A_94 = vector.broadcast %add3A_93 : i32 to vector<16xi32>
      %add3A_95 = arith.addi %iota3A, %add3A_94 : vector<16xi32>
      %and3A_96 = arith.constant 63 : i32
      %and3A_97 = vector.broadcast %and3A_96 : i32 to vector<16xi32>
      %and3A_98 = arith.andi %add3A_95, %and3A_97 : vector<16xi32>
      %gather3A_99 = tpu.vector_load_idx %arg9[%add3A_51, %and3A_98] : memref<80x64xi32, #tpu.memory_space<vmem>>[vector<16xi32>, vector<16xi32>], vector<16xi32>,
      %gather3A_100 = tpu.vector_load_idx %arg10[%add3A_51, %and3A_98] : memref<80x64xi32, #tpu.memory_space<vmem>>[vector<16xi32>, vector<16xi32>], vector<16xi32>,
      %bitcast3A_101 = vector.bitcast %gather3A_99 : vector<16xi32> to vector<32xbf16>
      %bitcast3A_102 = vector.bitcast %gather3A_100 : vector<16xi32> to vector<32xbf16>
      %mul3A_103 = arith.mulf %bitcast3A_101, %bitcast3A_102 : vector<32xbf16>
      %unpack3A_104 = tpu.unpack_subelements %mul3A_103, 0 {pack_format = #tpu.pack_format<interleaved>} : vector<32xbf16> -> vector<16xf32>
      %unpack3A_105 = tpu.unpack_subelements %mul3A_103, 1 {pack_format = #tpu.pack_format<interleaved>} : vector<32xbf16> -> vector<16xf32>
      %add3A_106 = arith.addf %broadcast_in_dim3A_60, %unpack3A_104 : vector<16xf32>
      %add3A_107 = arith.addf %broadcast_in_dim3A_62, %unpack3A_105 : vector<16xf32>
      %add3A_108 = arith.constant 3 : i32
      %add3A_109 = vector.broadcast %add3A_108 : i32 to vector<16xi32>
      %add3A_110 = arith.addi %iota3A, %add3A_109 : vector<16xi32>
      %and3A_111 = arith.constant 63 : i32
      %and3A_112 = vector.broadcast %and3A_111 : i32 to vector<16xi32>
      %and3A_113 = arith.andi %add3A_110, %and3A_112 : vector<16xi32>
      %gather3A_114 = tpu.vector_load_idx %arg9[%add3A_51, %and3A_113] : memref<80x64xi32, #tpu.memory_space<vmem>>[vector<16xi32>, vector<16xi32>], vector<16xi32>,
      %gather3A_115 = tpu.vector_load_idx %arg10[%add3A_51, %and3A_113] : memref<80x64xi32, #tpu.memory_space<vmem>>[vector<16xi32>, vector<16xi32>], vector<16xi32>,
      %bitcast3A_116 = vector.bitcast %gather3A_114 : vector<16xi32> to vector<32xbf16>
      %bitcast3A_117 = vector.bitcast %gather3A_115 : vector<16xi32> to vector<32xbf16>
      %mul3A_118 = arith.mulf %bitcast3A_116, %bitcast3A_117 : vector<32xbf16>
      %unpack3A_119 = tpu.unpack_subelements %mul3A_118, 0 {pack_format = #tpu.pack_format<interleaved>} : vector<32xbf16> -> vector<16xf32>
      %unpack3A_120 = tpu.unpack_subelements %mul3A_118, 1 {pack_format = #tpu.pack_format<interleaved>} : vector<32xbf16> -> vector<16xf32>
      %add3A_121 = arith.addf %broadcast_in_dim3A_64, %unpack3A_119 : vector<16xf32>
      %add3A_122 = arith.addf %broadcast_in_dim3A_66, %unpack3A_120 : vector<16xf32>
      %add3A_123 = arith.constant 4 : i32
      %add3A_124 = vector.broadcast %add3A_123 : i32 to vector<16xi32>
      %add3A_125 = arith.addi %iota3A, %add3A_124 : vector<16xi32>
      %and3A_126 = arith.constant 63 : i32
      %and3A_127 = vector.broadcast %and3A_126 : i32 to vector<16xi32>
      %and3A_128 = arith.andi %add3A_125, %and3A_127 : vector<16xi32>
      %gather3A_129 = tpu.vector_load_idx %arg9[%add3A_51, %and3A_128] : memref<80x64xi32, #tpu.memory_space<vmem>>[vector<16xi32>, vector<16xi32>], vector<16xi32>,
      %gather3A_130 = tpu.vector_load_idx %arg10[%add3A_51, %and3A_128] : memref<80x64xi32, #tpu.memory_space<vmem>>[vector<16xi32>, vector<16xi32>], vector<16xi32>,
      %bitcast3A_131 = vector.bitcast %gather3A_129 : vector<16xi32> to vector<32xbf16>
      %bitcast3A_132 = vector.bitcast %gather3A_130 : vector<16xi32> to vector<32xbf16>
      %mul3A_133 = arith.mulf %bitcast3A_131, %bitcast3A_132 : vector<32xbf16>
      %unpack3A_134 = tpu.unpack_subelements %mul3A_133, 0 {pack_format = #tpu.pack_format<interleaved>} : vector<32xbf16> -> vector<16xf32>
      %unpack3A_135 = tpu.unpack_subelements %mul3A_133, 1 {pack_format = #tpu.pack_format<interleaved>} : vector<32xbf16> -> vector<16xf32>
      %add3A_136 = arith.addf %add3A_76, %unpack3A_134 : vector<16xf32>
      %add3A_137 = arith.addf %add3A_77, %unpack3A_135 : vector<16xf32>
      %add3A_138 = arith.constant 5 : i32
      %add3A_139 = vector.broadcast %add3A_138 : i32 to vector<16xi32>
      %add3A_140 = arith.addi %iota3A, %add3A_139 : vector<16xi32>
      %and3A_141 = arith.constant 63 : i32
      %and3A_142 = vector.broadcast %and3A_141 : i32 to vector<16xi32>
      %and3A_143 = arith.andi %add3A_140, %and3A_142 : vector<16xi32>
      %gather3A_144 = tpu.vector_load_idx %arg9[%add3A_51, %and3A_143] : memref<80x64xi32, #tpu.memory_space<vmem>>[vector<16xi32>, vector<16xi32>], vector<16xi32>,
      %gather3A_145 = tpu.vector_load_idx %arg10[%add3A_51, %and3A_143] : memref<80x64xi32, #tpu.memory_space<vmem>>[vector<16xi32>, vector<16xi32>], vector<16xi32>,
      %bitcast3A_146 = vector.bitcast %gather3A_144 : vector<16xi32> to vector<32xbf16>
      %bitcast3A_147 = vector.bitcast %gather3A_145 : vector<16xi32> to vector<32xbf16>
      %mul3A_148 = arith.mulf %bitcast3A_146, %bitcast3A_147 : vector<32xbf16>
      %unpack3A_149 = tpu.unpack_subelements %mul3A_148, 0 {pack_format = #tpu.pack_format<interleaved>} : vector<32xbf16> -> vector<16xf32>
      %unpack3A_150 = tpu.unpack_subelements %mul3A_148, 1 {pack_format = #tpu.pack_format<interleaved>} : vector<32xbf16> -> vector<16xf32>
      %add3A_151 = arith.addf %add3A_91, %unpack3A_149 : vector<16xf32>
      %add3A_152 = arith.addf %add3A_92, %unpack3A_150 : vector<16xf32>
      %add3A_153 = arith.constant 6 : i32
      %add3A_154 = vector.broadcast %add3A_153 : i32 to vector<16xi32>
      %add3A_155 = arith.addi %iota3A, %add3A_154 : vector<16xi32>
      %and3A_156 = arith.constant 63 : i32
      %and3A_157 = vector.broadcast %and3A_156 : i32 to vector<16xi32>
      %and3A_158 = arith.andi %add3A_155, %and3A_157 : vector<16xi32>
      %gather3A_159 = tpu.vector_load_idx %arg9[%add3A_51, %and3A_158] : memref<80x64xi32, #tpu.memory_space<vmem>>[vector<16xi32>, vector<16xi32>], vector<16xi32>,
      %gather3A_160 = tpu.vector_load_idx %arg10[%add3A_51, %and3A_158] : memref<80x64xi32, #tpu.memory_space<vmem>>[vector<16xi32>, vector<16xi32>], vector<16xi32>,
      %bitcast3A_161 = vector.bitcast %gather3A_159 : vector<16xi32> to vector<32xbf16>
      %bitcast3A_162 = vector.bitcast %gather3A_160 : vector<16xi32> to vector<32xbf16>
      %mul3A_163 = arith.mulf %bitcast3A_161, %bitcast3A_162 : vector<32xbf16>
      %unpack3A_164 = tpu.unpack_subelements %mul3A_163, 0 {pack_format = #tpu.pack_format<interleaved>} : vector<32xbf16> -> vector<16xf32>
      %unpack3A_165 = tpu.unpack_subelements %mul3A_163, 1 {pack_format = #tpu.pack_format<interleaved>} : vector<32xbf16> -> vector<16xf32>
      %add3A_166 = arith.addf %add3A_106, %unpack3A_164 : vector<16xf32>
      %add3A_167 = arith.addf %add3A_107, %unpack3A_165 : vector<16xf32>
      %add3A_168 = arith.constant 7 : i32
      %add3A_169 = vector.broadcast %add3A_168 : i32 to vector<16xi32>
      %add3A_170 = arith.addi %iota3A, %add3A_169 : vector<16xi32>
      %and3A_171 = arith.constant 63 : i32
      %and3A_172 = vector.broadcast %and3A_171 : i32 to vector<16xi32>
      %and3A_173 = arith.andi %add3A_170, %and3A_172 : vector<16xi32>
      %gather3A_174 = tpu.vector_load_idx %arg9[%add3A_51, %and3A_173] : memref<80x64xi32, #tpu.memory_space<vmem>>[vector<16xi32>, vector<16xi32>], vector<16xi32>,
      %gather3A_175 = tpu.vector_load_idx %arg10[%add3A_51, %and3A_173] : memref<80x64xi32, #tpu.memory_space<vmem>>[vector<16xi32>, vector<16xi32>], vector<16xi32>,
      %bitcast3A_176 = vector.bitcast %gather3A_174 : vector<16xi32> to vector<32xbf16>
      %bitcast3A_177 = vector.bitcast %gather3A_175 : vector<16xi32> to vector<32xbf16>
      %mul3A_178 = arith.mulf %bitcast3A_176, %bitcast3A_177 : vector<32xbf16>
      %unpack3A_179 = tpu.unpack_subelements %mul3A_178, 0 {pack_format = #tpu.pack_format<interleaved>} : vector<32xbf16> -> vector<16xf32>
      %unpack3A_180 = tpu.unpack_subelements %mul3A_178, 1 {pack_format = #tpu.pack_format<interleaved>} : vector<32xbf16> -> vector<16xf32>
      %add3A_181 = arith.addf %add3A_121, %unpack3A_179 : vector<16xf32>
      %add3A_182 = arith.addf %add3A_122, %unpack3A_180 : vector<16xf32>
      %add3A_183 = arith.constant 8 : i32
      %add3A_184 = vector.broadcast %add3A_183 : i32 to vector<16xi32>
      %add3A_185 = arith.addi %iota3A, %add3A_184 : vector<16xi32>
      %and3A_186 = arith.constant 63 : i32
      %and3A_187 = vector.broadcast %and3A_186 : i32 to vector<16xi32>
      %and3A_188 = arith.andi %add3A_185, %and3A_187 : vector<16xi32>
      %gather3A_189 = tpu.vector_load_idx %arg9[%add3A_51, %and3A_188] : memref<80x64xi32, #tpu.memory_space<vmem>>[vector<16xi32>, vector<16xi32>], vector<16xi32>,
      %gather3A_190 = tpu.vector_load_idx %arg10[%add3A_51, %and3A_188] : memref<80x64xi32, #tpu.memory_space<vmem>>[vector<16xi32>, vector<16xi32>], vector<16xi32>,
      %bitcast3A_191 = vector.bitcast %gather3A_189 : vector<16xi32> to vector<32xbf16>
      %bitcast3A_192 = vector.bitcast %gather3A_190 : vector<16xi32> to vector<32xbf16>
      %mul3A_193 = arith.mulf %bitcast3A_191, %bitcast3A_192 : vector<32xbf16>
      %unpack3A_194 = tpu.unpack_subelements %mul3A_193, 0 {pack_format = #tpu.pack_format<interleaved>} : vector<32xbf16> -> vector<16xf32>
      %unpack3A_195 = tpu.unpack_subelements %mul3A_193, 1 {pack_format = #tpu.pack_format<interleaved>} : vector<32xbf16> -> vector<16xf32>
      %add3A_196 = arith.addf %add3A_136, %unpack3A_194 : vector<16xf32>
      %add3A_197 = arith.addf %add3A_137, %unpack3A_195 : vector<16xf32>
      %add3A_198 = arith.constant 9 : i32
      %add3A_199 = vector.broadcast %add3A_198 : i32 to vector<16xi32>
      %add3A_200 = arith.addi %iota3A, %add3A_199 : vector<16xi32>
      %and3A_201 = arith.constant 63 : i32
      %and3A_202 = vector.broadcast %and3A_201 : i32 to vector<16xi32>
      %and3A_203 = arith.andi %add3A_200, %and3A_202 : vector<16xi32>
      %gather3A_204 = tpu.vector_load_idx %arg9[%add3A_51, %and3A_203] : memref<80x64xi32, #tpu.memory_space<vmem>>[vector<16xi32>, vector<16xi32>], vector<16xi32>,
      %gather3A_205 = tpu.vector_load_idx %arg10[%add3A_51, %and3A_203] : memref<80x64xi32, #tpu.memory_space<vmem>>[vector<16xi32>, vector<16xi32>], vector<16xi32>,
      %bitcast3A_206 = vector.bitcast %gather3A_204 : vector<16xi32> to vector<32xbf16>
      %bitcast3A_207 = vector.bitcast %gather3A_205 : vector<16xi32> to vector<32xbf16>
      %mul3A_208 = arith.mulf %bitcast3A_206, %bitcast3A_207 : vector<32xbf16>
      %unpack3A_209 = tpu.unpack_subelements %mul3A_208, 0 {pack_format = #tpu.pack_format<interleaved>} : vector<32xbf16> -> vector<16xf32>
      %unpack3A_210 = tpu.unpack_subelements %mul3A_208, 1 {pack_format = #tpu.pack_format<interleaved>} : vector<32xbf16> -> vector<16xf32>
      %add3A_211 = arith.addf %add3A_151, %unpack3A_209 : vector<16xf32>
      %add3A_212 = arith.addf %add3A_152, %unpack3A_210 : vector<16xf32>
      %add3A_213 = arith.constant 10 : i32
      %add3A_214 = vector.broadcast %add3A_213 : i32 to vector<16xi32>
      %add3A_215 = arith.addi %iota3A, %add3A_214 : vector<16xi32>
      %and3A_216 = arith.constant 63 : i32
      %and3A_217 = vector.broadcast %and3A_216 : i32 to vector<16xi32>
      %and3A_218 = arith.andi %add3A_215, %and3A_217 : vector<16xi32>
      %gather3A_219 = tpu.vector_load_idx %arg9[%add3A_51, %and3A_218] : memref<80x64xi32, #tpu.memory_space<vmem>>[vector<16xi32>, vector<16xi32>], vector<16xi32>,
      %gather3A_220 = tpu.vector_load_idx %arg10[%add3A_51, %and3A_218] : memref<80x64xi32, #tpu.memory_space<vmem>>[vector<16xi32>, vector<16xi32>], vector<16xi32>,
      %bitcast3A_221 = vector.bitcast %gather3A_219 : vector<16xi32> to vector<32xbf16>
      %bitcast3A_222 = vector.bitcast %gather3A_220 : vector<16xi32> to vector<32xbf16>
      %mul3A_223 = arith.mulf %bitcast3A_221, %bitcast3A_222 : vector<32xbf16>
      %unpack3A_224 = tpu.unpack_subelements %mul3A_223, 0 {pack_format = #tpu.pack_format<interleaved>} : vector<32xbf16> -> vector<16xf32>
      %unpack3A_225 = tpu.unpack_subelements %mul3A_223, 1 {pack_format = #tpu.pack_format<interleaved>} : vector<32xbf16> -> vector<16xf32>
      %add3A_226 = arith.addf %add3A_166, %unpack3A_224 : vector<16xf32>
      %add3A_227 = arith.addf %add3A_167, %unpack3A_225 : vector<16xf32>
      %add3A_228 = arith.constant 11 : i32
      %add3A_229 = vector.broadcast %add3A_228 : i32 to vector<16xi32>
      %add3A_230 = arith.addi %iota3A, %add3A_229 : vector<16xi32>
      %and3A_231 = arith.constant 63 : i32
      %and3A_232 = vector.broadcast %and3A_231 : i32 to vector<16xi32>
      %and3A_233 = arith.andi %add3A_230, %and3A_232 : vector<16xi32>
      %gather3A_234 = tpu.vector_load_idx %arg9[%add3A_51, %and3A_233] : memref<80x64xi32, #tpu.memory_space<vmem>>[vector<16xi32>, vector<16xi32>], vector<16xi32>,
      %gather3A_235 = tpu.vector_load_idx %arg10[%add3A_51, %and3A_233] : memref<80x64xi32, #tpu.memory_space<vmem>>[vector<16xi32>, vector<16xi32>], vector<16xi32>,
      %bitcast3A_236 = vector.bitcast %gather3A_234 : vector<16xi32> to vector<32xbf16>
      %bitcast3A_237 = vector.bitcast %gather3A_235 : vector<16xi32> to vector<32xbf16>
      %mul3A_238 = arith.mulf %bitcast3A_236, %bitcast3A_237 : vector<32xbf16>
      %unpack3A_239 = tpu.unpack_subelements %mul3A_238, 0 {pack_format = #tpu.pack_format<interleaved>} : vector<32xbf16> -> vector<16xf32>
      %unpack3A_240 = tpu.unpack_subelements %mul3A_238, 1 {pack_format = #tpu.pack_format<interleaved>} : vector<32xbf16> -> vector<16xf32>
      %add3A_241 = arith.addf %add3A_181, %unpack3A_239 : vector<16xf32>
      %add3A_242 = arith.addf %add3A_182, %unpack3A_240 : vector<16xf32>
      %add3A_243 = arith.constant 12 : i32
      %add3A_244 = vector.broadcast %add3A_243 : i32 to vector<16xi32>
      %add3A_245 = arith.addi %iota3A, %add3A_244 : vector<16xi32>
      %and3A_246 = arith.constant 63 : i32
      %and3A_247 = vector.broadcast %and3A_246 : i32 to vector<16xi32>
      %and3A_248 = arith.andi %add3A_245, %and3A_247 : vector<16xi32>
      %gather3A_249 = tpu.vector_load_idx %arg9[%add3A_51, %and3A_248] : memref<80x64xi32, #tpu.memory_space<vmem>>[vector<16xi32>, vector<16xi32>], vector<16xi32>,
      %gather3A_250 = tpu.vector_load_idx %arg10[%add3A_51, %and3A_248] : memref<80x64xi32, #tpu.memory_space<vmem>>[vector<16xi32>, vector<16xi32>], vector<16xi32>,
      %bitcast3A_251 = vector.bitcast %gather3A_249 : vector<16xi32> to vector<32xbf16>
      %bitcast3A_252 = vector.bitcast %gather3A_250 : vector<16xi32> to vector<32xbf16>
      %mul3A_253 = arith.mulf %bitcast3A_251, %bitcast3A_252 : vector<32xbf16>
      %unpack3A_254 = tpu.unpack_subelements %mul3A_253, 0 {pack_format = #tpu.pack_format<interleaved>} : vector<32xbf16> -> vector<16xf32>
      %unpack3A_255 = tpu.unpack_subelements %mul3A_253, 1 {pack_format = #tpu.pack_format<interleaved>} : vector<32xbf16> -> vector<16xf32>
      %add3A_256 = arith.addf %add3A_196, %unpack3A_254 : vector<16xf32>
      %add3A_257 = arith.addf %add3A_197, %unpack3A_255 : vector<16xf32>
      %add3A_258 = arith.constant 13 : i32
      %add3A_259 = vector.broadcast %add3A_258 : i32 to vector<16xi32>
      %add3A_260 = arith.addi %iota3A, %add3A_259 : vector<16xi32>
      %and3A_261 = arith.constant 63 : i32
      %and3A_262 = vector.broadcast %and3A_261 : i32 to vector<16xi32>
      %and3A_263 = arith.andi %add3A_260, %and3A_262 : vector<16xi32>
      %gather3A_264 = tpu.vector_load_idx %arg9[%add3A_51, %and3A_263] : memref<80x64xi32, #tpu.memory_space<vmem>>[vector<16xi32>, vector<16xi32>], vector<16xi32>,
      %gather3A_265 = tpu.vector_load_idx %arg10[%add3A_51, %and3A_263] : memref<80x64xi32, #tpu.memory_space<vmem>>[vector<16xi32>, vector<16xi32>], vector<16xi32>,
      %bitcast3A_266 = vector.bitcast %gather3A_264 : vector<16xi32> to vector<32xbf16>
      %bitcast3A_267 = vector.bitcast %gather3A_265 : vector<16xi32> to vector<32xbf16>
      %mul3A_268 = arith.mulf %bitcast3A_266, %bitcast3A_267 : vector<32xbf16>
      %unpack3A_269 = tpu.unpack_subelements %mul3A_268, 0 {pack_format = #tpu.pack_format<interleaved>} : vector<32xbf16> -> vector<16xf32>
      %unpack3A_270 = tpu.unpack_subelements %mul3A_268, 1 {pack_format = #tpu.pack_format<interleaved>} : vector<32xbf16> -> vector<16xf32>
      %add3A_271 = arith.addf %add3A_211, %unpack3A_269 : vector<16xf32>
      %add3A_272 = arith.addf %add3A_212, %unpack3A_270 : vector<16xf32>
      %add3A_273 = arith.constant 14 : i32
      %add3A_274 = vector.broadcast %add3A_273 : i32 to vector<16xi32>
      %add3A_275 = arith.addi %iota3A, %add3A_274 : vector<16xi32>
      %and3A_276 = arith.constant 63 : i32
      %and3A_277 = vector.broadcast %and3A_276 : i32 to vector<16xi32>
      %and3A_278 = arith.andi %add3A_275, %and3A_277 : vector<16xi32>
      %gather3A_279 = tpu.vector_load_idx %arg9[%add3A_51, %and3A_278] : memref<80x64xi32, #tpu.memory_space<vmem>>[vector<16xi32>, vector<16xi32>], vector<16xi32>,
      %gather3A_280 = tpu.vector_load_idx %arg10[%add3A_51, %and3A_278] : memref<80x64xi32, #tpu.memory_space<vmem>>[vector<16xi32>, vector<16xi32>], vector<16xi32>,
      %bitcast3A_281 = vector.bitcast %gather3A_279 : vector<16xi32> to vector<32xbf16>
      %bitcast3A_282 = vector.bitcast %gather3A_280 : vector<16xi32> to vector<32xbf16>
      %mul3A_283 = arith.mulf %bitcast3A_281, %bitcast3A_282 : vector<32xbf16>
      %unpack3A_284 = tpu.unpack_subelements %mul3A_283, 0 {pack_format = #tpu.pack_format<interleaved>} : vector<32xbf16> -> vector<16xf32>
      %unpack3A_285 = tpu.unpack_subelements %mul3A_283, 1 {pack_format = #tpu.pack_format<interleaved>} : vector<32xbf16> -> vector<16xf32>
      %add3A_286 = arith.addf %add3A_226, %unpack3A_284 : vector<16xf32>
      %add3A_287 = arith.addf %add3A_227, %unpack3A_285 : vector<16xf32>
      %add3A_288 = arith.constant 15 : i32
      %add3A_289 = vector.broadcast %add3A_288 : i32 to vector<16xi32>
      %add3A_290 = arith.addi %iota3A, %add3A_289 : vector<16xi32>
      %and3A_291 = arith.constant 63 : i32
      %and3A_292 = vector.broadcast %and3A_291 : i32 to vector<16xi32>
      %and3A_293 = arith.andi %add3A_290, %and3A_292 : vector<16xi32>
      %gather3A_294 = tpu.vector_load_idx %arg9[%add3A_51, %and3A_293] : memref<80x64xi32, #tpu.memory_space<vmem>>[vector<16xi32>, vector<16xi32>], vector<16xi32>,
      %gather3A_295 = tpu.vector_load_idx %arg10[%add3A_51, %and3A_293] : memref<80x64xi32, #tpu.memory_space<vmem>>[vector<16xi32>, vector<16xi32>], vector<16xi32>,
      %bitcast3A_296 = vector.bitcast %gather3A_294 : vector<16xi32> to vector<32xbf16>
      %bitcast3A_297 = vector.bitcast %gather3A_295 : vector<16xi32> to vector<32xbf16>
      %mul3A_298 = arith.mulf %bitcast3A_296, %bitcast3A_297 : vector<32xbf16>
      %unpack3A_299 = tpu.unpack_subelements %mul3A_298, 0 {pack_format = #tpu.pack_format<interleaved>} : vector<32xbf16> -> vector<16xf32>
      %unpack3A_300 = tpu.unpack_subelements %mul3A_298, 1 {pack_format = #tpu.pack_format<interleaved>} : vector<32xbf16> -> vector<16xf32>
      %add3A_301 = arith.addf %add3A_241, %unpack3A_299 : vector<16xf32>
      %add3A_302 = arith.addf %add3A_242, %unpack3A_300 : vector<16xf32>
      %add3A_303 = arith.constant 16 : i32
      %add3A_304 = vector.broadcast %add3A_303 : i32 to vector<16xi32>
      %add3A_305 = arith.addi %iota3A, %add3A_304 : vector<16xi32>
      %and3A_306 = arith.constant 63 : i32
      %and3A_307 = vector.broadcast %and3A_306 : i32 to vector<16xi32>
      %and3A_308 = arith.andi %add3A_305, %and3A_307 : vector<16xi32>
      %gather3A_309 = tpu.vector_load_idx %arg9[%add3A_51, %and3A_308] : memref<80x64xi32, #tpu.memory_space<vmem>>[vector<16xi32>, vector<16xi32>], vector<16xi32>,
      %gather3A_310 = tpu.vector_load_idx %arg10[%add3A_51, %and3A_308] : memref<80x64xi32, #tpu.memory_space<vmem>>[vector<16xi32>, vector<16xi32>], vector<16xi32>,
      %bitcast3A_311 = vector.bitcast %gather3A_309 : vector<16xi32> to vector<32xbf16>
      %bitcast3A_312 = vector.bitcast %gather3A_310 : vector<16xi32> to vector<32xbf16>
      %mul3A_313 = arith.mulf %bitcast3A_311, %bitcast3A_312 : vector<32xbf16>
      %unpack3A_314 = tpu.unpack_subelements %mul3A_313, 0 {pack_format = #tpu.pack_format<interleaved>} : vector<32xbf16> -> vector<16xf32>
      %unpack3A_315 = tpu.unpack_subelements %mul3A_313, 1 {pack_format = #tpu.pack_format<interleaved>} : vector<32xbf16> -> vector<16xf32>
      %add3A_316 = arith.addf %add3A_256, %unpack3A_314 : vector<16xf32>
      %add3A_317 = arith.addf %add3A_257, %unpack3A_315 : vector<16xf32>
      %add3A_318 = arith.constant 17 : i32
      %add3A_319 = vector.broadcast %add3A_318 : i32 to vector<16xi32>
      %add3A_320 = arith.addi %iota3A, %add3A_319 : vector<16xi32>
      %and3A_321 = arith.constant 63 : i32
      %and3A_322 = vector.broadcast %and3A_321 : i32 to vector<16xi32>
      %and3A_323 = arith.andi %add3A_320, %and3A_322 : vector<16xi32>
      %gather3A_324 = tpu.vector_load_idx %arg9[%add3A_51, %and3A_323] : memref<80x64xi32, #tpu.memory_space<vmem>>[vector<16xi32>, vector<16xi32>], vector<16xi32>,
      %gather3A_325 = tpu.vector_load_idx %arg10[%add3A_51, %and3A_323] : memref<80x64xi32, #tpu.memory_space<vmem>>[vector<16xi32>, vector<16xi32>], vector<16xi32>,
      %bitcast3A_326 = vector.bitcast %gather3A_324 : vector<16xi32> to vector<32xbf16>
      %bitcast3A_327 = vector.bitcast %gather3A_325 : vector<16xi32> to vector<32xbf16>
      %mul3A_328 = arith.mulf %bitcast3A_326, %bitcast3A_327 : vector<32xbf16>
      %unpack3A_329 = tpu.unpack_subelements %mul3A_328, 0 {pack_format = #tpu.pack_format<interleaved>} : vector<32xbf16> -> vector<16xf32>
      %unpack3A_330 = tpu.unpack_subelements %mul3A_328, 1 {pack_format = #tpu.pack_format<interleaved>} : vector<32xbf16> -> vector<16xf32>
      %add3A_331 = arith.addf %add3A_271, %unpack3A_329 : vector<16xf32>
      %add3A_332 = arith.addf %add3A_272, %unpack3A_330 : vector<16xf32>
      %add3A_333 = arith.constant 18 : i32
      %add3A_334 = vector.broadcast %add3A_333 : i32 to vector<16xi32>
      %add3A_335 = arith.addi %iota3A, %add3A_334 : vector<16xi32>
      %and3A_336 = arith.constant 63 : i32
      %and3A_337 = vector.broadcast %and3A_336 : i32 to vector<16xi32>
      %and3A_338 = arith.andi %add3A_335, %and3A_337 : vector<16xi32>
      %gather3A_339 = tpu.vector_load_idx %arg9[%add3A_51, %and3A_338] : memref<80x64xi32, #tpu.memory_space<vmem>>[vector<16xi32>, vector<16xi32>], vector<16xi32>,
      %gather3A_340 = tpu.vector_load_idx %arg10[%add3A_51, %and3A_338] : memref<80x64xi32, #tpu.memory_space<vmem>>[vector<16xi32>, vector<16xi32>], vector<16xi32>,
      %bitcast3A_341 = vector.bitcast %gather3A_339 : vector<16xi32> to vector<32xbf16>
      %bitcast3A_342 = vector.bitcast %gather3A_340 : vector<16xi32> to vector<32xbf16>
      %mul3A_343 = arith.mulf %bitcast3A_341, %bitcast3A_342 : vector<32xbf16>
      %unpack3A_344 = tpu.unpack_subelements %mul3A_343, 0 {pack_format = #tpu.pack_format<interleaved>} : vector<32xbf16> -> vector<16xf32>
      %unpack3A_345 = tpu.unpack_subelements %mul3A_343, 1 {pack_format = #tpu.pack_format<interleaved>} : vector<32xbf16> -> vector<16xf32>
      %add3A_346 = arith.addf %add3A_286, %unpack3A_344 : vector<16xf32>
      %add3A_347 = arith.addf %add3A_287, %unpack3A_345 : vector<16xf32>
      %add3A_348 = arith.constant 19 : i32
      %add3A_349 = vector.broadcast %add3A_348 : i32 to vector<16xi32>
      %add3A_350 = arith.addi %iota3A, %add3A_349 : vector<16xi32>
      %and3A_351 = arith.constant 63 : i32
      %and3A_352 = vector.broadcast %and3A_351 : i32 to vector<16xi32>
      %and3A_353 = arith.andi %add3A_350, %and3A_352 : vector<16xi32>
      %gather3A_354 = tpu.vector_load_idx %arg9[%add3A_51, %and3A_353] : memref<80x64xi32, #tpu.memory_space<vmem>>[vector<16xi32>, vector<16xi32>], vector<16xi32>,
      %gather3A_355 = tpu.vector_load_idx %arg10[%add3A_51, %and3A_353] : memref<80x64xi32, #tpu.memory_space<vmem>>[vector<16xi32>, vector<16xi32>], vector<16xi32>,
      %bitcast3A_356 = vector.bitcast %gather3A_354 : vector<16xi32> to vector<32xbf16>
      %bitcast3A_357 = vector.bitcast %gather3A_355 : vector<16xi32> to vector<32xbf16>
      %mul3A_358 = arith.mulf %bitcast3A_356, %bitcast3A_357 : vector<32xbf16>
      %unpack3A_359 = tpu.unpack_subelements %mul3A_358, 0 {pack_format = #tpu.pack_format<interleaved>} : vector<32xbf16> -> vector<16xf32>
      %unpack3A_360 = tpu.unpack_subelements %mul3A_358, 1 {pack_format = #tpu.pack_format<interleaved>} : vector<32xbf16> -> vector<16xf32>
      %add3A_361 = arith.addf %add3A_301, %unpack3A_359 : vector<16xf32>
      %add3A_362 = arith.addf %add3A_302, %unpack3A_360 : vector<16xf32>
      %add3A_363 = arith.constant 20 : i32
      %add3A_364 = vector.broadcast %add3A_363 : i32 to vector<16xi32>
      %add3A_365 = arith.addi %iota3A, %add3A_364 : vector<16xi32>
      %and3A_366 = arith.constant 63 : i32
      %and3A_367 = vector.broadcast %and3A_366 : i32 to vector<16xi32>
      %and3A_368 = arith.andi %add3A_365, %and3A_367 : vector<16xi32>
      %gather3A_369 = tpu.vector_load_idx %arg9[%add3A_51, %and3A_368] : memref<80x64xi32, #tpu.memory_space<vmem>>[vector<16xi32>, vector<16xi32>], vector<16xi32>,
      %gather3A_370 = tpu.vector_load_idx %arg10[%add3A_51, %and3A_368] : memref<80x64xi32, #tpu.memory_space<vmem>>[vector<16xi32>, vector<16xi32>], vector<16xi32>,
      %bitcast3A_371 = vector.bitcast %gather3A_369 : vector<16xi32> to vector<32xbf16>
      %bitcast3A_372 = vector.bitcast %gather3A_370 : vector<16xi32> to vector<32xbf16>
      %mul3A_373 = arith.mulf %bitcast3A_371, %bitcast3A_372 : vector<32xbf16>
      %unpack3A_374 = tpu.unpack_subelements %mul3A_373, 0 {pack_format = #tpu.pack_format<interleaved>} : vector<32xbf16> -> vector<16xf32>
      %unpack3A_375 = tpu.unpack_subelements %mul3A_373, 1 {pack_format = #tpu.pack_format<interleaved>} : vector<32xbf16> -> vector<16xf32>
      %add3A_376 = arith.addf %add3A_316, %unpack3A_374 : vector<16xf32>
      %add3A_377 = arith.addf %add3A_317, %unpack3A_375 : vector<16xf32>
      %add3A_378 = arith.constant 21 : i32
      %add3A_379 = vector.broadcast %add3A_378 : i32 to vector<16xi32>
      %add3A_380 = arith.addi %iota3A, %add3A_379 : vector<16xi32>
      %and3A_381 = arith.constant 63 : i32
      %and3A_382 = vector.broadcast %and3A_381 : i32 to vector<16xi32>
      %and3A_383 = arith.andi %add3A_380, %and3A_382 : vector<16xi32>
      %gather3A_384 = tpu.vector_load_idx %arg9[%add3A_51, %and3A_383] : memref<80x64xi32, #tpu.memory_space<vmem>>[vector<16xi32>, vector<16xi32>], vector<16xi32>,
      %gather3A_385 = tpu.vector_load_idx %arg10[%add3A_51, %and3A_383] : memref<80x64xi32, #tpu.memory_space<vmem>>[vector<16xi32>, vector<16xi32>], vector<16xi32>,
      %bitcast3A_386 = vector.bitcast %gather3A_384 : vector<16xi32> to vector<32xbf16>
      %bitcast3A_387 = vector.bitcast %gather3A_385 : vector<16xi32> to vector<32xbf16>
      %mul3A_388 = arith.mulf %bitcast3A_386, %bitcast3A_387 : vector<32xbf16>
      %unpack3A_389 = tpu.unpack_subelements %mul3A_388, 0 {pack_format = #tpu.pack_format<interleaved>} : vector<32xbf16> -> vector<16xf32>
      %unpack3A_390 = tpu.unpack_subelements %mul3A_388, 1 {pack_format = #tpu.pack_format<interleaved>} : vector<32xbf16> -> vector<16xf32>
      %add3A_391 = arith.addf %add3A_331, %unpack3A_389 : vector<16xf32>
      %add3A_392 = arith.addf %add3A_332, %unpack3A_390 : vector<16xf32>
      %add3A_393 = arith.constant 22 : i32
      %add3A_394 = vector.broadcast %add3A_393 : i32 to vector<16xi32>
      %add3A_395 = arith.addi %iota3A, %add3A_394 : vector<16xi32>
      %and3A_396 = arith.constant 63 : i32
      %and3A_397 = vector.broadcast %and3A_396 : i32 to vector<16xi32>
      %and3A_398 = arith.andi %add3A_395, %and3A_397 : vector<16xi32>
      %gather3A_399 = tpu.vector_load_idx %arg9[%add3A_51, %and3A_398] : memref<80x64xi32, #tpu.memory_space<vmem>>[vector<16xi32>, vector<16xi32>], vector<16xi32>,
      %gather3A_400 = tpu.vector_load_idx %arg10[%add3A_51, %and3A_398] : memref<80x64xi32, #tpu.memory_space<vmem>>[vector<16xi32>, vector<16xi32>], vector<16xi32>,
      %bitcast3A_401 = vector.bitcast %gather3A_399 : vector<16xi32> to vector<32xbf16>
      %bitcast3A_402 = vector.bitcast %gather3A_400 : vector<16xi32> to vector<32xbf16>
      %mul3A_403 = arith.mulf %bitcast3A_401, %bitcast3A_402 : vector<32xbf16>
      %unpack3A_404 = tpu.unpack_subelements %mul3A_403, 0 {pack_format = #tpu.pack_format<interleaved>} : vector<32xbf16> -> vector<16xf32>
      %unpack3A_405 = tpu.unpack_subelements %mul3A_403, 1 {pack_format = #tpu.pack_format<interleaved>} : vector<32xbf16> -> vector<16xf32>
      %add3A_406 = arith.addf %add3A_346, %unpack3A_404 : vector<16xf32>
      %add3A_407 = arith.addf %add3A_347, %unpack3A_405 : vector<16xf32>
      %add3A_408 = arith.constant 23 : i32
      %add3A_409 = vector.broadcast %add3A_408 : i32 to vector<16xi32>
      %add3A_410 = arith.addi %iota3A, %add3A_409 : vector<16xi32>
      %and3A_411 = arith.constant 63 : i32
      %and3A_412 = vector.broadcast %and3A_411 : i32 to vector<16xi32>
      %and3A_413 = arith.andi %add3A_410, %and3A_412 : vector<16xi32>
      %gather3A_414 = tpu.vector_load_idx %arg9[%add3A_51, %and3A_413] : memref<80x64xi32, #tpu.memory_space<vmem>>[vector<16xi32>, vector<16xi32>], vector<16xi32>,
      %gather3A_415 = tpu.vector_load_idx %arg10[%add3A_51, %and3A_413] : memref<80x64xi32, #tpu.memory_space<vmem>>[vector<16xi32>, vector<16xi32>], vector<16xi32>,
      %bitcast3A_416 = vector.bitcast %gather3A_414 : vector<16xi32> to vector<32xbf16>
      %bitcast3A_417 = vector.bitcast %gather3A_415 : vector<16xi32> to vector<32xbf16>
      %mul3A_418 = arith.mulf %bitcast3A_416, %bitcast3A_417 : vector<32xbf16>
      %unpack3A_419 = tpu.unpack_subelements %mul3A_418, 0 {pack_format = #tpu.pack_format<interleaved>} : vector<32xbf16> -> vector<16xf32>
      %unpack3A_420 = tpu.unpack_subelements %mul3A_418, 1 {pack_format = #tpu.pack_format<interleaved>} : vector<32xbf16> -> vector<16xf32>
      %add3A_421 = arith.addf %add3A_361, %unpack3A_419 : vector<16xf32>
      %add3A_422 = arith.addf %add3A_362, %unpack3A_420 : vector<16xf32>
      %add3A_423 = arith.constant 24 : i32
      %add3A_424 = vector.broadcast %add3A_423 : i32 to vector<16xi32>
      %add3A_425 = arith.addi %iota3A, %add3A_424 : vector<16xi32>
      %and3A_426 = arith.constant 63 : i32
      %and3A_427 = vector.broadcast %and3A_426 : i32 to vector<16xi32>
      %and3A_428 = arith.andi %add3A_425, %and3A_427 : vector<16xi32>
      %gather3A_429 = tpu.vector_load_idx %arg9[%add3A_51, %and3A_428] : memref<80x64xi32, #tpu.memory_space<vmem>>[vector<16xi32>, vector<16xi32>], vector<16xi32>,
      %gather3A_430 = tpu.vector_load_idx %arg10[%add3A_51, %and3A_428] : memref<80x64xi32, #tpu.memory_space<vmem>>[vector<16xi32>, vector<16xi32>], vector<16xi32>,
      %bitcast3A_431 = vector.bitcast %gather3A_429 : vector<16xi32> to vector<32xbf16>
      %bitcast3A_432 = vector.bitcast %gather3A_430 : vector<16xi32> to vector<32xbf16>
      %mul3A_433 = arith.mulf %bitcast3A_431, %bitcast3A_432 : vector<32xbf16>
      %unpack3A_434 = tpu.unpack_subelements %mul3A_433, 0 {pack_format = #tpu.pack_format<interleaved>} : vector<32xbf16> -> vector<16xf32>
      %unpack3A_435 = tpu.unpack_subelements %mul3A_433, 1 {pack_format = #tpu.pack_format<interleaved>} : vector<32xbf16> -> vector<16xf32>
      %add3A_436 = arith.addf %add3A_376, %unpack3A_434 : vector<16xf32>
      %add3A_437 = arith.addf %add3A_377, %unpack3A_435 : vector<16xf32>
      %add3A_438 = arith.constant 25 : i32
      %add3A_439 = vector.broadcast %add3A_438 : i32 to vector<16xi32>
      %add3A_440 = arith.addi %iota3A, %add3A_439 : vector<16xi32>
      %and3A_441 = arith.constant 63 : i32
      %and3A_442 = vector.broadcast %and3A_441 : i32 to vector<16xi32>
      %and3A_443 = arith.andi %add3A_440, %and3A_442 : vector<16xi32>
      %gather3A_444 = tpu.vector_load_idx %arg9[%add3A_51, %and3A_443] : memref<80x64xi32, #tpu.memory_space<vmem>>[vector<16xi32>, vector<16xi32>], vector<16xi32>,
      %gather3A_445 = tpu.vector_load_idx %arg10[%add3A_51, %and3A_443] : memref<80x64xi32, #tpu.memory_space<vmem>>[vector<16xi32>, vector<16xi32>], vector<16xi32>,
      %bitcast3A_446 = vector.bitcast %gather3A_444 : vector<16xi32> to vector<32xbf16>
      %bitcast3A_447 = vector.bitcast %gather3A_445 : vector<16xi32> to vector<32xbf16>
      %mul3A_448 = arith.mulf %bitcast3A_446, %bitcast3A_447 : vector<32xbf16>
      %unpack3A_449 = tpu.unpack_subelements %mul3A_448, 0 {pack_format = #tpu.pack_format<interleaved>} : vector<32xbf16> -> vector<16xf32>
      %unpack3A_450 = tpu.unpack_subelements %mul3A_448, 1 {pack_format = #tpu.pack_format<interleaved>} : vector<32xbf16> -> vector<16xf32>
      %add3A_451 = arith.addf %add3A_391, %unpack3A_449 : vector<16xf32>
      %add3A_452 = arith.addf %add3A_392, %unpack3A_450 : vector<16xf32>
      %add3A_453 = arith.constant 26 : i32
      %add3A_454 = vector.broadcast %add3A_453 : i32 to vector<16xi32>
      %add3A_455 = arith.addi %iota3A, %add3A_454 : vector<16xi32>
      %and3A_456 = arith.constant 63 : i32
      %and3A_457 = vector.broadcast %and3A_456 : i32 to vector<16xi32>
      %and3A_458 = arith.andi %add3A_455, %and3A_457 : vector<16xi32>
      %gather3A_459 = tpu.vector_load_idx %arg9[%add3A_51, %and3A_458] : memref<80x64xi32, #tpu.memory_space<vmem>>[vector<16xi32>, vector<16xi32>], vector<16xi32>,
      %gather3A_460 = tpu.vector_load_idx %arg10[%add3A_51, %and3A_458] : memref<80x64xi32, #tpu.memory_space<vmem>>[vector<16xi32>, vector<16xi32>], vector<16xi32>,
      %bitcast3A_461 = vector.bitcast %gather3A_459 : vector<16xi32> to vector<32xbf16>
      %bitcast3A_462 = vector.bitcast %gather3A_460 : vector<16xi32> to vector<32xbf16>
      %mul3A_463 = arith.mulf %bitcast3A_461, %bitcast3A_462 : vector<32xbf16>
      %unpack3A_464 = tpu.unpack_subelements %mul3A_463, 0 {pack_format = #tpu.pack_format<interleaved>} : vector<32xbf16> -> vector<16xf32>
      %unpack3A_465 = tpu.unpack_subelements %mul3A_463, 1 {pack_format = #tpu.pack_format<interleaved>} : vector<32xbf16> -> vector<16xf32>
      %add3A_466 = arith.addf %add3A_406, %unpack3A_464 : vector<16xf32>
      %add3A_467 = arith.addf %add3A_407, %unpack3A_465 : vector<16xf32>
      %add3A_468 = arith.constant 27 : i32
      %add3A_469 = vector.broadcast %add3A_468 : i32 to vector<16xi32>
      %add3A_470 = arith.addi %iota3A, %add3A_469 : vector<16xi32>
      %and3A_471 = arith.constant 63 : i32
      %and3A_472 = vector.broadcast %and3A_471 : i32 to vector<16xi32>
      %and3A_473 = arith.andi %add3A_470, %and3A_472 : vector<16xi32>
      %gather3A_474 = tpu.vector_load_idx %arg9[%add3A_51, %and3A_473] : memref<80x64xi32, #tpu.memory_space<vmem>>[vector<16xi32>, vector<16xi32>], vector<16xi32>,
      %gather3A_475 = tpu.vector_load_idx %arg10[%add3A_51, %and3A_473] : memref<80x64xi32, #tpu.memory_space<vmem>>[vector<16xi32>, vector<16xi32>], vector<16xi32>,
      %bitcast3A_476 = vector.bitcast %gather3A_474 : vector<16xi32> to vector<32xbf16>
      %bitcast3A_477 = vector.bitcast %gather3A_475 : vector<16xi32> to vector<32xbf16>
      %mul3A_478 = arith.mulf %bitcast3A_476, %bitcast3A_477 : vector<32xbf16>
      %unpack3A_479 = tpu.unpack_subelements %mul3A_478, 0 {pack_format = #tpu.pack_format<interleaved>} : vector<32xbf16> -> vector<16xf32>
      %unpack3A_480 = tpu.unpack_subelements %mul3A_478, 1 {pack_format = #tpu.pack_format<interleaved>} : vector<32xbf16> -> vector<16xf32>
      %add3A_481 = arith.addf %add3A_421, %unpack3A_479 : vector<16xf32>
      %add3A_482 = arith.addf %add3A_422, %unpack3A_480 : vector<16xf32>
      %add3A_483 = arith.constant 28 : i32
      %add3A_484 = vector.broadcast %add3A_483 : i32 to vector<16xi32>
      %add3A_485 = arith.addi %iota3A, %add3A_484 : vector<16xi32>
      %and3A_486 = arith.constant 63 : i32
      %and3A_487 = vector.broadcast %and3A_486 : i32 to vector<16xi32>
      %and3A_488 = arith.andi %add3A_485, %and3A_487 : vector<16xi32>
      %gather3A_489 = tpu.vector_load_idx %arg9[%add3A_51, %and3A_488] : memref<80x64xi32, #tpu.memory_space<vmem>>[vector<16xi32>, vector<16xi32>], vector<16xi32>,
      %gather3A_490 = tpu.vector_load_idx %arg10[%add3A_51, %and3A_488] : memref<80x64xi32, #tpu.memory_space<vmem>>[vector<16xi32>, vector<16xi32>], vector<16xi32>,
      %bitcast3A_491 = vector.bitcast %gather3A_489 : vector<16xi32> to vector<32xbf16>
      %bitcast3A_492 = vector.bitcast %gather3A_490 : vector<16xi32> to vector<32xbf16>
      %mul3A_493 = arith.mulf %bitcast3A_491, %bitcast3A_492 : vector<32xbf16>
      %unpack3A_494 = tpu.unpack_subelements %mul3A_493, 0 {pack_format = #tpu.pack_format<interleaved>} : vector<32xbf16> -> vector<16xf32>
      %unpack3A_495 = tpu.unpack_subelements %mul3A_493, 1 {pack_format = #tpu.pack_format<interleaved>} : vector<32xbf16> -> vector<16xf32>
      %add3A_496 = arith.addf %add3A_436, %unpack3A_494 : vector<16xf32>
      %add3A_497 = arith.addf %add3A_437, %unpack3A_495 : vector<16xf32>
      %add3A_498 = arith.constant 29 : i32
      %add3A_499 = vector.broadcast %add3A_498 : i32 to vector<16xi32>
      %add3A_500 = arith.addi %iota3A, %add3A_499 : vector<16xi32>
      %and3A_501 = arith.constant 63 : i32
      %and3A_502 = vector.broadcast %and3A_501 : i32 to vector<16xi32>
      %and3A_503 = arith.andi %add3A_500, %and3A_502 : vector<16xi32>
      %gather3A_504 = tpu.vector_load_idx %arg9[%add3A_51, %and3A_503] : memref<80x64xi32, #tpu.memory_space<vmem>>[vector<16xi32>, vector<16xi32>], vector<16xi32>,
      %gather3A_505 = tpu.vector_load_idx %arg10[%add3A_51, %and3A_503] : memref<80x64xi32, #tpu.memory_space<vmem>>[vector<16xi32>, vector<16xi32>], vector<16xi32>,
      %bitcast3A_506 = vector.bitcast %gather3A_504 : vector<16xi32> to vector<32xbf16>
      %bitcast3A_507 = vector.bitcast %gather3A_505 : vector<16xi32> to vector<32xbf16>
      %mul3A_508 = arith.mulf %bitcast3A_506, %bitcast3A_507 : vector<32xbf16>
      %unpack3A_509 = tpu.unpack_subelements %mul3A_508, 0 {pack_format = #tpu.pack_format<interleaved>} : vector<32xbf16> -> vector<16xf32>
      %unpack3A_510 = tpu.unpack_subelements %mul3A_508, 1 {pack_format = #tpu.pack_format<interleaved>} : vector<32xbf16> -> vector<16xf32>
      %add3A_511 = arith.addf %add3A_451, %unpack3A_509 : vector<16xf32>
      %add3A_512 = arith.addf %add3A_452, %unpack3A_510 : vector<16xf32>
      %add3A_513 = arith.constant 30 : i32
      %add3A_514 = vector.broadcast %add3A_513 : i32 to vector<16xi32>
      %add3A_515 = arith.addi %iota3A, %add3A_514 : vector<16xi32>
      %and3A_516 = arith.constant 63 : i32
      %and3A_517 = vector.broadcast %and3A_516 : i32 to vector<16xi32>
      %and3A_518 = arith.andi %add3A_515, %and3A_517 : vector<16xi32>
      %gather3A_519 = tpu.vector_load_idx %arg9[%add3A_51, %and3A_518] : memref<80x64xi32, #tpu.memory_space<vmem>>[vector<16xi32>, vector<16xi32>], vector<16xi32>,
      %gather3A_520 = tpu.vector_load_idx %arg10[%add3A_51, %and3A_518] : memref<80x64xi32, #tpu.memory_space<vmem>>[vector<16xi32>, vector<16xi32>], vector<16xi32>,
      %bitcast3A_521 = vector.bitcast %gather3A_519 : vector<16xi32> to vector<32xbf16>
      %bitcast3A_522 = vector.bitcast %gather3A_520 : vector<16xi32> to vector<32xbf16>
      %mul3A_523 = arith.mulf %bitcast3A_521, %bitcast3A_522 : vector<32xbf16>
      %unpack3A_524 = tpu.unpack_subelements %mul3A_523, 0 {pack_format = #tpu.pack_format<interleaved>} : vector<32xbf16> -> vector<16xf32>
      %unpack3A_525 = tpu.unpack_subelements %mul3A_523, 1 {pack_format = #tpu.pack_format<interleaved>} : vector<32xbf16> -> vector<16xf32>
      %add3A_526 = arith.addf %add3A_466, %unpack3A_524 : vector<16xf32>
      %add3A_527 = arith.addf %add3A_467, %unpack3A_525 : vector<16xf32>
      %add3A_528 = arith.constant 31 : i32
      %add3A_529 = vector.broadcast %add3A_528 : i32 to vector<16xi32>
      %add3A_530 = arith.addi %iota3A, %add3A_529 : vector<16xi32>
      %and3A_531 = arith.constant 63 : i32
      %and3A_532 = vector.broadcast %and3A_531 : i32 to vector<16xi32>
      %and3A_533 = arith.andi %add3A_530, %and3A_532 : vector<16xi32>
      %gather3A_534 = tpu.vector_load_idx %arg9[%add3A_51, %and3A_533] : memref<80x64xi32, #tpu.memory_space<vmem>>[vector<16xi32>, vector<16xi32>], vector<16xi32>,
      %gather3A_535 = tpu.vector_load_idx %arg10[%add3A_51, %and3A_533] : memref<80x64xi32, #tpu.memory_space<vmem>>[vector<16xi32>, vector<16xi32>], vector<16xi32>,
      %bitcast3A_536 = vector.bitcast %gather3A_534 : vector<16xi32> to vector<32xbf16>
      %bitcast3A_537 = vector.bitcast %gather3A_535 : vector<16xi32> to vector<32xbf16>
      %mul3A_538 = arith.mulf %bitcast3A_536, %bitcast3A_537 : vector<32xbf16>
      %unpack3A_539 = tpu.unpack_subelements %mul3A_538, 0 {pack_format = #tpu.pack_format<interleaved>} : vector<32xbf16> -> vector<16xf32>
      %unpack3A_540 = tpu.unpack_subelements %mul3A_538, 1 {pack_format = #tpu.pack_format<interleaved>} : vector<32xbf16> -> vector<16xf32>
      %add3A_541 = arith.addf %add3A_481, %unpack3A_539 : vector<16xf32>
      %add3A_542 = arith.addf %add3A_482, %unpack3A_540 : vector<16xf32>
      %add3A_543 = arith.constant 32 : i32
      %add3A_544 = vector.broadcast %add3A_543 : i32 to vector<16xi32>
      %add3A_545 = arith.addi %iota3A, %add3A_544 : vector<16xi32>
      %and3A_546 = arith.constant 63 : i32
      %and3A_547 = vector.broadcast %and3A_546 : i32 to vector<16xi32>
      %and3A_548 = arith.andi %add3A_545, %and3A_547 : vector<16xi32>
      %gather3A_549 = tpu.vector_load_idx %arg9[%add3A_51, %and3A_548] : memref<80x64xi32, #tpu.memory_space<vmem>>[vector<16xi32>, vector<16xi32>], vector<16xi32>,
      %gather3A_550 = tpu.vector_load_idx %arg10[%add3A_51, %and3A_548] : memref<80x64xi32, #tpu.memory_space<vmem>>[vector<16xi32>, vector<16xi32>], vector<16xi32>,
      %bitcast3A_551 = vector.bitcast %gather3A_549 : vector<16xi32> to vector<32xbf16>
      %bitcast3A_552 = vector.bitcast %gather3A_550 : vector<16xi32> to vector<32xbf16>
      %mul3A_553 = arith.mulf %bitcast3A_551, %bitcast3A_552 : vector<32xbf16>
      %unpack3A_554 = tpu.unpack_subelements %mul3A_553, 0 {pack_format = #tpu.pack_format<interleaved>} : vector<32xbf16> -> vector<16xf32>
      %unpack3A_555 = tpu.unpack_subelements %mul3A_553, 1 {pack_format = #tpu.pack_format<interleaved>} : vector<32xbf16> -> vector<16xf32>
      %add3A_556 = arith.addf %add3A_496, %unpack3A_554 : vector<16xf32>
      %add3A_557 = arith.addf %add3A_497, %unpack3A_555 : vector<16xf32>
      %add3A_558 = arith.constant 33 : i32
      %add3A_559 = vector.broadcast %add3A_558 : i32 to vector<16xi32>
      %add3A_560 = arith.addi %iota3A, %add3A_559 : vector<16xi32>
      %and3A_561 = arith.constant 63 : i32
      %and3A_562 = vector.broadcast %and3A_561 : i32 to vector<16xi32>
      %and3A_563 = arith.andi %add3A_560, %and3A_562 : vector<16xi32>
      %gather3A_564 = tpu.vector_load_idx %arg9[%add3A_51, %and3A_563] : memref<80x64xi32, #tpu.memory_space<vmem>>[vector<16xi32>, vector<16xi32>], vector<16xi32>,
      %gather3A_565 = tpu.vector_load_idx %arg10[%add3A_51, %and3A_563] : memref<80x64xi32, #tpu.memory_space<vmem>>[vector<16xi32>, vector<16xi32>], vector<16xi32>,
      %bitcast3A_566 = vector.bitcast %gather3A_564 : vector<16xi32> to vector<32xbf16>
      %bitcast3A_567 = vector.bitcast %gather3A_565 : vector<16xi32> to vector<32xbf16>
      %mul3A_568 = arith.mulf %bitcast3A_566, %bitcast3A_567 : vector<32xbf16>
      %unpack3A_569 = tpu.unpack_subelements %mul3A_568, 0 {pack_format = #tpu.pack_format<interleaved>} : vector<32xbf16> -> vector<16xf32>
      %unpack3A_570 = tpu.unpack_subelements %mul3A_568, 1 {pack_format = #tpu.pack_format<interleaved>} : vector<32xbf16> -> vector<16xf32>
      %add3A_571 = arith.addf %add3A_511, %unpack3A_569 : vector<16xf32>
      %add3A_572 = arith.addf %add3A_512, %unpack3A_570 : vector<16xf32>
      %add3A_573 = arith.constant 34 : i32
      %add3A_574 = vector.broadcast %add3A_573 : i32 to vector<16xi32>
      %add3A_575 = arith.addi %iota3A, %add3A_574 : vector<16xi32>
      %and3A_576 = arith.constant 63 : i32
      %and3A_577 = vector.broadcast %and3A_576 : i32 to vector<16xi32>
      %and3A_578 = arith.andi %add3A_575, %and3A_577 : vector<16xi32>
      %gather3A_579 = tpu.vector_load_idx %arg9[%add3A_51, %and3A_578] : memref<80x64xi32, #tpu.memory_space<vmem>>[vector<16xi32>, vector<16xi32>], vector<16xi32>,
      %gather3A_580 = tpu.vector_load_idx %arg10[%add3A_51, %and3A_578] : memref<80x64xi32, #tpu.memory_space<vmem>>[vector<16xi32>, vector<16xi32>], vector<16xi32>,
      %bitcast3A_581 = vector.bitcast %gather3A_579 : vector<16xi32> to vector<32xbf16>
      %bitcast3A_582 = vector.bitcast %gather3A_580 : vector<16xi32> to vector<32xbf16>
      %mul3A_583 = arith.mulf %bitcast3A_581, %bitcast3A_582 : vector<32xbf16>
      %unpack3A_584 = tpu.unpack_subelements %mul3A_583, 0 {pack_format = #tpu.pack_format<interleaved>} : vector<32xbf16> -> vector<16xf32>
      %unpack3A_585 = tpu.unpack_subelements %mul3A_583, 1 {pack_format = #tpu.pack_format<interleaved>} : vector<32xbf16> -> vector<16xf32>
      %add3A_586 = arith.addf %add3A_526, %unpack3A_584 : vector<16xf32>
      %add3A_587 = arith.addf %add3A_527, %unpack3A_585 : vector<16xf32>
      %add3A_588 = arith.constant 35 : i32
      %add3A_589 = vector.broadcast %add3A_588 : i32 to vector<16xi32>
      %add3A_590 = arith.addi %iota3A, %add3A_589 : vector<16xi32>
      %and3A_591 = arith.constant 63 : i32
      %and3A_592 = vector.broadcast %and3A_591 : i32 to vector<16xi32>
      %and3A_593 = arith.andi %add3A_590, %and3A_592 : vector<16xi32>
      %gather3A_594 = tpu.vector_load_idx %arg9[%add3A_51, %and3A_593] : memref<80x64xi32, #tpu.memory_space<vmem>>[vector<16xi32>, vector<16xi32>], vector<16xi32>,
      %gather3A_595 = tpu.vector_load_idx %arg10[%add3A_51, %and3A_593] : memref<80x64xi32, #tpu.memory_space<vmem>>[vector<16xi32>, vector<16xi32>], vector<16xi32>,
      %bitcast3A_596 = vector.bitcast %gather3A_594 : vector<16xi32> to vector<32xbf16>
      %bitcast3A_597 = vector.bitcast %gather3A_595 : vector<16xi32> to vector<32xbf16>
      %mul3A_598 = arith.mulf %bitcast3A_596, %bitcast3A_597 : vector<32xbf16>
      %unpack3A_599 = tpu.unpack_subelements %mul3A_598, 0 {pack_format = #tpu.pack_format<interleaved>} : vector<32xbf16> -> vector<16xf32>
      %unpack3A_600 = tpu.unpack_subelements %mul3A_598, 1 {pack_format = #tpu.pack_format<interleaved>} : vector<32xbf16> -> vector<16xf32>
      %add3A_601 = arith.addf %add3A_541, %unpack3A_599 : vector<16xf32>
      %add3A_602 = arith.addf %add3A_542, %unpack3A_600 : vector<16xf32>
      %add3A_603 = arith.constant 36 : i32
      %add3A_604 = vector.broadcast %add3A_603 : i32 to vector<16xi32>
      %add3A_605 = arith.addi %iota3A, %add3A_604 : vector<16xi32>
      %and3A_606 = arith.constant 63 : i32
      %and3A_607 = vector.broadcast %and3A_606 : i32 to vector<16xi32>
      %and3A_608 = arith.andi %add3A_605, %and3A_607 : vector<16xi32>
      %gather3A_609 = tpu.vector_load_idx %arg9[%add3A_51, %and3A_608] : memref<80x64xi32, #tpu.memory_space<vmem>>[vector<16xi32>, vector<16xi32>], vector<16xi32>,
      %gather3A_610 = tpu.vector_load_idx %arg10[%add3A_51, %and3A_608] : memref<80x64xi32, #tpu.memory_space<vmem>>[vector<16xi32>, vector<16xi32>], vector<16xi32>,
      %bitcast3A_611 = vector.bitcast %gather3A_609 : vector<16xi32> to vector<32xbf16>
      %bitcast3A_612 = vector.bitcast %gather3A_610 : vector<16xi32> to vector<32xbf16>
      %mul3A_613 = arith.mulf %bitcast3A_611, %bitcast3A_612 : vector<32xbf16>
      %unpack3A_614 = tpu.unpack_subelements %mul3A_613, 0 {pack_format = #tpu.pack_format<interleaved>} : vector<32xbf16> -> vector<16xf32>
      %unpack3A_615 = tpu.unpack_subelements %mul3A_613, 1 {pack_format = #tpu.pack_format<interleaved>} : vector<32xbf16> -> vector<16xf32>
      %add3A_616 = arith.addf %add3A_556, %unpack3A_614 : vector<16xf32>
      %add3A_617 = arith.addf %add3A_557, %unpack3A_615 : vector<16xf32>
      %add3A_618 = arith.constant 37 : i32
      %add3A_619 = vector.broadcast %add3A_618 : i32 to vector<16xi32>
      %add3A_620 = arith.addi %iota3A, %add3A_619 : vector<16xi32>
      %and3A_621 = arith.constant 63 : i32
      %and3A_622 = vector.broadcast %and3A_621 : i32 to vector<16xi32>
      %and3A_623 = arith.andi %add3A_620, %and3A_622 : vector<16xi32>
      %gather3A_624 = tpu.vector_load_idx %arg9[%add3A_51, %and3A_623] : memref<80x64xi32, #tpu.memory_space<vmem>>[vector<16xi32>, vector<16xi32>], vector<16xi32>,
      %gather3A_625 = tpu.vector_load_idx %arg10[%add3A_51, %and3A_623] : memref<80x64xi32, #tpu.memory_space<vmem>>[vector<16xi32>, vector<16xi32>], vector<16xi32>,
      %bitcast3A_626 = vector.bitcast %gather3A_624 : vector<16xi32> to vector<32xbf16>
      %bitcast3A_627 = vector.bitcast %gather3A_625 : vector<16xi32> to vector<32xbf16>
      %mul3A_628 = arith.mulf %bitcast3A_626, %bitcast3A_627 : vector<32xbf16>
      %unpack3A_629 = tpu.unpack_subelements %mul3A_628, 0 {pack_format = #tpu.pack_format<interleaved>} : vector<32xbf16> -> vector<16xf32>
      %unpack3A_630 = tpu.unpack_subelements %mul3A_628, 1 {pack_format = #tpu.pack_format<interleaved>} : vector<32xbf16> -> vector<16xf32>
      %add3A_631 = arith.addf %add3A_571, %unpack3A_629 : vector<16xf32>
      %add3A_632 = arith.addf %add3A_572, %unpack3A_630 : vector<16xf32>
      %add3A_633 = arith.constant 38 : i32
      %add3A_634 = vector.broadcast %add3A_633 : i32 to vector<16xi32>
      %add3A_635 = arith.addi %iota3A, %add3A_634 : vector<16xi32>
      %and3A_636 = arith.constant 63 : i32
      %and3A_637 = vector.broadcast %and3A_636 : i32 to vector<16xi32>
      %and3A_638 = arith.andi %add3A_635, %and3A_637 : vector<16xi32>
      %gather3A_639 = tpu.vector_load_idx %arg9[%add3A_51, %and3A_638] : memref<80x64xi32, #tpu.memory_space<vmem>>[vector<16xi32>, vector<16xi32>], vector<16xi32>,
      %gather3A_640 = tpu.vector_load_idx %arg10[%add3A_51, %and3A_638] : memref<80x64xi32, #tpu.memory_space<vmem>>[vector<16xi32>, vector<16xi32>], vector<16xi32>,
      %bitcast3A_641 = vector.bitcast %gather3A_639 : vector<16xi32> to vector<32xbf16>
      %bitcast3A_642 = vector.bitcast %gather3A_640 : vector<16xi32> to vector<32xbf16>
      %mul3A_643 = arith.mulf %bitcast3A_641, %bitcast3A_642 : vector<32xbf16>
      %unpack3A_644 = tpu.unpack_subelements %mul3A_643, 0 {pack_format = #tpu.pack_format<interleaved>} : vector<32xbf16> -> vector<16xf32>
      %unpack3A_645 = tpu.unpack_subelements %mul3A_643, 1 {pack_format = #tpu.pack_format<interleaved>} : vector<32xbf16> -> vector<16xf32>
      %add3A_646 = arith.addf %add3A_586, %unpack3A_644 : vector<16xf32>
      %add3A_647 = arith.addf %add3A_587, %unpack3A_645 : vector<16xf32>
      %add3A_648 = arith.constant 39 : i32
      %add3A_649 = vector.broadcast %add3A_648 : i32 to vector<16xi32>
      %add3A_650 = arith.addi %iota3A, %add3A_649 : vector<16xi32>
      %and3A_651 = arith.constant 63 : i32
      %and3A_652 = vector.broadcast %and3A_651 : i32 to vector<16xi32>
      %and3A_653 = arith.andi %add3A_650, %and3A_652 : vector<16xi32>
      %gather3A_654 = tpu.vector_load_idx %arg9[%add3A_51, %and3A_653] : memref<80x64xi32, #tpu.memory_space<vmem>>[vector<16xi32>, vector<16xi32>], vector<16xi32>,
      %gather3A_655 = tpu.vector_load_idx %arg10[%add3A_51, %and3A_653] : memref<80x64xi32, #tpu.memory_space<vmem>>[vector<16xi32>, vector<16xi32>], vector<16xi32>,
      %bitcast3A_656 = vector.bitcast %gather3A_654 : vector<16xi32> to vector<32xbf16>
      %bitcast3A_657 = vector.bitcast %gather3A_655 : vector<16xi32> to vector<32xbf16>
      %mul3A_658 = arith.mulf %bitcast3A_656, %bitcast3A_657 : vector<32xbf16>
      %unpack3A_659 = tpu.unpack_subelements %mul3A_658, 0 {pack_format = #tpu.pack_format<interleaved>} : vector<32xbf16> -> vector<16xf32>
      %unpack3A_660 = tpu.unpack_subelements %mul3A_658, 1 {pack_format = #tpu.pack_format<interleaved>} : vector<32xbf16> -> vector<16xf32>
      %add3A_661 = arith.addf %add3A_601, %unpack3A_659 : vector<16xf32>
      %add3A_662 = arith.addf %add3A_602, %unpack3A_660 : vector<16xf32>
      %add3A_663 = arith.constant 40 : i32
      %add3A_664 = vector.broadcast %add3A_663 : i32 to vector<16xi32>
      %add3A_665 = arith.addi %iota3A, %add3A_664 : vector<16xi32>
      %and3A_666 = arith.constant 63 : i32
      %and3A_667 = vector.broadcast %and3A_666 : i32 to vector<16xi32>
      %and3A_668 = arith.andi %add3A_665, %and3A_667 : vector<16xi32>
      %gather3A_669 = tpu.vector_load_idx %arg9[%add3A_51, %and3A_668] : memref<80x64xi32, #tpu.memory_space<vmem>>[vector<16xi32>, vector<16xi32>], vector<16xi32>,
      %gather3A_670 = tpu.vector_load_idx %arg10[%add3A_51, %and3A_668] : memref<80x64xi32, #tpu.memory_space<vmem>>[vector<16xi32>, vector<16xi32>], vector<16xi32>,
      %bitcast3A_671 = vector.bitcast %gather3A_669 : vector<16xi32> to vector<32xbf16>
      %bitcast3A_672 = vector.bitcast %gather3A_670 : vector<16xi32> to vector<32xbf16>
      %mul3A_673 = arith.mulf %bitcast3A_671, %bitcast3A_672 : vector<32xbf16>
      %unpack3A_674 = tpu.unpack_subelements %mul3A_673, 0 {pack_format = #tpu.pack_format<interleaved>} : vector<32xbf16> -> vector<16xf32>
      %unpack3A_675 = tpu.unpack_subelements %mul3A_673, 1 {pack_format = #tpu.pack_format<interleaved>} : vector<32xbf16> -> vector<16xf32>
      %add3A_676 = arith.addf %add3A_616, %unpack3A_674 : vector<16xf32>
      %add3A_677 = arith.addf %add3A_617, %unpack3A_675 : vector<16xf32>
      %add3A_678 = arith.constant 41 : i32
      %add3A_679 = vector.broadcast %add3A_678 : i32 to vector<16xi32>
      %add3A_680 = arith.addi %iota3A, %add3A_679 : vector<16xi32>
      %and3A_681 = arith.constant 63 : i32
      %and3A_682 = vector.broadcast %and3A_681 : i32 to vector<16xi32>
      %and3A_683 = arith.andi %add3A_680, %and3A_682 : vector<16xi32>
      %gather3A_684 = tpu.vector_load_idx %arg9[%add3A_51, %and3A_683] : memref<80x64xi32, #tpu.memory_space<vmem>>[vector<16xi32>, vector<16xi32>], vector<16xi32>,
      %gather3A_685 = tpu.vector_load_idx %arg10[%add3A_51, %and3A_683] : memref<80x64xi32, #tpu.memory_space<vmem>>[vector<16xi32>, vector<16xi32>], vector<16xi32>,
      %bitcast3A_686 = vector.bitcast %gather3A_684 : vector<16xi32> to vector<32xbf16>
      %bitcast3A_687 = vector.bitcast %gather3A_685 : vector<16xi32> to vector<32xbf16>
      %mul3A_688 = arith.mulf %bitcast3A_686, %bitcast3A_687 : vector<32xbf16>
      %unpack3A_689 = tpu.unpack_subelements %mul3A_688, 0 {pack_format = #tpu.pack_format<interleaved>} : vector<32xbf16> -> vector<16xf32>
      %unpack3A_690 = tpu.unpack_subelements %mul3A_688, 1 {pack_format = #tpu.pack_format<interleaved>} : vector<32xbf16> -> vector<16xf32>
      %add3A_691 = arith.addf %add3A_631, %unpack3A_689 : vector<16xf32>
      %add3A_692 = arith.addf %add3A_632, %unpack3A_690 : vector<16xf32>
      %add3A_693 = arith.constant 42 : i32
      %add3A_694 = vector.broadcast %add3A_693 : i32 to vector<16xi32>
      %add3A_695 = arith.addi %iota3A, %add3A_694 : vector<16xi32>
      %and3A_696 = arith.constant 63 : i32
      %and3A_697 = vector.broadcast %and3A_696 : i32 to vector<16xi32>
      %and3A_698 = arith.andi %add3A_695, %and3A_697 : vector<16xi32>
      %gather3A_699 = tpu.vector_load_idx %arg9[%add3A_51, %and3A_698] : memref<80x64xi32, #tpu.memory_space<vmem>>[vector<16xi32>, vector<16xi32>], vector<16xi32>,
      %gather3A_700 = tpu.vector_load_idx %arg10[%add3A_51, %and3A_698] : memref<80x64xi32, #tpu.memory_space<vmem>>[vector<16xi32>, vector<16xi32>], vector<16xi32>,
      %bitcast3A_701 = vector.bitcast %gather3A_699 : vector<16xi32> to vector<32xbf16>
      %bitcast3A_702 = vector.bitcast %gather3A_700 : vector<16xi32> to vector<32xbf16>
      %mul3A_703 = arith.mulf %bitcast3A_701, %bitcast3A_702 : vector<32xbf16>
      %unpack3A_704 = tpu.unpack_subelements %mul3A_703, 0 {pack_format = #tpu.pack_format<interleaved>} : vector<32xbf16> -> vector<16xf32>
      %unpack3A_705 = tpu.unpack_subelements %mul3A_703, 1 {pack_format = #tpu.pack_format<interleaved>} : vector<32xbf16> -> vector<16xf32>
      %add3A_706 = arith.addf %add3A_646, %unpack3A_704 : vector<16xf32>
      %add3A_707 = arith.addf %add3A_647, %unpack3A_705 : vector<16xf32>
      %add3A_708 = arith.constant 43 : i32
      %add3A_709 = vector.broadcast %add3A_708 : i32 to vector<16xi32>
      %add3A_710 = arith.addi %iota3A, %add3A_709 : vector<16xi32>
      %and3A_711 = arith.constant 63 : i32
      %and3A_712 = vector.broadcast %and3A_711 : i32 to vector<16xi32>
      %and3A_713 = arith.andi %add3A_710, %and3A_712 : vector<16xi32>
      %gather3A_714 = tpu.vector_load_idx %arg9[%add3A_51, %and3A_713] : memref<80x64xi32, #tpu.memory_space<vmem>>[vector<16xi32>, vector<16xi32>], vector<16xi32>,
      %gather3A_715 = tpu.vector_load_idx %arg10[%add3A_51, %and3A_713] : memref<80x64xi32, #tpu.memory_space<vmem>>[vector<16xi32>, vector<16xi32>], vector<16xi32>,
      %bitcast3A_716 = vector.bitcast %gather3A_714 : vector<16xi32> to vector<32xbf16>
      %bitcast3A_717 = vector.bitcast %gather3A_715 : vector<16xi32> to vector<32xbf16>
      %mul3A_718 = arith.mulf %bitcast3A_716, %bitcast3A_717 : vector<32xbf16>
      %unpack3A_719 = tpu.unpack_subelements %mul3A_718, 0 {pack_format = #tpu.pack_format<interleaved>} : vector<32xbf16> -> vector<16xf32>
      %unpack3A_720 = tpu.unpack_subelements %mul3A_718, 1 {pack_format = #tpu.pack_format<interleaved>} : vector<32xbf16> -> vector<16xf32>
      %add3A_721 = arith.addf %add3A_661, %unpack3A_719 : vector<16xf32>
      %add3A_722 = arith.addf %add3A_662, %unpack3A_720 : vector<16xf32>
      %add3A_723 = arith.constant 44 : i32
      %add3A_724 = vector.broadcast %add3A_723 : i32 to vector<16xi32>
      %add3A_725 = arith.addi %iota3A, %add3A_724 : vector<16xi32>
      %and3A_726 = arith.constant 63 : i32
      %and3A_727 = vector.broadcast %and3A_726 : i32 to vector<16xi32>
      %and3A_728 = arith.andi %add3A_725, %and3A_727 : vector<16xi32>
      %gather3A_729 = tpu.vector_load_idx %arg9[%add3A_51, %and3A_728] : memref<80x64xi32, #tpu.memory_space<vmem>>[vector<16xi32>, vector<16xi32>], vector<16xi32>,
      %gather3A_730 = tpu.vector_load_idx %arg10[%add3A_51, %and3A_728] : memref<80x64xi32, #tpu.memory_space<vmem>>[vector<16xi32>, vector<16xi32>], vector<16xi32>,
      %bitcast3A_731 = vector.bitcast %gather3A_729 : vector<16xi32> to vector<32xbf16>
      %bitcast3A_732 = vector.bitcast %gather3A_730 : vector<16xi32> to vector<32xbf16>
      %mul3A_733 = arith.mulf %bitcast3A_731, %bitcast3A_732 : vector<32xbf16>
      %unpack3A_734 = tpu.unpack_subelements %mul3A_733, 0 {pack_format = #tpu.pack_format<interleaved>} : vector<32xbf16> -> vector<16xf32>
      %unpack3A_735 = tpu.unpack_subelements %mul3A_733, 1 {pack_format = #tpu.pack_format<interleaved>} : vector<32xbf16> -> vector<16xf32>
      %add3A_736 = arith.addf %add3A_676, %unpack3A_734 : vector<16xf32>
      %add3A_737 = arith.addf %add3A_677, %unpack3A_735 : vector<16xf32>
      %add3A_738 = arith.constant 45 : i32
      %add3A_739 = vector.broadcast %add3A_738 : i32 to vector<16xi32>
      %add3A_740 = arith.addi %iota3A, %add3A_739 : vector<16xi32>
      %and3A_741 = arith.constant 63 : i32
      %and3A_742 = vector.broadcast %and3A_741 : i32 to vector<16xi32>
      %and3A_743 = arith.andi %add3A_740, %and3A_742 : vector<16xi32>
      %gather3A_744 = tpu.vector_load_idx %arg9[%add3A_51, %and3A_743] : memref<80x64xi32, #tpu.memory_space<vmem>>[vector<16xi32>, vector<16xi32>], vector<16xi32>,
      %gather3A_745 = tpu.vector_load_idx %arg10[%add3A_51, %and3A_743] : memref<80x64xi32, #tpu.memory_space<vmem>>[vector<16xi32>, vector<16xi32>], vector<16xi32>,
      %bitcast3A_746 = vector.bitcast %gather3A_744 : vector<16xi32> to vector<32xbf16>
      %bitcast3A_747 = vector.bitcast %gather3A_745 : vector<16xi32> to vector<32xbf16>
      %mul3A_748 = arith.mulf %bitcast3A_746, %bitcast3A_747 : vector<32xbf16>
      %unpack3A_749 = tpu.unpack_subelements %mul3A_748, 0 {pack_format = #tpu.pack_format<interleaved>} : vector<32xbf16> -> vector<16xf32>
      %unpack3A_750 = tpu.unpack_subelements %mul3A_748, 1 {pack_format = #tpu.pack_format<interleaved>} : vector<32xbf16> -> vector<16xf32>
      %add3A_751 = arith.addf %add3A_691, %unpack3A_749 : vector<16xf32>
      %add3A_752 = arith.addf %add3A_692, %unpack3A_750 : vector<16xf32>
      %add3A_753 = arith.constant 46 : i32
      %add3A_754 = vector.broadcast %add3A_753 : i32 to vector<16xi32>
      %add3A_755 = arith.addi %iota3A, %add3A_754 : vector<16xi32>
      %and3A_756 = arith.constant 63 : i32
      %and3A_757 = vector.broadcast %and3A_756 : i32 to vector<16xi32>
      %and3A_758 = arith.andi %add3A_755, %and3A_757 : vector<16xi32>
      %gather3A_759 = tpu.vector_load_idx %arg9[%add3A_51, %and3A_758] : memref<80x64xi32, #tpu.memory_space<vmem>>[vector<16xi32>, vector<16xi32>], vector<16xi32>,
      %gather3A_760 = tpu.vector_load_idx %arg10[%add3A_51, %and3A_758] : memref<80x64xi32, #tpu.memory_space<vmem>>[vector<16xi32>, vector<16xi32>], vector<16xi32>,
      %bitcast3A_761 = vector.bitcast %gather3A_759 : vector<16xi32> to vector<32xbf16>
      %bitcast3A_762 = vector.bitcast %gather3A_760 : vector<16xi32> to vector<32xbf16>
      %mul3A_763 = arith.mulf %bitcast3A_761, %bitcast3A_762 : vector<32xbf16>
      %unpack3A_764 = tpu.unpack_subelements %mul3A_763, 0 {pack_format = #tpu.pack_format<interleaved>} : vector<32xbf16> -> vector<16xf32>
      %unpack3A_765 = tpu.unpack_subelements %mul3A_763, 1 {pack_format = #tpu.pack_format<interleaved>} : vector<32xbf16> -> vector<16xf32>
      %add3A_766 = arith.addf %add3A_706, %unpack3A_764 : vector<16xf32>
      %add3A_767 = arith.addf %add3A_707, %unpack3A_765 : vector<16xf32>
      %add3A_768 = arith.constant 47 : i32
      %add3A_769 = vector.broadcast %add3A_768 : i32 to vector<16xi32>
      %add3A_770 = arith.addi %iota3A, %add3A_769 : vector<16xi32>
      %and3A_771 = arith.constant 63 : i32
      %and3A_772 = vector.broadcast %and3A_771 : i32 to vector<16xi32>
      %and3A_773 = arith.andi %add3A_770, %and3A_772 : vector<16xi32>
      %gather3A_774 = tpu.vector_load_idx %arg9[%add3A_51, %and3A_773] : memref<80x64xi32, #tpu.memory_space<vmem>>[vector<16xi32>, vector<16xi32>], vector<16xi32>,
      %gather3A_775 = tpu.vector_load_idx %arg10[%add3A_51, %and3A_773] : memref<80x64xi32, #tpu.memory_space<vmem>>[vector<16xi32>, vector<16xi32>], vector<16xi32>,
      %bitcast3A_776 = vector.bitcast %gather3A_774 : vector<16xi32> to vector<32xbf16>
      %bitcast3A_777 = vector.bitcast %gather3A_775 : vector<16xi32> to vector<32xbf16>
      %mul3A_778 = arith.mulf %bitcast3A_776, %bitcast3A_777 : vector<32xbf16>
      %unpack3A_779 = tpu.unpack_subelements %mul3A_778, 0 {pack_format = #tpu.pack_format<interleaved>} : vector<32xbf16> -> vector<16xf32>
      %unpack3A_780 = tpu.unpack_subelements %mul3A_778, 1 {pack_format = #tpu.pack_format<interleaved>} : vector<32xbf16> -> vector<16xf32>
      %add3A_781 = arith.addf %add3A_721, %unpack3A_779 : vector<16xf32>
      %add3A_782 = arith.addf %add3A_722, %unpack3A_780 : vector<16xf32>
      %add3A_783 = arith.constant 48 : i32
      %add3A_784 = vector.broadcast %add3A_783 : i32 to vector<16xi32>
      %add3A_785 = arith.addi %iota3A, %add3A_784 : vector<16xi32>
      %and3A_786 = arith.constant 63 : i32
      %and3A_787 = vector.broadcast %and3A_786 : i32 to vector<16xi32>
      %and3A_788 = arith.andi %add3A_785, %and3A_787 : vector<16xi32>
      %gather3A_789 = tpu.vector_load_idx %arg9[%add3A_51, %and3A_788] : memref<80x64xi32, #tpu.memory_space<vmem>>[vector<16xi32>, vector<16xi32>], vector<16xi32>,
      %gather3A_790 = tpu.vector_load_idx %arg10[%add3A_51, %and3A_788] : memref<80x64xi32, #tpu.memory_space<vmem>>[vector<16xi32>, vector<16xi32>], vector<16xi32>,
      %bitcast3A_791 = vector.bitcast %gather3A_789 : vector<16xi32> to vector<32xbf16>
      %bitcast3A_792 = vector.bitcast %gather3A_790 : vector<16xi32> to vector<32xbf16>
      %mul3A_793 = arith.mulf %bitcast3A_791, %bitcast3A_792 : vector<32xbf16>
      %unpack3A_794 = tpu.unpack_subelements %mul3A_793, 0 {pack_format = #tpu.pack_format<interleaved>} : vector<32xbf16> -> vector<16xf32>
      %unpack3A_795 = tpu.unpack_subelements %mul3A_793, 1 {pack_format = #tpu.pack_format<interleaved>} : vector<32xbf16> -> vector<16xf32>
      %add3A_796 = arith.addf %add3A_736, %unpack3A_794 : vector<16xf32>
      %add3A_797 = arith.addf %add3A_737, %unpack3A_795 : vector<16xf32>
      %add3A_798 = arith.constant 49 : i32
      %add3A_799 = vector.broadcast %add3A_798 : i32 to vector<16xi32>
      %add3A_800 = arith.addi %iota3A, %add3A_799 : vector<16xi32>
      %and3A_801 = arith.constant 63 : i32
      %and3A_802 = vector.broadcast %and3A_801 : i32 to vector<16xi32>
      %and3A_803 = arith.andi %add3A_800, %and3A_802 : vector<16xi32>
      %gather3A_804 = tpu.vector_load_idx %arg9[%add3A_51, %and3A_803] : memref<80x64xi32, #tpu.memory_space<vmem>>[vector<16xi32>, vector<16xi32>], vector<16xi32>,
      %gather3A_805 = tpu.vector_load_idx %arg10[%add3A_51, %and3A_803] : memref<80x64xi32, #tpu.memory_space<vmem>>[vector<16xi32>, vector<16xi32>], vector<16xi32>,
      %bitcast3A_806 = vector.bitcast %gather3A_804 : vector<16xi32> to vector<32xbf16>
      %bitcast3A_807 = vector.bitcast %gather3A_805 : vector<16xi32> to vector<32xbf16>
      %mul3A_808 = arith.mulf %bitcast3A_806, %bitcast3A_807 : vector<32xbf16>
      %unpack3A_809 = tpu.unpack_subelements %mul3A_808, 0 {pack_format = #tpu.pack_format<interleaved>} : vector<32xbf16> -> vector<16xf32>
      %unpack3A_810 = tpu.unpack_subelements %mul3A_808, 1 {pack_format = #tpu.pack_format<interleaved>} : vector<32xbf16> -> vector<16xf32>
      %add3A_811 = arith.addf %add3A_751, %unpack3A_809 : vector<16xf32>
      %add3A_812 = arith.addf %add3A_752, %unpack3A_810 : vector<16xf32>
      %add3A_813 = arith.constant 50 : i32
      %add3A_814 = vector.broadcast %add3A_813 : i32 to vector<16xi32>
      %add3A_815 = arith.addi %iota3A, %add3A_814 : vector<16xi32>
      %and3A_816 = arith.constant 63 : i32
      %and3A_817 = vector.broadcast %and3A_816 : i32 to vector<16xi32>
      %and3A_818 = arith.andi %add3A_815, %and3A_817 : vector<16xi32>
      %gather3A_819 = tpu.vector_load_idx %arg9[%add3A_51, %and3A_818] : memref<80x64xi32, #tpu.memory_space<vmem>>[vector<16xi32>, vector<16xi32>], vector<16xi32>,
      %gather3A_820 = tpu.vector_load_idx %arg10[%add3A_51, %and3A_818] : memref<80x64xi32, #tpu.memory_space<vmem>>[vector<16xi32>, vector<16xi32>], vector<16xi32>,
      %bitcast3A_821 = vector.bitcast %gather3A_819 : vector<16xi32> to vector<32xbf16>
      %bitcast3A_822 = vector.bitcast %gather3A_820 : vector<16xi32> to vector<32xbf16>
      %mul3A_823 = arith.mulf %bitcast3A_821, %bitcast3A_822 : vector<32xbf16>
      %unpack3A_824 = tpu.unpack_subelements %mul3A_823, 0 {pack_format = #tpu.pack_format<interleaved>} : vector<32xbf16> -> vector<16xf32>
      %unpack3A_825 = tpu.unpack_subelements %mul3A_823, 1 {pack_format = #tpu.pack_format<interleaved>} : vector<32xbf16> -> vector<16xf32>
      %add3A_826 = arith.addf %add3A_766, %unpack3A_824 : vector<16xf32>
      %add3A_827 = arith.addf %add3A_767, %unpack3A_825 : vector<16xf32>
      %add3A_828 = arith.constant 51 : i32
      %add3A_829 = vector.broadcast %add3A_828 : i32 to vector<16xi32>
      %add3A_830 = arith.addi %iota3A, %add3A_829 : vector<16xi32>
      %and3A_831 = arith.constant 63 : i32
      %and3A_832 = vector.broadcast %and3A_831 : i32 to vector<16xi32>
      %and3A_833 = arith.andi %add3A_830, %and3A_832 : vector<16xi32>
      %gather3A_834 = tpu.vector_load_idx %arg9[%add3A_51, %and3A_833] : memref<80x64xi32, #tpu.memory_space<vmem>>[vector<16xi32>, vector<16xi32>], vector<16xi32>,
      %gather3A_835 = tpu.vector_load_idx %arg10[%add3A_51, %and3A_833] : memref<80x64xi32, #tpu.memory_space<vmem>>[vector<16xi32>, vector<16xi32>], vector<16xi32>,
      %bitcast3A_836 = vector.bitcast %gather3A_834 : vector<16xi32> to vector<32xbf16>
      %bitcast3A_837 = vector.bitcast %gather3A_835 : vector<16xi32> to vector<32xbf16>
      %mul3A_838 = arith.mulf %bitcast3A_836, %bitcast3A_837 : vector<32xbf16>
      %unpack3A_839 = tpu.unpack_subelements %mul3A_838, 0 {pack_format = #tpu.pack_format<interleaved>} : vector<32xbf16> -> vector<16xf32>
      %unpack3A_840 = tpu.unpack_subelements %mul3A_838, 1 {pack_format = #tpu.pack_format<interleaved>} : vector<32xbf16> -> vector<16xf32>
      %add3A_841 = arith.addf %add3A_781, %unpack3A_839 : vector<16xf32>
      %add3A_842 = arith.addf %add3A_782, %unpack3A_840 : vector<16xf32>
      %add3A_843 = arith.constant 52 : i32
      %add3A_844 = vector.broadcast %add3A_843 : i32 to vector<16xi32>
      %add3A_845 = arith.addi %iota3A, %add3A_844 : vector<16xi32>
      %and3A_846 = arith.constant 63 : i32
      %and3A_847 = vector.broadcast %and3A_846 : i32 to vector<16xi32>
      %and3A_848 = arith.andi %add3A_845, %and3A_847 : vector<16xi32>
      %gather3A_849 = tpu.vector_load_idx %arg9[%add3A_51, %and3A_848] : memref<80x64xi32, #tpu.memory_space<vmem>>[vector<16xi32>, vector<16xi32>], vector<16xi32>,
      %gather3A_850 = tpu.vector_load_idx %arg10[%add3A_51, %and3A_848] : memref<80x64xi32, #tpu.memory_space<vmem>>[vector<16xi32>, vector<16xi32>], vector<16xi32>,
      %bitcast3A_851 = vector.bitcast %gather3A_849 : vector<16xi32> to vector<32xbf16>
      %bitcast3A_852 = vector.bitcast %gather3A_850 : vector<16xi32> to vector<32xbf16>
      %mul3A_853 = arith.mulf %bitcast3A_851, %bitcast3A_852 : vector<32xbf16>
      %unpack3A_854 = tpu.unpack_subelements %mul3A_853, 0 {pack_format = #tpu.pack_format<interleaved>} : vector<32xbf16> -> vector<16xf32>
      %unpack3A_855 = tpu.unpack_subelements %mul3A_853, 1 {pack_format = #tpu.pack_format<interleaved>} : vector<32xbf16> -> vector<16xf32>
      %add3A_856 = arith.addf %add3A_796, %unpack3A_854 : vector<16xf32>
      %add3A_857 = arith.addf %add3A_797, %unpack3A_855 : vector<16xf32>
      %add3A_858 = arith.constant 53 : i32
      %add3A_859 = vector.broadcast %add3A_858 : i32 to vector<16xi32>
      %add3A_860 = arith.addi %iota3A, %add3A_859 : vector<16xi32>
      %and3A_861 = arith.constant 63 : i32
      %and3A_862 = vector.broadcast %and3A_861 : i32 to vector<16xi32>
      %and3A_863 = arith.andi %add3A_860, %and3A_862 : vector<16xi32>
      %gather3A_864 = tpu.vector_load_idx %arg9[%add3A_51, %and3A_863] : memref<80x64xi32, #tpu.memory_space<vmem>>[vector<16xi32>, vector<16xi32>], vector<16xi32>,
      %gather3A_865 = tpu.vector_load_idx %arg10[%add3A_51, %and3A_863] : memref<80x64xi32, #tpu.memory_space<vmem>>[vector<16xi32>, vector<16xi32>], vector<16xi32>,
      %bitcast3A_866 = vector.bitcast %gather3A_864 : vector<16xi32> to vector<32xbf16>
      %bitcast3A_867 = vector.bitcast %gather3A_865 : vector<16xi32> to vector<32xbf16>
      %mul3A_868 = arith.mulf %bitcast3A_866, %bitcast3A_867 : vector<32xbf16>
      %unpack3A_869 = tpu.unpack_subelements %mul3A_868, 0 {pack_format = #tpu.pack_format<interleaved>} : vector<32xbf16> -> vector<16xf32>
      %unpack3A_870 = tpu.unpack_subelements %mul3A_868, 1 {pack_format = #tpu.pack_format<interleaved>} : vector<32xbf16> -> vector<16xf32>
      %add3A_871 = arith.addf %add3A_811, %unpack3A_869 : vector<16xf32>
      %add3A_872 = arith.addf %add3A_812, %unpack3A_870 : vector<16xf32>
      %add3A_873 = arith.constant 54 : i32
      %add3A_874 = vector.broadcast %add3A_873 : i32 to vector<16xi32>
      %add3A_875 = arith.addi %iota3A, %add3A_874 : vector<16xi32>
      %and3A_876 = arith.constant 63 : i32
      %and3A_877 = vector.broadcast %and3A_876 : i32 to vector<16xi32>
      %and3A_878 = arith.andi %add3A_875, %and3A_877 : vector<16xi32>
      %gather3A_879 = tpu.vector_load_idx %arg9[%add3A_51, %and3A_878] : memref<80x64xi32, #tpu.memory_space<vmem>>[vector<16xi32>, vector<16xi32>], vector<16xi32>,
      %gather3A_880 = tpu.vector_load_idx %arg10[%add3A_51, %and3A_878] : memref<80x64xi32, #tpu.memory_space<vmem>>[vector<16xi32>, vector<16xi32>], vector<16xi32>,
      %bitcast3A_881 = vector.bitcast %gather3A_879 : vector<16xi32> to vector<32xbf16>
      %bitcast3A_882 = vector.bitcast %gather3A_880 : vector<16xi32> to vector<32xbf16>
      %mul3A_883 = arith.mulf %bitcast3A_881, %bitcast3A_882 : vector<32xbf16>
      %unpack3A_884 = tpu.unpack_subelements %mul3A_883, 0 {pack_format = #tpu.pack_format<interleaved>} : vector<32xbf16> -> vector<16xf32>
      %unpack3A_885 = tpu.unpack_subelements %mul3A_883, 1 {pack_format = #tpu.pack_format<interleaved>} : vector<32xbf16> -> vector<16xf32>
      %add3A_886 = arith.addf %add3A_826, %unpack3A_884 : vector<16xf32>
      %add3A_887 = arith.addf %add3A_827, %unpack3A_885 : vector<16xf32>
      %add3A_888 = arith.constant 55 : i32
      %add3A_889 = vector.broadcast %add3A_888 : i32 to vector<16xi32>
      %add3A_890 = arith.addi %iota3A, %add3A_889 : vector<16xi32>
      %and3A_891 = arith.constant 63 : i32
      %and3A_892 = vector.broadcast %and3A_891 : i32 to vector<16xi32>
      %and3A_893 = arith.andi %add3A_890, %and3A_892 : vector<16xi32>
      %gather3A_894 = tpu.vector_load_idx %arg9[%add3A_51, %and3A_893] : memref<80x64xi32, #tpu.memory_space<vmem>>[vector<16xi32>, vector<16xi32>], vector<16xi32>,
      %gather3A_895 = tpu.vector_load_idx %arg10[%add3A_51, %and3A_893] : memref<80x64xi32, #tpu.memory_space<vmem>>[vector<16xi32>, vector<16xi32>], vector<16xi32>,
      %bitcast3A_896 = vector.bitcast %gather3A_894 : vector<16xi32> to vector<32xbf16>
      %bitcast3A_897 = vector.bitcast %gather3A_895 : vector<16xi32> to vector<32xbf16>
      %mul3A_898 = arith.mulf %bitcast3A_896, %bitcast3A_897 : vector<32xbf16>
      %unpack3A_899 = tpu.unpack_subelements %mul3A_898, 0 {pack_format = #tpu.pack_format<interleaved>} : vector<32xbf16> -> vector<16xf32>
      %unpack3A_900 = tpu.unpack_subelements %mul3A_898, 1 {pack_format = #tpu.pack_format<interleaved>} : vector<32xbf16> -> vector<16xf32>
      %add3A_901 = arith.addf %add3A_841, %unpack3A_899 : vector<16xf32>
      %add3A_902 = arith.addf %add3A_842, %unpack3A_900 : vector<16xf32>
      %add3A_903 = arith.constant 56 : i32
      %add3A_904 = vector.broadcast %add3A_903 : i32 to vector<16xi32>
      %add3A_905 = arith.addi %iota3A, %add3A_904 : vector<16xi32>
      %and3A_906 = arith.constant 63 : i32
      %and3A_907 = vector.broadcast %and3A_906 : i32 to vector<16xi32>
      %and3A_908 = arith.andi %add3A_905, %and3A_907 : vector<16xi32>
      %gather3A_909 = tpu.vector_load_idx %arg9[%add3A_51, %and3A_908] : memref<80x64xi32, #tpu.memory_space<vmem>>[vector<16xi32>, vector<16xi32>], vector<16xi32>,
      %gather3A_910 = tpu.vector_load_idx %arg10[%add3A_51, %and3A_908] : memref<80x64xi32, #tpu.memory_space<vmem>>[vector<16xi32>, vector<16xi32>], vector<16xi32>,
      %bitcast3A_911 = vector.bitcast %gather3A_909 : vector<16xi32> to vector<32xbf16>
      %bitcast3A_912 = vector.bitcast %gather3A_910 : vector<16xi32> to vector<32xbf16>
      %mul3A_913 = arith.mulf %bitcast3A_911, %bitcast3A_912 : vector<32xbf16>
      %unpack3A_914 = tpu.unpack_subelements %mul3A_913, 0 {pack_format = #tpu.pack_format<interleaved>} : vector<32xbf16> -> vector<16xf32>
      %unpack3A_915 = tpu.unpack_subelements %mul3A_913, 1 {pack_format = #tpu.pack_format<interleaved>} : vector<32xbf16> -> vector<16xf32>
      %add3A_916 = arith.addf %add3A_856, %unpack3A_914 : vector<16xf32>
      %add3A_917 = arith.addf %add3A_857, %unpack3A_915 : vector<16xf32>
      %add3A_918 = arith.constant 57 : i32
      %add3A_919 = vector.broadcast %add3A_918 : i32 to vector<16xi32>
      %add3A_920 = arith.addi %iota3A, %add3A_919 : vector<16xi32>
      %and3A_921 = arith.constant 63 : i32
      %and3A_922 = vector.broadcast %and3A_921 : i32 to vector<16xi32>
      %and3A_923 = arith.andi %add3A_920, %and3A_922 : vector<16xi32>
      %gather3A_924 = tpu.vector_load_idx %arg9[%add3A_51, %and3A_923] : memref<80x64xi32, #tpu.memory_space<vmem>>[vector<16xi32>, vector<16xi32>], vector<16xi32>,
      %gather3A_925 = tpu.vector_load_idx %arg10[%add3A_51, %and3A_923] : memref<80x64xi32, #tpu.memory_space<vmem>>[vector<16xi32>, vector<16xi32>], vector<16xi32>,
      %bitcast3A_926 = vector.bitcast %gather3A_924 : vector<16xi32> to vector<32xbf16>
      %bitcast3A_927 = vector.bitcast %gather3A_925 : vector<16xi32> to vector<32xbf16>
      %mul3A_928 = arith.mulf %bitcast3A_926, %bitcast3A_927 : vector<32xbf16>
      %unpack3A_929 = tpu.unpack_subelements %mul3A_928, 0 {pack_format = #tpu.pack_format<interleaved>} : vector<32xbf16> -> vector<16xf32>
      %unpack3A_930 = tpu.unpack_subelements %mul3A_928, 1 {pack_format = #tpu.pack_format<interleaved>} : vector<32xbf16> -> vector<16xf32>
      %add3A_931 = arith.addf %add3A_871, %unpack3A_929 : vector<16xf32>
      %add3A_932 = arith.addf %add3A_872, %unpack3A_930 : vector<16xf32>
      %add3A_933 = arith.constant 58 : i32
      %add3A_934 = vector.broadcast %add3A_933 : i32 to vector<16xi32>
      %add3A_935 = arith.addi %iota3A, %add3A_934 : vector<16xi32>
      %and3A_936 = arith.constant 63 : i32
      %and3A_937 = vector.broadcast %and3A_936 : i32 to vector<16xi32>
      %and3A_938 = arith.andi %add3A_935, %and3A_937 : vector<16xi32>
      %gather3A_939 = tpu.vector_load_idx %arg9[%add3A_51, %and3A_938] : memref<80x64xi32, #tpu.memory_space<vmem>>[vector<16xi32>, vector<16xi32>], vector<16xi32>,
      %gather3A_940 = tpu.vector_load_idx %arg10[%add3A_51, %and3A_938] : memref<80x64xi32, #tpu.memory_space<vmem>>[vector<16xi32>, vector<16xi32>], vector<16xi32>,
      %bitcast3A_941 = vector.bitcast %gather3A_939 : vector<16xi32> to vector<32xbf16>
      %bitcast3A_942 = vector.bitcast %gather3A_940 : vector<16xi32> to vector<32xbf16>
      %mul3A_943 = arith.mulf %bitcast3A_941, %bitcast3A_942 : vector<32xbf16>
      %unpack3A_944 = tpu.unpack_subelements %mul3A_943, 0 {pack_format = #tpu.pack_format<interleaved>} : vector<32xbf16> -> vector<16xf32>
      %unpack3A_945 = tpu.unpack_subelements %mul3A_943, 1 {pack_format = #tpu.pack_format<interleaved>} : vector<32xbf16> -> vector<16xf32>
      %add3A_946 = arith.addf %add3A_886, %unpack3A_944 : vector<16xf32>
      %add3A_947 = arith.addf %add3A_887, %unpack3A_945 : vector<16xf32>
      %add3A_948 = arith.constant 59 : i32
      %add3A_949 = vector.broadcast %add3A_948 : i32 to vector<16xi32>
      %add3A_950 = arith.addi %iota3A, %add3A_949 : vector<16xi32>
      %and3A_951 = arith.constant 63 : i32
      %and3A_952 = vector.broadcast %and3A_951 : i32 to vector<16xi32>
      %and3A_953 = arith.andi %add3A_950, %and3A_952 : vector<16xi32>
      %gather3A_954 = tpu.vector_load_idx %arg9[%add3A_51, %and3A_953] : memref<80x64xi32, #tpu.memory_space<vmem>>[vector<16xi32>, vector<16xi32>], vector<16xi32>,
      %gather3A_955 = tpu.vector_load_idx %arg10[%add3A_51, %and3A_953] : memref<80x64xi32, #tpu.memory_space<vmem>>[vector<16xi32>, vector<16xi32>], vector<16xi32>,
      %bitcast3A_956 = vector.bitcast %gather3A_954 : vector<16xi32> to vector<32xbf16>
      %bitcast3A_957 = vector.bitcast %gather3A_955 : vector<16xi32> to vector<32xbf16>
      %mul3A_958 = arith.mulf %bitcast3A_956, %bitcast3A_957 : vector<32xbf16>
      %unpack3A_959 = tpu.unpack_subelements %mul3A_958, 0 {pack_format = #tpu.pack_format<interleaved>} : vector<32xbf16> -> vector<16xf32>
      %unpack3A_960 = tpu.unpack_subelements %mul3A_958, 1 {pack_format = #tpu.pack_format<interleaved>} : vector<32xbf16> -> vector<16xf32>
      %add3A_961 = arith.addf %add3A_901, %unpack3A_959 : vector<16xf32>
      %add3A_962 = arith.addf %add3A_902, %unpack3A_960 : vector<16xf32>
      %add3A_963 = arith.constant 60 : i32
      %add3A_964 = vector.broadcast %add3A_963 : i32 to vector<16xi32>
      %add3A_965 = arith.addi %iota3A, %add3A_964 : vector<16xi32>
      %and3A_966 = arith.constant 63 : i32
      %and3A_967 = vector.broadcast %and3A_966 : i32 to vector<16xi32>
      %and3A_968 = arith.andi %add3A_965, %and3A_967 : vector<16xi32>
      %gather3A_969 = tpu.vector_load_idx %arg9[%add3A_51, %and3A_968] : memref<80x64xi32, #tpu.memory_space<vmem>>[vector<16xi32>, vector<16xi32>], vector<16xi32>,
      %gather3A_970 = tpu.vector_load_idx %arg10[%add3A_51, %and3A_968] : memref<80x64xi32, #tpu.memory_space<vmem>>[vector<16xi32>, vector<16xi32>], vector<16xi32>,
      %bitcast3A_971 = vector.bitcast %gather3A_969 : vector<16xi32> to vector<32xbf16>
      %bitcast3A_972 = vector.bitcast %gather3A_970 : vector<16xi32> to vector<32xbf16>
      %mul3A_973 = arith.mulf %bitcast3A_971, %bitcast3A_972 : vector<32xbf16>
      %unpack3A_974 = tpu.unpack_subelements %mul3A_973, 0 {pack_format = #tpu.pack_format<interleaved>} : vector<32xbf16> -> vector<16xf32>
      %unpack3A_975 = tpu.unpack_subelements %mul3A_973, 1 {pack_format = #tpu.pack_format<interleaved>} : vector<32xbf16> -> vector<16xf32>
      %add3A_976 = arith.addf %add3A_916, %unpack3A_974 : vector<16xf32>
      %add3A_977 = arith.addf %add3A_917, %unpack3A_975 : vector<16xf32>
      %add3A_978 = arith.constant 61 : i32
      %add3A_979 = vector.broadcast %add3A_978 : i32 to vector<16xi32>
      %add3A_980 = arith.addi %iota3A, %add3A_979 : vector<16xi32>
      %and3A_981 = arith.constant 63 : i32
      %and3A_982 = vector.broadcast %and3A_981 : i32 to vector<16xi32>
      %and3A_983 = arith.andi %add3A_980, %and3A_982 : vector<16xi32>
      %gather3A_984 = tpu.vector_load_idx %arg9[%add3A_51, %and3A_983] : memref<80x64xi32, #tpu.memory_space<vmem>>[vector<16xi32>, vector<16xi32>], vector<16xi32>,
      %gather3A_985 = tpu.vector_load_idx %arg10[%add3A_51, %and3A_983] : memref<80x64xi32, #tpu.memory_space<vmem>>[vector<16xi32>, vector<16xi32>], vector<16xi32>,
      %bitcast3A_986 = vector.bitcast %gather3A_984 : vector<16xi32> to vector<32xbf16>
      %bitcast3A_987 = vector.bitcast %gather3A_985 : vector<16xi32> to vector<32xbf16>
      %mul3A_988 = arith.mulf %bitcast3A_986, %bitcast3A_987 : vector<32xbf16>
      %unpack3A_989 = tpu.unpack_subelements %mul3A_988, 0 {pack_format = #tpu.pack_format<interleaved>} : vector<32xbf16> -> vector<16xf32>
      %unpack3A_990 = tpu.unpack_subelements %mul3A_988, 1 {pack_format = #tpu.pack_format<interleaved>} : vector<32xbf16> -> vector<16xf32>
      %add3A_991 = arith.addf %add3A_931, %unpack3A_989 : vector<16xf32>
      %add3A_992 = arith.addf %add3A_932, %unpack3A_990 : vector<16xf32>
      %add3A_993 = arith.constant 62 : i32
      %add3A_994 = vector.broadcast %add3A_993 : i32 to vector<16xi32>
      %add3A_995 = arith.addi %iota3A, %add3A_994 : vector<16xi32>
      %and3A_996 = arith.constant 63 : i32
      %and3A_997 = vector.broadcast %and3A_996 : i32 to vector<16xi32>
      %and3A_998 = arith.andi %add3A_995, %and3A_997 : vector<16xi32>
      %gather3A_999 = tpu.vector_load_idx %arg9[%add3A_51, %and3A_998] : memref<80x64xi32, #tpu.memory_space<vmem>>[vector<16xi32>, vector<16xi32>], vector<16xi32>,
      %gather3A_1000 = tpu.vector_load_idx %arg10[%add3A_51, %and3A_998] : memref<80x64xi32, #tpu.memory_space<vmem>>[vector<16xi32>, vector<16xi32>], vector<16xi32>,
      %bitcast3A_1001 = vector.bitcast %gather3A_999 : vector<16xi32> to vector<32xbf16>
      %bitcast3A_1002 = vector.bitcast %gather3A_1000 : vector<16xi32> to vector<32xbf16>
      %mul3A_1003 = arith.mulf %bitcast3A_1001, %bitcast3A_1002 : vector<32xbf16>
      %unpack3A_1004 = tpu.unpack_subelements %mul3A_1003, 0 {pack_format = #tpu.pack_format<interleaved>} : vector<32xbf16> -> vector<16xf32>
      %unpack3A_1005 = tpu.unpack_subelements %mul3A_1003, 1 {pack_format = #tpu.pack_format<interleaved>} : vector<32xbf16> -> vector<16xf32>
      %add3A_1006 = arith.addf %add3A_946, %unpack3A_1004 : vector<16xf32>
      %add3A_1007 = arith.addf %add3A_947, %unpack3A_1005 : vector<16xf32>
      %add3A_1008 = arith.constant 63 : i32
      %add3A_1009 = vector.broadcast %add3A_1008 : i32 to vector<16xi32>
      %add3A_1010 = arith.addi %iota3A, %add3A_1009 : vector<16xi32>
      %and3A_1011 = arith.constant 63 : i32
      %and3A_1012 = vector.broadcast %and3A_1011 : i32 to vector<16xi32>
      %and3A_1013 = arith.andi %add3A_1010, %and3A_1012 : vector<16xi32>
      %gather3A_1014 = tpu.vector_load_idx %arg9[%add3A_51, %and3A_1013] : memref<80x64xi32, #tpu.memory_space<vmem>>[vector<16xi32>, vector<16xi32>], vector<16xi32>,
      %gather3A_1015 = tpu.vector_load_idx %arg10[%add3A_51, %and3A_1013] : memref<80x64xi32, #tpu.memory_space<vmem>>[vector<16xi32>, vector<16xi32>], vector<16xi32>,
      %bitcast3A_1016 = vector.bitcast %gather3A_1014 : vector<16xi32> to vector<32xbf16>
      %bitcast3A_1017 = vector.bitcast %gather3A_1015 : vector<16xi32> to vector<32xbf16>
      %mul3A_1018 = arith.mulf %bitcast3A_1016, %bitcast3A_1017 : vector<32xbf16>
      %unpack3A_1019 = tpu.unpack_subelements %mul3A_1018, 0 {pack_format = #tpu.pack_format<interleaved>} : vector<32xbf16> -> vector<16xf32>
      %unpack3A_1020 = tpu.unpack_subelements %mul3A_1018, 1 {pack_format = #tpu.pack_format<interleaved>} : vector<32xbf16> -> vector<16xf32>
      %add3A_1021 = arith.addf %add3A_961, %unpack3A_1019 : vector<16xf32>
      %add3A_1022 = arith.addf %add3A_962, %unpack3A_1020 : vector<16xf32>
      %add3A_1023 = arith.addf %add3A_976, %add3A_977 : vector<16xf32>
      %add3A_1024 = arith.addf %add3A_991, %add3A_992 : vector<16xf32>
      %add3A_1025 = arith.addf %add3A_1023, %add3A_1024 : vector<16xf32>
      %add3A_1026 = arith.addf %add3A_1006, %add3A_1007 : vector<16xf32>
      %add3A_1027 = arith.addf %add3A_1021, %add3A_1022 : vector<16xf32>
      %add3A_1028 = arith.addf %add3A_1026, %add3A_1027 : vector<16xf32>
      %add3A_1029 = arith.addf %add3A_1025, %add3A_1028 : vector<16xf32>
      %mul3A_1030 = arith.constant 16 : i32
      %mul3A_1031 = arith.muli %scan3A_46, %mul3A_1030 : i32
      %add3A_1032 = arith.constant 9920 : i32
      %add3A_1033 = arith.addi %add3A_1032, %mul3A_1031 : i32
      %swap3A = arith.index_cast %add3A_1033 : i32 to index
      %swap3A_1034 = tpu.vector_load %arg13[%swap3A] {strides = array<i32>} : memref<10000xf32, #tpu.memory_space<vmem>>, vector<16xf32>,
      tpu.vector_store %arg13[%swap3A], %add3A_1029 {strides = array<i32>} : memref<10000xf32, #tpu.memory_space<vmem>>, vector<16xf32>,
      %get3A = arith.index_cast %add3A_1033 : i32 to index
      %get3A_1035 = tpu.vector_load %arg7[%get3A] {strides = array<i32>} : memref<10000xi32, #tpu.memory_space<vmem>>, vector<16xi32>,
      %exp3A = math.exp %add3A_1029 : vector<16xf32>
      tpu.vector_store_idx %arg14[%get3A_1035], %exp3A {add = true} : memref<10240xf32, #tpu.memory_space<vmem>>[vector<16xi32>], vector<16xf32>,
      %scan3A_1036 = arith.constant 0 : i32
      scf.yield %scan3A_1036 : i32
    }
    %scan3A_45 = arith.constant 5 : i32
    "tpu.region"() ({
      %run_scoped3A_46 = tpu.sem_alloc : memref<!tpu.dma_semaphore, #tpu.memory_space<semaphore_mem>>
      %dma_start3A_47 = arith.constant 0 : i32
      %dma_start3A_48 = tpu.memref_slice %arg5[%add3A, %dma_start3A_47] : memref<32x10000xf32, #tpu.memory_space<hbm>> -> memref<1x10000xf32, #tpu.memory_space<hbm>>
      %dma_start3A_49 = tpu.memref_squeeze %dma_start3A_48 : memref<1x10000xf32, #tpu.memory_space<hbm>> -> memref<10000xf32, #tpu.memory_space<hbm>>
      %dma_start3A_50 = arith.constant 0 : i32
      %dma_start3A_51 = tpu.memref_slice %arg5[%add3A, %dma_start3A_50] : memref<32x10000xf32, #tpu.memory_space<hbm>> -> memref<1x10000xf32, #tpu.memory_space<hbm>>
      %dma_start3A_52 = tpu.memref_squeeze %dma_start3A_51 : memref<1x10000xf32, #tpu.memory_space<hbm>> -> memref<10000xf32, #tpu.memory_space<hbm>>
      tpu.enqueue_dma source(%arg13 : memref<10000xf32, #tpu.memory_space<vmem>>) target(%dma_start3A_52 : memref<10000xf32, #tpu.memory_space<hbm>>) target_semaphore(%run_scoped3A_46 : memref<!tpu.dma_semaphore, #tpu.memory_space<semaphore_mem>>)
      %dma_wait3A_53 = arith.constant 0 : i32
      %dma_wait3A_54 = tpu.memref_slice %arg5[%add3A, %dma_wait3A_53] : memref<32x10000xf32, #tpu.memory_space<hbm>> -> memref<1x10000xf32, #tpu.memory_space<hbm>>
      %dma_wait3A_55 = tpu.memref_squeeze %dma_wait3A_54 : memref<1x10000xf32, #tpu.memory_space<hbm>> -> memref<10000xf32, #tpu.memory_space<hbm>>
      %dma_wait3A_56 = arith.constant 0 : i32
      %dma_wait3A_57 = tpu.memref_slice %arg5[%add3A, %dma_wait3A_56] : memref<32x10000xf32, #tpu.memory_space<hbm>> -> memref<1x10000xf32, #tpu.memory_space<hbm>>
      %dma_wait3A_58 = tpu.memref_squeeze %dma_wait3A_57 : memref<1x10000xf32, #tpu.memory_space<hbm>> -> memref<10000xf32, #tpu.memory_space<hbm>>
      tpu.wait_dma2 semaphore(%run_scoped3A_46 : memref<!tpu.dma_semaphore, #tpu.memory_space<semaphore_mem>>) src(%arg13 : memref<10000xf32, #tpu.memory_space<vmem>>) dst(%dma_wait3A_58 : memref<10000xf32, #tpu.memory_space<hbm>>)
      tpu.yield
    }) : () -> ()
    "tpu.region"() ({
      %run_scoped3A_46 = tpu.sem_alloc : memref<!tpu.dma_semaphore, #tpu.memory_space<semaphore_mem>>
      %dma_start3A_47 = arith.constant 0 : i32
      %dma_start3A_48 = tpu.memref_slice %arg6[%add3A, %dma_start3A_47] : memref<32x10240xf32, #tpu.memory_space<hbm>> -> memref<1x10240xf32, #tpu.memory_space<hbm>>
      %dma_start3A_49 = tpu.memref_squeeze %dma_start3A_48 : memref<1x10240xf32, #tpu.memory_space<hbm>> -> memref<10240xf32, #tpu.memory_space<hbm>>
      %dma_start3A_50 = arith.constant 0 : i32
      %dma_start3A_51 = tpu.memref_slice %arg6[%add3A, %dma_start3A_50] : memref<32x10240xf32, #tpu.memory_space<hbm>> -> memref<1x10240xf32, #tpu.memory_space<hbm>>
      %dma_start3A_52 = tpu.memref_squeeze %dma_start3A_51 : memref<1x10240xf32, #tpu.memory_space<hbm>> -> memref<10240xf32, #tpu.memory_space<hbm>>
      tpu.enqueue_dma source(%arg14 : memref<10240xf32, #tpu.memory_space<vmem>>) target(%dma_start3A_52 : memref<10240xf32, #tpu.memory_space<hbm>>) target_semaphore(%run_scoped3A_46 : memref<!tpu.dma_semaphore, #tpu.memory_space<semaphore_mem>>)
      %dma_wait3A_53 = arith.constant 0 : i32
      %dma_wait3A_54 = tpu.memref_slice %arg6[%add3A, %dma_wait3A_53] : memref<32x10240xf32, #tpu.memory_space<hbm>> -> memref<1x10240xf32, #tpu.memory_space<hbm>>
      %dma_wait3A_55 = tpu.memref_squeeze %dma_wait3A_54 : memref<1x10240xf32, #tpu.memory_space<hbm>> -> memref<10240xf32, #tpu.memory_space<hbm>>
      %dma_wait3A_56 = arith.constant 0 : i32
      %dma_wait3A_57 = tpu.memref_slice %arg6[%add3A, %dma_wait3A_56] : memref<32x10240xf32, #tpu.memory_space<hbm>> -> memref<1x10240xf32, #tpu.memory_space<hbm>>
      %dma_wait3A_58 = tpu.memref_squeeze %dma_wait3A_57 : memref<1x10240xf32, #tpu.memory_space<hbm>> -> memref<10240xf32, #tpu.memory_space<hbm>>
      tpu.wait_dma2 semaphore(%run_scoped3A_46 : memref<!tpu.dma_semaphore, #tpu.memory_space<semaphore_mem>>) src(%arg14 : memref<10240xf32, #tpu.memory_space<vmem>>) dst(%dma_wait3A_58 : memref<10240xf32, #tpu.memory_space<hbm>>)
      tpu.yield
    }) : () -> ()
    return
  }
}

#map = affine_map<(d0, d1) -> (0, 0)>
#map1 = affine_map<(d0, d1) -> (0)>
module attributes {stable_mosaic.version = 14 : i64} {
  func.func @_edge_output(%arg0: i32, %arg1: i32, %arg2: memref<32x10000xf32, #tpu.memory_space<hbm>>, %arg3: memref<2x320000xi32, #tpu.memory_space<hbm>>, %arg4: memref<10240xf32, #tpu.memory_space<hbm>>, %arg5: memref<32x10000xf32, #tpu.memory_space<hbm>>, %arg6: memref<10240xf32, #tpu.memory_space<vmem>>, %arg7: memref<10000xf32, #tpu.memory_space<vmem>>, %arg8: memref<10000xi32, #tpu.memory_space<vmem>>, %arg9: memref<10000xf32, #tpu.memory_space<vmem>>) attributes {dimension_semantics = [#tpu.dimension_semantics<core_parallel>, #tpu.dimension_semantics<subcore_parallel>], iteration_bounds = array<i64: 2, 16>, scalar_prefetch = 0 : i64, scratch_operands = 4 : i64, tpu.core_type = #tpu.core_type<sc_vector_subcore>, window_params = [{transform_indices = #map}, {transform_indices = #map}, {transform_indices = #map1}, {transform_indices = #map}]} {
    %mul3A = arith.constant 2 : i32
    %mul3A_0 = arith.muli %arg1, %mul3A : i32
    %add3A = arith.addi %mul3A_0, %arg0 : i32
    "tpu.region"() ({
      %run_scoped3A_9 = tpu.sem_alloc : memref<!tpu.dma_semaphore, #tpu.memory_space<semaphore_mem>>
      tpu.enqueue_dma source(%arg4 : memref<10240xf32, #tpu.memory_space<hbm>>) target(%arg6 : memref<10240xf32, #tpu.memory_space<vmem>>) target_semaphore(%run_scoped3A_9 : memref<!tpu.dma_semaphore, #tpu.memory_space<semaphore_mem>>)
      tpu.wait_dma2 semaphore(%run_scoped3A_9 : memref<!tpu.dma_semaphore, #tpu.memory_space<semaphore_mem>>) src(%arg4 : memref<10240xf32, #tpu.memory_space<hbm>>) dst(%arg6 : memref<10240xf32, #tpu.memory_space<vmem>>)
      tpu.yield
    }) : () -> ()
    "tpu.region"() ({
      %run_scoped3A_9 = tpu.sem_alloc : memref<!tpu.dma_semaphore, #tpu.memory_space<semaphore_mem>>
      %dma_start3A = arith.constant 0 : i32
      %dma_start3A_10 = tpu.memref_slice %arg2[%add3A, %dma_start3A] : memref<32x10000xf32, #tpu.memory_space<hbm>> -> memref<1x10000xf32, #tpu.memory_space<hbm>>
      %dma_start3A_11 = tpu.memref_squeeze %dma_start3A_10 : memref<1x10000xf32, #tpu.memory_space<hbm>> -> memref<10000xf32, #tpu.memory_space<hbm>>
      %dma_start3A_12 = arith.constant 0 : i32
      %dma_start3A_13 = tpu.memref_slice %arg2[%add3A, %dma_start3A_12] : memref<32x10000xf32, #tpu.memory_space<hbm>> -> memref<1x10000xf32, #tpu.memory_space<hbm>>
      %dma_start3A_14 = tpu.memref_squeeze %dma_start3A_13 : memref<1x10000xf32, #tpu.memory_space<hbm>> -> memref<10000xf32, #tpu.memory_space<hbm>>
      tpu.enqueue_dma source(%dma_start3A_14 : memref<10000xf32, #tpu.memory_space<hbm>>) target(%arg7 : memref<10000xf32, #tpu.memory_space<vmem>>) target_semaphore(%run_scoped3A_9 : memref<!tpu.dma_semaphore, #tpu.memory_space<semaphore_mem>>)
      %dma_wait3A = arith.constant 0 : i32
      %dma_wait3A_15 = tpu.memref_slice %arg2[%add3A, %dma_wait3A] : memref<32x10000xf32, #tpu.memory_space<hbm>> -> memref<1x10000xf32, #tpu.memory_space<hbm>>
      %dma_wait3A_16 = tpu.memref_squeeze %dma_wait3A_15 : memref<1x10000xf32, #tpu.memory_space<hbm>> -> memref<10000xf32, #tpu.memory_space<hbm>>
      %dma_wait3A_17 = arith.constant 0 : i32
      %dma_wait3A_18 = tpu.memref_slice %arg2[%add3A, %dma_wait3A_17] : memref<32x10000xf32, #tpu.memory_space<hbm>> -> memref<1x10000xf32, #tpu.memory_space<hbm>>
      %dma_wait3A_19 = tpu.memref_squeeze %dma_wait3A_18 : memref<1x10000xf32, #tpu.memory_space<hbm>> -> memref<10000xf32, #tpu.memory_space<hbm>>
      tpu.wait_dma2 semaphore(%run_scoped3A_9 : memref<!tpu.dma_semaphore, #tpu.memory_space<semaphore_mem>>) src(%dma_wait3A_19 : memref<10000xf32, #tpu.memory_space<hbm>>) dst(%arg7 : memref<10000xf32, #tpu.memory_space<vmem>>)
      tpu.yield
    }) : () -> ()
    %mul3A_1 = arith.constant 10000 : i32
    %mul3A_2 = arith.muli %add3A, %mul3A_1 : i32
    %run_scoped3A = arith.constant 0 : i32
    "tpu.region"() ({
      %run_scoped3A_9 = tpu.sem_alloc : memref<!tpu.dma_semaphore, #tpu.memory_space<semaphore_mem>>
      %dma_start3A = tpu.memref_slice %arg3[%run_scoped3A, %mul3A_2] : memref<2x320000xi32, #tpu.memory_space<hbm>> -> memref<1x10000xi32, #tpu.memory_space<hbm>>
      %dma_start3A_10 = tpu.memref_squeeze %dma_start3A : memref<1x10000xi32, #tpu.memory_space<hbm>> -> memref<10000xi32, #tpu.memory_space<hbm>>
      %dma_start3A_11 = tpu.memref_slice %arg3[%run_scoped3A, %mul3A_2] : memref<2x320000xi32, #tpu.memory_space<hbm>> -> memref<1x10000xi32, #tpu.memory_space<hbm>>
      %dma_start3A_12 = tpu.memref_squeeze %dma_start3A_11 : memref<1x10000xi32, #tpu.memory_space<hbm>> -> memref<10000xi32, #tpu.memory_space<hbm>>
      tpu.enqueue_dma source(%dma_start3A_12 : memref<10000xi32, #tpu.memory_space<hbm>>) target(%arg8 : memref<10000xi32, #tpu.memory_space<vmem>>) target_semaphore(%run_scoped3A_9 : memref<!tpu.dma_semaphore, #tpu.memory_space<semaphore_mem>>)
      %dma_wait3A = tpu.memref_slice %arg3[%run_scoped3A, %mul3A_2] : memref<2x320000xi32, #tpu.memory_space<hbm>> -> memref<1x10000xi32, #tpu.memory_space<hbm>>
      %dma_wait3A_13 = tpu.memref_squeeze %dma_wait3A : memref<1x10000xi32, #tpu.memory_space<hbm>> -> memref<10000xi32, #tpu.memory_space<hbm>>
      %dma_wait3A_14 = tpu.memref_slice %arg3[%run_scoped3A, %mul3A_2] : memref<2x320000xi32, #tpu.memory_space<hbm>> -> memref<1x10000xi32, #tpu.memory_space<hbm>>
      %dma_wait3A_15 = tpu.memref_squeeze %dma_wait3A_14 : memref<1x10000xi32, #tpu.memory_space<hbm>> -> memref<10000xi32, #tpu.memory_space<hbm>>
      tpu.wait_dma2 semaphore(%run_scoped3A_9 : memref<!tpu.dma_semaphore, #tpu.memory_space<semaphore_mem>>) src(%dma_wait3A_15 : memref<10000xi32, #tpu.memory_space<hbm>>) dst(%arg8 : memref<10000xi32, #tpu.memory_space<vmem>>)
      tpu.yield
    }) : () -> ()
    %scan3A = arith.constant 0 : i32
    %scan3A_3 = arith.constant 0 : i32
    %scan3A_4 = arith.constant 625 : i32
    %scan3A_5 = arith.addi %scan3A_3, %scan3A_4 : i32
    %scan3A_6 = arith.constant 1 : i32
    %scan3A_7 = scf.for %scan3A_9 = %scan3A_3 to %scan3A_5 step %scan3A_6 iter_args(%scan3A_10 = %scan3A) -> (i32)  : i32 {
      %mul3A_11 = arith.constant 16 : i32
      %mul3A_12 = arith.muli %scan3A_9, %mul3A_11 : i32
      %get3A = arith.index_cast %mul3A_12 : i32 to index
      %get3A_13 = tpu.vector_load %arg8[%get3A] {strides = array<i32>} : memref<10000xi32, #tpu.memory_space<vmem>>, vector<16xi32>,
      %gather3A = tpu.vector_load_idx %arg6[%get3A_13] : memref<10240xf32, #tpu.memory_space<vmem>>[vector<16xi32>], vector<16xf32>,
      %get3A_14 = arith.index_cast %mul3A_12 : i32 to index
      %get3A_15 = tpu.vector_load %arg7[%get3A_14] {strides = array<i32>} : memref<10000xf32, #tpu.memory_space<vmem>>, vector<16xf32>,
      %sub3A = arith.subf %get3A_15, %gather3A : vector<16xf32>
      %swap3A = arith.index_cast %mul3A_12 : i32 to index
      %swap3A_16 = tpu.vector_load %arg9[%swap3A] {strides = array<i32>} : memref<10000xf32, #tpu.memory_space<vmem>>, vector<16xf32>,
      tpu.vector_store %arg9[%swap3A], %sub3A {strides = array<i32>} : memref<10000xf32, #tpu.memory_space<vmem>>, vector<16xf32>,
      %scan3A_17 = arith.constant 0 : i32
      scf.yield %scan3A_17 : i32
    }
    %scan3A_8 = arith.constant 625 : i32
    "tpu.region"() ({
      %run_scoped3A_9 = tpu.sem_alloc : memref<!tpu.dma_semaphore, #tpu.memory_space<semaphore_mem>>
      %dma_start3A = arith.constant 0 : i32
      %dma_start3A_10 = tpu.memref_slice %arg5[%add3A, %dma_start3A] : memref<32x10000xf32, #tpu.memory_space<hbm>> -> memref<1x10000xf32, #tpu.memory_space<hbm>>
      %dma_start3A_11 = tpu.memref_squeeze %dma_start3A_10 : memref<1x10000xf32, #tpu.memory_space<hbm>> -> memref<10000xf32, #tpu.memory_space<hbm>>
      %dma_start3A_12 = arith.constant 0 : i32
      %dma_start3A_13 = tpu.memref_slice %arg5[%add3A, %dma_start3A_12] : memref<32x10000xf32, #tpu.memory_space<hbm>> -> memref<1x10000xf32, #tpu.memory_space<hbm>>
      %dma_start3A_14 = tpu.memref_squeeze %dma_start3A_13 : memref<1x10000xf32, #tpu.memory_space<hbm>> -> memref<10000xf32, #tpu.memory_space<hbm>>
      tpu.enqueue_dma source(%arg9 : memref<10000xf32, #tpu.memory_space<vmem>>) target(%dma_start3A_14 : memref<10000xf32, #tpu.memory_space<hbm>>) target_semaphore(%run_scoped3A_9 : memref<!tpu.dma_semaphore, #tpu.memory_space<semaphore_mem>>)
      %dma_wait3A = arith.constant 0 : i32
      %dma_wait3A_15 = tpu.memref_slice %arg5[%add3A, %dma_wait3A] : memref<32x10000xf32, #tpu.memory_space<hbm>> -> memref<1x10000xf32, #tpu.memory_space<hbm>>
      %dma_wait3A_16 = tpu.memref_squeeze %dma_wait3A_15 : memref<1x10000xf32, #tpu.memory_space<hbm>> -> memref<10000xf32, #tpu.memory_space<hbm>>
      %dma_wait3A_17 = arith.constant 0 : i32
      %dma_wait3A_18 = tpu.memref_slice %arg5[%add3A, %dma_wait3A_17] : memref<32x10000xf32, #tpu.memory_space<hbm>> -> memref<1x10000xf32, #tpu.memory_space<hbm>>
      %dma_wait3A_19 = tpu.memref_squeeze %dma_wait3A_18 : memref<1x10000xf32, #tpu.memory_space<hbm>> -> memref<10000xf32, #tpu.memory_space<hbm>>
      tpu.wait_dma2 semaphore(%run_scoped3A_9 : memref<!tpu.dma_semaphore, #tpu.memory_space<semaphore_mem>>) src(%arg9 : memref<10000xf32, #tpu.memory_space<vmem>>) dst(%dma_wait3A_19 : memref<10000xf32, #tpu.memory_space<hbm>>)
      tpu.yield
    }) : () -> ()
    return
  }
}

module attributes {stable_mosaic.version = 14 : i64} {
  func.func @_project_body(%arg0: i32, %arg1: memref<1000x128xf32, #tpu.memory_space<vmem>>, %arg2: memref<128x128xf32, #tpu.memory_space<vmem>>, %arg3: memref<1x128xf32, #tpu.memory_space<vmem>>, %arg4: memref<128x128xf32, #tpu.memory_space<vmem>>, %arg5: memref<1x128xf32, #tpu.memory_space<vmem>>, %arg6: memref<1000x128xbf16, #tpu.memory_space<vmem>>, %arg7: memref<1000x128xbf16, #tpu.memory_space<vmem>>) attributes {dimension_semantics = [#tpu.dimension_semantics<arbitrary>], iteration_bounds = array<i64: 10>, scalar_prefetch = 0 : i64, scratch_operands = 0 : i64, tpu.core_type = #tpu.core_type<tc>, window_params = [{transform_indices = @transform_0, window_bounds = array<i64: 1000, 128>}, {pipeline_mode = #tpu.pipeline_mode<synchronous>, transform_indices = @transform_1, window_bounds = array<i64: 128, 128>}, {pipeline_mode = #tpu.pipeline_mode<synchronous>, transform_indices = @transform_2, window_bounds = array<i64: 1, 128>}, {pipeline_mode = #tpu.pipeline_mode<synchronous>, transform_indices = @transform_3, window_bounds = array<i64: 128, 128>}, {pipeline_mode = #tpu.pipeline_mode<synchronous>, transform_indices = @transform_4, window_bounds = array<i64: 1, 128>}, {transform_indices = @transform_5, window_bounds = array<i64: 1000, 128>}, {transform_indices = @transform_6, window_bounds = array<i64: 1000, 128>}]} {
    %get3A = arith.constant 0 : index
    %get3A_0 = arith.constant 0 : index
    %get3A_1 = vector.load %arg1[%get3A, %get3A_0] : memref<1000x128xf32, #tpu.memory_space<vmem>>, vector<1000x128xf32>
    %get3A_2 = arith.constant 0 : index
    %get3A_3 = arith.constant 0 : index
    %get3A_4 = vector.load %arg2[%get3A_2, %get3A_3] : memref<128x128xf32, #tpu.memory_space<vmem>>, vector<128x128xf32>
    %dot_general3A = arith.constant dense<0.000000e+00> : vector<1000x128xf32>
    %dot_general3A_5 = tpu.matmul %get3A_1, %get3A_4, %dot_general3A {dimension_numbers = #tpu.dot_dimension_numbers<[1], [1], [0], [0], [0, 0, 1, 0], [], []>, transpose_lhs_hint = false} : vector<1000x128xf32>, vector<128x128xf32>, vector<1000x128xf32> -> vector<1000x128xf32>
    %get3A_6 = arith.constant 0 : index
    %get3A_7 = arith.constant 0 : index
    %get3A_8 = vector.load %arg3[%get3A_6, %get3A_7] : memref<1x128xf32, #tpu.memory_space<vmem>>, vector<1x128xf32>
    %add3A = vector.broadcast %get3A_8 : vector<1x128xf32> to vector<1000x128xf32>
    %add3A_9 = arith.addf %dot_general3A_5, %add3A : vector<1000x128xf32>
    %convert_element_type3A = arith.truncf %add3A_9 : vector<1000x128xf32> to vector<1000x128xbf16>
    %swap3A = arith.constant 0 : index
    %swap3A_10 = arith.constant 0 : index
    %swap3A_11 = vector.load %arg6[%swap3A, %swap3A_10] : memref<1000x128xbf16, #tpu.memory_space<vmem>>, vector<1000x128xbf16>
    tpu.vector_store %arg6[%swap3A, %swap3A_10], %convert_element_type3A {strides = array<i32>} : memref<1000x128xbf16, #tpu.memory_space<vmem>>, vector<1000x128xbf16>,
    %get3A_12 = arith.constant 0 : index
    %get3A_13 = arith.constant 0 : index
    %get3A_14 = vector.load %arg4[%get3A_12, %get3A_13] : memref<128x128xf32, #tpu.memory_space<vmem>>, vector<128x128xf32>
    %dot_general3A_15 = arith.constant dense<0.000000e+00> : vector<1000x128xf32>
    %dot_general3A_16 = tpu.matmul %get3A_1, %get3A_14, %dot_general3A_15 {dimension_numbers = #tpu.dot_dimension_numbers<[1], [1], [0], [0], [0, 0, 1, 0], [], []>, transpose_lhs_hint = false} : vector<1000x128xf32>, vector<128x128xf32>, vector<1000x128xf32> -> vector<1000x128xf32>
    %get3A_17 = arith.constant 0 : index
    %get3A_18 = arith.constant 0 : index
    %get3A_19 = vector.load %arg5[%get3A_17, %get3A_18] : memref<1x128xf32, #tpu.memory_space<vmem>>, vector<1x128xf32>
    %add3A_20 = vector.broadcast %get3A_19 : vector<1x128xf32> to vector<1000x128xf32>
    %add3A_21 = arith.addf %dot_general3A_16, %add3A_20 : vector<1000x128xf32>
    %convert_element_type3A_22 = arith.truncf %add3A_21 : vector<1000x128xf32> to vector<1000x128xbf16>
    %swap3A_23 = arith.constant 0 : index
    %swap3A_24 = arith.constant 0 : index
    %swap3A_25 = vector.load %arg7[%swap3A_23, %swap3A_24] : memref<1000x128xbf16, #tpu.memory_space<vmem>>, vector<1000x128xbf16>
    tpu.vector_store %arg7[%swap3A_23, %swap3A_24], %convert_element_type3A_22 {strides = array<i32>} : memref<1000x128xbf16, #tpu.memory_space<vmem>>, vector<1000x128xbf16>,
    return
  }
  func.func @transform_0(%arg0: i32) -> (i32, i32) {
    %c0_i32 = arith.constant 0 : i32
    %c0_i32_0 = arith.constant 0 : i32
    return %arg0, %c0_i32 : i32, i32
  }
  func.func @transform_1(%arg0: i32) -> (i32, i32) {
    %c0_i32 = arith.constant 0 : i32
    %c0_i32_0 = arith.constant 0 : i32
    %c0_i32_1 = arith.constant 0 : i32
    return %c0_i32, %c0_i32_0 : i32, i32
  }
  func.func @transform_2(%arg0: i32) -> (i32, i32) {
    %c0_i32 = arith.constant 0 : i32
    %c0_i32_0 = arith.constant 0 : i32
    %c0_i32_1 = arith.constant 0 : i32
    return %c0_i32, %c0_i32_0 : i32, i32
  }
  func.func @transform_3(%arg0: i32) -> (i32, i32) {
    %c0_i32 = arith.constant 0 : i32
    %c0_i32_0 = arith.constant 0 : i32
    %c0_i32_1 = arith.constant 0 : i32
    return %c0_i32, %c0_i32_0 : i32, i32
  }
  func.func @transform_4(%arg0: i32) -> (i32, i32) {
    %c0_i32 = arith.constant 0 : i32
    %c0_i32_0 = arith.constant 0 : i32
    %c0_i32_1 = arith.constant 0 : i32
    return %c0_i32, %c0_i32_0 : i32, i32
  }
  func.func @transform_5(%arg0: i32) -> (i32, i32) {
    %c0_i32 = arith.constant 0 : i32
    %c0_i32_0 = arith.constant 0 : i32
    return %arg0, %c0_i32 : i32, i32
  }
  func.func @transform_6(%arg0: i32) -> (i32, i32) {
    %c0_i32 = arith.constant 0 : i32
    %c0_i32_0 = arith.constant 0 : i32
    return %arg0, %c0_i32 : i32, i32
  }
}

module attributes {stable_mosaic.version = 14 : i64} {
  func.func @_log_combine_body(%arg0: memref<32x10240xf32, #tpu.memory_space<vmem>>, %arg1: memref<1x10240xf32, #tpu.memory_space<vmem>>) attributes {dimension_semantics = [], scalar_prefetch = 0 : i64, scratch_operands = 0 : i64, tpu.core_type = #tpu.core_type<tc>} {
    %get3A = arith.constant 0 : index
    %get3A_0 = arith.constant 0 : index
    %get3A_1 = vector.load %arg0[%get3A, %get3A_0] : memref<32x10240xf32, #tpu.memory_space<vmem>>, vector<32x10240xf32>
    %reduce_sum3A = arith.constant dense<0.000000e+00> : vector<10240xf32>
    %reduce_sum3A_2 = vector.multi_reduction <add>, %get3A_1, %reduce_sum3A [0] : vector<32x10240xf32> to vector<10240xf32>
    %broadcast_in_dim3A = vector.shape_cast %reduce_sum3A_2 : vector<10240xf32> to vector<1x10240xf32>
    %log3A = math.log %broadcast_in_dim3A : vector<1x10240xf32>
    %swap3A = arith.constant 0 : index
    %swap3A_3 = arith.constant 0 : index
    %swap3A_4 = vector.load %arg1[%swap3A, %swap3A_3] : memref<1x10240xf32, #tpu.memory_space<vmem>>, vector<1x10240xf32>
    tpu.vector_store %arg1[%swap3A, %swap3A_3], %log3A {strides = array<i32>} : memref<1x10240xf32, #tpu.memory_space<vmem>>, vector<1x10240xf32>,
    return
  }
}

</mosaic_0001>

<sc_bundles>
// kernel: kernel.6.cloned.1.call-start
scs
__scs_entry_jumppad:
0x0: {  	(pc) =	sbr.rel $0x88, $3  }
0x1: {  	(tag) =	ssettag $0x0;
	lr =	simm.s32 $0x1  }
0x2: {  	[smem:$0x3F9B] =	sst lr;
	_ =	strace $0xD0000000  }
0x3: {  	_ = 	snop  }
0x4: {  	_ = 	snop  }
0x5: {  	_ = 	snop  }
0x6: {  	_ = 	snop  }
0x7: {  	_ = 	snop  }
__scs_overlays_trampoline_lowered:
0x8: {  	[smem:$0x3FAA] =	sst s0  }
0x9: {  	[smem:$0x3FAB] =	sst s1  }
0xa: {  	[smem:$0x3FAC] =	sst s2  }
0xb: {  	[smem:$0x3FAD] =	sst s3  }
0xc: {  	[smem:$0x3FAE] =	sst s4  }
0xd: {  	[smem:$0x3FAF] =	sst s5  }
0xe: {  	[smem:$0x3FB0] =	sst s6  }
0xf: {  	[smem:$0x3FB1] =	sst s7  }
0x10: {  	[smem:$0x3FB2] =	sst s8  }
0x11: {  	[smem:$0x3FB3] =	sst s9;
	s0 =	simm.s32 @!p0 $0x0  }
0x12: {  	s1 =	sld [smem:$0x3F99];
	s0 =	simm.s32 @p0 $0x1  }
0x13: {  	[smem:$0x3FB4] =	sst s0;
	s0 =	simm.s32 @!p1 $0x0  }
0x14: {  	s2 =	sld [smem:$0x3F98];
	s0 =	simm.s32 @p1 $0x1  }
0x15: {  	[smem:$0x3FB5] =	sst s0;
	s0 =	simm.s32 @!p2 $0x0  }
0x16: {  	s3 =	sld [smem:$0x3FDB];
	s0 =	simm.s32 @p2 $0x1  }
0x17: {  	s4 =	simm.s32 $0x1BF5;
	[smem:$0x3FB7] =	sst s0  }
0x18: {  	s0 =	sld [smem:$0x3F9A];
	_ =	swait.ge [sflag:s4], $0x0  }
0x19: {  	s7 =	sld [smem:$0x3F9B]  }
0x1a: {  	s8 =	sadd.s32 $0xFFFFE003, lr  }
0x1b: {  	s9 =	sadd.s32 $0xFFFFFEF7, lr;
	s5 =	simm.s32 $0xFFFFFFFF;
	p2 =	slt.u32 s8, $0xFFFFF086  }
0x1c: {  	p1 =	slt.u32 s9, $0xF7A;
	s5 =	simm.s32 @!p2 $0x0  }
0x1d: {  	s5 =	simm.s32 @p1 $0x1;
	p0 =	seq.s32 s7, s2  }
0x1e: {  	s7 =	smul.u32 @!p0 $0xF7A, s2;
	p2 =	seq.s32 @!p0 s5, $0x0  }
0x1f: {  	s9 =	smul.u32 $0xF7A, s1;
	s8 =	simm.s32 @!p0 $0x1BF5;
	p2 =	por !p2, p0  }
0x20: {  	[sflag:s8] =	ssyncset.s32 @!p0 $0xFFFFF086;
	s6 =	sadd.s32 @!p0 s3, s7;
	s7 =	simm.s32 @!p0 $0x108  }
0x21: {  	s3 =	sadd.s32 s3, s9;
	s6 =	sadd.s32 @!p0 $0x88, s6;
	s7 =	simm.s32 @p2 $0x1082  }
0x22: {  	[simem:s7], [sflag:s8] =	dma.local @!p0 [hbm:s6], $0xF7A  }
0x23: {  	s9 =	sor.u32 $0xD0000000, s2;
	s6 =	simm.s32 $0x108;
	_ =	swait.ge @!p0 [sflag:s8], $0x0  }
0x24: {  	s3 =	sadd.s32 $0x88, s3;
	s6 =	simm.s32 @!p1 $0x1082;
	[sflag:s4] =	ssyncset.s32 $0xFFFFF086  }
0x25: {  	[simem:s6], [sflag:s4] =	dma.local [hbm:s3], $0xF7A  }
0x26: {  	[smem:$0x3F9B] =	sst s1;
	(tag) =	ssettag s2;
	_ =	strace s9  }
0x27: {  	s1 =	sld [smem:$0x3FAB]  }
0x28: {  	s2 =	sld [smem:$0x3FAC]  }
0x29: {  	s4 =	sld [smem:$0x3FAE]  }
0x2a: {  	p0 =	seq.s32 s5, $0x0;
	s5 =	sld [smem:$0x3FAF]  }
0x2b: {  	s6 =	sld [smem:$0x3FB0]  }
0x2c: {  	s7 =	sld [smem:$0x3FB1]  }
0x2d: {  	s3 =	simm.s32 $0x108;
	s8 =	sld [smem:$0x3FB2]  }
0x2e: {  	s3 =	simm.s32 @!p0 $0x1082;
	s9 =	sld [smem:$0x3FB3]  }
0x2f: {  	lr =	sadd.s32 s0, s3;
	s0 =	sld [smem:$0x3FAA]  }
0x30: {  	s3 =	sld [smem:$0x3FAD]  }
0x31: {  	[smem:$0x3FB6] =	sst s10  }
0x32: {  	s10 =	sld [smem:$0x3FB4];
	_ =	sdelay $0x3  }
0x33: {  	p0 =	seq.s32 s10, $0x1;
	s10 =	sld [smem:$0x3FB6];
	_ =	sdelay $0x3  }
0x34: {  	[smem:$0x3FB6] =	sst s10  }
0x35: {  	s10 =	sld [smem:$0x3FB5];
	_ =	sdelay $0x3  }
0x36: {  	p1 =	seq.s32 s10, $0x1;
	s10 =	sld [smem:$0x3FB6];
	_ =	sdelay $0x3  }
0x37: {  	[smem:$0x3FB6] =	sst s10  }
0x38: {  	s10 =	sld [smem:$0x3FB7]  }
0x39: {  	_ = 	snop;
	(pc) =	sbr.ind lr, $3  }
0x3a: {  	_ = 	snop  }
0x3b: {  	_ = 	snop  }
0x3c: {  	p2 =	seq.s32 s10, $0x1;
	s10 =	sld [smem:$0x3FB6]  }
0x3d: {  	_ =	shalt  }
0x3e: {  	_ =	shalt  }
0x3f: {  	_ =	shalt  }
0x40: {  	_ =	shalt  }
0x41: {  	_ =	shalt  }
0x42: {  	_ =	shalt  }
0x43: {  	_ =	shalt  }
0x44: {  	_ =	shalt  }
0x45: {  	_ =	shalt  }
0x46: {  	_ =	shalt  }
0x47: {  	_ =	shalt  }
0x48: {  	_ =	shalt  }
0x49: {  	_ =	shalt  }
0x4a: {  	_ =	shalt  }
0x4b: {  	_ =	shalt  }
0x4c: {  	_ =	shalt  }
0x4d: {  	_ =	shalt  }
0x4e: {  	_ =	shalt  }
0x4f: {  	_ =	shalt  }
0x50: {  	_ =	shalt  }
0x51: {  	_ =	shalt  }
0x52: {  	_ =	shalt  }
0x53: {  	_ =	shalt  }
0x54: {  	_ =	shalt  }
0x55: {  	_ =	shalt  }
0x56: {  	_ =	shalt  }
0x57: {  	_ =	shalt  }
0x58: {  	_ =	shalt  }
0x59: {  	_ =	shalt  }
0x5a: {  	_ =	shalt  }
0x5b: {  	_ =	shalt  }
0x5c: {  	_ =	shalt  }
0x5d: {  	_ =	shalt  }
0x5e: {  	_ =	shalt  }
0x5f: {  	_ =	shalt  }
0x60: {  	_ =	shalt  }
0x61: {  	_ =	shalt  }
0x62: {  	_ =	shalt  }
0x63: {  	_ =	shalt  }
0x64: {  	_ =	shalt  }
0x65: {  	_ =	shalt  }
0x66: {  	_ =	shalt  }
0x67: {  	_ =	shalt  }
0x68: {  	_ =	shalt  }
0x69: {  	_ =	shalt  }
0x6a: {  	_ =	shalt  }
0x6b: {  	_ =	shalt  }
0x6c: {  	_ =	shalt  }
0x6d: {  	_ =	shalt  }
0x6e: {  	_ =	shalt  }
0x6f: {  	_ =	shalt  }
0x70: {  	_ =	shalt  }
0x71: {  	_ =	shalt  }
0x72: {  	_ =	shalt  }
0x73: {  	_ =	shalt  }
0x74: {  	_ =	shalt  }
0x75: {  	_ =	shalt  }
0x76: {  	_ =	shalt  }
0x77: {  	_ =	shalt  }
0x78: {  	_ =	shalt  }
0x79: {  	_ =	shalt  }
0x7a: {  	_ =	shalt  }
0x7b: {  	_ =	shalt  }
0x7c: {  	_ =	shalt  }
0x7d: {  	_ =	shalt  }
0x7e: {  	_ =	shalt  }
0x7f: {  	_ =	shalt  }
0x80: {  	_ =	shalt  }
0x81: {  	_ =	shalt  }
0x82: {  	_ =	shalt  }
0x83: {  	_ =	shalt  }
0x84: {  	_ =	shalt  }
0x85: {  	_ =	shalt  }
0x86: {  	_ =	shalt  }
0x87: {  	_ =	shalt  }
.Lfunc_end0:
.L_simem_size_0:
called_computation_lowered:
.L_overlay_start_0:
0x88: {  	s2 =	sld [smem:$0x3FD9]  }
0x89: {  	s3 =	sld [smem:$0x3FFE];
	_ =	sdelay $0x1  }
0x8a: {  	s1 =	srdreg.scid  }
0x8b: {  	s0 =	sand.u32 $0x1, s1  }
0x8c: {  	s16 =	sshll.u32 s0, $0xA;
	s2 =	sadd.s32 s3, s2  }
0x8d: {  	s2 =	sadd.s32 s2, s16  }
0x8e: {  	[smem:$0x3FC2] =	sst s2  }
0x8f: {  	_ = 	snop  }
0x90: {  	(tm) =	ssettm $0x1  }
0x91: {  	s17 =	sld [smem:$0x3FFB];
	_ =	sdelay $0x3  }
0x92: {  	_ =	strace s17  }
0x93: {  	s2 =	sld [smem:$0x3FFC];
	_ =	sdelay $0x3  }
0x94: {  	_ =	strace s2  }
0x95: {  	s2 =	sld [smem:$0x3FFD];
	_ =	sdelay $0x3  }
0x96: {  	_ =	strace s2  }
0x97: {  	_ =	strace $0x8FFFFFFF  }
0x98: {  	s18 =	sld [smem:$0x3FDB];
	_ =	sdelay $0x1  }
0x99: {  	s19 =	simm.s32 $_scs_section_size  }
0x9a: {  	s4 =	simm.s32 $_size__tile_overlayer_lowered;
	s5 =	simm.s32 $_tile_overlayer_lowered  }
0x9b: {  	s22 =	simm.s32 $0x1BFF;
	s21 =	sshll.u32 s5, $0x1;
	s2 =	sadd.s32 s19, s18  }
0x9c: {  	s6 =	simm.s32 $0x0;
	s20 =	sshll.u32 s4, $0x1;
	s4 =	sadd.s32 s21, s2  }
0x9d: {  	[timem:s6], [sflag:s22] =	dma.local [hbm:s4], s20  }
0x9e: {  	_ =	swait.ge [sflag:s22], s20  }
0x9f: {  	s3 =	ssub.s32 $0x0, s20;
	[sflag:s22] =	ssyncset.done $0x0  }
0xa0: {  	[sflag:s22] =	ssyncadd.s32 s3;
	_ =	sdelay $0x1  }
0xa1: {  	s23 =	simm.s32 $0x1B8B  }
0xa2: {  	_ =	swait.ge [sflag:s23], $0x1  }
0xa3: {  	[sflag:s23] =	ssyncset.done $0x0  }
0xa4: {  	s25 =	simm.s32 $0x1B8E;
	s24 =	sld [smem:$0x3FFE];
	[sflag:s23] =	ssyncadd.s32 $0xFFFFFFFF  }
0xa5: {  	s26 =	simm.s32 $execute0_lowered;
	[smem:$0x3FD2] =	sst s25  }
0xa6: {  	s4 =	sshll.u32 s26, $0x1;
	_ =	strace $0x80000046;
	[dreg:$0x1] =	wrdreg $0xFFFFFFFF  }
0xa7: {  	s28 =	simm.s32 $_size_execute0_lowered;
	s2 =	sadd.s32 s2, s4;
	[dreg:$0x0] =	wrdreg $0x0  }
0xa8: {  	s4 =	sshll.u32 s28, $0x1;
	[dreg:$0x2] =	wrdreg s2  }
0xa9: {  	[dreg:$0x3] =	wrdreg s4  }
0xaa: {  	[dreg:$0x4] =	wrdreg $0xC0  }
0xab: {  	_ =	task [dreg:s6], $0x5FFFF  }
0xac: {  	[dreg:$0x1] =	wrdreg $0xFFFFFFFF  }
0xad: {  	[dreg:$0x0] =	wrdreg $0x60  }
0xae: {  	[dreg:$0x2] =	wrdreg s24  }
0xaf: {  	[dreg:$0x3] =	wrdreg $0x9  }
0xb0: {  	_ =	task.clear_ibuf [dreg:s6], $0x4FFFF;
	_ =	strace $0x90000046  }
0xb1: {  	s29 =	simm.s32 $0x9;
	_ =	strace $0x80000048  }
0xb2: {  	_ =	swait.ge [sflag:s29], $0x1  }
0xb3: {  	[sflag:s29] =	ssyncadd.s32 $0xFFFFFFFF  }
0xb4: {  	_ =	strace $0x90000048  }
0xb5: {  	_ =	sfence  }
0xb6: {  	s30 =	sld [smem:$0x0];
	_ =	sdelay $0x2  }
0xb7: {  	s31 =	sshll.u32 s1, $0xD;
	s1 =	sshrl.u32 s1, $0x2  }
0xb8: {  	s3 =	sand.u32 $0x4000, s31;
	s1 =	sadd.s32 s1, s30  }
0xb9: {  	s0 =	sor.u32 s3, s0;
	s1 =	sshll.u32 s1, $0x11  }
0xba: {  	s0 =	sor.u32 s1, s0  }
0xbb: {  	s0 =	sadd.s32 $0x8F2B, s0  }
0xbc: {  	[sflag:s0] =	ssyncadd.remote.s32 $0x1  }
0xbd: {  	_ =	sfence.sel $0xFFFF  }
0xbe: {  	[dreg:$0x0] =	wrdreg $0xFFFFFFFF;
	(pc) =	sbr.abs _section_cstart, $3  }
0xbf: {  	[dreg:$0x1] =	wrdreg $0xFFFFFFFF  }
0xc0: {  	_ =	task.clear_ibuf [dreg:s6], $0x2FFFF;
	_ =	strace $0x9FFFFFFF  }
0xc1: {  	(tm) =	ssettm $0x7FFFFFFF  }
tec
execute0_lowered:
.L_overlay_start_1:
0x0: {  	(tag) =	ssettag $0x1  }
0x1: {  	v25 =	vlaneseq.u32;
	v52 =	vimm.s32 $0x34333231  }
0x2: {  	v1 =	vimm.s32 $0x38373635;
	vm0 =	vcmask $0x1F10;
	v53 =	vimm.s32 $0x3C3B3A39  }
0x3: {  	v2 =	vimm.s32 $0x3F3E3D;
	v3 =	vimm.s32 $0x35343332;
	v38 =	vimm.s32 $0x3D3C3B3A  }
0x4: {  	v39 =	vimm.s32 $0x1003F3E;
	v40 =	vimm.s32 $0x36353433;
	v41 =	vimm.s32 $0x3A393837  }
0x5: {  	v44 =	vimm.s32 $0x3020100;
	v36 =	vimm.s32 $0x3F3E3D3C;
	v45 =	vimm.s32 $0x37363534  }
0x6: {  	v35 =	vimm.s32 $0x98765432;
	vm1 =	vcmask $0x2F10;
	vm2 =	vcmask $0x3F30  }
0x7: {  	v0 =	vor.u32 $0x20, v25;
	v46 =	vadd.s32 $0x21, v25;
	v49 =	vadd.s32 $0x22, v25  }
0x8: {  	v50 =	vadd.s32 $0x23, v25;
	v26 =	vunpack.c.0.s8.s32 v1;
	v27 =	vunpack.c.0.s8.s32 v53  }
0x9: {  	v1 =	vunpack.c.0.s8.s32 v2;
	v61 =	vunpack.c.0.s8.s32 v3;
	v3 =	vimm.s32 $0x39383736;
	[tilespmem:$0x1FC30] =	vst v0  }
0xa: {  	v29 =	vunpack.c.0.s8.s32 v38;
	v30 =	vadd.s32 $0x24, v25;
	v62 =	vadd.s32 $0x25, v25;
	[tilespmem:$0x1FC40] =	vst v46  }
0xb: {  	v40 =	vunpack.c.0.s8.s32 v40;
	v63 =	vunpack.c.0.s8.s32 v44;
	v31 =	vunpack.c.0.s8.s32 v36;
	[tilespmem:$0x1FC60] =	vst v50  }
0xc: {  	v37 =	vunpack.c.0.s8.s32 v45;
	v36 =	vimm.s32 $0x5040302;
	v0 =	vunpack.c.0.s8.s32 v52;
	[tilespmem:$0x1FC70] =	vst v30  }
0xd: {  	v28 =	vunpack.c.0.s8.s32 v3;
	v3 =	vunpack.c.0.s8.s32 v39;
	[tilespmem:$0x1FC80] =	vst v62;
	v30 =	vunpack.c.0.s8.s32 v41  }
0xe: {  	v46 =	vimm.s32 $0x3B3A3938;
	v50 =	vimm.s32 $0x201003F;
	v62 =	vimm.s32 $0x87654321  }
0xf: {  	v38 =	vsel vm0, v1, v27;
	v32 =	vunpack.c.0.s8.s32 v46;
	v0 =	vsel vm0, v26, v0  }
0x10: {  	v52 =	vsel vm0, v63, v31;
	v34 =	vunpack.c.0.s8.s32 v50;
	v0 =	vcombine.low v0, v38  }
0x11: {  	[tilespmem:$0x1FC50] =	vst v49;
	v63 =	vimm.s32 $0x4030201;
	v2 =	vsel vm0, v28, v61;
	v39 =	vsel vm0, v3, v29  }
0x12: {  	v33 =	vsel vm0, v30, v40;
	v49 =	vcombine.low v2, v39;
	[tilespmem:$0x1FC90] =	vst v0;
	v0 =	vunpack.c.l.s4.s8 v62  }
0x13: {  	v40 =	vunpack.c.l.s4.s8 v35;
	v53 =	vsel vm0, v32, v37;
	v37 =	vimm.s32 $0x32107654  }
0x14: {  	v50 =	vimm.s32 $0x43218765;
	[tilespmem:$0x1FCA0] =	vst v49;
	v49 =	vunpack.c.l.s4.s8 v37;
	v0 =	vunpack.c.0.s8.s32 v0  }
0x15: {  	v2 =	vunpack.c.0.s8.s32 v63;
	v61 =	vcombine.low v53, v52;
	v46 =	vunpack.c.0.s8.s32 v40  }
0x16: {  	v53 =	vunpack.c.l.s4.s8 v50;
	v40 =	vunpack.c.0.s8.s32 v49;
	v0 =	vand.u32 $0xF, v0  }
0x17: {  	v35 =	vsel vm0, v2, v1;
	v62 =	vimm.s32 $0xB0A0908;
	v0 =	vcombine.low v38, v0  }
0x18: {  	[tilespmem:$0x1FCB0] =	vst v61;
	v2 =	vand.u32 $0xF, v46;
	v61 =	vand.u32 $0xF, v40;
	v38 =	vunpack.c.0.s8.s32 v62  }
0x19: {  	v52 =	vcombine.low v39, v2;
	v2 =	vsel vm1, v61, v31;
	[tilespmem:$0x1FCC0] =	vst v0;
	v0 =	vunpack.c.0.s8.s32 v53  }
0x1a: {  	v44 =	vimm.s32 $0xC0B0A09;
	v41 =	vunpack.c.0.s8.s32 v36;
	v2 =	vsel vm2, v38, v2  }
0x1b: {  	v63 =	vimm.s32 $0x54329876;
	[tilespmem:$0x1FCE0] =	vst v2;
	v2 =	vunpack.c.0.s8.s32 v44;
	v0 =	vand.u32 $0xF, v0  }
0x1c: {  	v39 =	vunpack.c.l.s4.s8 v63;
	v0 =	vsel vm1, v0, v1  }
0x1d: {  	s5 =	rddreg [dreg:$0x0];
	s2 =	simm.s32 $0x0;
	v36 =	vsel vm0, v41, v3;
	v41 =	vimm.s32 $0x6050403;
	[tilespmem:$0x1FCD0] =	vst v52;
	v0 =	vsel vm2, v2, v0  }
0x1e: {  	[smem:$0x7FF] =	sst s2;
	v63 =	vunpack.c.0.s8.s32 v41;
	v41 =	vadd.s32 $0x26, v25;
	v45 =	vunpack.c.0.s8.s32 v39;
	[tilespmem:$0x1FCF0] =	vst v0  }
0x1f: {  	s0 =	rddreg [dreg:$0x1];
	v44 =	vadd.s32 $0x27, v25;
	_ =	strace $0x80000047;
	[tilespmem:$0x1FD20] =	vst v41  }
0x20: {  	v46 =	vimm.s32 $0x6543A987;
	v50 =	vand.u32 $0xF, v45;
	v45 =	vadd.s32 $0x28, v25;
	[tilespmem:$0x1FD30] =	vst v44  }
0x21: {  	v49 =	vimm.s32 $0xD0C0B0A;
	v39 =	vunpack.c.l.s4.s8 v46;
	v46 =	vadd.s32 $0x29, v25;
	[tilespmem:$0x1FD40] =	vst v45  }
0x22: {  	v1 =	vunpack.c.0.s8.s32 v49;
	v49 =	vadd.s32 $0x2A, v25;
	[tilespmem:$0x1FD50] =	vst v46  }
0x23: {  	v52 =	vimm.s32 $0x76543210;
	v0 =	vsel vm1, v50, v3;
	v50 =	vadd.s32 $0x2B, v25;
	[tilespmem:$0x1FD60] =	vst v49  }
0x24: {  	v53 =	vimm.s32 $0xA9876543;
	v2 =	vunpack.c.l.s4.s8 v52;
	v52 =	vadd.s32 $0x2C, v25;
	[tilespmem:$0x1FD70] =	vst v50  }
0x25: {  	v62 =	vunpack.c.l.s4.s8 v53;
	v53 =	vadd.s32 $0x2D, v25;
	[tilespmem:$0x1FD80] =	vst v52  }
0x26: {  	v42 =	vadd.s32 $0xC, v25;
	[tilespmem:$0x1FD90] =	vst v53  }
0x27: {  	v43 =	vadd.s32 $0xD, v25;
	[tilespmem:$0x1FDD0] =	vst v42  }
0x28: {  	v47 =	vadd.s32 $0xE, v25;
	[tilespmem:$0x1FDE0] =	vst v43  }
0x29: {  	v48 =	vadd.s32 $0xF, v25;
	[tilespmem:$0x1FDF0] =	vst v47  }
0x2a: {  	v51 =	vor.u32 $0x10, v25;
	[tilespmem:$0x1FE00] =	vst v48  }
0x2b: {  	v54 =	vadd.s32 $0x11, v25;
	[tilespmem:$0x1FE10] =	vst v51  }
0x2c: {  	v55 =	vadd.s32 $0x12, v25;
	[tilespmem:$0x1FE20] =	vst v54  }
0x2d: {  	v56 =	vadd.s32 $0x13, v25;
	[tilespmem:$0x1FE30] =	vst v55  }
0x2e: {  	v57 =	vadd.s32 $0x14, v25;
	[tilespmem:$0x1FE40] =	vst v56  }
0x2f: {  	v60 =	vadd.s32 $0x15, v25;
	[tilespmem:$0x1FE50] =	vst v57  }
0x30: {  	v58 =	vadd.s32 $0x16, v25;
	[tilespmem:$0x1FE60] =	vst v60  }
0x31: {  	v59 =	vadd.s32 $0x17, v25;
	[tilespmem:$0x1FE70] =	vst v58  }
0x32: {  	v9 =	vadd.s32 $0x18, v25;
	[tilespmem:$0x1FE80] =	vst v59  }
0x33: {  	v11 =	vadd.s32 $0x19, v25;
	[tilespmem:$0x1FE90] =	vst v9  }
0x34: {  	v13 =	vadd.s32 $0x1A, v25;
	[tilespmem:$0x1FEA0] =	vst v11  }
0x35: {  	v15 =	vadd.s32 $0x1B, v25;
	[tilespmem:$0x1FEB0] =	vst v13  }
0x36: {  	v17 =	vadd.s32 $0x1C, v25;
	[tilespmem:$0x1FEC0] =	vst v15  }
0x37: {  	v19 =	vadd.s32 $0x1D, v25;
	[tilespmem:$0x1FED0] =	vst v17  }
0x38: {  	v21 =	vadd.s32 $0x1E, v25;
	[tilespmem:$0x1FEE0] =	vst v19  }
0x39: {  	v23 =	vadd.s32 $0x1F, v25;
	[tilespmem:$0x1FEF0] =	vst v21  }
0x3a: {  	[tilespmem:$0x1FF00] =	vst v23  }
0x3b: {  	[tilespmem:$0x1FF10] =	vst v26  }
0x3c: {  	[tilespmem:$0x1FF20] =	vst v27  }
0x3d: {  	[tilespmem:$0x1FF30] =	vst v28  }
0x3e: {  	[tilespmem:$0x1FF40] =	vst v29  }
0x3f: {  	[tilespmem:$0x1FF50] =	vst v30  }
0x40: {  	[tilespmem:$0x1FF60] =	vst v31  }
0x41: {  	[tilespmem:$0x1FF70] =	vst v32  }
0x42: {  	[tilespmem:$0x1FF80] =	vst v33  }
0x43: {  	[tilespmem:$0x1FF90] =	vst v34  }
0x44: {  	s3 =	srdreg.scid;
	s1 =	stileid.u32;
	[tilespmem:$0x1FFA0] =	vst v35  }
0x45: {  	s10 =	simm.s32 $0x3;
	s11 =	simm.s32 $0x2710;
	s12 =	simm.s32 $0x4E20;
	v61 =	vimm.s32 $0xE0D0C0B;
	v0 =	vsel vm2, v1, v0;
	[tilespmem:$0x1FFB0] =	vst v36  }
0x46: {  	s13 =	simm.s32 $0x6220;
	s14 =	simm.s32 $0x50;
	s15 =	simm.s32 $0x7620;
	v3 =	vunpack.c.0.s8.s32 v39;
	v1 =	vunpack.c.0.s8.s32 v62;
	v62 =	vadd.s32 $0x2F, v25;
	[tilespmem:$0x1FD00] =	vst v0  }
0x47: {  	s16 =	simm.s32 $0x8A20;
	s6 =	sand.u32 $0x1, s3;
	s30 =	sshll.u32 s1, $0x1;
	v2 =	vunpack.c.0.s8.s32 v2;
	v0 =	vunpack.c.0.s8.s32 v61;
	v61 =	vadd.s32 $0x2E, v25;
	[tilespmem:$0x1FDB0] =	vst v62  }
0x48: {  	v4 =	vimm.f32 $0.0e+00;
	s17 =	simm.s32 $0x1;
	s18 =	simm.s32 $0xC530;
	v5 =	vmul.u32 $0x40, v25;
	s4 =	sor.u32 s6, s30;
	v3 =	vand.u32 $0xF, v3;
	[tilespmem:$0x1FDA0] =	vst v61  }
0x49: {  	s19 =	simm.s32 $0x2;
	s20 =	simm.s32 $0x9E20;
	v6 =	vadd.s32 $0x1, v25;
	s7 =	smul.u32 $0x2710, s4;
	v3 =	vsel vm1, v3, v34;
	v37 =	vand.u32 $0xF, v1;
	[tilespmem:$0x1FFE0] =	vst v2  }
0x4a: {  	s21 =	simm.s32 $0x0;
	v7 =	vadd.s32 $0x2, v25;
	v8 =	vadd.s32 $0x3, v25;
	s6 =	ssub.s32 $0x2, s6;
	s8 =	smul.u32 $0x500, s4;
	v0 =	vsel vm2, v0, v3;
	[tilespmem:$0x1FFF0] =	vst v37  }
0x4b: {  	s3 =	sadd.s32 $0x14E00, s5;
	s4 =	sadd.s32 $0x1400, s5;
	s31 =	sshrl.u32 s6, $0x1;
	v40 =	vimm.s32 $0x3E3D3C3B;
	v3 =	vsel vm0, v63, v34;
	v63 =	vor.u32 $0x30, v25;
	[tilespmem:$0x1FD10] =	vst v0  }
0x4c: {  	v10 =	vadd.s32 $0x4, v25;
	v12 =	vadd.s32 $0x5, v25;
	s9 =	ssub.s32 s6, s31;
	s7 =	sshrl.u32 s7, $0x3;
	s8 =	sadd.s32 s8, s5;
	v0 =	vunpack.c.0.s8.s32 v40;
	[tilespmem:$0x1FDC0] =	vst v63  }
0x4d: {  	v14 =	vadd.s32 $0x6, v25;
	v16 =	vadd.s32 $0x7, v25;
	v20 =	vadd.s32 $0x9, v25;
	s9 =	smax.u32 s9, $0x1;
	s7 =	sadd.s32 s7, s5;
	s8 =	sadd.s32 $0x3C200, s8;
	[tilespmem:$0x1FFD0] =	vst v3  }
0x4e: {  	v18 =	vadd.s32 $0x8, v25;
	v22 =	vadd.s32 $0xA, v25;
	v24 =	vadd.s32 $0xB, v25;
	s5 =	sadd.s32 $0x28800, s7;
	s6 =	sadd.s32 $0x32440, s7;
	s7 =	sadd.s32 $0x46200, s7;
	[tilespmem:$0x1FFC0] =	vst v0  }
.LBB2_1:
0x4f: {  	[tilespmem:s2], [sflag:$0x3] =	stream.linear.gather [hbm4b:s5+s2], $0x2710, $0x38;
	[tilespmem:$0xED30] =	vst v63  }
0x50: {  	_ =	swait.ge [sflag:s10], $0x2710  }
0x51: {  	[sflag:s10] =	ssyncset.done $0x0  }
0x52: {  	[sflag:s10] =	ssyncadd.s32 $0xFFFFD8F0  }
0x53: {  	[tilespmem:s11], [sflag:$0x3] =	stream.linear.gather [hbm4b:s6+s2], $0x2710, $0x38;
	[tilespmem:$0xED30] =	vst v63  }
0x54: {  	_ =	swait.ge [sflag:s10], $0x2710  }
0x55: {  	[sflag:s10] =	ssyncset.done $0x0  }
0x56: {  	s22 =	simm.s32 $0x40;
	s23 =	simm.s32 $0x0;
	[sflag:s10] =	ssyncadd.s32 $0xFFFFD8F0  }
.LBB2_2:
0x57: {  	p0 =	sne.s32 s22, $0x9FC0;
	[tilespmem:s23+$0xC530] =	vst v4;
	s23 =	smov.u32 s22;
	s22 =	sadd.s32 $0x40, s22  }
.Ltmp0:
0x58: {  	(pc) =	sbr.rel @p0 .LBB2_2-.Ltmp0, $2  }
0x59: {  	_ =	sdelay $0x2  }
0x5a: {  	s23 =	sshra.s32 s23, $0x2  }
0x5b: {  	[tilespmem:s23+$0xC530] =	vst v4;
	s22 =	simm.s32 $0x50;
	s23 =	simm.s32 $0x0  }
0x5c: {  	[tilespmem:s12], [sflag:$0x1] =	stream.indirect.gather [hbm4b:s3+s22], $0x40, s23, s22, $0xb8;
	[tilespmem:$0xED30] =	vst v63  }
0x5d: {  	s24 =	simm.s32 $0x9E20;
	s25 =	simm.s32 $0x9E70;
	s26 =	simm.s32 $0x0  }
0x5e: {  	[tilespmem:s13], [sflag:$0x1] =	stream.indirect.gather [hbm4b:s4+s22], $0x40, s11, s22, $0xb8;
	[tilespmem:$0xED30] =	vst v63  }
.LBB2_4:
0x5f: {  	s28 =	smul.u32 $0xA0, s26;
	_ =	sdelay $0x1  }
0x60: {  	s29 =	sadd.s32 $0x50, s28  }
0x61: {  	[tilespmem:s15], [sflag:$0x2] =	stream.indirect.gather [hbm4b:s3+s14], $0x40, s29, s14, $0xb8;
	[tilespmem:$0xED30] =	vst v63  }
0x62: {  	s29 =	sadd.s32 $0x2760, s28  }
0x63: {  	[tilespmem:s16], [sflag:$0x2] =	stream.indirect.gather [hbm4b:s4+s14], $0x40, s29, s14, $0xb8;
	[tilespmem:$0xED30] =	vst v63  }
0x64: {  	_ =	swait.ge [sflag:s17], $0x1400  }
0x65: {  	[sflag:s17] =	ssyncset.done $0x0  }
0x66: {  	[sflag:s17] =	ssyncadd.s32 $0xFFFFEC00  }
0x67: {  	_ =	swait.ge [sflag:s17], $0x1400  }
0x68: {  	v38 =	vld [tilespmem:$0x1FFA0]  }
0x69: {  	v40 =	vld [tilespmem:$0x1FFB0]  }
0x6a: {  	v41 =	vld [tilespmem:$0x1FCC0]  }
0x6b: {  	v44 =	vld [tilespmem:$0x1FCD0]  }
0x6c: {  	v45 =	vld [tilespmem:$0x1FCE0]  }
0x6d: {  	v46 =	vld [tilespmem:$0x1FCF0]  }
0x6e: {  	v49 =	vld [tilespmem:$0x1FD00]  }
0x6f: {  	v50 =	vld [tilespmem:$0x1FD10]  }
0x70: {  	v42 =	vld [tilespmem:$0x1FFC0]  }
0x71: {  	v43 =	vld [tilespmem:$0x1FFD0]  }
0x72: {  	v47 =	vld [tilespmem:$0x1FFE0]  }
0x73: {  	v48 =	vld [tilespmem:$0x1FD20]  }
0x74: {  	v51 =	vld [tilespmem:$0x1FD30]  }
0x75: {  	v56 =	vld [tilespmem:$0x1FFF0]  }
0x76: {  	v57 =	vld [tilespmem:$0x1FD40]  }
0x77: {  	v60 =	vld [tilespmem:$0x1FD50]  }
0x78: {  	v1 =	vld [tilespmem:$0x1FD60]  }
0x79: {  	v54 =	vld [tilespmem:$0x1FD70]  }
0x7a: {  	v55 =	vld [tilespmem:$0x1FD80]  }
0x7b: {  	v0 =	vld [tilespmem:$0x1FD90]  }
0x7c: {  	v58 =	vld [tilespmem:$0x1FDA0]  }
0x7d: {  	s30 =	smov.u32 s24;
	[sflag:s17] =	ssyncset.done $0x0;
	v59 =	vld [tilespmem:$0x1FDB0]  }
0x7e: {  	s31 =	simm.s32 $0x0;
	s29 =	smov.u32 s23;
	v39 =	vld [tilespmem:$0x1FDC0];
	[sflag:s17] =	ssyncadd.s32 $0xFFFFEC00  }
.LBB2_5:
0x7f: {  	v2 =	vmov s31  }
0x80: {  	v2 =	vshll.u32 v2, $0x6  }
0x81: {  	v3 =	vor.u32 v5, v2  }
0x82: {  	v2 =	vor.u32 v25, v3;
	_ =	sdelay $0x1  }
0x83: {  	v52 =	vor.u32 v6, v3;
	_ =	sdelay $0x1  }
0x84: {  	v19 =	vld [tilespmem:$0x1FDD0];
	v53 =	vor.u32 v7, v3  }
0x85: {  	v61 =	vld.idx.msk [tilespmem:v2+s12+$0x0], $0xffff  }
0x86: {  	v62 =	vor.u32 v8, v3;
	v2 =	vld.idx.msk [tilespmem:v2+s13+$0x0], $0xffff  }
0x87: {  	v63 =	vld.idx.msk [tilespmem:v52+s12+$0x0], $0xffff  }
0x88: {  	v4 =	vor.u32 v10, v3;
	v52 =	vld.idx.msk [tilespmem:v52+s13+$0x0], $0xffff  }
0x89: {  	v26 =	vmov v5;
	v5 =	vld.idx.msk [tilespmem:v53+s12+$0x0], $0xffff  }
0x8a: {  	v27 =	vmov v6;
	v6 =	vor.u32 v12, v3;
	v53 =	vld.idx.msk [tilespmem:v53+s13+$0x0], $0xffff  }
0x8b: {  	v35 =	vld.idx.msk [tilespmem:v62+s12+$0x0], $0xffff  }
0x8c: {  	v11 =	vor.u32 v18, v3;
	v62 =	vld.idx.msk [tilespmem:v62+s13+$0x0], $0xffff  }
0x8d: {  	v9 =	vld.idx.msk [tilespmem:v4+s12+$0x0], $0xffff  }
0x8e: {  	v4 =	vld.idx.msk [tilespmem:v4+s13+$0x0], $0xffff  }
0x8f: {  	v36 =	vld.idx.msk [tilespmem:v6+s12+$0x0], $0xffff  }
0x90: {  	v28 =	vmov v7;
	v7 =	vor.u32 v14, v3;
	v6 =	vld.idx.msk [tilespmem:v6+s13+$0x0], $0xffff  }
0x91: {  	v17 =	vld.idx.msk [tilespmem:v11+s12+$0x0], $0xffff  }
0x92: {  	v34 =	vor.u32 v24, v3;
	v11 =	vld.idx.msk [tilespmem:v11+s13+$0x0], $0xffff  }
0x93: {  	v52 =	vmul.bf16 v52, v63;
	v63 =	vor.u32 v16, v3  }
0x94: {  	v2 =	vmul.bf16 v2, v61;
	v61 =	vmul.bf16 v62, v35;
	v35 =	vor.u32 v19, v3;
	v19 =	vld [tilespmem:$0x1FDE0]  }
0x95: {  	v37 =	vor.u32 v20, v3;
	v13 =	vld.idx.msk [tilespmem:v7+s12+$0x0], $0xffff  }
0x96: {  	v15 =	vor.u32 v22, v3;
	v7 =	vld.idx.msk [tilespmem:v7+s13+$0x0], $0xffff;
	v5 =	vmul.bf16 v53, v5;
	v4 =	vmul.bf16 v4, v9  }
0x97: {  	v29 =	vmovc v8;
	v6 =	vmul.bf16 v6, v36;
	v11 =	vmul.bf16 v11, v17;
	v17 =	vld.idx.msk [tilespmem:v34+s13+$0x0], $0xffff;
	v8 =	vunpack.i.u.bf16.f32 v2  }
0x98: {  	v30 =	vmovc v10;
	v2 =	vunpack.i.l.bf16.f32 v2;
	v10 =	vunpack.i.u.bf16.f32 v52;
	v52 =	vunpack.i.l.bf16.f32 v52;
	v9 =	vld.idx.msk [tilespmem:v63+s12+$0x0], $0xffff  }
0x99: {  	v2 =	vadd.f32 $0.0e+00, v2;
	v8 =	vadd.f32 $0.0e+00, v8;
	v36 =	vor.u32 v19, v3;
	v19 =	vld [tilespmem:$0x1FDF0]  }
0x9a: {  	v33 =	vmovc v16;
	v16 =	vunpack.i.u.bf16.f32 v4;
	v4 =	vunpack.i.l.bf16.f32 v4;
	v52 =	vadd.f32 $0.0e+00, v52;
	v63 =	vld.idx.msk [tilespmem:v63+s13+$0x0], $0xffff  }
0x9b: {  	v7 =	vmul.bf16 v7, v13;
	v2 =	vadd.f32 v4, v2;
	v4 =	vadd.f32 v16, v8;
	v8 =	vld.idx.msk [tilespmem:v37+s12+$0x0], $0xffff  }
0x9c: {  	v31 =	vmovc v12;
	v12 =	vunpack.i.u.bf16.f32 v5;
	v13 =	vunpack.i.u.bf16.f32 v6;
	v6 =	vunpack.i.l.bf16.f32 v6;
	v16 =	vld.idx.msk [tilespmem:v37+s13+$0x0], $0xffff  }
0x9d: {  	v5 =	vunpack.i.l.bf16.f32 v5;
	v10 =	vadd.f32 $0.0e+00, v10;
	v6 =	vadd.f32 v6, v52;
	v52 =	vld.idx.msk [tilespmem:v15+s12+$0x0], $0xffff  }
0x9e: {  	v5 =	vadd.f32 $0.0e+00, v5;
	v12 =	vadd.f32 $0.0e+00, v12;
	v37 =	vor.u32 v19, v3;
	v19 =	vld [tilespmem:$0x1FE00]  }
0x9f: {  	v10 =	vadd.f32 v13, v10;
	v13 =	vunpack.i.u.bf16.f32 v7;
	v7 =	vunpack.i.l.bf16.f32 v7;
	v15 =	vld.idx.msk [tilespmem:v15+s13+$0x0], $0xffff  }
0xa0: {  	v5 =	vadd.f32 v7, v5;
	v7 =	vadd.f32 v13, v12;
	v12 =	vld.idx.msk [tilespmem:v34+s12+$0x0], $0xffff  }
0xa1: {  	v34 =	vld.idx.msk [tilespmem:v35+s12+$0x0], $0xffff  }
0xa2: {  	v32 =	vmovc v14;
	v14 =	vunpack.i.u.bf16.f32 v61;
	v9 =	vmul.bf16 v63, v9;
	v8 =	vmul.bf16 v16, v8;
	v16 =	vld.idx.msk [tilespmem:v35+s13+$0x0], $0xffff  }
0xa3: {  	v14 =	vadd.f32 $0.0e+00, v14;
	v35 =	vor.u32 v19, v3;
	v19 =	vld [tilespmem:$0x1FE10]  }
0xa4: {  	v13 =	vunpack.i.u.bf16.f32 v9  }
0xa5: {  	v13 =	vadd.f32 v13, v14;
	v14 =	vunpack.i.u.bf16.f32 v11  }
0xa6: {  	v11 =	vunpack.i.l.bf16.f32 v11;
	v4 =	vadd.f32 v14, v4;
	v14 =	vld.idx.msk [tilespmem:v36+s12+$0x0], $0xffff  }
0xa7: {  	v2 =	vadd.f32 v11, v2;
	v11 =	vmul.bf16 v15, v52;
	v52 =	vld.idx.msk [tilespmem:v36+s13+$0x0], $0xffff  }
0xa8: {  	v36 =	vor.u32 v19, v3;
	v19 =	vld [tilespmem:$0x1FE20];
	_ =	sdelay $0x1  }
0xa9: {  	v15 =	vunpack.i.u.bf16.f32 v8;
	v8 =	vunpack.i.l.bf16.f32 v8  }
0xaa: {  	v6 =	vadd.f32 v8, v6;
	v8 =	vadd.f32 v15, v10;
	v15 =	vld.idx.msk [tilespmem:v37+s12+$0x0], $0xffff  }
0xab: {  	v12 =	vmul.bf16 v17, v12;
	v17 =	vld.idx.msk [tilespmem:v37+s13+$0x0], $0xffff  }
0xac: {  	v37 =	vor.u32 v19, v3;
	v19 =	vld [tilespmem:$0x1FE30];
	_ =	sdelay $0x1  }
0xad: {  	v10 =	vunpack.i.u.bf16.f32 v11;
	v11 =	vunpack.i.l.bf16.f32 v11  }
0xae: {  	v61 =	vunpack.i.l.bf16.f32 v61;
	v5 =	vadd.f32 v11, v5;
	v11 =	vld.idx.msk [tilespmem:v35+s12+$0x0], $0xffff  }
0xaf: {  	v61 =	vadd.f32 $0.0e+00, v61;
	v7 =	vadd.f32 v10, v7;
	v10 =	vmul.bf16 v16, v34;
	v34 =	vld.idx.msk [tilespmem:v35+s13+$0x0], $0xffff  }
0xb0: {  	v9 =	vunpack.i.l.bf16.f32 v9;
	v35 =	vor.u32 v19, v3;
	v19 =	vld [tilespmem:$0x1FE40]  }
0xb1: {  	v9 =	vadd.f32 v9, v61  }
0xb2: {  	v16 =	vunpack.i.u.bf16.f32 v12;
	v12 =	vunpack.i.l.bf16.f32 v12  }
0xb3: {  	v9 =	vadd.f32 v12, v9;
	v12 =	vadd.f32 v16, v13;
	v16 =	vld.idx.msk [tilespmem:v36+s12+$0x0], $0xffff  }
0xb4: {  	v14 =	vmul.bf16 v52, v14;
	v52 =	vld.idx.msk [tilespmem:v36+s13+$0x0], $0xffff  }
0xb5: {  	v36 =	vor.u32 v19, v3;
	v19 =	vld [tilespmem:$0x1FE50];
	_ =	sdelay $0x1  }
0xb6: {  	v13 =	vunpack.i.u.bf16.f32 v10  }
0xb7: {  	v10 =	vunpack.i.l.bf16.f32 v10;
	v4 =	vadd.f32 v13, v4;
	v13 =	vld.idx.msk [tilespmem:v37+s12+$0x0], $0xffff  }
0xb8: {  	v2 =	vadd.f32 v10, v2;
	v10 =	vmul.bf16 v17, v15;
	v17 =	vld.idx.msk [tilespmem:v37+s13+$0x0], $0xffff  }
0xb9: {  	v37 =	vor.u32 v19, v3;
	v19 =	vld [tilespmem:$0x1FE60];
	_ =	sdelay $0x1  }
0xba: {  	v15 =	vunpack.i.u.bf16.f32 v14  }
0xbb: {  	v8 =	vadd.f32 v15, v8;
	v15 =	vld.idx.msk [tilespmem:v35+s12+$0x0], $0xffff  }
0xbc: {  	v11 =	vmul.bf16 v34, v11;
	v34 =	vld.idx.msk [tilespmem:v35+s13+$0x0], $0xffff  }
0xbd: {  	v35 =	vor.u32 v19, v3;
	v19 =	vld [tilespmem:$0x1FE70]  }
0xbe: {  	v14 =	vunpack.i.l.bf16.f32 v14  }
0xbf: {  	v6 =	vadd.f32 v14, v6;
	v14 =	vunpack.i.u.bf16.f32 v10  }
0xc0: {  	v10 =	vunpack.i.l.bf16.f32 v10;
	v7 =	vadd.f32 v14, v7;
	v14 =	vld.idx.msk [tilespmem:v36+s12+$0x0], $0xffff  }
0xc1: {  	v5 =	vadd.f32 v10, v5;
	v10 =	vmul.bf16 v52, v16;
	v52 =	vld.idx.msk [tilespmem:v36+s13+$0x0], $0xffff  }
0xc2: {  	v36 =	vor.u32 v19, v3;
	v19 =	vld [tilespmem:$0x1FE80];
	_ =	sdelay $0x1  }
0xc3: {  	v16 =	vunpack.i.u.bf16.f32 v11;
	v11 =	vunpack.i.l.bf16.f32 v11  }
0xc4: {  	v9 =	vadd.f32 v11, v9;
	v11 =	vadd.f32 v16, v12;
	v16 =	vld.idx.msk [tilespmem:v37+s12+$0x0], $0xffff  }
0xc5: {  	v13 =	vmul.bf16 v17, v13;
	v17 =	vld.idx.msk [tilespmem:v37+s13+$0x0], $0xffff  }
0xc6: {  	v37 =	vor.u32 v19, v3;
	v19 =	vld [tilespmem:$0x1FE90];
	_ =	sdelay $0x1  }
0xc7: {  	v12 =	vunpack.i.u.bf16.f32 v10  }
0xc8: {  	v10 =	vunpack.i.l.bf16.f32 v10;
	v4 =	vadd.f32 v12, v4;
	v12 =	vld.idx.msk [tilespmem:v35+s12+$0x0], $0xffff  }
0xc9: {  	v2 =	vadd.f32 v10, v2;
	v10 =	vmul.bf16 v34, v15;
	v34 =	vld.idx.msk [tilespmem:v35+s13+$0x0], $0xffff  }
0xca: {  	v35 =	vor.u32 v19, v3;
	v19 =	vld [tilespmem:$0x1FEA0];
	_ =	sdelay $0x1  }
0xcb: {  	v15 =	vunpack.i.u.bf16.f32 v13  }
0xcc: {  	v8 =	vadd.f32 v15, v8;
	v15 =	vld.idx.msk [tilespmem:v36+s12+$0x0], $0xffff  }
0xcd: {  	v14 =	vmul.bf16 v52, v14;
	v52 =	vld.idx.msk [tilespmem:v36+s13+$0x0], $0xffff  }
0xce: {  	v36 =	vor.u32 v19, v3;
	v19 =	vld [tilespmem:$0x1FEB0]  }
0xcf: {  	v13 =	vunpack.i.l.bf16.f32 v13  }
0xd0: {  	v6 =	vadd.f32 v13, v6;
	v13 =	vunpack.i.u.bf16.f32 v10  }
0xd1: {  	v10 =	vunpack.i.l.bf16.f32 v10;
	v7 =	vadd.f32 v13, v7;
	v13 =	vld.idx.msk [tilespmem:v37+s12+$0x0], $0xffff  }
0xd2: {  	v5 =	vadd.f32 v10, v5;
	v10 =	vmul.bf16 v17, v16;
	v17 =	vld.idx.msk [tilespmem:v37+s13+$0x0], $0xffff  }
0xd3: {  	v37 =	vor.u32 v19, v3;
	v19 =	vld [tilespmem:$0x1FEC0];
	_ =	sdelay $0x1  }
0xd4: {  	v16 =	vunpack.i.u.bf16.f32 v14  }
0xd5: {  	v11 =	vadd.f32 v16, v11;
	v16 =	vld.idx.msk [tilespmem:v35+s12+$0x0], $0xffff  }
0xd6: {  	v12 =	vmul.bf16 v34, v12;
	v34 =	vld.idx.msk [tilespmem:v35+s13+$0x0], $0xffff  }
0xd7: {  	v35 =	vor.u32 v19, v3;
	v19 =	vld [tilespmem:$0x1FED0]  }
0xd8: {  	v14 =	vunpack.i.l.bf16.f32 v14  }
0xd9: {  	v9 =	vadd.f32 v14, v9;
	v14 =	vunpack.i.u.bf16.f32 v10  }
0xda: {  	v10 =	vunpack.i.l.bf16.f32 v10;
	v4 =	vadd.f32 v14, v4;
	v14 =	vld.idx.msk [tilespmem:v36+s12+$0x0], $0xffff  }
0xdb: {  	v2 =	vadd.f32 v10, v2;
	v10 =	vmul.bf16 v52, v15;
	v52 =	vld.idx.msk [tilespmem:v36+s13+$0x0], $0xffff  }
0xdc: {  	v36 =	vor.u32 v19, v3;
	v19 =	vld [tilespmem:$0x1FEE0];
	_ =	sdelay $0x1  }
0xdd: {  	v15 =	vunpack.i.u.bf16.f32 v12  }
0xde: {  	v8 =	vadd.f32 v15, v8;
	v15 =	vld.idx.msk [tilespmem:v37+s12+$0x0], $0xffff  }
0xdf: {  	v13 =	vmul.bf16 v17, v13;
	v17 =	vld.idx.msk [tilespmem:v37+s13+$0x0], $0xffff  }
0xe0: {  	v37 =	vor.u32 v19, v3;
	v19 =	vld [tilespmem:$0x1FEF0]  }
0xe1: {  	v12 =	vunpack.i.l.bf16.f32 v12  }
0xe2: {  	v6 =	vadd.f32 v12, v6;
	v12 =	vunpack.i.u.bf16.f32 v10  }
0xe3: {  	v10 =	vunpack.i.l.bf16.f32 v10;
	v7 =	vadd.f32 v12, v7;
	v12 =	vld.idx.msk [tilespmem:v35+s12+$0x0], $0xffff  }
0xe4: {  	v5 =	vadd.f32 v10, v5;
	v10 =	vmul.bf16 v34, v16;
	v34 =	vld.idx.msk [tilespmem:v35+s13+$0x0], $0xffff  }
0xe5: {  	v35 =	vor.u32 v19, v3;
	v19 =	vld [tilespmem:$0x1FF00];
	_ =	sdelay $0x1  }
0xe6: {  	v16 =	vunpack.i.u.bf16.f32 v13  }
0xe7: {  	v11 =	vadd.f32 v16, v11;
	v16 =	vld.idx.msk [tilespmem:v36+s12+$0x0], $0xffff  }
0xe8: {  	v14 =	vmul.bf16 v52, v14;
	v52 =	vld.idx.msk [tilespmem:v36+s13+$0x0], $0xffff  }
0xe9: {  	v36 =	vor.u32 v19, v3;
	v19 =	vld [tilespmem:$0x1FC30]  }
0xea: {  	v13 =	vunpack.i.l.bf16.f32 v13  }
0xeb: {  	v9 =	vadd.f32 v13, v9;
	v13 =	vunpack.i.u.bf16.f32 v10  }
0xec: {  	v10 =	vunpack.i.l.bf16.f32 v10;
	v4 =	vadd.f32 v13, v4;
	v13 =	vld.idx.msk [tilespmem:v37+s12+$0x0], $0xffff  }
0xed: {  	v2 =	vadd.f32 v10, v2;
	v10 =	vmul.bf16 v17, v15;
	v17 =	vld.idx.msk [tilespmem:v37+s13+$0x0], $0xffff  }
0xee: {  	v37 =	vor.u32 v19, v3;
	v19 =	vld [tilespmem:$0x1FC40];
	_ =	sdelay $0x1  }
0xef: {  	v15 =	vunpack.i.u.bf16.f32 v14  }
0xf0: {  	v8 =	vadd.f32 v15, v8;
	v15 =	vld.idx.msk [tilespmem:v35+s12+$0x0], $0xffff  }
0xf1: {  	v12 =	vmul.bf16 v34, v12;
	v34 =	vld.idx.msk [tilespmem:v35+s13+$0x0], $0xffff  }
0xf2: {  	v35 =	vor.u32 v19, v3;
	v19 =	vld [tilespmem:$0x1FC50]  }
0xf3: {  	v14 =	vunpack.i.l.bf16.f32 v14  }
0xf4: {  	v6 =	vadd.f32 v14, v6;
	v14 =	vunpack.i.u.bf16.f32 v10  }
0xf5: {  	v10 =	vunpack.i.l.bf16.f32 v10;
	v7 =	vadd.f32 v14, v7;
	v14 =	vld.idx.msk [tilespmem:v36+s12+$0x0], $0xffff  }
0xf6: {  	v5 =	vadd.f32 v10, v5;
	v10 =	vmul.bf16 v52, v16;
	v52 =	vld.idx.msk [tilespmem:v36+s13+$0x0], $0xffff  }
0xf7: {  	v36 =	vor.u32 v19, v3;
	v19 =	vld [tilespmem:$0x1FC60];
	_ =	sdelay $0x1  }
0xf8: {  	v16 =	vunpack.i.u.bf16.f32 v12  }
0xf9: {  	v11 =	vadd.f32 v16, v11;
	v16 =	vld.idx.msk [tilespmem:v37+s12+$0x0], $0xffff  }
0xfa: {  	v13 =	vmul.bf16 v17, v13;
	v17 =	vld.idx.msk [tilespmem:v37+s13+$0x0], $0xffff  }
0xfb: {  	v12 =	vunpack.i.l.bf16.f32 v12;
	v37 =	vor.u32 v19, v3;
	v19 =	vld [tilespmem:$0x1FC70]  }
0xfc: {  	v9 =	vadd.f32 v12, v9;
	v12 =	vunpack.i.u.bf16.f32 v10  }
0xfd: {  	v10 =	vunpack.i.l.bf16.f32 v10;
	v4 =	vadd.f32 v12, v4;
	v12 =	vld.idx.msk [tilespmem:v35+s12+$0x0], $0xffff  }
0xfe: {  	v2 =	vadd.f32 v10, v2;
	v10 =	vmul.bf16 v34, v15;
	v15 =	vunpack.i.u.bf16.f32 v13;
	v34 =	vld.idx.msk [tilespmem:v35+s13+$0x0], $0xffff  }
0xff: {  	v13 =	vunpack.i.l.bf16.f32 v13;
	v8 =	vadd.f32 v15, v8;
	v15 =	vld.idx.msk [tilespmem:v36+s12+$0x0], $0xffff  }
0x100: {  	v6 =	vadd.f32 v13, v6;
	v35 =	vor.u32 v19, v3;
	v19 =	vld [tilespmem:$0x1FC80]  }
0x101: {  	v13 =	vunpack.i.u.bf16.f32 v10;
	v10 =	vunpack.i.l.bf16.f32 v10;
	v14 =	vmul.bf16 v52, v14;
	v52 =	vld.idx.msk [tilespmem:v36+s13+$0x0], $0xffff  }
0x102: {  	v5 =	vadd.f32 v10, v5;
	v7 =	vadd.f32 v13, v7;
	v10 =	vmul.bf16 v17, v16;
	v13 =	vld.idx.msk [tilespmem:v37+s12+$0x0], $0xffff  }
0x103: {  	v16 =	vunpack.i.u.bf16.f32 v14;
	v14 =	vunpack.i.l.bf16.f32 v14;
	v17 =	vld.idx.msk [tilespmem:v37+s13+$0x0], $0xffff;
	v37 =	vor.u32 v48, v3  }
0x104: {  	v9 =	vadd.f32 v14, v9;
	v11 =	vadd.f32 v16, v11;
	v14 =	vunpack.i.u.bf16.f32 v10  }
0x105: {  	v10 =	vunpack.i.l.bf16.f32 v10;
	v12 =	vmul.bf16 v34, v12;
	v36 =	vor.u32 v19, v3;
	v16 =	vld.idx.msk [tilespmem:v35+s12+$0x0], $0xffff  }
0x106: {  	v2 =	vadd.f32 v10, v2;
	v34 =	vld.idx.msk [tilespmem:v35+s13+$0x0], $0xffff  }
0x107: {  	v10 =	vmul.bf16 v52, v15;
	v15 =	vunpack.i.u.bf16.f32 v12;
	v35 =	vor.u32 v51, v3  }
0x108: {  	v4 =	vadd.f32 v14, v4;
	v8 =	vadd.f32 v15, v8;
	v15 =	vld.idx.msk [tilespmem:v37+s12+$0x0], $0xffff  }
0x109: {  	v12 =	vunpack.i.l.bf16.f32 v12;
	v13 =	vmul.bf16 v17, v13;
	v17 =	vld.idx.msk [tilespmem:v37+s13+$0x0], $0xffff;
	v37 =	vor.u32 v60, v3  }
0x10a: {  	v6 =	vadd.f32 v12, v6;
	v12 =	vunpack.i.u.bf16.f32 v10;
	v10 =	vunpack.i.l.bf16.f32 v10;
	v14 =	vld.idx.msk [tilespmem:v36+s12+$0x0], $0xffff  }
0x10b: {  	v5 =	vadd.f32 v10, v5;
	v52 =	vld.idx.msk [tilespmem:v36+s13+$0x0], $0xffff;
	v36 =	vor.u32 v57, v3;
	v10 =	vmul.bf16 v34, v16  }
0x10c: {  	v7 =	vadd.f32 v12, v7;
	v12 =	vld.idx.msk [tilespmem:v35+s12+$0x0], $0xffff;
	v16 =	vunpack.i.u.bf16.f32 v13;
	v13 =	vunpack.i.l.bf16.f32 v13  }
0x10d: {  	v34 =	vld.idx.msk [tilespmem:v35+s13+$0x0], $0xffff;
	v9 =	vadd.f32 v13, v9;
	v13 =	vunpack.i.u.bf16.f32 v10  }
0x10e: {  	v35 =	vor.u32 v1, v3;
	v10 =	vunpack.i.l.bf16.f32 v10;
	v4 =	vadd.f32 v13, v4;
	v13 =	vld.idx.msk [tilespmem:v37+s12+$0x0], $0xffff  }
0x10f: {  	v2 =	vadd.f32 v10, v2;
	v10 =	vmul.bf16 v17, v15;
	v17 =	vld.idx.msk [tilespmem:v37+s13+$0x0], $0xffff  }
0x110: {  	v11 =	vadd.f32 v16, v11;
	v37 =	vor.u32 v55, v3;
	v16 =	vld.idx.msk [tilespmem:v36+s12+$0x0], $0xffff  }
0x111: {  	v14 =	vmul.bf16 v52, v14;
	v52 =	vld.idx.msk [tilespmem:v36+s13+$0x0], $0xffff;
	v36 =	vor.u32 v54, v3  }
0x112: {  	v19 =	vld [tilespmem:$0x1FC90]  }
0x113: {  	v12 =	vmul.bf16 v34, v12;
	v34 =	vld.idx.msk [tilespmem:v35+s13+$0x0], $0xffff;
	v15 =	vunpack.i.u.bf16.f32 v14;
	v14 =	vunpack.i.l.bf16.f32 v14  }
0x114: {  	v6 =	vadd.f32 v14, v6;
	v8 =	vadd.f32 v15, v8;
	v15 =	vld.idx.msk [tilespmem:v35+s12+$0x0], $0xffff;
	v35 =	vor.u32 v0, v3  }
0x115: {  	v14 =	vunpack.i.u.bf16.f32 v10;
	v10 =	vunpack.i.l.bf16.f32 v10;
	v13 =	vmul.bf16 v17, v13;
	v17 =	vld.idx.msk [tilespmem:v37+s13+$0x0], $0xffff  }
0x116: {  	v5 =	vadd.f32 v10, v5;
	v10 =	vld.idx.msk [tilespmem:v36+s12+$0x0], $0xffff;
	v16 =	vmul.bf16 v52, v16  }
0x117: {  	v7 =	vadd.f32 v14, v7;
	v14 =	vunpack.i.u.bf16.f32 v12;
	v12 =	vunpack.i.l.bf16.f32 v12;
	v52 =	vld.idx.msk [tilespmem:v36+s13+$0x0], $0xffff  }
0x118: {  	v9 =	vadd.f32 v12, v9;
	v12 =	vld.idx.msk [tilespmem:v37+s12+$0x0], $0xffff;
	v36 =	vunpack.i.u.bf16.f32 v16;
	v16 =	vunpack.i.l.bf16.f32 v16  }
0x119: {  	v2 =	vadd.f32 v16, v2;
	v16 =	vld.idx.msk [tilespmem:v35+s12+$0x0], $0xffff  }
0x11a: {  	v37 =	vunpack.i.l.bf16.f32 v13;
	v15 =	vmul.bf16 v34, v15;
	v34 =	vld.idx.msk [tilespmem:v35+s13+$0x0], $0xffff  }
0x11b: {  	v6 =	vadd.f32 v37, v6;
	v37 =	vor.u32 v19, v3;
	v19 =	vld [tilespmem:$0x1FCA0]  }
0x11c: {  	v11 =	vadd.f32 v14, v11;
	v13 =	vunpack.i.u.bf16.f32 v13;
	v10 =	vmul.bf16 v52, v10  }
0x11d: {  	v14 =	vor.u32 v58, v3;
	v8 =	vadd.f32 v13, v8;
	v13 =	vunpack.i.u.bf16.f32 v15  }
0x11e: {  	v7 =	vadd.f32 v13, v7;
	v13 =	vunpack.i.u.bf16.f32 v10;
	v10 =	vunpack.i.l.bf16.f32 v10  }
0x11f: {  	v9 =	vadd.f32 v10, v9;
	v10 =	vadd.f32 v13, v11;
	v11 =	vmul.bf16 v34, v16;
	v34 =	vmovc v18;
	v18 =	vld [tilespmem:$0x1FF90]  }
0x120: {  	v61 =	vor.u32 v19, v3;
	v19 =	vld [tilespmem:$0x1FF80]  }
0x121: {  	v21 =	vld [tilespmem:$0x1FF20];
	v35 =	vor.u32 v59, v3  }
0x122: {  	v23 =	vld [tilespmem:$0x1FF40];
	v15 =	vunpack.i.l.bf16.f32 v15  }
0x123: {  	v4 =	vadd.f32 v36, v4;
	v36 =	vld.idx.msk [tilespmem:v14+s12+$0x0], $0xffff;
	v5 =	vadd.f32 v15, v5;
	v15 =	vor.u32 v39, v3  }
0x124: {  	v14 =	vld.idx.msk [tilespmem:v14+s13+$0x0], $0xffff;
	v12 =	vmul.bf16 v17, v12;
	v18 =	vsel vm0, v18, v42  }
0x125: {  	v52 =	vcombine.low v19, v18;
	v19 =	vld [tilespmem:$0x1FF10]  }
0x126: {  	v13 =	vld.idx.msk [tilespmem:v35+s12+$0x0], $0xffff;
	v16 =	vunpack.i.u.bf16.f32 v12;
	v12 =	vunpack.i.l.bf16.f32 v12  }
0x127: {  	v17 =	vld.idx.msk [tilespmem:v35+s13+$0x0], $0xffff;
	v2 =	vadd.f32 v12, v2;
	v12 =	vunpack.i.l.bf16.f32 v11  }
0x128: {  	v6 =	vadd.f32 v12, v6;
	v12 =	vld.idx.msk [tilespmem:v15+s12+$0x0], $0xffff  }
0x129: {  	v15 =	vld.idx.msk [tilespmem:v15+s13+$0x0], $0xffff  }
0x12a: {  	v14 =	vmul.bf16 v14, v36;
	v36 =	vsel vm0, v21, v19;
	v19 =	vld [tilespmem:$0x1FCB0]  }
0x12b: {  	v21 =	vld [tilespmem:$0x1FF30]  }
0x12c: {  	v25 =	vld [tilespmem:$0x1FF70];
	v4 =	vadd.f32 v16, v4;
	v11 =	vunpack.i.u.bf16.f32 v11  }
0x12d: {  	v8 =	vadd.f32 v11, v8;
	v11 =	vunpack.i.u.bf16.f32 v14;
	v13 =	vmul.bf16 v17, v13;
	v17 =	vld.idx.msk [tilespmem:v37+s12+$0x0], $0xffff  }
0x12e: {  	v14 =	vunpack.i.l.bf16.f32 v14;
	v16 =	vor.u32 v52, v3;
	v12 =	vmul.bf16 v15, v12;
	v15 =	vld [tilespmem:$0x1FF50]  }
0x12f: {  	v5 =	vadd.f32 v14, v5;
	v14 =	vld.idx.msk [tilespmem:v37+s13+$0x0], $0xffff  }
0x130: {  	v53 =	vcombine.low v36, v38;
	v63 =	vor.u32 v19, v3;
	v37 =	vsel vm0, v23, v21;
	v23 =	vld [tilespmem:$0x1FF60]  }
0x131: {  	v35 =	vmov v20;
	v20 =	vld.idx.msk [tilespmem:v61+s13+$0x0], $0xffff;
	v7 =	vadd.f32 v11, v7;
	v11 =	vunpack.i.u.bf16.f32 v13  }
0x132: {  	v13 =	vunpack.i.l.bf16.f32 v13;
	v19 =	vld.idx.msk [tilespmem:v61+s12+$0x0], $0xffff;
	v21 =	vor.u32 v53, v3;
	v61 =	vcombine.low v37, v40  }
0x133: {  	v9 =	vadd.f32 v13, v9;
	v13 =	vld.idx.msk [tilespmem:v16+s12+$0x0], $0xffff;
	v15 =	vsel vm0, v42, v15  }
0x134: {  	v10 =	vadd.f32 v11, v10;
	v11 =	vld.idx.msk [tilespmem:v16+s13+$0x0], $0xffff;
	v62 =	vcombine.low v15, v43;
	v16 =	vor.u32 v61, v3  }
0x135: {  	v14 =	vmul.bf16 v14, v17;
	v15 =	vunpack.i.u.bf16.f32 v12;
	v36 =	vmovc v22;
	v22 =	vld.idx.msk [tilespmem:v63+s12+$0x0], $0xffff;
	v23 =	vsel vm0, v23, v25  }
0x136: {  	v12 =	vunpack.i.l.bf16.f32 v12;
	v37 =	vmovc v24;
	v24 =	vor.u32 v62, v3;
	v17 =	vld.idx.msk [tilespmem:v63+s13+$0x0], $0xffff;
	v63 =	vcombine.low v23, v47  }
0x137: {  	v12 =	vadd.f32 v12, v2;
	v4 =	vadd.f32 v15, v4;
	v15 =	vld.idx.msk [tilespmem:v21+s12+$0x0], $0xffff  }
0x138: {  	v2 =	vunpack.i.l.bf16.f32 v14;
	v19 =	vmul.bf16 v20, v19;
	v20 =	vld.idx.msk [tilespmem:v21+s13+$0x0], $0xffff;
	v21 =	vor.u32 v63, v3  }
0x139: {  	v14 =	vunpack.i.u.bf16.f32 v14;
	v6 =	vadd.f32 v2, v6;
	v11 =	vmul.bf16 v11, v13;
	v13 =	vld.idx.msk [tilespmem:v16+s12+$0x0], $0xffff  }
0x13a: {  	v8 =	vadd.f32 v14, v8;
	v2 =	vunpack.i.l.bf16.f32 v19;
	v14 =	vld.idx.msk [tilespmem:v16+s13+$0x0], $0xffff;
	v16 =	vor.u32 v41, v3  }
0x13b: {  	v23 =	vunpack.i.l.bf16.f32 v11;
	v19 =	vunpack.i.u.bf16.f32 v19;
	v5 =	vadd.f32 v2, v5;
	v25 =	vld.idx.msk [tilespmem:v24+s12+$0x0], $0xffff  }
0x13c: {  	v2 =	vcombine.low v18, v56;
	v17 =	vmul.bf16 v17, v22;
	v22 =	vld.idx.msk [tilespmem:v24+s13+$0x0], $0xffff;
	v24 =	vor.u32 v44, v3  }
0x13d: {  	v11 =	vunpack.i.u.bf16.f32 v11;
	v9 =	vadd.f32 v23, v9;
	v7 =	vadd.f32 v19, v7;
	v18 =	vld.idx.msk [tilespmem:v21+s12+$0x0], $0xffff  }
0x13e: {  	v15 =	vmul.bf16 v20, v15;
	v19 =	vunpack.i.l.bf16.f32 v17;
	v20 =	vld.idx.msk [tilespmem:v21+s13+$0x0], $0xffff;
	v21 =	vor.u32 v2, v3  }
0x13f: {  	v10 =	vadd.f32 v11, v10;
	v11 =	vunpack.i.u.bf16.f32 v17;
	v12 =	vadd.f32 v19, v12;
	v17 =	vld.idx.msk [tilespmem:v16+s12+$0x0], $0xffff  }
0x140: {  	v19 =	vunpack.i.l.bf16.f32 v15;
	v13 =	vmul.bf16 v14, v13;
	v14 =	vld.idx.msk [tilespmem:v16+s13+$0x0], $0xffff;
	v16 =	vor.u32 v45, v3  }
0x141: {  	v4 =	vadd.f32 v11, v4;
	v11 =	vunpack.i.u.bf16.f32 v15;
	v6 =	vadd.f32 v19, v6;
	v15 =	vld.idx.msk [tilespmem:v24+s12+$0x0], $0xffff  }
0x142: {  	v19 =	vunpack.i.l.bf16.f32 v13;
	v22 =	vmul.bf16 v22, v25;
	v23 =	vld.idx.msk [tilespmem:v24+s13+$0x0], $0xffff;
	v24 =	vor.u32 v46, v3  }
0x143: {  	v8 =	vadd.f32 v11, v8;
	v11 =	vunpack.i.u.bf16.f32 v13;
	v5 =	vadd.f32 v19, v5;
	v13 =	vld.idx.msk [tilespmem:v21+s12+$0x0], $0xffff  }
0x144: {  	v19 =	vunpack.i.l.bf16.f32 v22;
	v18 =	vmul.bf16 v20, v18;
	v20 =	vld.idx.msk [tilespmem:v21+s13+$0x0], $0xffff;
	v21 =	vor.u32 v49, v3  }
0x145: {  	v7 =	vadd.f32 v11, v7;
	v11 =	vunpack.i.u.bf16.f32 v22;
	v9 =	vadd.f32 v19, v9;
	v19 =	vld.idx.msk [tilespmem:v16+s12+$0x0], $0xffff  }
0x146: {  	v14 =	vmul.bf16 v14, v17;
	v16 =	vld.idx.msk [tilespmem:v16+s13+$0x0], $0xffff;
	v3 =	vor.u32 v50, v3;
	v17 =	vunpack.i.l.bf16.f32 v18  }
0x147: {  	v10 =	vadd.f32 v11, v10;
	v11 =	vunpack.i.u.bf16.f32 v18;
	v18 =	vld.idx.msk [tilespmem:v24+s13+$0x0], $0xffff;
	v12 =	vadd.f32 v17, v12  }
0x148: {  	v17 =	vld.idx.msk [tilespmem:v24+s12+$0x0], $0xffff;
	v4 =	vadd.f32 v11, v4;
	v11 =	vmul.bf16 v23, v15;
	v15 =	vunpack.i.l.bf16.f32 v14  }
0x149: {  	v14 =	vunpack.i.u.bf16.f32 v14;
	v6 =	vadd.f32 v15, v6;
	v15 =	vld.idx.msk [tilespmem:v21+s12+$0x0], $0xffff  }
0x14a: {  	v8 =	vadd.f32 v14, v8;
	v13 =	vmul.bf16 v20, v13;
	v20 =	vld.idx.msk [tilespmem:v21+s13+$0x0], $0xffff  }
0x14b: {  	v14 =	vunpack.i.u.bf16.f32 v11;
	v11 =	vunpack.i.l.bf16.f32 v11;
	v16 =	vmul.bf16 v16, v19;
	v19 =	vld.idx.msk [tilespmem:v3+s12+$0x0], $0xffff  }
0x14c: {  	v3 =	vld.idx.msk [tilespmem:v3+s13+$0x0], $0xffff;
	v5 =	vadd.f32 v11, v5;
	v11 =	vunpack.i.l.bf16.f32 v13  }
0x14d: {  	v7 =	vadd.f32 v14, v7;
	v9 =	vadd.f32 v11, v9;
	v11 =	vunpack.i.u.bf16.f32 v13  }
0x14e: {  	v14 =	vunpack.i.l.bf16.f32 v16;
	v13 =	vmul.bf16 v18, v17;
	v10 =	vadd.f32 v11, v10  }
0x14f: {  	v11 =	vadd.f32 v14, v12;
	v12 =	vunpack.i.u.bf16.f32 v16;
	v14 =	vmul.bf16 v20, v15  }
0x150: {  	v15 =	vunpack.i.l.bf16.f32 v13;
	v4 =	vadd.f32 v12, v4;
	v12 =	vunpack.i.u.bf16.f32 v13  }
0x151: {  	v3 =	vmul.bf16 v3, v19;
	v6 =	vadd.f32 v15, v6;
	v13 =	vunpack.i.l.bf16.f32 v14  }
0x152: {  	v8 =	vadd.f32 v12, v8;
	v12 =	vunpack.i.u.bf16.f32 v14;
	v5 =	vadd.f32 v13, v5  }
0x153: {  	v7 =	vadd.f32 v12, v7;
	v12 =	vunpack.i.u.bf16.f32 v3;
	v3 =	vunpack.i.l.bf16.f32 v3  }
0x154: {  	v3 =	vadd.f32 v3, v9;
	v9 =	vadd.f32 v12, v10  }
0x155: {  	v4 =	vadd.f32 v11, v4;
	v6 =	vadd.f32 v6, v8  }
0x156: {  	v5 =	vadd.f32 v5, v7;
	v3 =	vadd.f32 v3, v9;
	_ =	sdelay $0x1  }
0x157: {  	v4 =	vadd.f32 v6, v4;
	v3 =	vadd.f32 v3, v5;
	_ =	sdelay $0x1  }
0x158: {  	v3 =	vadd.f32 v3, v4;
	_ =	sdelay $0x1  }
0x159: {  	v4 =	vmul.f32 $1.442695020e+00, v3;
	_ =	sdelay $0x1  }
0x15a: {  	(erf) = vpow2.f32 v4  }
0x15b: {  	[tilespmem:s30+$0x0] =	vst v3  }
0x15c: {  	v3 =	vld [tilespmem:s29+$0x0];
	_ =	sdelay $0x2  }
0x15d: {  	p0 =	sne.s32 s31, $0x40  }
.Ltmp1:
0x15e: {  	_ = 	snop;
	(pc) =	sbr.rel @p0 .LBB2_5-.Ltmp1, $4  }
0x15f: {  	_ = 	snop  }
0x160: {  	v25 =	vlaneseq.u32;
	v22 =	vmovc v36;
	v24 =	vmovc v37;
	v18 =	vmov v34;
	v16 =	vmov v33  }
0x161: {  	v20 =	vmov v35;
	v14 =	vmov v32;
	v10 =	vmov v30;
	v4 =	vpop (erf)  }
0x162: {  	s31 =	sadd.s32 $0x10, s31;
	v8 =	vmovc v29;
	v12 =	vmovc v31;
	v7 =	vmov v28;
	v6 =	vmov v27;
	v5 =	vmov v26;
	s30 =	sadd.s32 $0x10, s30;
	s29 =	sadd.s32 $0x10, s29;
	[tilespmem:v3+s18+$0x0] =	vst.idx.add.f32.msk $0xffff, v4  }
0x163: {  	s29 =	sadd.s32 $0xA0, s28  }
0x164: {  	[tilespmem:s12], [sflag:$0x1] =	stream.indirect.gather [hbm4b:s3+s14], $0x40, s29, s14, $0xb8;
	[tilespmem:$0xED30] =	vst v63  }
0x165: {  	s28 =	sadd.s32 $0x27B0, s28  }
0x166: {  	[tilespmem:s13], [sflag:$0x1] =	stream.indirect.gather [hbm4b:s4+s14], $0x40, s28, s14, $0xb8;
	[tilespmem:$0xED30] =	vst v63  }
0x167: {  	_ =	swait.ge [sflag:s19], $0x1400  }
0x168: {  	[sflag:s19] =	ssyncset.done $0x0  }
0x169: {  	[sflag:s19] =	ssyncadd.s32 $0xFFFFEC00  }
0x16a: {  	_ =	swait.ge [sflag:s19], $0x1400  }
0x16b: {  	v40 =	vld [tilespmem:$0x1FC70]  }
0x16c: {  	v47 =	vld [tilespmem:$0x1FC80]  }
0x16d: {  	v42 =	vld [tilespmem:$0x1FC90]  }
0x16e: {  	v43 =	vld [tilespmem:$0x1FCA0]  }
0x16f: {  	s30 =	smov.u32 s25;
	[sflag:s19] =	ssyncset.done $0x0;
	v38 =	vld [tilespmem:$0x1FCB0]  }
0x170: {  	s29 =	smov.u32 s22;
	s28 =	simm.s32 $0x0;
	v56 =	vld [tilespmem:$0x1FDD0];
	[sflag:s19] =	ssyncadd.s32 $0xFFFFEC00  }
.LBB2_7:
0x171: {  	v3 =	vmov s28  }
0x172: {  	v3 =	vshll.u32 v3, $0x6  }
0x173: {  	v3 =	vor.u32 v5, v3  }
0x174: {  	v4 =	vor.u32 v25, v3;
	_ =	sdelay $0x1  }
0x175: {  	v5 =	vor.u32 v6, v3;
	_ =	sdelay $0x1  }
0x176: {  	v6 =	vor.u32 v7, v3  }
0x177: {  	v7 =	vld.idx.msk [tilespmem:v4+s15+$0x0], $0xffff  }
0x178: {  	v8 =	vor.u32 v29, v3;
	v4 =	vld.idx.msk [tilespmem:v4+s16+$0x0], $0xffff  }
0x179: {  	v9 =	vld.idx.msk [tilespmem:v5+s15+$0x0], $0xffff  }
0x17a: {  	v10 =	vor.u32 v30, v3;
	v5 =	vld.idx.msk [tilespmem:v5+s16+$0x0], $0xffff  }
0x17b: {  	v11 =	vld.idx.msk [tilespmem:v6+s15+$0x0], $0xffff  }
0x17c: {  	v6 =	vld.idx.msk [tilespmem:v6+s16+$0x0], $0xffff  }
0x17d: {  	v12 =	vor.u32 v31, v3;
	v13 =	vld.idx.msk [tilespmem:v8+s15+$0x0], $0xffff  }
0x17e: {  	v4 =	vmul.bf16 v4, v7;
	v7 =	vld.idx.msk [tilespmem:v8+s16+$0x0], $0xffff  }
0x17f: {  	v8 =	vor.u32 v14, v3;
	v14 =	vld.idx.msk [tilespmem:v10+s15+$0x0], $0xffff  }
0x180: {  	v5 =	vmul.bf16 v5, v9;
	v9 =	vld.idx.msk [tilespmem:v10+s16+$0x0], $0xffff;
	v10 =	vor.u32 v16, v3;
	_ =	sdelay $0x1  }
0x181: {  	v16 =	vld.idx.msk [tilespmem:v12+s15+$0x0], $0xffff  }
0x182: {  	v6 =	vmul.bf16 v6, v11;
	v11 =	vld.idx.msk [tilespmem:v12+s16+$0x0], $0xffff;
	v12 =	vor.u32 v18, v3  }
0x183: {  	v18 =	vld.idx.msk [tilespmem:v8+s15+$0x0], $0xffff  }
0x184: {  	v7 =	vmul.bf16 v7, v13;
	v13 =	vor.u32 v20, v3;
	v20 =	vld.idx.msk [tilespmem:v10+s15+$0x0], $0xffff  }
0x185: {  	v15 =	vunpack.i.l.bf16.f32 v4;
	v4 =	vunpack.i.u.bf16.f32 v4;
	v17 =	vunpack.i.l.bf16.f32 v5;
	v10 =	vld.idx.msk [tilespmem:v10+s16+$0x0], $0xffff  }
0x186: {  	v5 =	vunpack.i.u.bf16.f32 v5;
	v19 =	vunpack.i.l.bf16.f32 v6;
	v8 =	vld.idx.msk [tilespmem:v8+s16+$0x0], $0xffff;
	v9 =	vmul.bf16 v9, v14  }
0x187: {  	v6 =	vunpack.i.u.bf16.f32 v6;
	v15 =	vadd.f32 $0.0e+00, v15;
	v14 =	vor.u32 v22, v3;
	v22 =	vld.idx.msk [tilespmem:v12+s15+$0x0], $0xffff  }
0x188: {  	v4 =	vadd.f32 $0.0e+00, v4;
	v17 =	vadd.f32 $0.0e+00, v17;
	v12 =	vld.idx.msk [tilespmem:v12+s16+$0x0], $0xffff;
	v23 =	vunpack.i.l.bf16.f32 v9  }
0x189: {  	v5 =	vadd.f32 $0.0e+00, v5;
	v11 =	vmul.bf16 v11, v16;
	v15 =	vadd.f32 v23, v15;
	v23 =	vld.idx.msk [tilespmem:v13+s15+$0x0], $0xffff  }
0x18a: {  	v16 =	vor.u32 v24, v3;
	v9 =	vunpack.i.u.bf16.f32 v9;
	v10 =	vmul.bf16 v10, v20;
	v20 =	vld [tilespmem:$0x1FDE0]  }
0x18b: {  	v24 =	vunpack.i.l.bf16.f32 v11;
	v4 =	vadd.f32 v9, v4;
	v9 =	vunpack.i.u.bf16.f32 v11;
	v13 =	vld.idx.msk [tilespmem:v13+s16+$0x0], $0xffff  }
0x18c: {  	v11 =	vadd.f32 v24, v17;
	v8 =	vmul.bf16 v8, v18;
	v18 =	vor.u32 v56, v3;
	v17 =	vld.idx.msk [tilespmem:v14+s15+$0x0], $0xffff  }
0x18d: {  	v19 =	vadd.f32 $0.0e+00, v19;
	v21 =	vunpack.i.l.bf16.f32 v7;
	v12 =	vmul.bf16 v12, v22;
	v22 =	vld [tilespmem:$0x1FDF0]  }
0x18e: {  	v6 =	vadd.f32 $0.0e+00, v6;
	v21 =	vadd.f32 $0.0e+00, v21;
	v14 =	vld.idx.msk [tilespmem:v14+s16+$0x0], $0xffff;
	v24 =	vunpack.i.l.bf16.f32 v8  }
0x18f: {  	v5 =	vadd.f32 v9, v5;
	v9 =	vadd.f32 v24, v19;
	v19 =	vld.idx.msk [tilespmem:v16+s15+$0x0], $0xffff;
	v20 =	vor.u32 v20, v3  }
0x190: {  	v7 =	vunpack.i.u.bf16.f32 v7;
	v8 =	vunpack.i.u.bf16.f32 v8;
	v24 =	vunpack.i.l.bf16.f32 v10;
	v16 =	vld.idx.msk [tilespmem:v16+s16+$0x0], $0xffff  }
0x191: {  	v6 =	vadd.f32 v8, v6;
	v8 =	vunpack.i.u.bf16.f32 v10;
	v10 =	vadd.f32 v24, v21;
	v21 =	vld.idx.msk [tilespmem:v18+s15+$0x0], $0xffff  }
0x192: {  	v7 =	vadd.f32 $0.0e+00, v7;
	v22 =	vor.u32 v22, v3;
	v18 =	vld.idx.msk [tilespmem:v18+s16+$0x0], $0xffff  }
0x193: {  	v24 =	vunpack.i.l.bf16.f32 v12;
	v13 =	vmul.bf16 v13, v23;
	v23 =	vld [tilespmem:$0x1FE00]  }
0x194: {  	v7 =	vadd.f32 v8, v7;
	v8 =	vunpack.i.u.bf16.f32 v12;
	v12 =	vadd.f32 v24, v15;
	v15 =	vld.idx.msk [tilespmem:v20+s15+$0x0], $0xffff  }
0x195: {  	v14 =	vmul.bf16 v14, v17;
	v17 =	vld.idx.msk [tilespmem:v20+s16+$0x0], $0xffff  }
0x196: {  	v20 =	vld [tilespmem:$0x1FE10]  }
0x197: {  	v4 =	vadd.f32 v8, v4;
	v24 =	vunpack.i.l.bf16.f32 v13;
	v8 =	vunpack.i.u.bf16.f32 v13;
	v13 =	vld.idx.msk [tilespmem:v22+s15+$0x0], $0xffff  }
0x198: {  	v16 =	vmul.bf16 v16, v19;
	v23 =	vor.u32 v23, v3;
	v19 =	vld.idx.msk [tilespmem:v22+s16+$0x0], $0xffff  }
0x199: {  	v22 =	vld [tilespmem:$0x1FE20];
	_ =	sdelay $0x1  }
0x19a: {  	v20 =	vor.u32 v20, v3  }
0x19b: {  	v11 =	vadd.f32 v24, v11  }
0x19c: {  	v24 =	vunpack.i.l.bf16.f32 v14;
	v5 =	vadd.f32 v8, v5;
	v8 =	vunpack.i.u.bf16.f32 v14;
	v14 =	vld.idx.msk [tilespmem:v23+s15+$0x0], $0xffff  }
0x19d: {  	v18 =	vmul.bf16 v18, v21;
	v22 =	vor.u32 v22, v3;
	v21 =	vld.idx.msk [tilespmem:v23+s16+$0x0], $0xffff  }
0x19e: {  	v9 =	vadd.f32 v24, v9;
	v23 =	vld [tilespmem:$0x1FE30]  }
0x19f: {  	v6 =	vadd.f32 v8, v6;
	v24 =	vunpack.i.l.bf16.f32 v16;
	v8 =	vunpack.i.u.bf16.f32 v16;
	v16 =	vld.idx.msk [tilespmem:v20+s15+$0x0], $0xffff  }
0x1a0: {  	v15 =	vmul.bf16 v17, v15;
	v17 =	vld.idx.msk [tilespmem:v20+s16+$0x0], $0xffff  }
0x1a1: {  	v10 =	vadd.f32 v24, v10;
	v20 =	vld [tilespmem:$0x1FE40]  }
0x1a2: {  	v7 =	vadd.f32 v8, v7;
	v24 =	vunpack.i.l.bf16.f32 v18;
	v8 =	vunpack.i.u.bf16.f32 v18;
	v18 =	vld.idx.msk [tilespmem:v22+s15+$0x0], $0xffff  }
0x1a3: {  	v13 =	vmul.bf16 v19, v13;
	v23 =	vor.u32 v23, v3;
	v19 =	vld.idx.msk [tilespmem:v22+s16+$0x0], $0xffff  }
0x1a4: {  	v22 =	vld [tilespmem:$0x1FE50];
	_ =	sdelay $0x1  }
0x1a5: {  	v20 =	vor.u32 v20, v3  }
0x1a6: {  	v12 =	vadd.f32 v24, v12  }
0x1a7: {  	v4 =	vadd.f32 v8, v4;
	v24 =	vunpack.i.l.bf16.f32 v15;
	v8 =	vunpack.i.u.bf16.f32 v15;
	v15 =	vld.idx.msk [tilespmem:v23+s15+$0x0], $0xffff  }
0x1a8: {  	v14 =	vmul.bf16 v21, v14;
	v22 =	vor.u32 v22, v3;
	v21 =	vld.idx.msk [tilespmem:v23+s16+$0x0], $0xffff  }
0x1a9: {  	v11 =	vadd.f32 v24, v11;
	v23 =	vld [tilespmem:$0x1FE60]  }
0x1aa: {  	v24 =	vunpack.i.l.bf16.f32 v13;
	v5 =	vadd.f32 v8, v5;
	v8 =	vunpack.i.u.bf16.f32 v13;
	v13 =	vld.idx.msk [tilespmem:v20+s15+$0x0], $0xffff  }
0x1ab: {  	v16 =	vmul.bf16 v17, v16;
	v17 =	vld.idx.msk [tilespmem:v20+s16+$0x0], $0xffff  }
0x1ac: {  	v9 =	vadd.f32 v24, v9;
	v20 =	vld [tilespmem:$0x1FE70]  }
0x1ad: {  	v6 =	vadd.f32 v8, v6;
	v24 =	vunpack.i.l.bf16.f32 v14;
	v8 =	vunpack.i.u.bf16.f32 v14;
	v14 =	vld.idx.msk [tilespmem:v22+s15+$0x0], $0xffff  }
0x1ae: {  	v18 =	vmul.bf16 v19, v18;
	v23 =	vor.u32 v23, v3;
	v19 =	vld.idx.msk [tilespmem:v22+s16+$0x0], $0xffff  }
0x1af: {  	v22 =	vld [tilespmem:$0x1FE80];
	_ =	sdelay $0x1  }
0x1b0: {  	v20 =	vor.u32 v20, v3  }
0x1b1: {  	v10 =	vadd.f32 v24, v10  }
0x1b2: {  	v7 =	vadd.f32 v8, v7;
	v24 =	vunpack.i.l.bf16.f32 v16;
	v8 =	vunpack.i.u.bf16.f32 v16;
	v16 =	vld.idx.msk [tilespmem:v23+s15+$0x0], $0xffff  }
0x1b3: {  	v15 =	vmul.bf16 v21, v15;
	v22 =	vor.u32 v22, v3;
	v21 =	vld.idx.msk [tilespmem:v23+s16+$0x0], $0xffff  }
0x1b4: {  	v12 =	vadd.f32 v24, v12;
	v23 =	vld [tilespmem:$0x1FE90]  }
0x1b5: {  	v24 =	vunpack.i.l.bf16.f32 v18;
	v4 =	vadd.f32 v8, v4;
	v8 =	vunpack.i.u.bf16.f32 v18;
	v18 =	vld.idx.msk [tilespmem:v20+s15+$0x0], $0xffff  }
0x1b6: {  	v13 =	vmul.bf16 v17, v13;
	v17 =	vld.idx.msk [tilespmem:v20+s16+$0x0], $0xffff  }
0x1b7: {  	v11 =	vadd.f32 v24, v11;
	v20 =	vld [tilespmem:$0x1FEA0]  }
0x1b8: {  	v5 =	vadd.f32 v8, v5;
	v24 =	vunpack.i.l.bf16.f32 v15;
	v8 =	vunpack.i.u.bf16.f32 v15;
	v15 =	vld.idx.msk [tilespmem:v22+s15+$0x0], $0xffff  }
0x1b9: {  	v14 =	vmul.bf16 v19, v14;
	v23 =	vor.u32 v23, v3;
	v19 =	vld.idx.msk [tilespmem:v22+s16+$0x0], $0xffff  }
0x1ba: {  	v22 =	vld [tilespmem:$0x1FEB0];
	_ =	sdelay $0x1  }
0x1bb: {  	v20 =	vor.u32 v20, v3  }
0x1bc: {  	v9 =	vadd.f32 v24, v9  }
0x1bd: {  	v6 =	vadd.f32 v8, v6;
	v24 =	vunpack.i.l.bf16.f32 v13;
	v8 =	vunpack.i.u.bf16.f32 v13;
	v13 =	vld.idx.msk [tilespmem:v23+s15+$0x0], $0xffff  }
0x1be: {  	v16 =	vmul.bf16 v21, v16;
	v22 =	vor.u32 v22, v3;
	v21 =	vld.idx.msk [tilespmem:v23+s16+$0x0], $0xffff  }
0x1bf: {  	v10 =	vadd.f32 v24, v10;
	v23 =	vld [tilespmem:$0x1FEC0]  }
0x1c0: {  	v24 =	vunpack.i.l.bf16.f32 v14;
	v7 =	vadd.f32 v8, v7;
	v8 =	vunpack.i.u.bf16.f32 v14;
	v14 =	vld.idx.msk [tilespmem:v20+s15+$0x0], $0xffff  }
0x1c1: {  	v17 =	vmul.bf16 v17, v18;
	v18 =	vld.idx.msk [tilespmem:v20+s16+$0x0], $0xffff  }
0x1c2: {  	v12 =	vadd.f32 v24, v12;
	v20 =	vld [tilespmem:$0x1FED0]  }
0x1c3: {  	v4 =	vadd.f32 v8, v4;
	v24 =	vunpack.i.l.bf16.f32 v16;
	v8 =	vunpack.i.u.bf16.f32 v16;
	v16 =	vld.idx.msk [tilespmem:v22+s15+$0x0], $0xffff  }
0x1c4: {  	v15 =	vmul.bf16 v19, v15;
	v23 =	vor.u32 v23, v3;
	v19 =	vld.idx.msk [tilespmem:v22+s16+$0x0], $0xffff  }
0x1c5: {  	v22 =	vld [tilespmem:$0x1FEE0];
	_ =	sdelay $0x1  }
0x1c6: {  	v20 =	vor.u32 v20, v3  }
0x1c7: {  	v11 =	vadd.f32 v24, v11  }
0x1c8: {  	v5 =	vadd.f32 v8, v5;
	v24 =	vunpack.i.l.bf16.f32 v17;
	v8 =	vunpack.i.u.bf16.f32 v17;
	v17 =	vld.idx.msk [tilespmem:v23+s15+$0x0], $0xffff  }
0x1c9: {  	v13 =	vmul.bf16 v21, v13;
	v22 =	vor.u32 v22, v3;
	v21 =	vld.idx.msk [tilespmem:v23+s16+$0x0], $0xffff  }
0x1ca: {  	v9 =	vadd.f32 v24, v9;
	v23 =	vld [tilespmem:$0x1FEF0]  }
0x1cb: {  	v24 =	vunpack.i.l.bf16.f32 v15;
	v6 =	vadd.f32 v8, v6;
	v8 =	vunpack.i.u.bf16.f32 v15;
	v15 =	vld.idx.msk [tilespmem:v20+s15+$0x0], $0xffff  }
0x1cc: {  	v14 =	vmul.bf16 v18, v14;
	v18 =	vld.idx.msk [tilespmem:v20+s16+$0x0], $0xffff  }
0x1cd: {  	v10 =	vadd.f32 v24, v10;
	v20 =	vld [tilespmem:$0x1FF00]  }
0x1ce: {  	v7 =	vadd.f32 v8, v7;
	v24 =	vunpack.i.l.bf16.f32 v13;
	v8 =	vunpack.i.u.bf16.f32 v13;
	v13 =	vld.idx.msk [tilespmem:v22+s15+$0x0], $0xffff  }
0x1cf: {  	v16 =	vmul.bf16 v19, v16;
	v23 =	vor.u32 v23, v3;
	v19 =	vld.idx.msk [tilespmem:v22+s16+$0x0], $0xffff  }
0x1d0: {  	v22 =	vld [tilespmem:$0x1FC30];
	_ =	sdelay $0x1  }
0x1d1: {  	v20 =	vor.u32 v20, v3  }
0x1d2: {  	v12 =	vadd.f32 v24, v12  }
0x1d3: {  	v4 =	vadd.f32 v8, v4;
	v24 =	vunpack.i.l.bf16.f32 v14;
	v8 =	vunpack.i.u.bf16.f32 v14;
	v14 =	vld.idx.msk [tilespmem:v23+s15+$0x0], $0xffff  }
0x1d4: {  	v17 =	vmul.bf16 v21, v17;
	v22 =	vor.u32 v22, v3;
	v21 =	vld.idx.msk [tilespmem:v23+s16+$0x0], $0xffff  }
0x1d5: {  	v11 =	vadd.f32 v24, v11;
	v23 =	vld [tilespmem:$0x1FC40]  }
0x1d6: {  	v24 =	vunpack.i.l.bf16.f32 v16;
	v5 =	vadd.f32 v8, v5;
	v8 =	vunpack.i.u.bf16.f32 v16;
	v16 =	vld.idx.msk [tilespmem:v20+s15+$0x0], $0xffff  }
0x1d7: {  	v15 =	vmul.bf16 v18, v15;
	v18 =	vld.idx.msk [tilespmem:v20+s16+$0x0], $0xffff  }
0x1d8: {  	v9 =	vadd.f32 v24, v9;
	v20 =	vld [tilespmem:$0x1FC50]  }
0x1d9: {  	v6 =	vadd.f32 v8, v6;
	v24 =	vunpack.i.l.bf16.f32 v17;
	v8 =	vunpack.i.u.bf16.f32 v17;
	v17 =	vld.idx.msk [tilespmem:v22+s15+$0x0], $0xffff  }
0x1da: {  	v13 =	vmul.bf16 v19, v13;
	v19 =	vld.idx.msk [tilespmem:v22+s16+$0x0], $0xffff  }
0x1db: {  	v22 =	vld [tilespmem:$0x1FC60]  }
0x1dc: {  	v23 =	vor.u32 v23, v3;
	_ =	sdelay $0x1  }
0x1dd: {  	v20 =	vor.u32 v20, v3;
	_ =	sdelay $0x1  }
0x1de: {  	v10 =	vadd.f32 v24, v10;
	v24 =	vunpack.i.l.bf16.f32 v15;
	v22 =	vor.u32 v22, v3  }
0x1df: {  	v7 =	vadd.f32 v8, v7;
	v8 =	vunpack.i.u.bf16.f32 v15;
	v12 =	vadd.f32 v24, v12;
	v15 =	vld.idx.msk [tilespmem:v23+s15+$0x0], $0xffff  }
0x1e0: {  	v24 =	vunpack.i.l.bf16.f32 v13;
	v14 =	vmul.bf16 v21, v14;
	v21 =	vld.idx.msk [tilespmem:v23+s16+$0x0], $0xffff;
	v23 =	vor.u32 v40, v3  }
0x1e1: {  	v4 =	vadd.f32 v8, v4;
	v8 =	vunpack.i.u.bf16.f32 v13;
	v11 =	vadd.f32 v24, v11;
	v13 =	vld.idx.msk [tilespmem:v20+s15+$0x0], $0xffff  }
0x1e2: {  	v24 =	vunpack.i.l.bf16.f32 v14;
	v16 =	vmul.bf16 v18, v16;
	v18 =	vld.idx.msk [tilespmem:v20+s16+$0x0], $0xffff;
	v20 =	vor.u32 v47, v3  }
0x1e3: {  	v5 =	vadd.f32 v8, v5;
	v8 =	vunpack.i.u.bf16.f32 v14;
	v9 =	vadd.f32 v24, v9;
	v14 =	vld.idx.msk [tilespmem:v22+s15+$0x0], $0xffff  }
0x1e4: {  	v17 =	vmul.bf16 v19, v17;
	v24 =	vunpack.i.l.bf16.f32 v16;
	v19 =	vld.idx.msk [tilespmem:v22+s16+$0x0], $0xffff;
	v22 =	vor.u32 v48, v3  }
0x1e5: {  	v6 =	vadd.f32 v8, v6;
	v8 =	vunpack.i.u.bf16.f32 v16;
	v10 =	vadd.f32 v24, v10;
	v16 =	vld.idx.msk [tilespmem:v23+s15+$0x0], $0xffff  }
0x1e6: {  	v24 =	vunpack.i.l.bf16.f32 v17;
	v15 =	vmul.bf16 v21, v15;
	v21 =	vld.idx.msk [tilespmem:v23+s16+$0x0], $0xffff;
	v23 =	vor.u32 v51, v3  }
0x1e7: {  	v7 =	vadd.f32 v8, v7;
	v8 =	vunpack.i.u.bf16.f32 v17;
	v12 =	vadd.f32 v24, v12;
	v17 =	vld.idx.msk [tilespmem:v20+s15+$0x0], $0xffff  }
0x1e8: {  	v24 =	vunpack.i.l.bf16.f32 v15;
	v13 =	vmul.bf16 v18, v13;
	v18 =	vld.idx.msk [tilespmem:v20+s16+$0x0], $0xffff;
	v20 =	vor.u32 v57, v3  }
0x1e9: {  	v4 =	vadd.f32 v8, v4;
	v8 =	vunpack.i.u.bf16.f32 v15;
	v11 =	vadd.f32 v24, v11;
	v15 =	vld.idx.msk [tilespmem:v22+s15+$0x0], $0xffff  }
0x1ea: {  	v5 =	vadd.f32 v8, v5;
	v14 =	vmul.bf16 v19, v14;
	v19 =	vld.idx.msk [tilespmem:v22+s16+$0x0], $0xffff;
	v22 =	vor.u32 v60, v3  }
0x1eb: {  	v16 =	vmul.bf16 v21, v16;
	v21 =	vld.idx.msk [tilespmem:v23+s16+$0x0], $0xffff;
	v24 =	vunpack.i.l.bf16.f32 v13;
	v8 =	vunpack.i.u.bf16.f32 v13  }
0x1ec: {  	v13 =	vld.idx.msk [tilespmem:v23+s15+$0x0], $0xffff;
	v23 =	vor.u32 v1, v3;
	v9 =	vadd.f32 v24, v9;
	v24 =	vunpack.i.l.bf16.f32 v14  }
0x1ed: {  	v6 =	vadd.f32 v8, v6;
	v8 =	vunpack.i.u.bf16.f32 v14;
	v10 =	vadd.f32 v24, v10;
	v14 =	vld.idx.msk [tilespmem:v20+s15+$0x0], $0xffff  }
0x1ee: {  	v24 =	vunpack.i.l.bf16.f32 v16;
	v17 =	vmul.bf16 v18, v17;
	v18 =	vld.idx.msk [tilespmem:v20+s16+$0x0], $0xffff;
	v20 =	vor.u32 v54, v3  }
0x1ef: {  	v7 =	vadd.f32 v8, v7;
	v8 =	vunpack.i.u.bf16.f32 v16;
	v12 =	vadd.f32 v24, v12;
	v16 =	vld.idx.msk [tilespmem:v22+s15+$0x0], $0xffff  }
0x1f0: {  	v15 =	vmul.bf16 v19, v15;
	v19 =	vld.idx.msk [tilespmem:v22+s16+$0x0], $0xffff;
	v22 =	vor.u32 v55, v3;
	v4 =	vadd.f32 v8, v4  }
0x1f1: {  	v24 =	vunpack.i.l.bf16.f32 v17;
	v8 =	vunpack.i.u.bf16.f32 v17;
	v17 =	vld.idx.msk [tilespmem:v23+s15+$0x0], $0xffff;
	v13 =	vmul.bf16 v21, v13  }
0x1f2: {  	v21 =	vld.idx.msk [tilespmem:v23+s16+$0x0], $0xffff;
	v23 =	vor.u32 v0, v3;
	v11 =	vadd.f32 v24, v11;
	v24 =	vunpack.i.l.bf16.f32 v15  }
0x1f3: {  	v5 =	vadd.f32 v8, v5;
	v8 =	vunpack.i.u.bf16.f32 v15;
	v9 =	vadd.f32 v24, v9;
	v15 =	vld.idx.msk [tilespmem:v20+s15+$0x0], $0xffff  }
0x1f4: {  	v24 =	vunpack.i.l.bf16.f32 v13;
	v14 =	vmul.bf16 v18, v14;
	v18 =	vld.idx.msk [tilespmem:v20+s16+$0x0], $0xffff;
	v20 =	vor.u32 v58, v3  }
0x1f5: {  	v6 =	vadd.f32 v8, v6;
	v8 =	vunpack.i.u.bf16.f32 v13;
	v10 =	vadd.f32 v24, v10;
	v13 =	vld.idx.msk [tilespmem:v22+s15+$0x0], $0xffff  }
0x1f6: {  	v16 =	vmul.bf16 v19, v16;
	v19 =	vld.idx.msk [tilespmem:v22+s16+$0x0], $0xffff;
	v22 =	vor.u32 v59, v3;
	v7 =	vadd.f32 v8, v7  }
0x1f7: {  	v24 =	vunpack.i.l.bf16.f32 v14;
	v8 =	vunpack.i.u.bf16.f32 v14;
	v14 =	vld.idx.msk [tilespmem:v23+s15+$0x0], $0xffff;
	v17 =	vmul.bf16 v21, v17  }
0x1f8: {  	v21 =	vld.idx.msk [tilespmem:v23+s16+$0x0], $0xffff;
	v23 =	vor.u32 v39, v3;
	v12 =	vadd.f32 v24, v12;
	v24 =	vunpack.i.l.bf16.f32 v16  }
0x1f9: {  	v4 =	vadd.f32 v8, v4;
	v8 =	vunpack.i.u.bf16.f32 v16;
	v11 =	vadd.f32 v24, v11;
	v16 =	vld.idx.msk [tilespmem:v20+s15+$0x0], $0xffff  }
0x1fa: {  	v24 =	vunpack.i.l.bf16.f32 v17;
	v15 =	vmul.bf16 v18, v15;
	v18 =	vld.idx.msk [tilespmem:v20+s16+$0x0], $0xffff;
	v20 =	vor.u32 v42, v3  }
0x1fb: {  	v5 =	vadd.f32 v8, v5;
	v8 =	vunpack.i.u.bf16.f32 v17;
	v9 =	vadd.f32 v24, v9;
	v17 =	vld.idx.msk [tilespmem:v22+s15+$0x0], $0xffff  }
0x1fc: {  	v13 =	vmul.bf16 v19, v13;
	v19 =	vld.idx.msk [tilespmem:v22+s16+$0x0], $0xffff;
	v22 =	vor.u32 v43, v3;
	v6 =	vadd.f32 v8, v6  }
0x1fd: {  	v24 =	vunpack.i.l.bf16.f32 v15;
	v8 =	vunpack.i.u.bf16.f32 v15;
	v15 =	vld.idx.msk [tilespmem:v23+s15+$0x0], $0xffff;
	v14 =	vmul.bf16 v21, v14  }
0x1fe: {  	v21 =	vld.idx.msk [tilespmem:v23+s16+$0x0], $0xffff;
	v23 =	vor.u32 v52, v3;
	v10 =	vadd.f32 v24, v10;
	v24 =	vunpack.i.l.bf16.f32 v13  }
0x1ff: {  	v7 =	vadd.f32 v8, v7;
	v8 =	vunpack.i.u.bf16.f32 v13;
	v12 =	vadd.f32 v24, v12;
	v13 =	vld.idx.msk [tilespmem:v20+s15+$0x0], $0xffff  }
0x200: {  	v24 =	vunpack.i.l.bf16.f32 v14;
	v16 =	vmul.bf16 v18, v16;
	v18 =	vld.idx.msk [tilespmem:v20+s16+$0x0], $0xffff;
	v20 =	vor.u32 v38, v3  }
0x201: {  	v4 =	vadd.f32 v8, v4;
	v8 =	vunpack.i.u.bf16.f32 v14;
	v11 =	vadd.f32 v24, v11;
	v14 =	vld.idx.msk [tilespmem:v22+s15+$0x0], $0xffff  }
0x202: {  	v17 =	vmul.bf16 v19, v17;
	v19 =	vld.idx.msk [tilespmem:v22+s16+$0x0], $0xffff;
	v22 =	vor.u32 v53, v3;
	v5 =	vadd.f32 v8, v5  }
0x203: {  	v24 =	vunpack.i.l.bf16.f32 v16;
	v8 =	vunpack.i.u.bf16.f32 v16;
	v16 =	vld.idx.msk [tilespmem:v23+s15+$0x0], $0xffff;
	v15 =	vmul.bf16 v21, v15  }
0x204: {  	v21 =	vld.idx.msk [tilespmem:v23+s16+$0x0], $0xffff;
	v23 =	vor.u32 v61, v3;
	v9 =	vadd.f32 v24, v9;
	v24 =	vunpack.i.l.bf16.f32 v17  }
0x205: {  	v6 =	vadd.f32 v8, v6;
	v8 =	vunpack.i.u.bf16.f32 v17;
	v10 =	vadd.f32 v24, v10;
	v17 =	vld.idx.msk [tilespmem:v20+s15+$0x0], $0xffff  }
0x206: {  	v24 =	vunpack.i.l.bf16.f32 v15;
	v13 =	vmul.bf16 v18, v13;
	v18 =	vld.idx.msk [tilespmem:v20+s16+$0x0], $0xffff;
	v20 =	vor.u32 v62, v3  }
0x207: {  	v7 =	vadd.f32 v8, v7;
	v8 =	vunpack.i.u.bf16.f32 v15;
	v12 =	vadd.f32 v24, v12;
	v15 =	vld.idx.msk [tilespmem:v22+s15+$0x0], $0xffff  }
0x208: {  	v14 =	vmul.bf16 v19, v14;
	v19 =	vld.idx.msk [tilespmem:v22+s16+$0x0], $0xffff;
	v22 =	vor.u32 v63, v3;
	v4 =	vadd.f32 v8, v4  }
0x209: {  	v24 =	vunpack.i.l.bf16.f32 v13;
	v8 =	vunpack.i.u.bf16.f32 v13;
	v13 =	vld.idx.msk [tilespmem:v23+s15+$0x0], $0xffff;
	v16 =	vmul.bf16 v21, v16  }
0x20a: {  	v21 =	vld.idx.msk [tilespmem:v23+s16+$0x0], $0xffff;
	v23 =	vor.u32 v41, v3;
	v11 =	vadd.f32 v24, v11;
	v24 =	vunpack.i.l.bf16.f32 v14  }
0x20b: {  	v5 =	vadd.f32 v8, v5;
	v8 =	vunpack.i.u.bf16.f32 v14;
	v9 =	vadd.f32 v24, v9;
	v14 =	vld.idx.msk [tilespmem:v20+s15+$0x0], $0xffff  }
0x20c: {  	v24 =	vunpack.i.l.bf16.f32 v16;
	v17 =	vmul.bf16 v18, v17;
	v18 =	vld.idx.msk [tilespmem:v20+s16+$0x0], $0xffff;
	v20 =	vor.u32 v44, v3  }
0x20d: {  	v6 =	vadd.f32 v8, v6;
	v8 =	vunpack.i.u.bf16.f32 v16;
	v10 =	vadd.f32 v24, v10;
	v16 =	vld.idx.msk [tilespmem:v22+s15+$0x0], $0xffff  }
0x20e: {  	v15 =	vmul.bf16 v19, v15;
	v19 =	vld.idx.msk [tilespmem:v22+s16+$0x0], $0xffff;
	v22 =	vor.u32 v2, v3;
	v7 =	vadd.f32 v8, v7  }
0x20f: {  	v24 =	vunpack.i.l.bf16.f32 v17;
	v8 =	vunpack.i.u.bf16.f32 v17;
	v17 =	vld.idx.msk [tilespmem:v23+s15+$0x0], $0xffff;
	v13 =	vmul.bf16 v21, v13  }
0x210: {  	v21 =	vld.idx.msk [tilespmem:v23+s16+$0x0], $0xffff;
	v23 =	vor.u32 v45, v3;
	v12 =	vadd.f32 v24, v12;
	v24 =	vunpack.i.l.bf16.f32 v15  }
0x211: {  	v4 =	vadd.f32 v8, v4;
	v8 =	vunpack.i.u.bf16.f32 v15;
	v11 =	vadd.f32 v24, v11;
	v15 =	vld.idx.msk [tilespmem:v20+s15+$0x0], $0xffff  }
0x212: {  	v24 =	vunpack.i.l.bf16.f32 v13;
	v14 =	vmul.bf16 v18, v14;
	v18 =	vld.idx.msk [tilespmem:v20+s16+$0x0], $0xffff;
	v20 =	vor.u32 v46, v3  }
0x213: {  	v5 =	vadd.f32 v8, v5;
	v8 =	vunpack.i.u.bf16.f32 v13;
	v9 =	vadd.f32 v24, v9;
	v13 =	vld.idx.msk [tilespmem:v22+s15+$0x0], $0xffff  }
0x214: {  	v16 =	vmul.bf16 v19, v16;
	v19 =	vld.idx.msk [tilespmem:v22+s16+$0x0], $0xffff;
	v22 =	vor.u32 v49, v3;
	v6 =	vadd.f32 v8, v6  }
0x215: {  	v3 =	vor.u32 v50, v3;
	v24 =	vunpack.i.l.bf16.f32 v14;
	v8 =	vunpack.i.u.bf16.f32 v14;
	v14 =	vld.idx.msk [tilespmem:v23+s15+$0x0], $0xffff  }
0x216: {  	v17 =	vmul.bf16 v21, v17;
	v23 =	vld.idx.msk [tilespmem:v23+s16+$0x0], $0xffff  }
0x217: {  	v21 =	vunpack.i.l.bf16.f32 v16;
	v7 =	vadd.f32 v8, v7;
	v8 =	vunpack.i.u.bf16.f32 v16;
	v16 =	vld.idx.msk [tilespmem:v20+s15+$0x0], $0xffff  }
0x218: {  	v4 =	vadd.f32 v8, v4;
	v8 =	vmul.bf16 v18, v15;
	v18 =	vld.idx.msk [tilespmem:v20+s16+$0x0], $0xffff  }
0x219: {  	v13 =	vmul.bf16 v19, v13;
	v19 =	vld.idx.msk [tilespmem:v22+s16+$0x0], $0xffff  }
0x21a: {  	v10 =	vadd.f32 v24, v10;
	v15 =	vunpack.i.l.bf16.f32 v17;
	v20 =	vld.idx.msk [tilespmem:v3+s15+$0x0], $0xffff  }
0x21b: {  	v12 =	vadd.f32 v21, v12;
	v11 =	vadd.f32 v15, v11;
	v15 =	vunpack.i.u.bf16.f32 v17;
	v17 =	vld.idx.msk [tilespmem:v22+s15+$0x0], $0xffff  }
0x21c: {  	v3 =	vld.idx.msk [tilespmem:v3+s16+$0x0], $0xffff;
	v5 =	vadd.f32 v15, v5;
	v15 =	vunpack.i.u.bf16.f32 v8;
	v8 =	vunpack.i.l.bf16.f32 v8  }
0x21d: {  	v14 =	vmul.bf16 v23, v14;
	v8 =	vadd.f32 v8, v9;
	v9 =	vunpack.i.l.bf16.f32 v13  }
0x21e: {  	v6 =	vadd.f32 v15, v6;
	v9 =	vadd.f32 v9, v10;
	v10 =	vunpack.i.u.bf16.f32 v13  }
0x21f: {  	v15 =	vunpack.i.l.bf16.f32 v14;
	v13 =	vmul.bf16 v18, v16;
	v7 =	vadd.f32 v10, v7  }
0x220: {  	v10 =	vadd.f32 v15, v12;
	v12 =	vunpack.i.u.bf16.f32 v14;
	v14 =	vmul.bf16 v19, v17  }
0x221: {  	v3 =	vmul.bf16 v3, v20;
	v4 =	vadd.f32 v12, v4;
	v15 =	vunpack.i.l.bf16.f32 v13  }
0x222: {  	v12 =	vunpack.i.u.bf16.f32 v13;
	v11 =	vadd.f32 v15, v11;
	v13 =	vunpack.i.l.bf16.f32 v14  }
0x223: {  	v5 =	vadd.f32 v12, v5;
	v12 =	vunpack.i.u.bf16.f32 v14;
	v8 =	vadd.f32 v13, v8  }
0x224: {  	v6 =	vadd.f32 v12, v6;
	v12 =	vunpack.i.u.bf16.f32 v3;
	v3 =	vunpack.i.l.bf16.f32 v3  }
0x225: {  	v3 =	vadd.f32 v3, v9;
	v7 =	vadd.f32 v12, v7  }
0x226: {  	v4 =	vadd.f32 v10, v4;
	v5 =	vadd.f32 v11, v5  }
0x227: {  	v6 =	vadd.f32 v8, v6;
	v3 =	vadd.f32 v3, v7;
	_ =	sdelay $0x1  }
0x228: {  	v4 =	vadd.f32 v5, v4;
	v3 =	vadd.f32 v3, v6;
	_ =	sdelay $0x1  }
0x229: {  	v3 =	vadd.f32 v3, v4;
	_ =	sdelay $0x1  }
0x22a: {  	v4 =	vmul.f32 $1.442695020e+00, v3;
	_ =	sdelay $0x1  }
0x22b: {  	(erf) = vpow2.f32 v4  }
0x22c: {  	[tilespmem:s30+$0x0] =	vst v3  }
0x22d: {  	v3 =	vld [tilespmem:s29+$0x0];
	_ =	sdelay $0x2  }
0x22e: {  	p0 =	sne.s32 s28, $0x40  }
.Ltmp2:
0x22f: {  	_ = 	snop;
	(pc) =	sbr.rel @p0 .LBB2_7-.Ltmp2, $4  }
0x230: {  	_ = 	snop  }
0x231: {  	v24 =	vmov v37  }
0x232: {  	v22 =	vmov v36;
	v18 =	vmov v34;
	v16 =	vmov v33;
	v4 =	vpop (erf)  }
0x233: {  	s28 =	sadd.s32 $0x10, s28;
	v20 =	vmovc v35;
	v14 =	vmovc v32;
	v7 =	vmov v28;
	v5 =	vmov v26;
	v6 =	vmov v27;
	s30 =	sadd.s32 $0x10, s30;
	s29 =	sadd.s32 $0x10, s29;
	[tilespmem:v3+s18+$0x0] =	vst.idx.add.f32.msk $0xffff, v4  }
0x234: {  	s26 =	sadd.s32 $0x1, s26  }
0x235: {  	p0 =	sne.s32 s26, $0x3E  }
.Ltmp3:
0x236: {  	_ = 	snop;
	(pc) =	sbr.rel @p0 .LBB2_4-.Ltmp3, $3  }
0x237: {  	_ =	sdelay $0x1  }
0x238: {  	s24 =	sadd.s32 $0xA0, s24  }
0x239: {  	v12 =	vmov v31;
	v10 =	vmov v30;
	v8 =	vmov v29;
	s23 =	sadd.s32 $0xA0, s23;
	s25 =	sadd.s32 $0xA0, s25;
	s22 =	sadd.s32 $0xA0, s22  }
0x23a: {  	_ =	swait.ge [sflag:s17], $0x1400  }
0x23b: {  	[sflag:s17] =	ssyncset.done $0x0  }
0x23c: {  	[sflag:s17] =	ssyncadd.s32 $0xFFFFEC00  }
0x23d: {  	_ =	swait.ge [sflag:s17], $0x1400  }
0x23e: {  	v0 =	vld [tilespmem:$0x1FC60]  }
0x23f: {  	v39 =	vld [tilespmem:$0x1FC70]  }
0x240: {  	v41 =	vld [tilespmem:$0x1FC80]  }
0x241: {  	v43 =	vld [tilespmem:$0x1FC90]  }
0x242: {  	v48 =	vld [tilespmem:$0x1FCA0]  }
0x243: {  	v54 =	vld [tilespmem:$0x1FCB0]  }
0x244: {  	v56 =	vld [tilespmem:$0x1FCC0]  }
0x245: {  	v59 =	vld [tilespmem:$0x1FCD0]  }
0x246: {  	v60 =	vld [tilespmem:$0x1FCE0]  }
0x247: {  	v1 =	vld [tilespmem:$0x1FCF0]  }
0x248: {  	v38 =	vld [tilespmem:$0x1FD00]  }
0x249: {  	v40 =	vld [tilespmem:$0x1FD10]  }
0x24a: {  	v42 =	vld [tilespmem:$0x1FD20]  }
0x24b: {  	v47 =	vld [tilespmem:$0x1FD30]  }
0x24c: {  	v51 =	vld [tilespmem:$0x1FD40]  }
0x24d: {  	v55 =	vld [tilespmem:$0x1FD50]  }
0x24e: {  	v57 =	vld [tilespmem:$0x1FD60]  }
0x24f: {  	v58 =	vld [tilespmem:$0x1FD70]  }
0x250: {  	v44 =	vld [tilespmem:$0x1FD80]  }
0x251: {  	v45 =	vld [tilespmem:$0x1FD90]  }
0x252: {  	v46 =	vld [tilespmem:$0x1FDA0]  }
0x253: {  	s22 =	simm.s32 $0x0;
	[sflag:s17] =	ssyncset.done $0x0;
	v49 =	vld [tilespmem:$0x1FDB0]  }
0x254: {  	s23 =	simm.s32 $0xC4E0;
	s24 =	simm.s32 $0x26C0;
	v50 =	vld [tilespmem:$0x1FDC0];
	[sflag:s17] =	ssyncadd.s32 $0xFFFFEC00  }
.LBB2_10:
0x255: {  	v3 =	vmov s22  }
0x256: {  	v3 =	vshll.u32 v3, $0x6  }
0x257: {  	v3 =	vor.u32 v5, v3  }
0x258: {  	v4 =	vor.u32 v25, v3;
	_ =	sdelay $0x1  }
0x259: {  	v5 =	vor.u32 v6, v3;
	_ =	sdelay $0x1  }
0x25a: {  	v6 =	vor.u32 v7, v3  }
0x25b: {  	v7 =	vld.idx.msk [tilespmem:v4+s12+$0x0], $0xffff  }
0x25c: {  	v8 =	vor.u32 v29, v3;
	v4 =	vld.idx.msk [tilespmem:v4+s13+$0x0], $0xffff  }
0x25d: {  	v9 =	vld.idx.msk [tilespmem:v5+s12+$0x0], $0xffff  }
0x25e: {  	v10 =	vor.u32 v30, v3;
	v5 =	vld.idx.msk [tilespmem:v5+s13+$0x0], $0xffff  }
0x25f: {  	v11 =	vld.idx.msk [tilespmem:v6+s12+$0x0], $0xffff  }
0x260: {  	v12 =	vor.u32 v31, v3;
	v6 =	vld.idx.msk [tilespmem:v6+s13+$0x0], $0xffff  }
0x261: {  	v13 =	vld.idx.msk [tilespmem:v8+s12+$0x0], $0xffff  }
0x262: {  	v4 =	vmul.bf16 v4, v7;
	v7 =	vld.idx.msk [tilespmem:v8+s13+$0x0], $0xffff;
	v8 =	vor.u32 v14, v3  }
0x263: {  	v14 =	vld.idx.msk [tilespmem:v10+s12+$0x0], $0xffff  }
0x264: {  	v5 =	vmul.bf16 v5, v9;
	v9 =	vld.idx.msk [tilespmem:v10+s13+$0x0], $0xffff;
	v10 =	vor.u32 v16, v3  }
0x265: {  	v16 =	vld.idx.msk [tilespmem:v12+s12+$0x0], $0xffff  }
0x266: {  	v6 =	vmul.bf16 v6, v11;
	v11 =	vld.idx.msk [tilespmem:v12+s13+$0x0], $0xffff  }
0x267: {  	v12 =	vor.u32 v18, v3;
	v18 =	vld.idx.msk [tilespmem:v8+s12+$0x0], $0xffff  }
0x268: {  	v8 =	vld.idx.msk [tilespmem:v8+s13+$0x0], $0xffff  }
0x269: {  	v7 =	vmul.bf16 v7, v13;
	v13 =	vor.u32 v20, v3;
	v20 =	vld.idx.msk [tilespmem:v10+s12+$0x0], $0xffff  }
0x26a: {  	v15 =	vunpack.i.l.bf16.f32 v4;
	v10 =	vld.idx.msk [tilespmem:v10+s13+$0x0], $0xffff  }
0x26b: {  	v4 =	vunpack.i.u.bf16.f32 v4;
	v17 =	vunpack.i.l.bf16.f32 v5;
	v5 =	vunpack.i.u.bf16.f32 v5  }
0x26c: {  	v19 =	vunpack.i.l.bf16.f32 v6;
	v9 =	vmul.bf16 v9, v14;
	v14 =	vor.u32 v22, v3;
	v22 =	vld.idx.msk [tilespmem:v12+s12+$0x0], $0xffff  }
0x26d: {  	v6 =	vunpack.i.u.bf16.f32 v6;
	v15 =	vadd.f32 $0.0e+00, v15;
	v4 =	vadd.f32 $0.0e+00, v4;
	v12 =	vld.idx.msk [tilespmem:v12+s13+$0x0], $0xffff  }
0x26e: {  	v17 =	vadd.f32 $0.0e+00, v17;
	v5 =	vadd.f32 $0.0e+00, v5;
	v8 =	vmul.bf16 v8, v18;
	v18 =	vld [tilespmem:$0x1FDD0]  }
0x26f: {  	v11 =	vmul.bf16 v11, v16;
	v23 =	vunpack.i.l.bf16.f32 v9;
	v10 =	vmul.bf16 v10, v20;
	v20 =	vld [tilespmem:$0x1FDE0]  }
0x270: {  	v19 =	vadd.f32 $0.0e+00, v19;
	v16 =	vor.u32 v24, v3;
	v15 =	vadd.f32 v23, v15;
	v23 =	vld.idx.msk [tilespmem:v13+s12+$0x0], $0xffff  }
0x271: {  	v6 =	vadd.f32 $0.0e+00, v6;
	v9 =	vunpack.i.u.bf16.f32 v9;
	v24 =	vunpack.i.l.bf16.f32 v11;
	v13 =	vld.idx.msk [tilespmem:v13+s13+$0x0], $0xffff  }
0x272: {  	v4 =	vadd.f32 v9, v4;
	v9 =	vunpack.i.u.bf16.f32 v11;
	v11 =	vadd.f32 v24, v17;
	v17 =	vld.idx.msk [tilespmem:v14+s12+$0x0], $0xffff  }
0x273: {  	v21 =	vunpack.i.l.bf16.f32 v7;
	v12 =	vmul.bf16 v12, v22;
	v22 =	vld [tilespmem:$0x1FDF0];
	v18 =	vor.u32 v18, v3  }
0x274: {  	v21 =	vadd.f32 $0.0e+00, v21;
	v14 =	vld.idx.msk [tilespmem:v14+s13+$0x0], $0xffff;
	v24 =	vunpack.i.l.bf16.f32 v8;
	v20 =	vor.u32 v20, v3  }
0x275: {  	v7 =	vunpack.i.u.bf16.f32 v7;
	v5 =	vadd.f32 v9, v5;
	v9 =	vadd.f32 v24, v19;
	v19 =	vld.idx.msk [tilespmem:v16+s12+$0x0], $0xffff  }
0x276: {  	v7 =	vadd.f32 $0.0e+00, v7;
	v8 =	vunpack.i.u.bf16.f32 v8;
	v24 =	vunpack.i.l.bf16.f32 v10;
	v16 =	vld.idx.msk [tilespmem:v16+s13+$0x0], $0xffff  }
0x277: {  	v6 =	vadd.f32 v8, v6;
	v8 =	vunpack.i.u.bf16.f32 v10;
	v13 =	vmul.bf16 v13, v23;
	v23 =	vld [tilespmem:$0x1FE00]  }
0x278: {  	v10 =	vadd.f32 v24, v21;
	v24 =	vunpack.i.l.bf16.f32 v12;
	v22 =	vor.u32 v22, v3;
	v21 =	vld.idx.msk [tilespmem:v18+s12+$0x0], $0xffff  }
0x279: {  	v7 =	vadd.f32 v8, v7;
	v8 =	vunpack.i.u.bf16.f32 v12;
	v12 =	vadd.f32 v24, v15;
	v15 =	vld.idx.msk [tilespmem:v20+s12+$0x0], $0xffff  }
0x27a: {  	v14 =	vmul.bf16 v14, v17;
	v17 =	vld.idx.msk [tilespmem:v20+s13+$0x0], $0xffff  }
0x27b: {  	v20 =	vld [tilespmem:$0x1FE10]  }
0x27c: {  	v18 =	vld.idx.msk [tilespmem:v18+s13+$0x0], $0xffff;
	v23 =	vor.u32 v23, v3  }
0x27d: {  	v4 =	vadd.f32 v8, v4;
	v24 =	vunpack.i.l.bf16.f32 v13;
	v8 =	vunpack.i.u.bf16.f32 v13;
	v13 =	vld.idx.msk [tilespmem:v22+s12+$0x0], $0xffff  }
0x27e: {  	v16 =	vmul.bf16 v16, v19;
	v19 =	vld.idx.msk [tilespmem:v22+s13+$0x0], $0xffff  }
0x27f: {  	v22 =	vld [tilespmem:$0x1FE20]  }
0x280: {  	v11 =	vadd.f32 v24, v11;
	v20 =	vor.u32 v20, v3  }
0x281: {  	v24 =	vunpack.i.l.bf16.f32 v14;
	v5 =	vadd.f32 v8, v5;
	v8 =	vunpack.i.u.bf16.f32 v14;
	v14 =	vld.idx.msk [tilespmem:v23+s12+$0x0], $0xffff  }
0x282: {  	v18 =	vmul.bf16 v18, v21;
	v21 =	vld.idx.msk [tilespmem:v23+s13+$0x0], $0xffff  }
0x283: {  	v23 =	vld [tilespmem:$0x1FE30]  }
0x284: {  	v9 =	vadd.f32 v24, v9;
	v22 =	vor.u32 v22, v3  }
0x285: {  	v6 =	vadd.f32 v8, v6;
	v24 =	vunpack.i.l.bf16.f32 v16;
	v8 =	vunpack.i.u.bf16.f32 v16;
	v16 =	vld.idx.msk [tilespmem:v20+s12+$0x0], $0xffff  }
0x286: {  	v15 =	vmul.bf16 v17, v15;
	v17 =	vld.idx.msk [tilespmem:v20+s13+$0x0], $0xffff  }
0x287: {  	v20 =	vld [tilespmem:$0x1FE40]  }
0x288: {  	v10 =	vadd.f32 v24, v10;
	v23 =	vor.u32 v23, v3  }
0x289: {  	v7 =	vadd.f32 v8, v7;
	v24 =	vunpack.i.l.bf16.f32 v18;
	v8 =	vunpack.i.u.bf16.f32 v18;
	v18 =	vld.idx.msk [tilespmem:v22+s12+$0x0], $0xffff  }
0x28a: {  	v13 =	vmul.bf16 v19, v13;
	v19 =	vld.idx.msk [tilespmem:v22+s13+$0x0], $0xffff  }
0x28b: {  	v22 =	vld [tilespmem:$0x1FE50]  }
0x28c: {  	v12 =	vadd.f32 v24, v12;
	v20 =	vor.u32 v20, v3  }
0x28d: {  	v24 =	vunpack.i.l.bf16.f32 v15;
	v4 =	vadd.f32 v8, v4;
	v8 =	vunpack.i.u.bf16.f32 v15;
	v15 =	vld.idx.msk [tilespmem:v23+s12+$0x0], $0xffff  }
0x28e: {  	v14 =	vmul.bf16 v21, v14;
	v21 =	vld.idx.msk [tilespmem:v23+s13+$0x0], $0xffff  }
0x28f: {  	v23 =	vld [tilespmem:$0x1FE60]  }
0x290: {  	v11 =	vadd.f32 v24, v11;
	v22 =	vor.u32 v22, v3  }
0x291: {  	v24 =	vunpack.i.l.bf16.f32 v13;
	v5 =	vadd.f32 v8, v5;
	v8 =	vunpack.i.u.bf16.f32 v13;
	v13 =	vld.idx.msk [tilespmem:v20+s12+$0x0], $0xffff  }
0x292: {  	v16 =	vmul.bf16 v17, v16;
	v17 =	vld.idx.msk [tilespmem:v20+s13+$0x0], $0xffff  }
0x293: {  	v20 =	vld [tilespmem:$0x1FE70]  }
0x294: {  	v9 =	vadd.f32 v24, v9;
	v23 =	vor.u32 v23, v3  }
0x295: {  	v6 =	vadd.f32 v8, v6;
	v24 =	vunpack.i.l.bf16.f32 v14;
	v8 =	vunpack.i.u.bf16.f32 v14;
	v14 =	vld.idx.msk [tilespmem:v22+s12+$0x0], $0xffff  }
0x296: {  	v18 =	vmul.bf16 v19, v18;
	v19 =	vld.idx.msk [tilespmem:v22+s13+$0x0], $0xffff  }
0x297: {  	v22 =	vld [tilespmem:$0x1FE80]  }
0x298: {  	v10 =	vadd.f32 v24, v10;
	v20 =	vor.u32 v20, v3  }
0x299: {  	v7 =	vadd.f32 v8, v7;
	v24 =	vunpack.i.l.bf16.f32 v16;
	v8 =	vunpack.i.u.bf16.f32 v16;
	v16 =	vld.idx.msk [tilespmem:v23+s12+$0x0], $0xffff  }
0x29a: {  	v15 =	vmul.bf16 v21, v15;
	v21 =	vld.idx.msk [tilespmem:v23+s13+$0x0], $0xffff  }
0x29b: {  	v23 =	vld [tilespmem:$0x1FE90]  }
0x29c: {  	v12 =	vadd.f32 v24, v12;
	v22 =	vor.u32 v22, v3  }
0x29d: {  	v24 =	vunpack.i.l.bf16.f32 v18;
	v4 =	vadd.f32 v8, v4;
	v8 =	vunpack.i.u.bf16.f32 v18;
	v18 =	vld.idx.msk [tilespmem:v20+s12+$0x0], $0xffff  }
0x29e: {  	v13 =	vmul.bf16 v17, v13;
	v17 =	vld.idx.msk [tilespmem:v20+s13+$0x0], $0xffff  }
0x29f: {  	v20 =	vld [tilespmem:$0x1FEA0]  }
0x2a0: {  	v11 =	vadd.f32 v24, v11;
	v23 =	vor.u32 v23, v3  }
0x2a1: {  	v5 =	vadd.f32 v8, v5;
	v24 =	vunpack.i.l.bf16.f32 v15;
	v8 =	vunpack.i.u.bf16.f32 v15;
	v15 =	vld.idx.msk [tilespmem:v22+s12+$0x0], $0xffff  }
0x2a2: {  	v14 =	vmul.bf16 v19, v14;
	v19 =	vld.idx.msk [tilespmem:v22+s13+$0x0], $0xffff  }
0x2a3: {  	v22 =	vld [tilespmem:$0x1FEB0]  }
0x2a4: {  	v9 =	vadd.f32 v24, v9;
	v20 =	vor.u32 v20, v3  }
0x2a5: {  	v6 =	vadd.f32 v8, v6;
	v24 =	vunpack.i.l.bf16.f32 v13;
	v8 =	vunpack.i.u.bf16.f32 v13;
	v13 =	vld.idx.msk [tilespmem:v23+s12+$0x0], $0xffff  }
0x2a6: {  	v16 =	vmul.bf16 v21, v16;
	v21 =	vld.idx.msk [tilespmem:v23+s13+$0x0], $0xffff  }
0x2a7: {  	v23 =	vld [tilespmem:$0x1FEC0]  }
0x2a8: {  	v10 =	vadd.f32 v24, v10;
	v22 =	vor.u32 v22, v3  }
0x2a9: {  	v24 =	vunpack.i.l.bf16.f32 v14;
	v7 =	vadd.f32 v8, v7;
	v8 =	vunpack.i.u.bf16.f32 v14;
	v14 =	vld.idx.msk [tilespmem:v20+s12+$0x0], $0xffff  }
0x2aa: {  	v17 =	vmul.bf16 v17, v18;
	v18 =	vld.idx.msk [tilespmem:v20+s13+$0x0], $0xffff  }
0x2ab: {  	v20 =	vld [tilespmem:$0x1FED0]  }
0x2ac: {  	v12 =	vadd.f32 v24, v12;
	v23 =	vor.u32 v23, v3  }
0x2ad: {  	v4 =	vadd.f32 v8, v4;
	v24 =	vunpack.i.l.bf16.f32 v16;
	v8 =	vunpack.i.u.bf16.f32 v16;
	v16 =	vld.idx.msk [tilespmem:v22+s12+$0x0], $0xffff  }
0x2ae: {  	v15 =	vmul.bf16 v19, v15;
	v19 =	vld.idx.msk [tilespmem:v22+s13+$0x0], $0xffff  }
0x2af: {  	v22 =	vld [tilespmem:$0x1FEE0]  }
0x2b0: {  	v11 =	vadd.f32 v24, v11;
	v20 =	vor.u32 v20, v3  }
0x2b1: {  	v5 =	vadd.f32 v8, v5;
	v24 =	vunpack.i.l.bf16.f32 v17;
	v8 =	vunpack.i.u.bf16.f32 v17;
	v17 =	vld.idx.msk [tilespmem:v23+s12+$0x0], $0xffff  }
0x2b2: {  	v13 =	vmul.bf16 v21, v13;
	v21 =	vld.idx.msk [tilespmem:v23+s13+$0x0], $0xffff  }
0x2b3: {  	v23 =	vld [tilespmem:$0x1FEF0]  }
0x2b4: {  	v9 =	vadd.f32 v24, v9;
	v22 =	vor.u32 v22, v3  }
0x2b5: {  	v24 =	vunpack.i.l.bf16.f32 v15;
	v6 =	vadd.f32 v8, v6;
	v8 =	vunpack.i.u.bf16.f32 v15;
	v15 =	vld.idx.msk [tilespmem:v20+s12+$0x0], $0xffff  }
0x2b6: {  	v14 =	vmul.bf16 v18, v14;
	v18 =	vld.idx.msk [tilespmem:v20+s13+$0x0], $0xffff  }
0x2b7: {  	v20 =	vld [tilespmem:$0x1FF00]  }
0x2b8: {  	v10 =	vadd.f32 v24, v10;
	v23 =	vor.u32 v23, v3  }
0x2b9: {  	v7 =	vadd.f32 v8, v7;
	v24 =	vunpack.i.l.bf16.f32 v13;
	v8 =	vunpack.i.u.bf16.f32 v13;
	v13 =	vld.idx.msk [tilespmem:v22+s12+$0x0], $0xffff  }
0x2ba: {  	v16 =	vmul.bf16 v19, v16;
	v19 =	vld.idx.msk [tilespmem:v22+s13+$0x0], $0xffff  }
0x2bb: {  	v22 =	vld [tilespmem:$0x1FC30]  }
0x2bc: {  	v12 =	vadd.f32 v24, v12;
	v20 =	vor.u32 v20, v3  }
0x2bd: {  	v4 =	vadd.f32 v8, v4;
	v24 =	vunpack.i.l.bf16.f32 v14;
	v8 =	vunpack.i.u.bf16.f32 v14;
	v14 =	vld.idx.msk [tilespmem:v23+s12+$0x0], $0xffff  }
0x2be: {  	v17 =	vmul.bf16 v21, v17;
	v21 =	vld.idx.msk [tilespmem:v23+s13+$0x0], $0xffff  }
0x2bf: {  	v23 =	vld [tilespmem:$0x1FC40]  }
0x2c0: {  	v11 =	vadd.f32 v24, v11;
	v22 =	vor.u32 v22, v3  }
0x2c1: {  	v24 =	vunpack.i.l.bf16.f32 v16;
	v5 =	vadd.f32 v8, v5;
	v8 =	vunpack.i.u.bf16.f32 v16;
	v16 =	vld.idx.msk [tilespmem:v20+s12+$0x0], $0xffff  }
0x2c2: {  	v15 =	vmul.bf16 v18, v15;
	v18 =	vld.idx.msk [tilespmem:v20+s13+$0x0], $0xffff  }
0x2c3: {  	v20 =	vld [tilespmem:$0x1FC50]  }
0x2c4: {  	v9 =	vadd.f32 v24, v9;
	v23 =	vor.u32 v23, v3  }
0x2c5: {  	v6 =	vadd.f32 v8, v6;
	v24 =	vunpack.i.l.bf16.f32 v17;
	v8 =	vunpack.i.u.bf16.f32 v17;
	v17 =	vld.idx.msk [tilespmem:v22+s12+$0x0], $0xffff  }
0x2c6: {  	v13 =	vmul.bf16 v19, v13;
	v19 =	vld.idx.msk [tilespmem:v22+s13+$0x0], $0xffff;
	v22 =	vor.u32 v0, v3  }
0x2c7: {  	v10 =	vadd.f32 v24, v10;
	v7 =	vadd.f32 v8, v7;
	v24 =	vunpack.i.l.bf16.f32 v15  }
0x2c8: {  	v8 =	vunpack.i.u.bf16.f32 v15;
	v12 =	vadd.f32 v24, v12;
	v20 =	vor.u32 v20, v3  }
0x2c9: {  	v24 =	vunpack.i.l.bf16.f32 v13;
	v4 =	vadd.f32 v8, v4;
	v14 =	vmul.bf16 v21, v14;
	v15 =	vld.idx.msk [tilespmem:v23+s12+$0x0], $0xffff  }
0x2ca: {  	v8 =	vunpack.i.u.bf16.f32 v13;
	v11 =	vadd.f32 v24, v11;
	v21 =	vld.idx.msk [tilespmem:v23+s13+$0x0], $0xffff;
	v23 =	vor.u32 v39, v3  }
0x2cb: {  	v5 =	vadd.f32 v8, v5;
	v24 =	vunpack.i.l.bf16.f32 v14;
	v8 =	vunpack.i.u.bf16.f32 v14;
	v14 =	vld.idx.msk [tilespmem:v22+s12+$0x0], $0xffff  }
0x2cc: {  	v16 =	vmul.bf16 v18, v16;
	v17 =	vmul.bf16 v19, v17;
	v19 =	vld.idx.msk [tilespmem:v22+s13+$0x0], $0xffff;
	v22 =	vor.u32 v42, v3  }
0x2cd: {  	v9 =	vadd.f32 v24, v9;
	v13 =	vld.idx.msk [tilespmem:v20+s12+$0x0], $0xffff  }
0x2ce: {  	v6 =	vadd.f32 v8, v6;
	v24 =	vunpack.i.l.bf16.f32 v16;
	v18 =	vld.idx.msk [tilespmem:v20+s13+$0x0], $0xffff;
	v20 =	vor.u32 v41, v3  }
0x2cf: {  	v8 =	vunpack.i.u.bf16.f32 v16;
	v10 =	vadd.f32 v24, v10;
	v24 =	vunpack.i.l.bf16.f32 v17;
	v16 =	vld.idx.msk [tilespmem:v23+s12+$0x0], $0xffff  }
0x2d0: {  	v7 =	vadd.f32 v8, v7;
	v15 =	vmul.bf16 v21, v15;
	v21 =	vld.idx.msk [tilespmem:v23+s13+$0x0], $0xffff;
	v23 =	vor.u32 v47, v3  }
0x2d1: {  	v8 =	vunpack.i.u.bf16.f32 v17;
	v12 =	vadd.f32 v24, v12;
	v14 =	vmul.bf16 v19, v14;
	v19 =	vld.idx.msk [tilespmem:v22+s13+$0x0], $0xffff  }
0x2d2: {  	v4 =	vadd.f32 v8, v4;
	v24 =	vunpack.i.l.bf16.f32 v15;
	v8 =	vunpack.i.u.bf16.f32 v15;
	v15 =	vld.idx.msk [tilespmem:v22+s12+$0x0], $0xffff  }
0x2d3: {  	v22 =	vor.u32 v55, v3;
	v17 =	vld.idx.msk [tilespmem:v20+s12+$0x0], $0xffff  }
0x2d4: {  	v11 =	vadd.f32 v24, v11;
	v13 =	vmul.bf16 v18, v13;
	v18 =	vld.idx.msk [tilespmem:v20+s13+$0x0], $0xffff  }
0x2d5: {  	v5 =	vadd.f32 v8, v5;
	v20 =	vor.u32 v51, v3;
	v16 =	vmul.bf16 v21, v16;
	v21 =	vld.idx.msk [tilespmem:v23+s13+$0x0], $0xffff  }
0x2d6: {  	v24 =	vunpack.i.l.bf16.f32 v13;
	v8 =	vunpack.i.u.bf16.f32 v13;
	v13 =	vld.idx.msk [tilespmem:v23+s12+$0x0], $0xffff;
	v23 =	vor.u32 v57, v3  }
0x2d7: {  	v15 =	vmul.bf16 v19, v15;
	v9 =	vadd.f32 v24, v9;
	v24 =	vunpack.i.l.bf16.f32 v14  }
0x2d8: {  	v19 =	vld.idx.msk [tilespmem:v22+s13+$0x0], $0xffff;
	v6 =	vadd.f32 v8, v6;
	v8 =	vunpack.i.u.bf16.f32 v14;
	v10 =	vadd.f32 v24, v10  }
0x2d9: {  	v24 =	vunpack.i.l.bf16.f32 v16;
	v7 =	vadd.f32 v8, v7;
	v8 =	vunpack.i.u.bf16.f32 v16;
	v16 =	vld.idx.msk [tilespmem:v22+s12+$0x0], $0xffff  }
0x2da: {  	v22 =	vor.u32 v44, v3;
	v14 =	vld.idx.msk [tilespmem:v20+s12+$0x0], $0xffff;
	v17 =	vmul.bf16 v18, v17  }
0x2db: {  	v18 =	vld.idx.msk [tilespmem:v20+s13+$0x0], $0xffff;
	v20 =	vor.u32 v58, v3;
	v12 =	vadd.f32 v24, v12;
	v4 =	vadd.f32 v8, v4  }
0x2dc: {  	v24 =	vunpack.i.l.bf16.f32 v17;
	v8 =	vunpack.i.u.bf16.f32 v17;
	v17 =	vld.idx.msk [tilespmem:v23+s12+$0x0], $0xffff;
	v13 =	vmul.bf16 v21, v13  }
0x2dd: {  	v21 =	vld.idx.msk [tilespmem:v23+s13+$0x0], $0xffff;
	v23 =	vor.u32 v45, v3;
	v11 =	vadd.f32 v24, v11;
	v24 =	vunpack.i.l.bf16.f32 v15  }
0x2de: {  	v5 =	vadd.f32 v8, v5;
	v8 =	vunpack.i.u.bf16.f32 v15;
	v9 =	vadd.f32 v24, v9  }
0x2df: {  	v24 =	vunpack.i.l.bf16.f32 v13;
	v6 =	vadd.f32 v8, v6;
	v8 =	vunpack.i.u.bf16.f32 v13;
	v13 =	vld.idx.msk [tilespmem:v22+s12+$0x0], $0xffff  }
0x2e0: {  	v16 =	vmul.bf16 v19, v16;
	v19 =	vld.idx.msk [tilespmem:v22+s13+$0x0], $0xffff  }
0x2e1: {  	v22 =	vor.u32 v49, v3;
	v15 =	vld.idx.msk [tilespmem:v20+s12+$0x0], $0xffff;
	v14 =	vmul.bf16 v18, v14  }
0x2e2: {  	v18 =	vld.idx.msk [tilespmem:v20+s13+$0x0], $0xffff;
	v20 =	vor.u32 v46, v3;
	v10 =	vadd.f32 v24, v10;
	v7 =	vadd.f32 v8, v7  }
0x2e3: {  	v24 =	vunpack.i.l.bf16.f32 v14;
	v8 =	vunpack.i.u.bf16.f32 v14;
	v14 =	vld.idx.msk [tilespmem:v23+s12+$0x0], $0xffff;
	v17 =	vmul.bf16 v21, v17  }
0x2e4: {  	v21 =	vld.idx.msk [tilespmem:v23+s13+$0x0], $0xffff;
	v23 =	vor.u32 v50, v3;
	v12 =	vadd.f32 v24, v12;
	v24 =	vunpack.i.l.bf16.f32 v16  }
0x2e5: {  	v4 =	vadd.f32 v8, v4;
	v8 =	vunpack.i.u.bf16.f32 v16;
	v11 =	vadd.f32 v24, v11  }
0x2e6: {  	v24 =	vunpack.i.l.bf16.f32 v17;
	v5 =	vadd.f32 v8, v5;
	v8 =	vunpack.i.u.bf16.f32 v17;
	v17 =	vld.idx.msk [tilespmem:v22+s12+$0x0], $0xffff  }
0x2e7: {  	v13 =	vmul.bf16 v19, v13;
	v19 =	vld.idx.msk [tilespmem:v22+s13+$0x0], $0xffff  }
0x2e8: {  	v22 =	vor.u32 v48, v3;
	v16 =	vld.idx.msk [tilespmem:v20+s12+$0x0], $0xffff;
	v15 =	vmul.bf16 v18, v15  }
0x2e9: {  	v18 =	vld.idx.msk [tilespmem:v20+s13+$0x0], $0xffff;
	v20 =	vor.u32 v43, v3;
	v9 =	vadd.f32 v24, v9;
	v6 =	vadd.f32 v8, v6  }
0x2ea: {  	v24 =	vunpack.i.l.bf16.f32 v15;
	v8 =	vunpack.i.u.bf16.f32 v15;
	v15 =	vld.idx.msk [tilespmem:v23+s12+$0x0], $0xffff;
	v14 =	vmul.bf16 v21, v14  }
0x2eb: {  	v21 =	vld.idx.msk [tilespmem:v23+s13+$0x0], $0xffff;
	v23 =	vor.u32 v52, v3;
	v10 =	vadd.f32 v24, v10;
	v24 =	vunpack.i.l.bf16.f32 v13  }
0x2ec: {  	v7 =	vadd.f32 v8, v7;
	v8 =	vunpack.i.u.bf16.f32 v13;
	v12 =	vadd.f32 v24, v12  }
0x2ed: {  	v24 =	vunpack.i.l.bf16.f32 v14;
	v4 =	vadd.f32 v8, v4;
	v8 =	vunpack.i.u.bf16.f32 v14;
	v14 =	vld.idx.msk [tilespmem:v22+s12+$0x0], $0xffff  }
0x2ee: {  	v17 =	vmul.bf16 v19, v17;
	v19 =	vld.idx.msk [tilespmem:v22+s13+$0x0], $0xffff  }
0x2ef: {  	v22 =	vor.u32 v53, v3;
	v13 =	vld.idx.msk [tilespmem:v20+s12+$0x0], $0xffff;
	v16 =	vmul.bf16 v18, v16  }
0x2f0: {  	v18 =	vld.idx.msk [tilespmem:v20+s13+$0x0], $0xffff;
	v20 =	vor.u32 v54, v3;
	v11 =	vadd.f32 v24, v11;
	v5 =	vadd.f32 v8, v5  }
0x2f1: {  	v24 =	vunpack.i.l.bf16.f32 v16;
	v8 =	vunpack.i.u.bf16.f32 v16;
	v16 =	vld.idx.msk [tilespmem:v23+s12+$0x0], $0xffff;
	v15 =	vmul.bf16 v21, v15  }
0x2f2: {  	v21 =	vld.idx.msk [tilespmem:v23+s13+$0x0], $0xffff;
	v23 =	vor.u32 v61, v3;
	v9 =	vadd.f32 v24, v9;
	v24 =	vunpack.i.l.bf16.f32 v17  }
0x2f3: {  	v6 =	vadd.f32 v8, v6;
	v8 =	vunpack.i.u.bf16.f32 v17;
	v10 =	vadd.f32 v24, v10  }
0x2f4: {  	v24 =	vunpack.i.l.bf16.f32 v15;
	v7 =	vadd.f32 v8, v7;
	v8 =	vunpack.i.u.bf16.f32 v15;
	v15 =	vld.idx.msk [tilespmem:v22+s12+$0x0], $0xffff  }
0x2f5: {  	v14 =	vmul.bf16 v19, v14;
	v19 =	vld.idx.msk [tilespmem:v22+s13+$0x0], $0xffff  }
0x2f6: {  	v22 =	vor.u32 v63, v3;
	v17 =	vld.idx.msk [tilespmem:v20+s12+$0x0], $0xffff;
	v13 =	vmul.bf16 v18, v13  }
0x2f7: {  	v18 =	vld.idx.msk [tilespmem:v20+s13+$0x0], $0xffff;
	v20 =	vor.u32 v62, v3;
	v12 =	vadd.f32 v24, v12;
	v4 =	vadd.f32 v8, v4  }
0x2f8: {  	v24 =	vunpack.i.l.bf16.f32 v13;
	v8 =	vunpack.i.u.bf16.f32 v13;
	v13 =	vld.idx.msk [tilespmem:v23+s12+$0x0], $0xffff;
	v16 =	vmul.bf16 v21, v16  }
0x2f9: {  	v21 =	vld.idx.msk [tilespmem:v23+s13+$0x0], $0xffff;
	v23 =	vor.u32 v56, v3;
	v11 =	vadd.f32 v24, v11;
	v24 =	vunpack.i.l.bf16.f32 v14  }
0x2fa: {  	v5 =	vadd.f32 v8, v5;
	v8 =	vunpack.i.u.bf16.f32 v14;
	v9 =	vadd.f32 v24, v9  }
0x2fb: {  	v24 =	vunpack.i.l.bf16.f32 v16;
	v6 =	vadd.f32 v8, v6;
	v8 =	vunpack.i.u.bf16.f32 v16;
	v16 =	vld.idx.msk [tilespmem:v22+s12+$0x0], $0xffff  }
0x2fc: {  	v15 =	vmul.bf16 v19, v15;
	v19 =	vld.idx.msk [tilespmem:v22+s13+$0x0], $0xffff  }
0x2fd: {  	v22 =	vor.u32 v2, v3;
	v14 =	vld.idx.msk [tilespmem:v20+s12+$0x0], $0xffff;
	v17 =	vmul.bf16 v18, v17  }
0x2fe: {  	v18 =	vld.idx.msk [tilespmem:v20+s13+$0x0], $0xffff;
	v20 =	vor.u32 v59, v3;
	v10 =	vadd.f32 v24, v10;
	v7 =	vadd.f32 v8, v7  }
0x2ff: {  	v24 =	vunpack.i.l.bf16.f32 v17;
	v8 =	vunpack.i.u.bf16.f32 v17;
	v17 =	vld.idx.msk [tilespmem:v23+s12+$0x0], $0xffff;
	v13 =	vmul.bf16 v21, v13  }
0x300: {  	v21 =	vld.idx.msk [tilespmem:v23+s13+$0x0], $0xffff;
	v23 =	vor.u32 v60, v3;
	v12 =	vadd.f32 v24, v12;
	v24 =	vunpack.i.l.bf16.f32 v15  }
0x301: {  	v4 =	vadd.f32 v8, v4;
	v8 =	vunpack.i.u.bf16.f32 v15;
	v11 =	vadd.f32 v24, v11  }
0x302: {  	v24 =	vunpack.i.l.bf16.f32 v13;
	v5 =	vadd.f32 v8, v5;
	v8 =	vunpack.i.u.bf16.f32 v13;
	v13 =	vld.idx.msk [tilespmem:v22+s12+$0x0], $0xffff  }
0x303: {  	v16 =	vmul.bf16 v19, v16;
	v19 =	vld.idx.msk [tilespmem:v22+s13+$0x0], $0xffff  }
0x304: {  	v22 =	vor.u32 v38, v3;
	v15 =	vld.idx.msk [tilespmem:v20+s12+$0x0], $0xffff  }
0x305: {  	v14 =	vmul.bf16 v18, v14;
	v18 =	vld.idx.msk [tilespmem:v20+s13+$0x0], $0xffff;
	v20 =	vor.u32 v1, v3  }
0x306: {  	v9 =	vadd.f32 v24, v9;
	v6 =	vadd.f32 v8, v6  }
0x307: {  	v3 =	vor.u32 v40, v3;
	v24 =	vunpack.i.l.bf16.f32 v14;
	v8 =	vunpack.i.u.bf16.f32 v14;
	v14 =	vld.idx.msk [tilespmem:v23+s12+$0x0], $0xffff  }
0x308: {  	v23 =	vld.idx.msk [tilespmem:v23+s13+$0x0], $0xffff  }
0x309: {  	v17 =	vmul.bf16 v21, v17;
	v13 =	vmul.bf16 v19, v13;
	v19 =	vld.idx.msk [tilespmem:v22+s13+$0x0], $0xffff  }
0x30a: {  	v21 =	vunpack.i.l.bf16.f32 v16;
	v7 =	vadd.f32 v8, v7;
	v8 =	vunpack.i.u.bf16.f32 v16;
	v16 =	vld.idx.msk [tilespmem:v20+s12+$0x0], $0xffff  }
0x30b: {  	v4 =	vadd.f32 v8, v4;
	v8 =	vmul.bf16 v18, v15;
	v18 =	vld.idx.msk [tilespmem:v20+s13+$0x0], $0xffff  }
0x30c: {  	v10 =	vadd.f32 v24, v10;
	v15 =	vunpack.i.l.bf16.f32 v17;
	v20 =	vld.idx.msk [tilespmem:v3+s12+$0x0], $0xffff  }
0x30d: {  	v12 =	vadd.f32 v21, v12;
	v11 =	vadd.f32 v15, v11;
	v15 =	vunpack.i.u.bf16.f32 v17;
	v17 =	vld.idx.msk [tilespmem:v22+s12+$0x0], $0xffff  }
0x30e: {  	v3 =	vld.idx.msk [tilespmem:v3+s13+$0x0], $0xffff;
	v5 =	vadd.f32 v15, v5;
	v15 =	vunpack.i.u.bf16.f32 v8;
	v8 =	vunpack.i.l.bf16.f32 v8  }
0x30f: {  	v14 =	vmul.bf16 v23, v14;
	v8 =	vadd.f32 v8, v9;
	v9 =	vunpack.i.l.bf16.f32 v13  }
0x310: {  	v6 =	vadd.f32 v15, v6;
	v9 =	vadd.f32 v9, v10;
	v10 =	vunpack.i.u.bf16.f32 v13  }
0x311: {  	v15 =	vunpack.i.l.bf16.f32 v14;
	v13 =	vmul.bf16 v18, v16;
	v7 =	vadd.f32 v10, v7  }
0x312: {  	v10 =	vadd.f32 v15, v12;
	v12 =	vunpack.i.u.bf16.f32 v14;
	v14 =	vmul.bf16 v19, v17  }
0x313: {  	v3 =	vmul.bf16 v3, v20;
	v4 =	vadd.f32 v12, v4;
	v15 =	vunpack.i.l.bf16.f32 v13  }
0x314: {  	v12 =	vunpack.i.u.bf16.f32 v13;
	v11 =	vadd.f32 v15, v11;
	v13 =	vunpack.i.l.bf16.f32 v14  }
0x315: {  	v5 =	vadd.f32 v12, v5;
	v12 =	vunpack.i.u.bf16.f32 v14;
	v8 =	vadd.f32 v13, v8  }
0x316: {  	v6 =	vadd.f32 v12, v6;
	v12 =	vunpack.i.u.bf16.f32 v3;
	v3 =	vunpack.i.l.bf16.f32 v3  }
0x317: {  	v3 =	vadd.f32 v3, v9;
	v7 =	vadd.f32 v12, v7  }
0x318: {  	v4 =	vadd.f32 v10, v4;
	v5 =	vadd.f32 v11, v5  }
0x319: {  	v6 =	vadd.f32 v8, v6;
	v3 =	vadd.f32 v3, v7;
	_ =	sdelay $0x1  }
0x31a: {  	v4 =	vadd.f32 v5, v4;
	v3 =	vadd.f32 v3, v6;
	_ =	sdelay $0x1  }
0x31b: {  	v3 =	vadd.f32 v3, v4;
	_ =	sdelay $0x1  }
0x31c: {  	v4 =	vmul.f32 $1.442695020e+00, v3;
	_ =	sdelay $0x1  }
0x31d: {  	(erf) = vpow2.f32 v4  }
0x31e: {  	[tilespmem:s23+$0x0] =	vst v3  }
0x31f: {  	v3 =	vld [tilespmem:s24+$0x0];
	_ =	sdelay $0x2  }
0x320: {  	p0 =	sne.s32 s22, $0x40  }
.Ltmp4:
0x321: {  	_ = 	snop;
	(pc) =	sbr.rel @p0 .LBB2_10-.Ltmp4, $4  }
0x322: {  	_ = 	snop  }
0x323: {  	v24 =	vmov v37  }
0x324: {  	v22 =	vmov v36;
	v18 =	vmov v34;
	v16 =	vmov v33;
	v4 =	vpop (erf)  }
0x325: {  	s22 =	sadd.s32 $0x10, s22;
	v20 =	vmovc v35;
	v14 =	vmovc v32;
	v7 =	vmov v28;
	v5 =	vmov v26;
	v6 =	vmov v27;
	s23 =	sadd.s32 $0x10, s23;
	s24 =	sadd.s32 $0x10, s24;
	[tilespmem:v3+s18+$0x0] =	vst.idx.add.f32.msk $0xffff, v4  }
0x326: {  	[hbm4b:s7+s2] =	stream.linear.scatter [tilespmem:s20], [sflag:$0x3], $0x2710, $0x38;
	[tilespmem:$0xED30] =	vst v63  }
0x327: {  	s21 =	sadd.s32 $0x1, s21;
	_ =	swait.ge [sflag:s10], $0x2710  }
0x328: {  	p0 =	sne.s32 s21, s9;
	[sflag:s10] =	ssyncset.done $0x0  }
.Ltmp5:
0x329: {  	[sflag:s10] =	ssyncadd.s32 $0xFFFFD8F0;
	(pc) =	sbr.rel @p0 .LBB2_1-.Ltmp5, $4  }
0x32a: {  	[hbm4b:s8+s2] =	stream.linear.scatter [tilespmem:s18], [sflag:$0x3], $0x2800, $0x38;
	[tilespmem:$0xED30] =	vst v63  }
0x32b: {  	_ =	swait.ge [sflag:s10], $0x2800  }
0x32c: {  	[sflag:s10] =	ssyncset.done $0x0  }
0x32d: {  	v12 =	vmovc v31;
	v10 =	vmov v30;
	v8 =	vmov v29;
	v4 =	vimm.f32 $0.0e+00;
	[sflag:s10] =	ssyncadd.s32 $0xFFFFD800  }
0x32e: {  	_ =	sfence.sel $0x180000  }
0x32f: {  	[bflag:$0x0] =	sbarrier.arrive $0xFFFF  }
0x330: {  	p0 =	sne.s32 s1, $0x0;
	_ =	strace $0x90000047  }
0x331: {  	s0 =	sadd.s32 @!p0 $0x100000, s0;
	[bflag:$0x2] =	sbarrier.arrive $0xFFFF  }
0x332: {  	[sflag:s0] =	ssyncadd.tile.s32 @!p0 $0x1;
	_ =	shalt  }
.Lfunc_end2:
_tile_overlayer_lowered:
.L_overlay_start_2:
0x333: {  	(tag) =	ssettag $0x2  }
0x334: {  	s0 =	rddreg [dreg:$0x0];
	s2 =	stileid.u32  }
0x335: {  	s1 =	rddreg [dreg:$0x1];
	p0 =	sne.s32 s2, $0x0  }
0x336: {  	s3 =	rddreg [dreg:$0x2];
	[bflag:$0x3] =	sbarrier.arrive $0xFFFF;
	s2 =	simm.s32 @!p0 $0x1C03  }
0x337: {  	[timem:s3], [sflag:s2] =	dma.local @!p0 [hbm:s0], s1  }
0x338: {  	s0 =	simm.s32 @!p0 $0x3  }
0x339: {  	_ =	swait.ge @!p0 [sflag:s0], s1  }
0x33a: {  	s1 =	ssub.s32 @!p0 $0x0, s1;
	[sflag:s0] =	ssyncset.done @!p0 $0x0  }
0x33b: {  	[sflag:s0] =	ssyncadd.s32 @!p0 s1  }
0x33c: {  	[bflag:$0x3] =	sbarrier.arrive $0xFFFF  }
0x33d: {  	_ =	shalt  }

// kernel: kernel.9.cloned.1.call-start
scs
__scs_entry_jumppad:
0x0: {  	(pc) =	sbr.rel $0x88, $3  }
0x1: {  	(tag) =	ssettag $0x0;
	lr =	simm.s32 $0x1  }
0x2: {  	[smem:$0x3F9B] =	sst lr;
	_ =	strace $0xD0000000  }
0x3: {  	_ = 	snop  }
0x4: {  	_ = 	snop  }
0x5: {  	_ = 	snop  }
0x6: {  	_ = 	snop  }
0x7: {  	_ = 	snop  }
__scs_overlays_trampoline_lowered:
0x8: {  	[smem:$0x3FAA] =	sst s0  }
0x9: {  	[smem:$0x3FAB] =	sst s1  }
0xa: {  	[smem:$0x3FAC] =	sst s2  }
0xb: {  	[smem:$0x3FAD] =	sst s3  }
0xc: {  	[smem:$0x3FAE] =	sst s4  }
0xd: {  	[smem:$0x3FAF] =	sst s5  }
0xe: {  	[smem:$0x3FB0] =	sst s6  }
0xf: {  	[smem:$0x3FB1] =	sst s7  }
0x10: {  	[smem:$0x3FB2] =	sst s8  }
0x11: {  	[smem:$0x3FB3] =	sst s9;
	s0 =	simm.s32 @!p0 $0x0  }
0x12: {  	s1 =	sld [smem:$0x3F99];
	s0 =	simm.s32 @p0 $0x1  }
0x13: {  	[smem:$0x3FB4] =	sst s0;
	s0 =	simm.s32 @!p1 $0x0  }
0x14: {  	s2 =	sld [smem:$0x3F98];
	s0 =	simm.s32 @p1 $0x1  }
0x15: {  	[smem:$0x3FB5] =	sst s0;
	s0 =	simm.s32 @!p2 $0x0  }
0x16: {  	s3 =	sld [smem:$0x3FDB];
	s0 =	simm.s32 @p2 $0x1  }
0x17: {  	s4 =	simm.s32 $0x1BF5;
	[smem:$0x3FB7] =	sst s0  }
0x18: {  	s0 =	sld [smem:$0x3F9A];
	_ =	swait.ge [sflag:s4], $0x0  }
0x19: {  	s7 =	sld [smem:$0x3F9B]  }
0x1a: {  	s8 =	sadd.s32 $0xFFFFE003, lr  }
0x1b: {  	s9 =	sadd.s32 $0xFFFFFEF7, lr;
	s5 =	simm.s32 $0xFFFFFFFF;
	p2 =	slt.u32 s8, $0xFFFFF086  }
0x1c: {  	p1 =	slt.u32 s9, $0xF7A;
	s5 =	simm.s32 @!p2 $0x0  }
0x1d: {  	s5 =	simm.s32 @p1 $0x1;
	p0 =	seq.s32 s7, s2  }
0x1e: {  	s7 =	smul.u32 @!p0 $0xF7A, s2;
	p2 =	seq.s32 @!p0 s5, $0x0  }
0x1f: {  	s9 =	smul.u32 $0xF7A, s1;
	s8 =	simm.s32 @!p0 $0x1BF5;
	p2 =	por !p2, p0  }
0x20: {  	[sflag:s8] =	ssyncset.s32 @!p0 $0xFFFFF086;
	s6 =	sadd.s32 @!p0 s3, s7;
	s7 =	simm.s32 @!p0 $0x108  }
0x21: {  	s3 =	sadd.s32 s3, s9;
	s6 =	sadd.s32 @!p0 $0x88, s6;
	s7 =	simm.s32 @p2 $0x1082  }
0x22: {  	[simem:s7], [sflag:s8] =	dma.local @!p0 [hbm:s6], $0xF7A  }
0x23: {  	s9 =	sor.u32 $0xD0000000, s2;
	s6 =	simm.s32 $0x108;
	_ =	swait.ge @!p0 [sflag:s8], $0x0  }
0x24: {  	s3 =	sadd.s32 $0x88, s3;
	s6 =	simm.s32 @!p1 $0x1082;
	[sflag:s4] =	ssyncset.s32 $0xFFFFF086  }
0x25: {  	[simem:s6], [sflag:s4] =	dma.local [hbm:s3], $0xF7A  }
0x26: {  	[smem:$0x3F9B] =	sst s1;
	(tag) =	ssettag s2;
	_ =	strace s9  }
0x27: {  	s1 =	sld [smem:$0x3FAB]  }
0x28: {  	s2 =	sld [smem:$0x3FAC]  }
0x29: {  	s4 =	sld [smem:$0x3FAE]  }
0x2a: {  	p0 =	seq.s32 s5, $0x0;
	s5 =	sld [smem:$0x3FAF]  }
0x2b: {  	s6 =	sld [smem:$0x3FB0]  }
0x2c: {  	s7 =	sld [smem:$0x3FB1]  }
0x2d: {  	s3 =	simm.s32 $0x108;
	s8 =	sld [smem:$0x3FB2]  }
0x2e: {  	s3 =	simm.s32 @!p0 $0x1082;
	s9 =	sld [smem:$0x3FB3]  }
0x2f: {  	lr =	sadd.s32 s0, s3;
	s0 =	sld [smem:$0x3FAA]  }
0x30: {  	s3 =	sld [smem:$0x3FAD]  }
0x31: {  	[smem:$0x3FB6] =	sst s10  }
0x32: {  	s10 =	sld [smem:$0x3FB4];
	_ =	sdelay $0x3  }
0x33: {  	p0 =	seq.s32 s10, $0x1;
	s10 =	sld [smem:$0x3FB6];
	_ =	sdelay $0x3  }
0x34: {  	[smem:$0x3FB6] =	sst s10  }
0x35: {  	s10 =	sld [smem:$0x3FB5];
	_ =	sdelay $0x3  }
0x36: {  	p1 =	seq.s32 s10, $0x1;
	s10 =	sld [smem:$0x3FB6];
	_ =	sdelay $0x3  }
0x37: {  	[smem:$0x3FB6] =	sst s10  }
0x38: {  	s10 =	sld [smem:$0x3FB7]  }
0x39: {  	_ = 	snop;
	(pc) =	sbr.ind lr, $3  }
0x3a: {  	_ = 	snop  }
0x3b: {  	_ = 	snop  }
0x3c: {  	p2 =	seq.s32 s10, $0x1;
	s10 =	sld [smem:$0x3FB6]  }
0x3d: {  	_ =	shalt  }
0x3e: {  	_ =	shalt  }
0x3f: {  	_ =	shalt  }
0x40: {  	_ =	shalt  }
0x41: {  	_ =	shalt  }
0x42: {  	_ =	shalt  }
0x43: {  	_ =	shalt  }
0x44: {  	_ =	shalt  }
0x45: {  	_ =	shalt  }
0x46: {  	_ =	shalt  }
0x47: {  	_ =	shalt  }
0x48: {  	_ =	shalt  }
0x49: {  	_ =	shalt  }
0x4a: {  	_ =	shalt  }
0x4b: {  	_ =	shalt  }
0x4c: {  	_ =	shalt  }
0x4d: {  	_ =	shalt  }
0x4e: {  	_ =	shalt  }
0x4f: {  	_ =	shalt  }
0x50: {  	_ =	shalt  }
0x51: {  	_ =	shalt  }
0x52: {  	_ =	shalt  }
0x53: {  	_ =	shalt  }
0x54: {  	_ =	shalt  }
0x55: {  	_ =	shalt  }
0x56: {  	_ =	shalt  }
0x57: {  	_ =	shalt  }
0x58: {  	_ =	shalt  }
0x59: {  	_ =	shalt  }
0x5a: {  	_ =	shalt  }
0x5b: {  	_ =	shalt  }
0x5c: {  	_ =	shalt  }
0x5d: {  	_ =	shalt  }
0x5e: {  	_ =	shalt  }
0x5f: {  	_ =	shalt  }
0x60: {  	_ =	shalt  }
0x61: {  	_ =	shalt  }
0x62: {  	_ =	shalt  }
0x63: {  	_ =	shalt  }
0x64: {  	_ =	shalt  }
0x65: {  	_ =	shalt  }
0x66: {  	_ =	shalt  }
0x67: {  	_ =	shalt  }
0x68: {  	_ =	shalt  }
0x69: {  	_ =	shalt  }
0x6a: {  	_ =	shalt  }
0x6b: {  	_ =	shalt  }
0x6c: {  	_ =	shalt  }
0x6d: {  	_ =	shalt  }
0x6e: {  	_ =	shalt  }
0x6f: {  	_ =	shalt  }
0x70: {  	_ =	shalt  }
0x71: {  	_ =	shalt  }
0x72: {  	_ =	shalt  }
0x73: {  	_ =	shalt  }
0x74: {  	_ =	shalt  }
0x75: {  	_ =	shalt  }
0x76: {  	_ =	shalt  }
0x77: {  	_ =	shalt  }
0x78: {  	_ =	shalt  }
0x79: {  	_ =	shalt  }
0x7a: {  	_ =	shalt  }
0x7b: {  	_ =	shalt  }
0x7c: {  	_ =	shalt  }
0x7d: {  	_ =	shalt  }
0x7e: {  	_ =	shalt  }
0x7f: {  	_ =	shalt  }
0x80: {  	_ =	shalt  }
0x81: {  	_ =	shalt  }
0x82: {  	_ =	shalt  }
0x83: {  	_ =	shalt  }
0x84: {  	_ =	shalt  }
0x85: {  	_ =	shalt  }
0x86: {  	_ =	shalt  }
0x87: {  	_ =	shalt  }
.Lfunc_end0:
.L_simem_size_0:
called_computation.1_lowered:
.L_overlay_start_0:
0x88: {  	s2 =	sld [smem:$0x3FD9]  }
0x89: {  	s3 =	sld [smem:$0x3FFE];
	_ =	sdelay $0x1  }
0x8a: {  	s1 =	srdreg.scid  }
0x8b: {  	s0 =	sand.u32 $0x1, s1  }
0x8c: {  	s17 =	sshll.u32 s0, $0xA;
	s2 =	sadd.s32 s3, s2  }
0x8d: {  	s2 =	sadd.s32 s2, s17  }
0x8e: {  	[smem:$0x3FC2] =	sst s2  }
0x8f: {  	_ = 	snop  }
0x90: {  	s2 =	sld [smem:$0x3FD0];
	(tm) =	ssettm $0x1  }
0x91: {  	s18 =	sld [smem:$0x3FFB];
	_ =	sdelay $0x3  }
0x92: {  	_ =	strace s18  }
0x93: {  	s3 =	sld [smem:$0x3FFC];
	_ =	sdelay $0x3  }
0x94: {  	_ =	strace s3  }
0x95: {  	s3 =	sld [smem:$0x3FFD];
	_ =	sdelay $0x3  }
0x96: {  	_ =	strace s3  }
0x97: {  	_ =	strace $0x8FFFFFFF  }
0x98: {  	s19 =	sld [smem:$0x3FDB];
	_ =	sdelay $0x1  }
0x99: {  	s4 =	simm.s32 $_scs_section_size  }
0x9a: {  	s5 =	simm.s32 $_size__tile_overlayer_lowered;
	s6 =	simm.s32 $_tile_overlayer_lowered  }
0x9b: {  	s22 =	simm.s32 $0x1BFF;
	s21 =	sshll.u32 s6, $0x1;
	s3 =	sadd.s32 s4, s19  }
0x9c: {  	s7 =	simm.s32 $0x0;
	s20 =	sshll.u32 s5, $0x1;
	s5 =	sadd.s32 s21, s3  }
0x9d: {  	[timem:s7], [sflag:s22] =	dma.local [hbm:s5], s20  }
0x9e: {  	_ =	swait.ge [sflag:s22], s20  }
0x9f: {  	s4 =	ssub.s32 $0x0, s20;
	[sflag:s22] =	ssyncset.done $0x0  }
0xa0: {  	[sflag:s22] =	ssyncadd.s32 s4;
	_ =	sdelay $0x1  }
0xa1: {  	s23 =	simm.s32 $0x1B8B  }
0xa2: {  	_ =	swait.ge [sflag:s23], $0x1  }
0xa3: {  	[sflag:s23] =	ssyncset.done $0x0  }
0xa4: {  	s25 =	simm.s32 $0x1B8E;
	s24 =	sld [smem:$0x3FFE];
	[sflag:s23] =	ssyncadd.s32 $0xFFFFFFFF  }
0xa5: {  	s26 =	simm.s32 $execute0_lowered;
	[smem:$0x3FD2] =	sst s25  }
0xa6: {  	s5 =	sshll.u32 s26, $0x1;
	_ =	strace $0x80000049;
	[dreg:$0x1] =	wrdreg $0xFFFFFFFF  }
0xa7: {  	s28 =	simm.s32 $_size_execute0_lowered;
	s3 =	sadd.s32 s3, s5;
	[dreg:$0x0] =	wrdreg $0x0  }
0xa8: {  	s5 =	sshll.u32 s28, $0x1;
	[dreg:$0x2] =	wrdreg s3  }
0xa9: {  	[dreg:$0x3] =	wrdreg s5  }
0xaa: {  	[dreg:$0x4] =	wrdreg $0xC0  }
0xab: {  	_ =	task [dreg:s7], $0x5FFFF  }
0xac: {  	[dreg:$0x1] =	wrdreg $0xFFFFFFFF  }
0xad: {  	[dreg:$0x0] =	wrdreg $0x60  }
0xae: {  	[dreg:$0x2] =	wrdreg s24  }
0xaf: {  	[dreg:$0x3] =	wrdreg s2  }
0xb0: {  	[dreg:$0x4] =	wrdreg $0x9  }
0xb1: {  	_ =	task.clear_ibuf [dreg:s7], $0x5FFFF;
	_ =	strace $0x90000049  }
0xb2: {  	s29 =	simm.s32 $0x9;
	_ =	strace $0x8000004B  }
0xb3: {  	_ =	swait.ge [sflag:s29], $0x1  }
0xb4: {  	[sflag:s29] =	ssyncadd.s32 $0xFFFFFFFF  }
0xb5: {  	_ =	strace $0x9000004B  }
0xb6: {  	_ =	sfence  }
0xb7: {  	s30 =	sld [smem:$0x0];
	_ =	sdelay $0x2  }
0xb8: {  	s31 =	sshll.u32 s1, $0xD;
	s1 =	sshrl.u32 s1, $0x2  }
0xb9: {  	s3 =	sand.u32 $0x4000, s31;
	s1 =	sadd.s32 s1, s30  }
0xba: {  	s0 =	sor.u32 s3, s0;
	s1 =	sshll.u32 s1, $0x11  }
0xbb: {  	s0 =	sor.u32 s1, s0  }
0xbc: {  	s0 =	sadd.s32 $0x8F2B, s0  }
0xbd: {  	[sflag:s0] =	ssyncadd.remote.s32 $0x1  }
0xbe: {  	_ =	sfence.sel $0xFFFF  }
0xbf: {  	[dreg:$0x0] =	wrdreg $0xFFFFFFFF;
	(pc) =	sbr.abs _section_cstart, $3  }
0xc0: {  	[dreg:$0x1] =	wrdreg $0xFFFFFFFF  }
0xc1: {  	_ =	task.clear_ibuf [dreg:s7], $0x2FFFF;
	_ =	strace $0x9FFFFFFF  }
0xc2: {  	(tm) =	ssettm $0x7FFFFFFF  }
0xc3: {  	_ =	shalt  }
tec
execute0_lowered:
.L_overlay_start_1:
0x0: {  	(tag) =	ssettag $0x1  }
0x1: {  	s3 =	rddreg [dreg:$0x0];
	s1 =	srdreg.scid  }
0x2: {  	s0 =	stileid.u32;
	s6 =	rddreg [dreg:$0x1];
	s2 =	simm.s32 $0x0  }
0x3: {  	s10 =	simm.s32 $0x4F10;
	s4 =	sand.u32 $0x1, s1;
	s5 =	sshll.u32 s0, $0x1  }
0x4: {  	s11 =	simm.s32 $0x7620;
	s12 =	simm.s32 $0x0;
	s5 =	sor.u32 s4, s5  }
0x5: {  	[smem:$0x7FF] =	sst s2;
	s4 =	ssub.s32 $0x2, s4;
	s7 =	smul.u32 $0x4E2, s5  }
0x6: {  	s1 =	rddreg [dreg:$0x2];
	_ =	strace $0x8000004A;
	s31 =	sshrl.u32 s4, $0x1  }
0x7: {  	s9 =	ssub.s32 s4, s31;
	s8 =	sadd.s32 s7, s3;
	s3 =	sadd.s32 $0x3C200, s3  }
0x8: {  	s6 =	sadd.s32 s6, s7;
	s7 =	smax.u32 s9, $0x1;
	s9 =	simm.s32 $0x2800  }
0x9: {  	s4 =	sadd.s32 $0x46200, s8;
	s5 =	sadd.s32 $0x28800, s8;
	s8 =	simm.s32 $0x1  }
.LBB2_1:
0xa: {  	[tilespmem:s2], [sflag:$0x1] =	stream.linear.gather [hbm4b:s3+s2], $0x2800, $0x38;
	[tilespmem:$0x9D30] =	vst v63  }
0xb: {  	_ =	swait.ge [sflag:s8], $0x2800  }
0xc: {  	[sflag:s8] =	ssyncset.done $0x0  }
0xd: {  	[sflag:s8] =	ssyncadd.s32 $0xFFFFD800  }
0xe: {  	[tilespmem:s9], [sflag:$0x1] =	stream.linear.gather [hbm4b:s4+s2], $0x2710, $0x38;
	[tilespmem:$0x9D30] =	vst v63  }
0xf: {  	_ =	swait.ge [sflag:s8], $0x2710  }
0x10: {  	[sflag:s8] =	ssyncset.done $0x0  }
0x11: {  	[sflag:s8] =	ssyncadd.s32 $0xFFFFD8F0  }
0x12: {  	[tilespmem:s10], [sflag:$0x1] =	stream.linear.gather [hbm4b:s5+s2], $0x2710, $0x38;
	[tilespmem:$0x9D30] =	vst v63  }
0x13: {  	_ =	swait.ge [sflag:s8], $0x2710  }
0x14: {  	[sflag:s8] =	ssyncset.done $0x0  }
0x15: {  	s13 =	simm.s32 $0x0;
	[sflag:s8] =	ssyncadd.s32 $0xFFFFD8F0  }
0x16: {  	v1 =	vld [tilespmem:s13+$0x4F10];
	_ =	sdelay $0x6  }
0x17: {  	v0 =	vld [tilespmem:s13+$0x2800]  }
0x18: {  	s14 =	simm.s32 $0x10;
	s15 =	simm.s32 $0x80;
	v1 =	vld.idx.msk [tilespmem:v1+s2+$0x0], $0xffff  }
.LBB2_2:
0x19: {  	p0 =	sne.s32 s15, $0x9C00;
	v2 =	vld [tilespmem:s14+$0x4F10];
	_ =	sdelay $0x3  }
.Ltmp0:
0x1a: {  	(pc) =	sbr.rel @p0 .LBB2_2-.Ltmp0, $3  }
0x1b: {  	v1 =	vsub.f32 v0, v1;
	_ =	sdelay $0x1  }
0x1c: {  	v0 =	vld [tilespmem:s14+$0x2800];
	[tilespmem:s13+$0x7620] =	vst v1;
	s13 =	smov.u32 s14  }
0x1d: {  	s14 =	sshra.s32 s15, $0x2;
	s15 =	sadd.s32 $0x40, s15;
	v1 =	vld.idx.msk [tilespmem:v2+s2+$0x0], $0xffff  }
0x1e: {  	v2 =	vld [tilespmem:s14+$0x4F10];
	_ =	sdelay $0x4  }
0x1f: {  	v0 =	vsub.f32 v0, v1;
	_ =	sdelay $0x1  }
0x20: {  	v63 =	vld [tilespmem:s14+$0x2800];
	[tilespmem:s13+$0x7620] =	vst v0  }
0x21: {  	v0 =	vld.idx.msk [tilespmem:v2+s2+$0x0], $0xffff;
	_ =	sdelay $0x4  }
0x22: {  	s12 =	sadd.s32 $0x1, s12;
	v0 =	vsub.f32 v63, v0  }
0x23: {  	p0 =	sne.s32 s12, s7  }
.Ltmp1:
0x24: {  	[tilespmem:s14+$0x7620] =	vst v0;
	(pc) =	sbr.rel @p0 .LBB2_1-.Ltmp1, $4  }
0x25: {  	[hbm4b:s6+s2] =	stream.linear.scatter [tilespmem:s11], [sflag:$0x1], $0x2710, $0x38;
	[tilespmem:$0x9D30] =	vst v63  }
0x26: {  	_ =	swait.ge [sflag:s8], $0x2710  }
0x27: {  	[sflag:s8] =	ssyncset.done $0x0  }
0x28: {  	[sflag:s8] =	ssyncadd.s32 $0xFFFFD8F0  }
0x29: {  	_ =	sfence.sel $0x180000  }
0x2a: {  	[bflag:$0x0] =	sbarrier.arrive $0xFFFF  }
0x2b: {  	p0 =	sne.s32 s0, $0x0;
	_ =	strace $0x9000004A  }
0x2c: {  	s0 =	sadd.s32 @!p0 $0x100000, s1;
	[bflag:$0x2] =	sbarrier.arrive $0xFFFF  }
0x2d: {  	[sflag:s0] =	ssyncadd.tile.s32 @!p0 $0x1;
	_ =	shalt  }
.Lfunc_end2:
_tile_overlayer_lowered:
.L_overlay_start_2:
0x2e: {  	(tag) =	ssettag $0x2  }
0x2f: {  	s0 =	rddreg [dreg:$0x0];
	s2 =	stileid.u32  }
0x30: {  	s1 =	rddreg [dreg:$0x1];
	p0 =	sne.s32 s2, $0x0  }
0x31: {  	s3 =	rddreg [dreg:$0x2];
	[bflag:$0x3] =	sbarrier.arrive $0xFFFF;
	s2 =	simm.s32 @!p0 $0x1C01  }
0x32: {  	[timem:s3], [sflag:s2] =	dma.local @!p0 [hbm:s0], s1  }
0x33: {  	s0 =	simm.s32 @!p0 $0x1  }
0x34: {  	_ =	swait.ge @!p0 [sflag:s0], s1  }
0x35: {  	s1 =	ssub.s32 @!p0 $0x0, s1;
	[sflag:s0] =	ssyncset.done @!p0 $0x0  }
0x36: {  	[sflag:s0] =	ssyncadd.s32 @!p0 s1  }
0x37: {  	[bflag:$0x3] =	sbarrier.arrive $0xFFFF  }
0x38: {  	_ =	shalt  }

</sc_bundles>
